<compile_context>
chip_gen: v7x
topology: tpu7x:2x2x1
jax: 0.10.2.dev20260603
libtpu: 0.0.44.dev20260713+nightly
codegen_flags: <defaults>
</compile_context>

<pallas_src>
import functools

import jax
import jax.numpy as jnp
from jax import lax
from jax.experimental import pallas as pl
from jax.experimental.pallas import tpu as pltpu
from jax.experimental.pallas import tpu_sc as plsc

_N0 = 10000
_NP = 10240
_E0 = 320000
_D = 128
_B = 64
_PD = 28
_NC = 2
_NS = 16
_CH = 80
_K = 128
_EP = _NC * _NS * _CH * _K
_RPT = _NP // _NS
_EPS = 1e-5

@functools.cache
def _get_mesh():
    return plsc.VectorSubcoreMesh(core_axis_name="c", subcore_axis_name="s",
                                  num_cores=_NC, num_subcores=_NS)



_DR = _NP // _D
_NW = _NC * _NS


def _deg_body(dst_hbm, out_hbm, dst_v, rows_v, acc):
    c = lax.axis_index("c")
    s = lax.axis_index("s")
    wid = c * _NS + s
    pltpu.sync_copy(dst_hbm.at[pl.ds(wid * _CH, _CH)], dst_v)
    zero16 = jnp.zeros((16,), jnp.float32)
    one16 = jnp.ones((16,), jnp.float32)

    def zfill(r, _):
        for j in range(_D // 16):
            rows_v[r, pl.ds(j * 16, 16)] = zero16
        return 0

    lax.fori_loop(0, _K, zfill, 0)
    for j in range(_RPT // _K):
        pltpu.sync_copy(rows_v, acc.at[pl.ds(s * _RPT + j * _K, _K)])

    def ofill(r, _):
        for j in range(_D // 16):
            rows_v[r, pl.ds(j * 16, 16)] = one16
        return 0

    lax.fori_loop(0, _K, ofill, 0)
    plsc.subcore_barrier()

    def body(ci, _):
        pltpu.sync_copy(rows_v, acc.at[dst_v.at[ci]], add=True)
        return 0

    lax.fori_loop(0, _CH, body, 0)
    plsc.subcore_barrier()
    pltpu.sync_copy(acc.at[pl.ds(s * _RPT, _RPT)],
                    out_hbm.at[c, pl.ds(s * _RPT, _RPT)])


def _sc_deg(dst_r):
    return pl.kernel(
        _deg_body,
        out_type=jax.ShapeDtypeStruct((_NC, _NP, _D), jnp.float32),
        mesh=_get_mesh(),
        scratch_types=[
            pltpu.VMEM((_CH, _K), jnp.int32),
            pltpu.VMEM((_K, _D), jnp.float32),
            pltpu.VMEM_SHARED((_NP, _D), jnp.float32),
        ],
    )(dst_r)


_SLAB = 40
_CHA = 120
_CHB = _CH * 2 - _CHA


def _agg_pipeline(p_hbm, src_hbm, dst_hbm, src_v, dst_v, rows_v, acc,
                  sem0, sem1, base, nch):
    for h in range(nch // _SLAB):
        off = base + h * _SLAB
        pltpu.sync_copy(src_hbm.at[pl.ds(off, _SLAB)], src_v)
        pltpu.sync_copy(dst_hbm.at[pl.ds(off, _SLAB)], dst_v)
        pltpu.async_copy(p_hbm.at[src_v.at[0]], rows_v.at[0], sem0)

        def body(i, _):
            ci = 2 * i
            pltpu.async_copy(p_hbm.at[src_v.at[ci + 1]], rows_v.at[1], sem1)
            pltpu.make_async_copy(p_hbm.at[src_v.at[ci]], rows_v.at[0],
                                  sem0).wait()
            pltpu.sync_copy(rows_v.at[0], acc.at[dst_v.at[ci]], add=True)

            @pl.when(ci + 2 < _SLAB)
            def _():
                pltpu.async_copy(p_hbm.at[src_v.at[ci + 2]], rows_v.at[0],
                                 sem0)

            pltpu.make_async_copy(p_hbm.at[src_v.at[ci + 1]], rows_v.at[1],
                                  sem1).wait()
            pltpu.sync_copy(rows_v.at[1], acc.at[dst_v.at[ci + 1]], add=True)
            return 0

        lax.fori_loop(0, _SLAB // 2, body, 0)


def _agg_body(p_hbm, src_hbm, dst_hbm, out_hbm, src_v, dst_v, rows_v,
              acc, sem0, sem1):
    c = lax.axis_index("c")
    s = lax.axis_index("s")
    zero16 = jnp.zeros((16,), jnp.float32)

    def fill(r, _):
        for j in range(_D // 16):
            rows_v[0, r, pl.ds(j * 16, 16)] = zero16
        return 0

    lax.fori_loop(0, _K, fill, 0)
    for j in range(_RPT // _K):
        pltpu.sync_copy(rows_v.at[0], acc.at[pl.ds(s * _RPT + j * _K, _K)])
    plsc.subcore_barrier()

    base = (1 - c) * s * _CHA + c * (_NS * _CHA + s * _CHB)

    @pl.when(c == 0)
    def _():
        _agg_pipeline(p_hbm, src_hbm, dst_hbm, src_v, dst_v, rows_v, acc,
                      sem0, sem1, base, _CHA)

    @pl.when(c == 1)
    def _():
        _agg_pipeline(p_hbm, src_hbm, dst_hbm, src_v, dst_v, rows_v, acc,
                      sem0, sem1, base, _CHB)

    plsc.subcore_barrier()
    pltpu.sync_copy(acc.at[pl.ds(s * _RPT, _RPT)],
                    out_hbm.at[c, pl.ds(s * _RPT, _RPT)])


def _sc_agg(p, src_r, dst_r):
    return pl.kernel(
        _agg_body,
        out_type=jax.ShapeDtypeStruct((_NC, _NP, _D), jnp.float32),
        mesh=_get_mesh(),
        scratch_types=[
            pltpu.VMEM((_SLAB, _K), jnp.int32),
            pltpu.VMEM((_SLAB, _K), jnp.int32),
            pltpu.VMEM((2, _K, _D), jnp.float32),
            pltpu.VMEM_SHARED((_NP, _D), jnp.float32),
            pltpu.SemaphoreType.DMA,
            pltpu.SemaphoreType.DMA,
        ],
    )(p, src_r, dst_r)



def _degsum_body(d_ref, o_ref):
    o_ref[...] = lax.rsqrt(d_ref[0] + d_ref[1] + 1.0)


def _tc_degsum(deg2):
    return pl.pallas_call(
        _degsum_body,
        out_shape=jax.ShapeDtypeStruct((_NP, _D), jnp.float32))(deg2)


def _dinv128(dinv_ref):
    return dinv_ref[...]


def _row_mask():
    rows = lax.broadcasted_iota(jnp.int32, (_NP, _D), 0)
    return (rows < _N0).astype(jnp.float32)


def _mm_body(x_ref, w_ref, o_ref):
    o_ref[...] = jnp.dot(x_ref[...], w_ref[...],
                         preferred_element_type=jnp.float32)


def _tc_mm(x, w):
    return pl.pallas_call(
        _mm_body, out_shape=jax.ShapeDtypeStruct((_NP, _D), jnp.float32))(x, w)


def _prescale_body(h_ref, deg_ref, o_ref):
    o_ref[...] = _dinv128(deg_ref) * h_ref[...]


def _tc_prescale(h, deg2):
    return pl.pallas_call(
        _prescale_body,
        out_shape=jax.ShapeDtypeStruct((_NP, _D), jnp.float32))(h, deg2)


def _bn_relu(a_ref, p_ref, deg_ref, g_ref, be_ref):
    dinv = _dinv128(deg_ref)
    z = dinv * (a_ref[0] + a_ref[1] + p_ref[...])
    mask = _row_mask()
    m = jnp.sum(z * mask, axis=0, keepdims=True) * (1.0 / _N0)
    d = (z - m) * mask
    var = jnp.sum(d * d, axis=0, keepdims=True) * (1.0 / _N0)
    zn = (z - m) * lax.rsqrt(var + _EPS) * g_ref[...] + be_ref[...]
    return jnp.maximum(zn, 0.0) * mask, dinv, mask


def _layer_body(a_ref, p_ref, deg_ref, g_ref, be_ref, w_ref, o_ref):
    r, dinv, _ = _bn_relu(a_ref, p_ref, deg_ref, g_ref, be_ref)
    o_ref[...] = dinv * jnp.dot(r, w_ref[...],
                                preferred_element_type=jnp.float32)


def _tc_layer(a, p, deg2, g, be, w):
    return pl.pallas_call(
        _layer_body,
        out_shape=jax.ShapeDtypeStruct((_NP, _D), jnp.float32))(
            a, p, deg2, g, be, w)


def _final_body(a_ref, p_ref, deg_ref, g_ref, be_ref, batch_ref, pf_ref,
                pw1_ref, pb1_ref, pw2_ref, pb2_ref,
                cw1_ref, cb1_ref, cw2_ref, cb2_ref, o_ref):
    r, _, mask = _bn_relu(a_ref, p_ref, deg_ref, g_ref, be_ref)
    bids = lax.broadcasted_iota(jnp.int32, (_B, _NP), 0)
    bvals = lax.broadcast_in_dim(batch_ref[...], (_B, _NP), (0, 1))
    oht = (bids == bvals).astype(jnp.float32)
    pooled = jnp.dot(oht, r, preferred_element_type=jnp.float32)
    cnt = jnp.dot(oht, mask, preferred_element_type=jnp.float32)
    mean = pooled / jnp.maximum(cnt, 1.0)
    pe = jnp.maximum(
        jnp.dot(pf_ref[...], pw1_ref[...],
                preferred_element_type=jnp.float32) + pb1_ref[...], 0.0)
    pe2 = jnp.dot(pe, pw2_ref[...],
                  preferred_element_type=jnp.float32) + pb2_ref[...]
    cat = jnp.concatenate(
        [mean, lax.broadcast_in_dim(pe2, (_B, 64), (0, 1))], axis=1)
    l1 = jnp.maximum(
        jnp.dot(cat, cw1_ref[...],
                preferred_element_type=jnp.float32) + cb1_ref[...], 0.0)
    logits = jnp.dot(l1, cw2_ref[...],
                     preferred_element_type=jnp.float32) + cb2_ref[...]
    o_ref[...] = lax.broadcast_in_dim(logits, (_B, _D), (0, 1))


def _tc_final(a, p, deg2, g, be, batch_pad, pf, pw1, pb1, pw2, pb2,
              cw1, cb1, cw2, cb2):
    return pl.pallas_call(
        _final_body,
        out_shape=jax.ShapeDtypeStruct((_B, _D), jnp.float32))(
            a, p, deg2, g, be, batch_pad, pf, pw1, pb1, pw2, pb2,
            cw1, cb1, cw2, cb2)



def kernel(x, edge_index, batch, pocket_features,
           conv_w0, conv_b0, bn_g0, bn_b0,
           conv_w1, conv_b1, bn_g1, bn_b1,
           conv_w2, conv_b2, bn_g2, bn_b2,
           pm_w1, pm_b1, pm_w2, pm_b2,
           cls_w1, cls_b1, cls_w2, cls_b2):
    pad_e = _EP - _E0
    src = jnp.concatenate(
        [edge_index[0], jnp.full((pad_e,), _N0, jnp.int32)])
    dst = jnp.concatenate(
        [edge_index[1], jnp.full((pad_e,), _NP - 1, jnp.int32)])
    src_r = src.reshape(_NC * _NS * _CH, _K)
    dst_r = dst.reshape(_NC * _NS * _CH, _K)
    x_pad = jnp.pad(x, ((0, _NP - _N0), (0, 0)))
    batch_pad = jnp.concatenate(
        [batch, jnp.full((_NP - _N0,), -1, jnp.int32)]).reshape(1, _NP)
    pf = pocket_features.reshape(1, _PD)

    deg2 = _sc_deg(dst_r)
    dinva = _tc_degsum(deg2)
    h0 = _tc_mm(x_pad, conv_w0)
    p0 = _tc_prescale(h0, dinva)
    a0 = _sc_agg(p0, src_r, dst_r)
    p1 = _tc_layer(a0, p0, dinva, bn_g0, bn_b0, conv_w1)
    a1 = _sc_agg(p1, src_r, dst_r)
    p2 = _tc_layer(a1, p1, dinva, bn_g1, bn_b1, conv_w2)
    a2 = _sc_agg(p2, src_r, dst_r)
    out = _tc_final(a2, p2, dinva, bn_g2, bn_b2, batch_pad, pf,
                    pm_w1, pm_b1, pm_w2, pm_b2,
                    cls_w1, cls_b1, cls_w2, cls_b2)
    return out[:, 0]

# --- scband reference (transcript-rebuilt; emitter-appended) ---
"""Pipeline reference for scband-concat-model-75118978007256 (READ-ONLY COPY).

The authoritative reference and input builder live on the scoring server;
editing this copy changes nothing except your own understanding.
"""

import jax, jax.numpy as jnp
import numpy as np

N = 10000
E = 320000
D = 128
H = 128
B = 64
PD = 28

def setup_inputs(seed: int = 0) -> dict:
    key = jax.random.key(seed)
    ks = jax.random.split(key, 32)
    inp = {}
    inp["x"] = jax.random.normal(ks[0], (N, D), dtype=jnp.float32)
    inp["edge_index"] = jax.random.randint(ks[1], (2, E), 0, N, dtype=jnp.int32)
    inp["batch"] = jnp.sort(jax.random.randint(ks[2], (N,), 0, B, dtype=jnp.int32))
    inp["pocket_features"] = jax.random.normal(ks[3], (PD,), dtype=jnp.float32)
    dims = [(D, H), (H, H), (H, H)]
    ki = 4
    for i, (di, do) in enumerate(dims):
        inp[f"conv_w{i}"] = jax.random.normal(ks[ki], (di, do), dtype=jnp.float32) * (1.0 / np.sqrt(di)); ki += 1
        inp[f"conv_b{i}"] = jnp.zeros((do,), dtype=jnp.float32)
        inp[f"bn_g{i}"] = jnp.ones((do,), dtype=jnp.float32)
        inp[f"bn_b{i}"] = jnp.zeros((do,), dtype=jnp.float32)
    inp["pm_w1"] = jax.random.normal(ks[ki], (PD, 64), dtype=jnp.float32) * (1.0 / np.sqrt(PD)); ki += 1
    inp["pm_b1"] = jnp.zeros((64,), dtype=jnp.float32)
    inp["pm_w2"] = jax.random.normal(ks[ki], (64, 64), dtype=jnp.float32) * (1.0 / 8.0); ki += 1
    inp["pm_b2"] = jnp.zeros((64,), dtype=jnp.float32)
    inp["cls_w1"] = jax.random.normal(ks[ki], (H + 64, 96), dtype=jnp.float32) * (1.0 / np.sqrt(H + 64)); ki += 1
    inp["cls_b1"] = jnp.zeros((96,), dtype=jnp.float32)
    inp["cls_w2"] = jax.random.normal(ks[ki], (96, 1), dtype=jnp.float32) * (1.0 / np.sqrt(96.0)); ki += 1
    inp["cls_b2"] = jnp.zeros((1,), dtype=jnp.float32)
    return inp


def _gcn_conv(x, edge_index, W, b):
    n = x.shape[0]
    loop = jnp.arange(n, dtype=edge_index.dtype)
    src = jnp.concatenate([edge_index[0], loop])
    dst = jnp.concatenate([edge_index[1], loop])
    h = x @ W
    deg = jax.ops.segment_sum(jnp.ones_like(dst, dtype=h.dtype), dst, num_segments=n)
    dinv = jnp.where(deg > 0, deg ** -0.5, 0.0)
    norm = dinv[src] * dinv[dst]
    msg = h[src] * norm[:, None]
    out = jax.ops.segment_sum(msg, dst, num_segments=n)
    return out + b


def _bn(x, g, be, eps=1e-5):
    m = x.mean(axis=0)
    v = x.var(axis=0)
    return (x - m) / jnp.sqrt(v + eps) * g + be


def reference(x, edge_index, batch, pocket_features,
              conv_w0, conv_b0, bn_g0, bn_b0,
              conv_w1, conv_b1, bn_g1, bn_b1,
              conv_w2, conv_b2, bn_g2, bn_b2,
              pm_w1, pm_b1, pm_w2, pm_b2,
              cls_w1, cls_b1, cls_w2, cls_b2):
    h = x
    layers = [(conv_w0, conv_b0, bn_g0, bn_b0),
              (conv_w1, conv_b1, bn_g1, bn_b1),
              (conv_w2, conv_b2, bn_g2, bn_b2)]
    for W, b, g, be in layers:
        h = jax.nn.relu(_bn(_gcn_conv(h, edge_index, W, b), g, be))
    n = h.shape[0]
    s = jax.ops.segment_sum(h, batch, num_segments=B)
    cnt = jax.ops.segment_sum(jnp.ones((n,), h.dtype), batch, num_segments=B)
    ligand_emb = s / jnp.maximum(cnt, 1.0)[:, None]
    pe = jax.nn.relu(pocket_features @ pm_w1 + pm_b1) @ pm_w2 + pm_b2
    pocket_emb = jnp.broadcast_to(pe[None, :], (B, pe.shape[0]))
    interaction_emb = jnp.concatenate([ligand_emb, pocket_emb], axis=1)
    logits = (jax.nn.relu(interaction_emb @ cls_w1 + cls_b1) @ cls_w2 + cls_b2).squeeze(-1)
    return logits

if __name__ == "__main__":
    import jax
    _d = setup_inputs()
    print(jax.jit(kernel)(*tuple(_d.values())))

</pallas_src>

<mosaic_0001>
#map = affine_map<(d0, d1) -> (0, 0)>
#map1 = affine_map<(d0, d1) -> (0, 0, 0)>
module attributes {stable_mosaic.version = 14 : i64} {
  func.func @_agg_body(%arg0: i32, %arg1: i32, %arg2: memref<10240x128xf32, #tpu.memory_space<hbm>>, %arg3: memref<2560x128xi32, #tpu.memory_space<hbm>>, %arg4: memref<2560x128xi32, #tpu.memory_space<hbm>>, %arg5: memref<2x10240x128xf32, #tpu.memory_space<hbm>>, %arg6: memref<40x128xi32, #tpu.memory_space<vmem>>, %arg7: memref<40x128xi32, #tpu.memory_space<vmem>>, %arg8: memref<2x128x128xf32, #tpu.memory_space<vmem>>, %arg9: memref<10240x128xf32, #tpu.memory_space<vmem_shared>>, %arg10: memref<!tpu.dma_semaphore, #tpu.memory_space<semaphore_mem>>, %arg11: memref<!tpu.dma_semaphore, #tpu.memory_space<semaphore_mem>>) attributes {dimension_semantics = [#tpu.dimension_semantics<core_parallel>, #tpu.dimension_semantics<subcore_parallel>], iteration_bounds = array<i64: 2, 16>, scalar_prefetch = 0 : i64, scratch_operands = 6 : i64, tpu.core_type = #tpu.core_type<sc_vector_subcore>, window_params = [{transform_indices = #map}, {transform_indices = #map}, {transform_indices = #map}, {transform_indices = #map1}]} {
    %broadcast_in_dim3A = arith.constant 0.000000e+00 : f32
    %broadcast_in_dim3A_0 = vector.broadcast %broadcast_in_dim3A : f32 to vector<16xf32>
    %scan3A = arith.constant 0 : i32
    %scan3A_1 = arith.constant 0 : i32
    %scan3A_2 = arith.constant 128 : i32
    %scan3A_3 = arith.addi %scan3A_1, %scan3A_2 : i32
    %scan3A_4 = arith.constant 1 : i32
    %scan3A_5 = scf.for %scan3A_51 = %scan3A_1 to %scan3A_3 step %scan3A_4 iter_args(%scan3A_52 = %scan3A) -> (i32)  : i32 {
      %swap3A = arith.constant 0 : i32
      %swap3A_53 = arith.index_cast %swap3A : i32 to index
      %swap3A_54 = arith.index_cast %scan3A_51 : i32 to index
      %swap3A_55 = arith.constant 0 : index
      %swap3A_56 = tpu.vector_load %arg8[%swap3A_53, %swap3A_54, %swap3A_55] {strides = array<i32>} : memref<2x128x128xf32, #tpu.memory_space<vmem>>, vector<1x1x16xf32>,
      %swap3A_57 = vector.shape_cast %swap3A_56 : vector<1x1x16xf32> to vector<16xf32>
      %swap3A_58 = vector.shape_cast %broadcast_in_dim3A_0 : vector<16xf32> to vector<1x1x16xf32>
      tpu.vector_store %arg8[%swap3A_53, %swap3A_54, %swap3A_55], %swap3A_58 {strides = array<i32>} : memref<2x128x128xf32, #tpu.memory_space<vmem>>, vector<1x1x16xf32>,
      %swap3A_59 = arith.constant 0 : i32
      %swap3A_60 = arith.index_cast %swap3A_59 : i32 to index
      %swap3A_61 = arith.index_cast %scan3A_51 : i32 to index
      %swap3A_62 = arith.constant 16 : index
      %swap3A_63 = tpu.vector_load %arg8[%swap3A_60, %swap3A_61, %swap3A_62] {strides = array<i32>} : memref<2x128x128xf32, #tpu.memory_space<vmem>>, vector<1x1x16xf32>,
      %swap3A_64 = vector.shape_cast %swap3A_63 : vector<1x1x16xf32> to vector<16xf32>
      %swap3A_65 = vector.shape_cast %broadcast_in_dim3A_0 : vector<16xf32> to vector<1x1x16xf32>
      tpu.vector_store %arg8[%swap3A_60, %swap3A_61, %swap3A_62], %swap3A_65 {strides = array<i32>} : memref<2x128x128xf32, #tpu.memory_space<vmem>>, vector<1x1x16xf32>,
      %swap3A_66 = arith.constant 0 : i32
      %swap3A_67 = arith.index_cast %swap3A_66 : i32 to index
      %swap3A_68 = arith.index_cast %scan3A_51 : i32 to index
      %swap3A_69 = arith.constant 32 : index
      %swap3A_70 = tpu.vector_load %arg8[%swap3A_67, %swap3A_68, %swap3A_69] {strides = array<i32>} : memref<2x128x128xf32, #tpu.memory_space<vmem>>, vector<1x1x16xf32>,
      %swap3A_71 = vector.shape_cast %swap3A_70 : vector<1x1x16xf32> to vector<16xf32>
      %swap3A_72 = vector.shape_cast %broadcast_in_dim3A_0 : vector<16xf32> to vector<1x1x16xf32>
      tpu.vector_store %arg8[%swap3A_67, %swap3A_68, %swap3A_69], %swap3A_72 {strides = array<i32>} : memref<2x128x128xf32, #tpu.memory_space<vmem>>, vector<1x1x16xf32>,
      %swap3A_73 = arith.constant 0 : i32
      %swap3A_74 = arith.index_cast %swap3A_73 : i32 to index
      %swap3A_75 = arith.index_cast %scan3A_51 : i32 to index
      %swap3A_76 = arith.constant 48 : index
      %swap3A_77 = tpu.vector_load %arg8[%swap3A_74, %swap3A_75, %swap3A_76] {strides = array<i32>} : memref<2x128x128xf32, #tpu.memory_space<vmem>>, vector<1x1x16xf32>,
      %swap3A_78 = vector.shape_cast %swap3A_77 : vector<1x1x16xf32> to vector<16xf32>
      %swap3A_79 = vector.shape_cast %broadcast_in_dim3A_0 : vector<16xf32> to vector<1x1x16xf32>
      tpu.vector_store %arg8[%swap3A_74, %swap3A_75, %swap3A_76], %swap3A_79 {strides = array<i32>} : memref<2x128x128xf32, #tpu.memory_space<vmem>>, vector<1x1x16xf32>,
      %swap3A_80 = arith.constant 0 : i32
      %swap3A_81 = arith.index_cast %swap3A_80 : i32 to index
      %swap3A_82 = arith.index_cast %scan3A_51 : i32 to index
      %swap3A_83 = arith.constant 64 : index
      %swap3A_84 = tpu.vector_load %arg8[%swap3A_81, %swap3A_82, %swap3A_83] {strides = array<i32>} : memref<2x128x128xf32, #tpu.memory_space<vmem>>, vector<1x1x16xf32>,
      %swap3A_85 = vector.shape_cast %swap3A_84 : vector<1x1x16xf32> to vector<16xf32>
      %swap3A_86 = vector.shape_cast %broadcast_in_dim3A_0 : vector<16xf32> to vector<1x1x16xf32>
      tpu.vector_store %arg8[%swap3A_81, %swap3A_82, %swap3A_83], %swap3A_86 {strides = array<i32>} : memref<2x128x128xf32, #tpu.memory_space<vmem>>, vector<1x1x16xf32>,
      %swap3A_87 = arith.constant 0 : i32
      %swap3A_88 = arith.index_cast %swap3A_87 : i32 to index
      %swap3A_89 = arith.index_cast %scan3A_51 : i32 to index
      %swap3A_90 = arith.constant 80 : index
      %swap3A_91 = tpu.vector_load %arg8[%swap3A_88, %swap3A_89, %swap3A_90] {strides = array<i32>} : memref<2x128x128xf32, #tpu.memory_space<vmem>>, vector<1x1x16xf32>,
      %swap3A_92 = vector.shape_cast %swap3A_91 : vector<1x1x16xf32> to vector<16xf32>
      %swap3A_93 = vector.shape_cast %broadcast_in_dim3A_0 : vector<16xf32> to vector<1x1x16xf32>
      tpu.vector_store %arg8[%swap3A_88, %swap3A_89, %swap3A_90], %swap3A_93 {strides = array<i32>} : memref<2x128x128xf32, #tpu.memory_space<vmem>>, vector<1x1x16xf32>,
      %swap3A_94 = arith.constant 0 : i32
      %swap3A_95 = arith.index_cast %swap3A_94 : i32 to index
      %swap3A_96 = arith.index_cast %scan3A_51 : i32 to index
      %swap3A_97 = arith.constant 96 : index
      %swap3A_98 = tpu.vector_load %arg8[%swap3A_95, %swap3A_96, %swap3A_97] {strides = array<i32>} : memref<2x128x128xf32, #tpu.memory_space<vmem>>, vector<1x1x16xf32>,
      %swap3A_99 = vector.shape_cast %swap3A_98 : vector<1x1x16xf32> to vector<16xf32>
      %swap3A_100 = vector.shape_cast %broadcast_in_dim3A_0 : vector<16xf32> to vector<1x1x16xf32>
      tpu.vector_store %arg8[%swap3A_95, %swap3A_96, %swap3A_97], %swap3A_100 {strides = array<i32>} : memref<2x128x128xf32, #tpu.memory_space<vmem>>, vector<1x1x16xf32>,
      %swap3A_101 = arith.constant 0 : i32
      %swap3A_102 = arith.index_cast %swap3A_101 : i32 to index
      %swap3A_103 = arith.index_cast %scan3A_51 : i32 to index
      %swap3A_104 = arith.constant 112 : index
      %swap3A_105 = tpu.vector_load %arg8[%swap3A_102, %swap3A_103, %swap3A_104] {strides = array<i32>} : memref<2x128x128xf32, #tpu.memory_space<vmem>>, vector<1x1x16xf32>,
      %swap3A_106 = vector.shape_cast %swap3A_105 : vector<1x1x16xf32> to vector<16xf32>
      %swap3A_107 = vector.shape_cast %broadcast_in_dim3A_0 : vector<16xf32> to vector<1x1x16xf32>
      tpu.vector_store %arg8[%swap3A_102, %swap3A_103, %swap3A_104], %swap3A_107 {strides = array<i32>} : memref<2x128x128xf32, #tpu.memory_space<vmem>>, vector<1x1x16xf32>,
      %scan3A_108 = arith.constant 0 : i32
      scf.yield %scan3A_108 : i32
    }
    %scan3A_6 = arith.constant 128 : i32
    %mul3A = arith.constant 640 : i32
    %mul3A_7 = arith.muli %arg1, %mul3A : i32
    %add3A = arith.constant 0 : i32
    %add3A_8 = arith.addi %mul3A_7, %add3A : i32
    %run_scoped3A = arith.constant 0 : i32
    "tpu.region"() ({
      %run_scoped3A_51 = tpu.sem_alloc : memref<!tpu.dma_semaphore, #tpu.memory_space<semaphore_mem>>
      %dma_start3A = arith.constant 0 : i32
      %dma_start3A_52 = arith.constant 0 : i32
      %dma_start3A_53 = tpu.memref_slice %arg8[%run_scoped3A, %dma_start3A, %dma_start3A_52] : memref<2x128x128xf32, #tpu.memory_space<vmem>> -> memref<1x128x128xf32, #tpu.memory_space<vmem>>
      %dma_start3A_54 = tpu.memref_squeeze %dma_start3A_53 : memref<1x128x128xf32, #tpu.memory_space<vmem>> -> memref<128x128xf32, #tpu.memory_space<vmem>>
      %dma_start3A_55 = arith.constant 0 : i32
      %dma_start3A_56 = tpu.memref_slice %arg9[%add3A_8, %dma_start3A_55] : memref<10240x128xf32, #tpu.memory_space<vmem_shared>> -> memref<128x128xf32, #tpu.memory_space<vmem_shared>>
      %dma_start3A_57 = arith.constant 0 : i32
      %dma_start3A_58 = tpu.memref_slice %arg9[%add3A_8, %dma_start3A_57] : memref<10240x128xf32, #tpu.memory_space<vmem_shared>> -> memref<128x128xf32, #tpu.memory_space<vmem_shared>>
      %dma_start3A_59 = arith.constant 0 : i32
      %dma_start3A_60 = arith.constant 0 : i32
      %dma_start3A_61 = tpu.memref_slice %arg8[%run_scoped3A, %dma_start3A_59, %dma_start3A_60] : memref<2x128x128xf32, #tpu.memory_space<vmem>> -> memref<1x128x128xf32, #tpu.memory_space<vmem>>
      %dma_start3A_62 = tpu.memref_squeeze %dma_start3A_61 : memref<1x128x128xf32, #tpu.memory_space<vmem>> -> memref<128x128xf32, #tpu.memory_space<vmem>>
      tpu.enqueue_dma source(%dma_start3A_62 : memref<128x128xf32, #tpu.memory_space<vmem>>) target(%dma_start3A_58 : memref<128x128xf32, #tpu.memory_space<vmem_shared>>) target_semaphore(%run_scoped3A_51 : memref<!tpu.dma_semaphore, #tpu.memory_space<semaphore_mem>>)
      %dma_wait3A = arith.constant 0 : i32
      %dma_wait3A_63 = arith.constant 0 : i32
      %dma_wait3A_64 = tpu.memref_slice %arg8[%run_scoped3A, %dma_wait3A, %dma_wait3A_63] : memref<2x128x128xf32, #tpu.memory_space<vmem>> -> memref<1x128x128xf32, #tpu.memory_space<vmem>>
      %dma_wait3A_65 = tpu.memref_squeeze %dma_wait3A_64 : memref<1x128x128xf32, #tpu.memory_space<vmem>> -> memref<128x128xf32, #tpu.memory_space<vmem>>
      %dma_wait3A_66 = arith.constant 0 : i32
      %dma_wait3A_67 = tpu.memref_slice %arg9[%add3A_8, %dma_wait3A_66] : memref<10240x128xf32, #tpu.memory_space<vmem_shared>> -> memref<128x128xf32, #tpu.memory_space<vmem_shared>>
      %dma_wait3A_68 = arith.constant 0 : i32
      %dma_wait3A_69 = tpu.memref_slice %arg9[%add3A_8, %dma_wait3A_68] : memref<10240x128xf32, #tpu.memory_space<vmem_shared>> -> memref<128x128xf32, #tpu.memory_space<vmem_shared>>
      %dma_wait3A_70 = arith.constant 0 : i32
      %dma_wait3A_71 = arith.constant 0 : i32
      %dma_wait3A_72 = tpu.memref_slice %arg8[%run_scoped3A, %dma_wait3A_70, %dma_wait3A_71] : memref<2x128x128xf32, #tpu.memory_space<vmem>> -> memref<1x128x128xf32, #tpu.memory_space<vmem>>
      %dma_wait3A_73 = tpu.memref_squeeze %dma_wait3A_72 : memref<1x128x128xf32, #tpu.memory_space<vmem>> -> memref<128x128xf32, #tpu.memory_space<vmem>>
      tpu.wait_dma2 semaphore(%run_scoped3A_51 : memref<!tpu.dma_semaphore, #tpu.memory_space<semaphore_mem>>) src(%dma_wait3A_73 : memref<128x128xf32, #tpu.memory_space<vmem>>) dst(%dma_wait3A_69 : memref<128x128xf32, #tpu.memory_space<vmem_shared>>)
      tpu.yield
    }) : () -> ()
    %mul3A_9 = arith.constant 640 : i32
    %mul3A_10 = arith.muli %arg1, %mul3A_9 : i32
    %add3A_11 = arith.constant 128 : i32
    %add3A_12 = arith.addi %mul3A_10, %add3A_11 : i32
    %run_scoped3A_13 = arith.constant 0 : i32
    "tpu.region"() ({
      %run_scoped3A_51 = tpu.sem_alloc : memref<!tpu.dma_semaphore, #tpu.memory_space<semaphore_mem>>
      %dma_start3A = arith.constant 0 : i32
      %dma_start3A_52 = arith.constant 0 : i32
      %dma_start3A_53 = tpu.memref_slice %arg8[%run_scoped3A_13, %dma_start3A, %dma_start3A_52] : memref<2x128x128xf32, #tpu.memory_space<vmem>> -> memref<1x128x128xf32, #tpu.memory_space<vmem>>
      %dma_start3A_54 = tpu.memref_squeeze %dma_start3A_53 : memref<1x128x128xf32, #tpu.memory_space<vmem>> -> memref<128x128xf32, #tpu.memory_space<vmem>>
      %dma_start3A_55 = arith.constant 0 : i32
      %dma_start3A_56 = tpu.memref_slice %arg9[%add3A_12, %dma_start3A_55] : memref<10240x128xf32, #tpu.memory_space<vmem_shared>> -> memref<128x128xf32, #tpu.memory_space<vmem_shared>>
      %dma_start3A_57 = arith.constant 0 : i32
      %dma_start3A_58 = tpu.memref_slice %arg9[%add3A_12, %dma_start3A_57] : memref<10240x128xf32, #tpu.memory_space<vmem_shared>> -> memref<128x128xf32, #tpu.memory_space<vmem_shared>>
      %dma_start3A_59 = arith.constant 0 : i32
      %dma_start3A_60 = arith.constant 0 : i32
      %dma_start3A_61 = tpu.memref_slice %arg8[%run_scoped3A_13, %dma_start3A_59, %dma_start3A_60] : memref<2x128x128xf32, #tpu.memory_space<vmem>> -> memref<1x128x128xf32, #tpu.memory_space<vmem>>
      %dma_start3A_62 = tpu.memref_squeeze %dma_start3A_61 : memref<1x128x128xf32, #tpu.memory_space<vmem>> -> memref<128x128xf32, #tpu.memory_space<vmem>>
      tpu.enqueue_dma source(%dma_start3A_62 : memref<128x128xf32, #tpu.memory_space<vmem>>) target(%dma_start3A_58 : memref<128x128xf32, #tpu.memory_space<vmem_shared>>) target_semaphore(%run_scoped3A_51 : memref<!tpu.dma_semaphore, #tpu.memory_space<semaphore_mem>>)
      %dma_wait3A = arith.constant 0 : i32
      %dma_wait3A_63 = arith.constant 0 : i32
      %dma_wait3A_64 = tpu.memref_slice %arg8[%run_scoped3A_13, %dma_wait3A, %dma_wait3A_63] : memref<2x128x128xf32, #tpu.memory_space<vmem>> -> memref<1x128x128xf32, #tpu.memory_space<vmem>>
      %dma_wait3A_65 = tpu.memref_squeeze %dma_wait3A_64 : memref<1x128x128xf32, #tpu.memory_space<vmem>> -> memref<128x128xf32, #tpu.memory_space<vmem>>
      %dma_wait3A_66 = arith.constant 0 : i32
      %dma_wait3A_67 = tpu.memref_slice %arg9[%add3A_12, %dma_wait3A_66] : memref<10240x128xf32, #tpu.memory_space<vmem_shared>> -> memref<128x128xf32, #tpu.memory_space<vmem_shared>>
      %dma_wait3A_68 = arith.constant 0 : i32
      %dma_wait3A_69 = tpu.memref_slice %arg9[%add3A_12, %dma_wait3A_68] : memref<10240x128xf32, #tpu.memory_space<vmem_shared>> -> memref<128x128xf32, #tpu.memory_space<vmem_shared>>
      %dma_wait3A_70 = arith.constant 0 : i32
      %dma_wait3A_71 = arith.constant 0 : i32
      %dma_wait3A_72 = tpu.memref_slice %arg8[%run_scoped3A_13, %dma_wait3A_70, %dma_wait3A_71] : memref<2x128x128xf32, #tpu.memory_space<vmem>> -> memref<1x128x128xf32, #tpu.memory_space<vmem>>
      %dma_wait3A_73 = tpu.memref_squeeze %dma_wait3A_72 : memref<1x128x128xf32, #tpu.memory_space<vmem>> -> memref<128x128xf32, #tpu.memory_space<vmem>>
      tpu.wait_dma2 semaphore(%run_scoped3A_51 : memref<!tpu.dma_semaphore, #tpu.memory_space<semaphore_mem>>) src(%dma_wait3A_73 : memref<128x128xf32, #tpu.memory_space<vmem>>) dst(%dma_wait3A_69 : memref<128x128xf32, #tpu.memory_space<vmem_shared>>)
      tpu.yield
    }) : () -> ()
    %mul3A_14 = arith.constant 640 : i32
    %mul3A_15 = arith.muli %arg1, %mul3A_14 : i32
    %add3A_16 = arith.constant 256 : i32
    %add3A_17 = arith.addi %mul3A_15, %add3A_16 : i32
    %run_scoped3A_18 = arith.constant 0 : i32
    "tpu.region"() ({
      %run_scoped3A_51 = tpu.sem_alloc : memref<!tpu.dma_semaphore, #tpu.memory_space<semaphore_mem>>
      %dma_start3A = arith.constant 0 : i32
      %dma_start3A_52 = arith.constant 0 : i32
      %dma_start3A_53 = tpu.memref_slice %arg8[%run_scoped3A_18, %dma_start3A, %dma_start3A_52] : memref<2x128x128xf32, #tpu.memory_space<vmem>> -> memref<1x128x128xf32, #tpu.memory_space<vmem>>
      %dma_start3A_54 = tpu.memref_squeeze %dma_start3A_53 : memref<1x128x128xf32, #tpu.memory_space<vmem>> -> memref<128x128xf32, #tpu.memory_space<vmem>>
      %dma_start3A_55 = arith.constant 0 : i32
      %dma_start3A_56 = tpu.memref_slice %arg9[%add3A_17, %dma_start3A_55] : memref<10240x128xf32, #tpu.memory_space<vmem_shared>> -> memref<128x128xf32, #tpu.memory_space<vmem_shared>>
      %dma_start3A_57 = arith.constant 0 : i32
      %dma_start3A_58 = tpu.memref_slice %arg9[%add3A_17, %dma_start3A_57] : memref<10240x128xf32, #tpu.memory_space<vmem_shared>> -> memref<128x128xf32, #tpu.memory_space<vmem_shared>>
      %dma_start3A_59 = arith.constant 0 : i32
      %dma_start3A_60 = arith.constant 0 : i32
      %dma_start3A_61 = tpu.memref_slice %arg8[%run_scoped3A_18, %dma_start3A_59, %dma_start3A_60] : memref<2x128x128xf32, #tpu.memory_space<vmem>> -> memref<1x128x128xf32, #tpu.memory_space<vmem>>
      %dma_start3A_62 = tpu.memref_squeeze %dma_start3A_61 : memref<1x128x128xf32, #tpu.memory_space<vmem>> -> memref<128x128xf32, #tpu.memory_space<vmem>>
      tpu.enqueue_dma source(%dma_start3A_62 : memref<128x128xf32, #tpu.memory_space<vmem>>) target(%dma_start3A_58 : memref<128x128xf32, #tpu.memory_space<vmem_shared>>) target_semaphore(%run_scoped3A_51 : memref<!tpu.dma_semaphore, #tpu.memory_space<semaphore_mem>>)
      %dma_wait3A = arith.constant 0 : i32
      %dma_wait3A_63 = arith.constant 0 : i32
      %dma_wait3A_64 = tpu.memref_slice %arg8[%run_scoped3A_18, %dma_wait3A, %dma_wait3A_63] : memref<2x128x128xf32, #tpu.memory_space<vmem>> -> memref<1x128x128xf32, #tpu.memory_space<vmem>>
      %dma_wait3A_65 = tpu.memref_squeeze %dma_wait3A_64 : memref<1x128x128xf32, #tpu.memory_space<vmem>> -> memref<128x128xf32, #tpu.memory_space<vmem>>
      %dma_wait3A_66 = arith.constant 0 : i32
      %dma_wait3A_67 = tpu.memref_slice %arg9[%add3A_17, %dma_wait3A_66] : memref<10240x128xf32, #tpu.memory_space<vmem_shared>> -> memref<128x128xf32, #tpu.memory_space<vmem_shared>>
      %dma_wait3A_68 = arith.constant 0 : i32
      %dma_wait3A_69 = tpu.memref_slice %arg9[%add3A_17, %dma_wait3A_68] : memref<10240x128xf32, #tpu.memory_space<vmem_shared>> -> memref<128x128xf32, #tpu.memory_space<vmem_shared>>
      %dma_wait3A_70 = arith.constant 0 : i32
      %dma_wait3A_71 = arith.constant 0 : i32
      %dma_wait3A_72 = tpu.memref_slice %arg8[%run_scoped3A_18, %dma_wait3A_70, %dma_wait3A_71] : memref<2x128x128xf32, #tpu.memory_space<vmem>> -> memref<1x128x128xf32, #tpu.memory_space<vmem>>
      %dma_wait3A_73 = tpu.memref_squeeze %dma_wait3A_72 : memref<1x128x128xf32, #tpu.memory_space<vmem>> -> memref<128x128xf32, #tpu.memory_space<vmem>>
      tpu.wait_dma2 semaphore(%run_scoped3A_51 : memref<!tpu.dma_semaphore, #tpu.memory_space<semaphore_mem>>) src(%dma_wait3A_73 : memref<128x128xf32, #tpu.memory_space<vmem>>) dst(%dma_wait3A_69 : memref<128x128xf32, #tpu.memory_space<vmem_shared>>)
      tpu.yield
    }) : () -> ()
    %mul3A_19 = arith.constant 640 : i32
    %mul3A_20 = arith.muli %arg1, %mul3A_19 : i32
    %add3A_21 = arith.constant 384 : i32
    %add3A_22 = arith.addi %mul3A_20, %add3A_21 : i32
    %run_scoped3A_23 = arith.constant 0 : i32
    "tpu.region"() ({
      %run_scoped3A_51 = tpu.sem_alloc : memref<!tpu.dma_semaphore, #tpu.memory_space<semaphore_mem>>
      %dma_start3A = arith.constant 0 : i32
      %dma_start3A_52 = arith.constant 0 : i32
      %dma_start3A_53 = tpu.memref_slice %arg8[%run_scoped3A_23, %dma_start3A, %dma_start3A_52] : memref<2x128x128xf32, #tpu.memory_space<vmem>> -> memref<1x128x128xf32, #tpu.memory_space<vmem>>
      %dma_start3A_54 = tpu.memref_squeeze %dma_start3A_53 : memref<1x128x128xf32, #tpu.memory_space<vmem>> -> memref<128x128xf32, #tpu.memory_space<vmem>>
      %dma_start3A_55 = arith.constant 0 : i32
      %dma_start3A_56 = tpu.memref_slice %arg9[%add3A_22, %dma_start3A_55] : memref<10240x128xf32, #tpu.memory_space<vmem_shared>> -> memref<128x128xf32, #tpu.memory_space<vmem_shared>>
      %dma_start3A_57 = arith.constant 0 : i32
      %dma_start3A_58 = tpu.memref_slice %arg9[%add3A_22, %dma_start3A_57] : memref<10240x128xf32, #tpu.memory_space<vmem_shared>> -> memref<128x128xf32, #tpu.memory_space<vmem_shared>>
      %dma_start3A_59 = arith.constant 0 : i32
      %dma_start3A_60 = arith.constant 0 : i32
      %dma_start3A_61 = tpu.memref_slice %arg8[%run_scoped3A_23, %dma_start3A_59, %dma_start3A_60] : memref<2x128x128xf32, #tpu.memory_space<vmem>> -> memref<1x128x128xf32, #tpu.memory_space<vmem>>
      %dma_start3A_62 = tpu.memref_squeeze %dma_start3A_61 : memref<1x128x128xf32, #tpu.memory_space<vmem>> -> memref<128x128xf32, #tpu.memory_space<vmem>>
      tpu.enqueue_dma source(%dma_start3A_62 : memref<128x128xf32, #tpu.memory_space<vmem>>) target(%dma_start3A_58 : memref<128x128xf32, #tpu.memory_space<vmem_shared>>) target_semaphore(%run_scoped3A_51 : memref<!tpu.dma_semaphore, #tpu.memory_space<semaphore_mem>>)
      %dma_wait3A = arith.constant 0 : i32
      %dma_wait3A_63 = arith.constant 0 : i32
      %dma_wait3A_64 = tpu.memref_slice %arg8[%run_scoped3A_23, %dma_wait3A, %dma_wait3A_63] : memref<2x128x128xf32, #tpu.memory_space<vmem>> -> memref<1x128x128xf32, #tpu.memory_space<vmem>>
      %dma_wait3A_65 = tpu.memref_squeeze %dma_wait3A_64 : memref<1x128x128xf32, #tpu.memory_space<vmem>> -> memref<128x128xf32, #tpu.memory_space<vmem>>
      %dma_wait3A_66 = arith.constant 0 : i32
      %dma_wait3A_67 = tpu.memref_slice %arg9[%add3A_22, %dma_wait3A_66] : memref<10240x128xf32, #tpu.memory_space<vmem_shared>> -> memref<128x128xf32, #tpu.memory_space<vmem_shared>>
      %dma_wait3A_68 = arith.constant 0 : i32
      %dma_wait3A_69 = tpu.memref_slice %arg9[%add3A_22, %dma_wait3A_68] : memref<10240x128xf32, #tpu.memory_space<vmem_shared>> -> memref<128x128xf32, #tpu.memory_space<vmem_shared>>
      %dma_wait3A_70 = arith.constant 0 : i32
      %dma_wait3A_71 = arith.constant 0 : i32
      %dma_wait3A_72 = tpu.memref_slice %arg8[%run_scoped3A_23, %dma_wait3A_70, %dma_wait3A_71] : memref<2x128x128xf32, #tpu.memory_space<vmem>> -> memref<1x128x128xf32, #tpu.memory_space<vmem>>
      %dma_wait3A_73 = tpu.memref_squeeze %dma_wait3A_72 : memref<1x128x128xf32, #tpu.memory_space<vmem>> -> memref<128x128xf32, #tpu.memory_space<vmem>>
      tpu.wait_dma2 semaphore(%run_scoped3A_51 : memref<!tpu.dma_semaphore, #tpu.memory_space<semaphore_mem>>) src(%dma_wait3A_73 : memref<128x128xf32, #tpu.memory_space<vmem>>) dst(%dma_wait3A_69 : memref<128x128xf32, #tpu.memory_space<vmem_shared>>)
      tpu.yield
    }) : () -> ()
    %mul3A_24 = arith.constant 640 : i32
    %mul3A_25 = arith.muli %arg1, %mul3A_24 : i32
    %add3A_26 = arith.constant 512 : i32
    %add3A_27 = arith.addi %mul3A_25, %add3A_26 : i32
    %run_scoped3A_28 = arith.constant 0 : i32
    "tpu.region"() ({
      %run_scoped3A_51 = tpu.sem_alloc : memref<!tpu.dma_semaphore, #tpu.memory_space<semaphore_mem>>
      %dma_start3A = arith.constant 0 : i32
      %dma_start3A_52 = arith.constant 0 : i32
      %dma_start3A_53 = tpu.memref_slice %arg8[%run_scoped3A_28, %dma_start3A, %dma_start3A_52] : memref<2x128x128xf32, #tpu.memory_space<vmem>> -> memref<1x128x128xf32, #tpu.memory_space<vmem>>
      %dma_start3A_54 = tpu.memref_squeeze %dma_start3A_53 : memref<1x128x128xf32, #tpu.memory_space<vmem>> -> memref<128x128xf32, #tpu.memory_space<vmem>>
      %dma_start3A_55 = arith.constant 0 : i32
      %dma_start3A_56 = tpu.memref_slice %arg9[%add3A_27, %dma_start3A_55] : memref<10240x128xf32, #tpu.memory_space<vmem_shared>> -> memref<128x128xf32, #tpu.memory_space<vmem_shared>>
      %dma_start3A_57 = arith.constant 0 : i32
      %dma_start3A_58 = tpu.memref_slice %arg9[%add3A_27, %dma_start3A_57] : memref<10240x128xf32, #tpu.memory_space<vmem_shared>> -> memref<128x128xf32, #tpu.memory_space<vmem_shared>>
      %dma_start3A_59 = arith.constant 0 : i32
      %dma_start3A_60 = arith.constant 0 : i32
      %dma_start3A_61 = tpu.memref_slice %arg8[%run_scoped3A_28, %dma_start3A_59, %dma_start3A_60] : memref<2x128x128xf32, #tpu.memory_space<vmem>> -> memref<1x128x128xf32, #tpu.memory_space<vmem>>
      %dma_start3A_62 = tpu.memref_squeeze %dma_start3A_61 : memref<1x128x128xf32, #tpu.memory_space<vmem>> -> memref<128x128xf32, #tpu.memory_space<vmem>>
      tpu.enqueue_dma source(%dma_start3A_62 : memref<128x128xf32, #tpu.memory_space<vmem>>) target(%dma_start3A_58 : memref<128x128xf32, #tpu.memory_space<vmem_shared>>) target_semaphore(%run_scoped3A_51 : memref<!tpu.dma_semaphore, #tpu.memory_space<semaphore_mem>>)
      %dma_wait3A = arith.constant 0 : i32
      %dma_wait3A_63 = arith.constant 0 : i32
      %dma_wait3A_64 = tpu.memref_slice %arg8[%run_scoped3A_28, %dma_wait3A, %dma_wait3A_63] : memref<2x128x128xf32, #tpu.memory_space<vmem>> -> memref<1x128x128xf32, #tpu.memory_space<vmem>>
      %dma_wait3A_65 = tpu.memref_squeeze %dma_wait3A_64 : memref<1x128x128xf32, #tpu.memory_space<vmem>> -> memref<128x128xf32, #tpu.memory_space<vmem>>
      %dma_wait3A_66 = arith.constant 0 : i32
      %dma_wait3A_67 = tpu.memref_slice %arg9[%add3A_27, %dma_wait3A_66] : memref<10240x128xf32, #tpu.memory_space<vmem_shared>> -> memref<128x128xf32, #tpu.memory_space<vmem_shared>>
      %dma_wait3A_68 = arith.constant 0 : i32
      %dma_wait3A_69 = tpu.memref_slice %arg9[%add3A_27, %dma_wait3A_68] : memref<10240x128xf32, #tpu.memory_space<vmem_shared>> -> memref<128x128xf32, #tpu.memory_space<vmem_shared>>
      %dma_wait3A_70 = arith.constant 0 : i32
      %dma_wait3A_71 = arith.constant 0 : i32
      %dma_wait3A_72 = tpu.memref_slice %arg8[%run_scoped3A_28, %dma_wait3A_70, %dma_wait3A_71] : memref<2x128x128xf32, #tpu.memory_space<vmem>> -> memref<1x128x128xf32, #tpu.memory_space<vmem>>
      %dma_wait3A_73 = tpu.memref_squeeze %dma_wait3A_72 : memref<1x128x128xf32, #tpu.memory_space<vmem>> -> memref<128x128xf32, #tpu.memory_space<vmem>>
      tpu.wait_dma2 semaphore(%run_scoped3A_51 : memref<!tpu.dma_semaphore, #tpu.memory_space<semaphore_mem>>) src(%dma_wait3A_73 : memref<128x128xf32, #tpu.memory_space<vmem>>) dst(%dma_wait3A_69 : memref<128x128xf32, #tpu.memory_space<vmem_shared>>)
      tpu.yield
    }) : () -> ()
    %barrier3A = arith.constant 0 : index
    tpu.barrier barrier_id(%barrier3A)
    %sub3A = arith.constant 1 : i32
    %sub3A_29 = arith.subi %sub3A, %arg0 : i32
    %mul3A_30 = arith.muli %sub3A_29, %arg1 : i32
    %mul3A_31 = arith.constant 120 : i32
    %mul3A_32 = arith.muli %mul3A_30, %mul3A_31 : i32
    %mul3A_33 = arith.constant 40 : i32
    %mul3A_34 = arith.muli %arg1, %mul3A_33 : i32
    %add3A_35 = arith.constant 1920 : i32
    %add3A_36 = arith.addi %add3A_35, %mul3A_34 : i32
    %mul3A_37 = arith.muli %arg0, %add3A_36 : i32
    %add3A_38 = arith.addi %mul3A_32, %mul3A_37 : i32
    %eq3A = arith.constant 0 : i32
    %eq3A_39 = arith.cmpi eq, %arg0, %eq3A : i32
    %convert_element_type3A = arith.extui %eq3A_39 : i1 to i32
    %cond3A = arith.constant 0 : i32
    %cond3A_40 = arith.cmpi ne, %convert_element_type3A, %cond3A : i32
    scf.if %cond3A_40 {
      %add3A_51 = arith.constant 0 : i32
      %add3A_52 = arith.addi %add3A_38, %add3A_51 : i32
      "tpu.region"() ({
        %run_scoped3A_113 = tpu.sem_alloc : memref<!tpu.dma_semaphore, #tpu.memory_space<semaphore_mem>>
        %dma_start3A_114 = arith.constant 0 : i32
        %dma_start3A_115 = tpu.memref_slice %arg3[%add3A_52, %dma_start3A_114] : memref<2560x128xi32, #tpu.memory_space<hbm>> -> memref<40x128xi32, #tpu.memory_space<hbm>>
        %dma_start3A_116 = arith.constant 0 : i32
        %dma_start3A_117 = tpu.memref_slice %arg3[%add3A_52, %dma_start3A_116] : memref<2560x128xi32, #tpu.memory_space<hbm>> -> memref<40x128xi32, #tpu.memory_space<hbm>>
        tpu.enqueue_dma source(%dma_start3A_117 : memref<40x128xi32, #tpu.memory_space<hbm>>) target(%arg6 : memref<40x128xi32, #tpu.memory_space<vmem>>) target_semaphore(%run_scoped3A_113 : memref<!tpu.dma_semaphore, #tpu.memory_space<semaphore_mem>>)
        %dma_wait3A = arith.constant 0 : i32
        %dma_wait3A_118 = tpu.memref_slice %arg3[%add3A_52, %dma_wait3A] : memref<2560x128xi32, #tpu.memory_space<hbm>> -> memref<40x128xi32, #tpu.memory_space<hbm>>
        %dma_wait3A_119 = arith.constant 0 : i32
        %dma_wait3A_120 = tpu.memref_slice %arg3[%add3A_52, %dma_wait3A_119] : memref<2560x128xi32, #tpu.memory_space<hbm>> -> memref<40x128xi32, #tpu.memory_space<hbm>>
        tpu.wait_dma2 semaphore(%run_scoped3A_113 : memref<!tpu.dma_semaphore, #tpu.memory_space<semaphore_mem>>) src(%dma_wait3A_120 : memref<40x128xi32, #tpu.memory_space<hbm>>) dst(%arg6 : memref<40x128xi32, #tpu.memory_space<vmem>>)
        tpu.yield
      }) : () -> ()
      "tpu.region"() ({
        %run_scoped3A_113 = tpu.sem_alloc : memref<!tpu.dma_semaphore, #tpu.memory_space<semaphore_mem>>
        %dma_start3A_114 = arith.constant 0 : i32
        %dma_start3A_115 = tpu.memref_slice %arg4[%add3A_52, %dma_start3A_114] : memref<2560x128xi32, #tpu.memory_space<hbm>> -> memref<40x128xi32, #tpu.memory_space<hbm>>
        %dma_start3A_116 = arith.constant 0 : i32
        %dma_start3A_117 = tpu.memref_slice %arg4[%add3A_52, %dma_start3A_116] : memref<2560x128xi32, #tpu.memory_space<hbm>> -> memref<40x128xi32, #tpu.memory_space<hbm>>
        tpu.enqueue_dma source(%dma_start3A_117 : memref<40x128xi32, #tpu.memory_space<hbm>>) target(%arg7 : memref<40x128xi32, #tpu.memory_space<vmem>>) target_semaphore(%run_scoped3A_113 : memref<!tpu.dma_semaphore, #tpu.memory_space<semaphore_mem>>)
        %dma_wait3A = arith.constant 0 : i32
        %dma_wait3A_118 = tpu.memref_slice %arg4[%add3A_52, %dma_wait3A] : memref<2560x128xi32, #tpu.memory_space<hbm>> -> memref<40x128xi32, #tpu.memory_space<hbm>>
        %dma_wait3A_119 = arith.constant 0 : i32
        %dma_wait3A_120 = tpu.memref_slice %arg4[%add3A_52, %dma_wait3A_119] : memref<2560x128xi32, #tpu.memory_space<hbm>> -> memref<40x128xi32, #tpu.memory_space<hbm>>
        tpu.wait_dma2 semaphore(%run_scoped3A_113 : memref<!tpu.dma_semaphore, #tpu.memory_space<semaphore_mem>>) src(%dma_wait3A_120 : memref<40x128xi32, #tpu.memory_space<hbm>>) dst(%arg7 : memref<40x128xi32, #tpu.memory_space<vmem>>)
        tpu.yield
      }) : () -> ()
      %dma_start3A = arith.constant 0 : i32
      %dma_start3A_53 = arith.constant 0 : i32
      %dma_start3A_54 = arith.constant 0 : i32
      %dma_start3A_55 = arith.constant 0 : i32
      %dma_start3A_56 = tpu.memref_slice %arg8[%dma_start3A_53, %dma_start3A_54, %dma_start3A_55] : memref<2x128x128xf32, #tpu.memory_space<vmem>> -> memref<1x128x128xf32, #tpu.memory_space<vmem>>
      %dma_start3A_57 = tpu.memref_squeeze %dma_start3A_56 : memref<1x128x128xf32, #tpu.memory_space<vmem>> -> memref<128x128xf32, #tpu.memory_space<vmem>>
      %dma_start3A_58 = arith.constant 0 : i32
      %dma_start3A_59 = tpu.memref_slice %arg6[%dma_start3A, %dma_start3A_58] : memref<40x128xi32, #tpu.memory_space<vmem>> -> memref<1x128xi32, #tpu.memory_space<vmem>>
      %dma_start3A_60 = tpu.memref_squeeze %dma_start3A_59 : memref<1x128xi32, #tpu.memory_space<vmem>> -> memref<128xi32, #tpu.memory_space<vmem>>
      %dma_start3A_61 = arith.constant 0 : i32
      %dma_start3A_62 = arith.constant 0 : i32
      %dma_start3A_63 = tpu.memref_slice %arg2[%dma_start3A_61, %dma_start3A_62] : memref<10240x128xf32, #tpu.memory_space<hbm>> -> memref<10240x128xf32, #tpu.memory_space<hbm>>
      tpu.enqueue_indirect_dma source(%dma_start3A_63 : memref<10240x128xf32, #tpu.memory_space<hbm>>) target(%dma_start3A_57 : memref<128x128xf32, #tpu.memory_space<vmem>>) offsets(%dma_start3A_60 : memref<128xi32, #tpu.memory_space<vmem>>) semaphore(%arg10 : memref<!tpu.dma_semaphore, #tpu.memory_space<semaphore_mem>>)
      %scan3A_64 = arith.constant 0 : i32
      %scan3A_65 = arith.constant 0 : i32
      %scan3A_66 = arith.constant 20 : i32
      %scan3A_67 = arith.addi %scan3A_65, %scan3A_66 : i32
      %scan3A_68 = arith.constant 1 : i32
      %scan3A_69 = scf.for %scan3A_113 = %scan3A_65 to %scan3A_67 step %scan3A_68 iter_args(%scan3A_114 = %scan3A_64) -> (i32)  : i32 {
        %mul3A_115 = arith.constant 2 : i32
        %mul3A_116 = arith.muli %mul3A_115, %scan3A_113 : i32
        %add3A_117 = arith.constant 1 : i32
        %add3A_118 = arith.addi %mul3A_116, %add3A_117 : i32
        %dma_start3A_119 = arith.constant 1 : i32
        %dma_start3A_120 = arith.constant 0 : i32
        %dma_start3A_121 = arith.constant 0 : i32
        %dma_start3A_122 = tpu.memref_slice %arg8[%dma_start3A_119, %dma_start3A_120, %dma_start3A_121] : memref<2x128x128xf32, #tpu.memory_space<vmem>> -> memref<1x128x128xf32, #tpu.memory_space<vmem>>
        %dma_start3A_123 = tpu.memref_squeeze %dma_start3A_122 : memref<1x128x128xf32, #tpu.memory_space<vmem>> -> memref<128x128xf32, #tpu.memory_space<vmem>>
        %dma_start3A_124 = arith.constant 0 : i32
        %dma_start3A_125 = tpu.memref_slice %arg6[%add3A_118, %dma_start3A_124] : memref<40x128xi32, #tpu.memory_space<vmem>> -> memref<1x128xi32, #tpu.memory_space<vmem>>
        %dma_start3A_126 = tpu.memref_squeeze %dma_start3A_125 : memref<1x128xi32, #tpu.memory_space<vmem>> -> memref<128xi32, #tpu.memory_space<vmem>>
        %dma_start3A_127 = arith.constant 0 : i32
        %dma_start3A_128 = arith.constant 0 : i32
        %dma_start3A_129 = tpu.memref_slice %arg2[%dma_start3A_127, %dma_start3A_128] : memref<10240x128xf32, #tpu.memory_space<hbm>> -> memref<10240x128xf32, #tpu.memory_space<hbm>>
        tpu.enqueue_indirect_dma source(%dma_start3A_129 : memref<10240x128xf32, #tpu.memory_space<hbm>>) target(%dma_start3A_123 : memref<128x128xf32, #tpu.memory_space<vmem>>) offsets(%dma_start3A_126 : memref<128xi32, #tpu.memory_space<vmem>>) semaphore(%arg11 : memref<!tpu.dma_semaphore, #tpu.memory_space<semaphore_mem>>)
        %dma_wait3A = arith.constant 0 : i32
        %dma_wait3A_130 = arith.constant 0 : i32
        %dma_wait3A_131 = arith.constant 0 : i32
        %dma_wait3A_132 = tpu.memref_slice %arg8[%dma_wait3A, %dma_wait3A_130, %dma_wait3A_131] : memref<2x128x128xf32, #tpu.memory_space<vmem>> -> memref<1x128x128xf32, #tpu.memory_space<vmem>>
        %dma_wait3A_133 = tpu.memref_squeeze %dma_wait3A_132 : memref<1x128x128xf32, #tpu.memory_space<vmem>> -> memref<128x128xf32, #tpu.memory_space<vmem>>
        %dma_wait3A_134 = arith.constant 0 : i32
        %dma_wait3A_135 = tpu.memref_slice %arg6[%mul3A_116, %dma_wait3A_134] : memref<40x128xi32, #tpu.memory_space<vmem>> -> memref<1x128xi32, #tpu.memory_space<vmem>>
        %dma_wait3A_136 = tpu.memref_squeeze %dma_wait3A_135 : memref<1x128xi32, #tpu.memory_space<vmem>> -> memref<128xi32, #tpu.memory_space<vmem>>
        %dma_wait3A_137 = arith.constant 0 : i32
        %dma_wait3A_138 = arith.constant 0 : i32
        %dma_wait3A_139 = tpu.memref_slice %arg2[%dma_wait3A_137, %dma_wait3A_138] : memref<10240x128xf32, #tpu.memory_space<hbm>> -> memref<10240x128xf32, #tpu.memory_space<hbm>>
        tpu.wait_indirect_dma semaphore(%arg10 : memref<!tpu.dma_semaphore, #tpu.memory_space<semaphore_mem>>) src(%dma_wait3A_139 : memref<10240x128xf32, #tpu.memory_space<hbm>>) dst(%dma_wait3A_133 : memref<128x128xf32, #tpu.memory_space<vmem>>)
        %run_scoped3A_140 = arith.constant 0 : i32
        "tpu.region"() ({
          %run_scoped3A_164 = tpu.sem_alloc : memref<!tpu.dma_semaphore, #tpu.memory_space<semaphore_mem>>
          %dma_start3A_165 = arith.constant 0 : i32
          %dma_start3A_166 = arith.constant 0 : i32
          %dma_start3A_167 = tpu.memref_slice %arg8[%run_scoped3A_140, %dma_start3A_165, %dma_start3A_166] : memref<2x128x128xf32, #tpu.memory_space<vmem>> -> memref<1x128x128xf32, #tpu.memory_space<vmem>>
          %dma_start3A_168 = tpu.memref_squeeze %dma_start3A_167 : memref<1x128x128xf32, #tpu.memory_space<vmem>> -> memref<128x128xf32, #tpu.memory_space<vmem>>
          %dma_start3A_169 = arith.constant 0 : i32
          %dma_start3A_170 = tpu.memref_slice %arg7[%mul3A_116, %dma_start3A_169] : memref<40x128xi32, #tpu.memory_space<vmem>> -> memref<1x128xi32, #tpu.memory_space<vmem>>
          %dma_start3A_171 = tpu.memref_squeeze %dma_start3A_170 : memref<1x128xi32, #tpu.memory_space<vmem>> -> memref<128xi32, #tpu.memory_space<vmem>>
          %dma_start3A_172 = arith.constant 0 : i32
          %dma_start3A_173 = arith.constant 0 : i32
          %dma_start3A_174 = tpu.memref_slice %arg9[%dma_start3A_172, %dma_start3A_173] : memref<10240x128xf32, #tpu.memory_space<vmem_shared>> -> memref<10240x128xf32, #tpu.memory_space<vmem_shared>>
          tpu.enqueue_indirect_dma source(%dma_start3A_168 : memref<128x128xf32, #tpu.memory_space<vmem>>) target(%dma_start3A_174 : memref<10240x128xf32, #tpu.memory_space<vmem_shared>>) offsets(%dma_start3A_171 : memref<128xi32, #tpu.memory_space<vmem>>) semaphore(%run_scoped3A_164 : memref<!tpu.dma_semaphore, #tpu.memory_space<semaphore_mem>>) {add = true}
          %dma_wait3A_175 = arith.constant 0 : i32
          %dma_wait3A_176 = arith.constant 0 : i32
          %dma_wait3A_177 = tpu.memref_slice %arg8[%run_scoped3A_140, %dma_wait3A_175, %dma_wait3A_176] : memref<2x128x128xf32, #tpu.memory_space<vmem>> -> memref<1x128x128xf32, #tpu.memory_space<vmem>>
          %dma_wait3A_178 = tpu.memref_squeeze %dma_wait3A_177 : memref<1x128x128xf32, #tpu.memory_space<vmem>> -> memref<128x128xf32, #tpu.memory_space<vmem>>
          %dma_wait3A_179 = arith.constant 0 : i32
          %dma_wait3A_180 = tpu.memref_slice %arg7[%mul3A_116, %dma_wait3A_179] : memref<40x128xi32, #tpu.memory_space<vmem>> -> memref<1x128xi32, #tpu.memory_space<vmem>>
          %dma_wait3A_181 = tpu.memref_squeeze %dma_wait3A_180 : memref<1x128xi32, #tpu.memory_space<vmem>> -> memref<128xi32, #tpu.memory_space<vmem>>
          %dma_wait3A_182 = arith.constant 0 : i32
          %dma_wait3A_183 = arith.constant 0 : i32
          %dma_wait3A_184 = tpu.memref_slice %arg9[%dma_wait3A_182, %dma_wait3A_183] : memref<10240x128xf32, #tpu.memory_space<vmem_shared>> -> memref<10240x128xf32, #tpu.memory_space<vmem_shared>>
          tpu.wait_indirect_dma semaphore(%run_scoped3A_164 : memref<!tpu.dma_semaphore, #tpu.memory_space<semaphore_mem>>) src(%dma_wait3A_178 : memref<128x128xf32, #tpu.memory_space<vmem>>) dst(%dma_wait3A_184 : memref<10240x128xf32, #tpu.memory_space<vmem_shared>>)
          tpu.yield
        }) : () -> ()
        %add3A_141 = arith.constant 2 : i32
        %add3A_142 = arith.addi %mul3A_116, %add3A_141 : i32
        %lt3A = arith.constant 40 : i32
        %lt3A_143 = arith.cmpi slt, %add3A_142, %lt3A : i32
        %convert_element_type3A_144 = arith.extui %lt3A_143 : i1 to i32
        %cond3A_145 = arith.constant 0 : i32
        %cond3A_146 = arith.cmpi ne, %convert_element_type3A_144, %cond3A_145 : i32
        scf.if %cond3A_146 {
          %add3A_164 = arith.constant 2 : i32
          %add3A_165 = arith.addi %mul3A_116, %add3A_164 : i32
          %dma_start3A_166 = arith.constant 0 : i32
          %dma_start3A_167 = arith.constant 0 : i32
          %dma_start3A_168 = arith.constant 0 : i32
          %dma_start3A_169 = tpu.memref_slice %arg8[%dma_start3A_166, %dma_start3A_167, %dma_start3A_168] : memref<2x128x128xf32, #tpu.memory_space<vmem>> -> memref<1x128x128xf32, #tpu.memory_space<vmem>>
          %dma_start3A_170 = tpu.memref_squeeze %dma_start3A_169 : memref<1x128x128xf32, #tpu.memory_space<vmem>> -> memref<128x128xf32, #tpu.memory_space<vmem>>
          %dma_start3A_171 = arith.constant 0 : i32
          %dma_start3A_172 = tpu.memref_slice %arg6[%add3A_165, %dma_start3A_171] : memref<40x128xi32, #tpu.memory_space<vmem>> -> memref<1x128xi32, #tpu.memory_space<vmem>>
          %dma_start3A_173 = tpu.memref_squeeze %dma_start3A_172 : memref<1x128xi32, #tpu.memory_space<vmem>> -> memref<128xi32, #tpu.memory_space<vmem>>
          %dma_start3A_174 = arith.constant 0 : i32
          %dma_start3A_175 = arith.constant 0 : i32
          %dma_start3A_176 = tpu.memref_slice %arg2[%dma_start3A_174, %dma_start3A_175] : memref<10240x128xf32, #tpu.memory_space<hbm>> -> memref<10240x128xf32, #tpu.memory_space<hbm>>
          tpu.enqueue_indirect_dma source(%dma_start3A_176 : memref<10240x128xf32, #tpu.memory_space<hbm>>) target(%dma_start3A_170 : memref<128x128xf32, #tpu.memory_space<vmem>>) offsets(%dma_start3A_173 : memref<128xi32, #tpu.memory_space<vmem>>) semaphore(%arg10 : memref<!tpu.dma_semaphore, #tpu.memory_space<semaphore_mem>>)
        } else {
        }
        %add3A_147 = arith.constant 1 : i32
        %add3A_148 = arith.addi %mul3A_116, %add3A_147 : i32
        %dma_wait3A_149 = arith.constant 1 : i32
        %dma_wait3A_150 = arith.constant 0 : i32
        %dma_wait3A_151 = arith.constant 0 : i32
        %dma_wait3A_152 = tpu.memref_slice %arg8[%dma_wait3A_149, %dma_wait3A_150, %dma_wait3A_151] : memref<2x128x128xf32, #tpu.memory_space<vmem>> -> memref<1x128x128xf32, #tpu.memory_space<vmem>>
        %dma_wait3A_153 = tpu.memref_squeeze %dma_wait3A_152 : memref<1x128x128xf32, #tpu.memory_space<vmem>> -> memref<128x128xf32, #tpu.memory_space<vmem>>
        %dma_wait3A_154 = arith.constant 0 : i32
        %dma_wait3A_155 = tpu.memref_slice %arg6[%add3A_148, %dma_wait3A_154] : memref<40x128xi32, #tpu.memory_space<vmem>> -> memref<1x128xi32, #tpu.memory_space<vmem>>
        %dma_wait3A_156 = tpu.memref_squeeze %dma_wait3A_155 : memref<1x128xi32, #tpu.memory_space<vmem>> -> memref<128xi32, #tpu.memory_space<vmem>>
        %dma_wait3A_157 = arith.constant 0 : i32
        %dma_wait3A_158 = arith.constant 0 : i32
        %dma_wait3A_159 = tpu.memref_slice %arg2[%dma_wait3A_157, %dma_wait3A_158] : memref<10240x128xf32, #tpu.memory_space<hbm>> -> memref<10240x128xf32, #tpu.memory_space<hbm>>
        tpu.wait_indirect_dma semaphore(%arg11 : memref<!tpu.dma_semaphore, #tpu.memory_space<semaphore_mem>>) src(%dma_wait3A_159 : memref<10240x128xf32, #tpu.memory_space<hbm>>) dst(%dma_wait3A_153 : memref<128x128xf32, #tpu.memory_space<vmem>>)
        %add3A_160 = arith.constant 1 : i32
        %add3A_161 = arith.addi %mul3A_116, %add3A_160 : i32
        %run_scoped3A_162 = arith.constant 1 : i32
        "tpu.region"() ({
          %run_scoped3A_164 = tpu.sem_alloc : memref<!tpu.dma_semaphore, #tpu.memory_space<semaphore_mem>>
          %dma_start3A_165 = arith.constant 0 : i32
          %dma_start3A_166 = arith.constant 0 : i32
          %dma_start3A_167 = tpu.memref_slice %arg8[%run_scoped3A_162, %dma_start3A_165, %dma_start3A_166] : memref<2x128x128xf32, #tpu.memory_space<vmem>> -> memref<1x128x128xf32, #tpu.memory_space<vmem>>
          %dma_start3A_168 = tpu.memref_squeeze %dma_start3A_167 : memref<1x128x128xf32, #tpu.memory_space<vmem>> -> memref<128x128xf32, #tpu.memory_space<vmem>>
          %dma_start3A_169 = arith.constant 0 : i32
          %dma_start3A_170 = tpu.memref_slice %arg7[%add3A_161, %dma_start3A_169] : memref<40x128xi32, #tpu.memory_space<vmem>> -> memref<1x128xi32, #tpu.memory_space<vmem>>
          %dma_start3A_171 = tpu.memref_squeeze %dma_start3A_170 : memref<1x128xi32, #tpu.memory_space<vmem>> -> memref<128xi32, #tpu.memory_space<vmem>>
          %dma_start3A_172 = arith.constant 0 : i32
          %dma_start3A_173 = arith.constant 0 : i32
          %dma_start3A_174 = tpu.memref_slice %arg9[%dma_start3A_172, %dma_start3A_173] : memref<10240x128xf32, #tpu.memory_space<vmem_shared>> -> memref<10240x128xf32, #tpu.memory_space<vmem_shared>>
          tpu.enqueue_indirect_dma source(%dma_start3A_168 : memref<128x128xf32, #tpu.memory_space<vmem>>) target(%dma_start3A_174 : memref<10240x128xf32, #tpu.memory_space<vmem_shared>>) offsets(%dma_start3A_171 : memref<128xi32, #tpu.memory_space<vmem>>) semaphore(%run_scoped3A_164 : memref<!tpu.dma_semaphore, #tpu.memory_space<semaphore_mem>>) {add = true}
          %dma_wait3A_175 = arith.constant 0 : i32
          %dma_wait3A_176 = arith.constant 0 : i32
          %dma_wait3A_177 = tpu.memref_slice %arg8[%run_scoped3A_162, %dma_wait3A_175, %dma_wait3A_176] : memref<2x128x128xf32, #tpu.memory_space<vmem>> -> memref<1x128x128xf32, #tpu.memory_space<vmem>>
          %dma_wait3A_178 = tpu.memref_squeeze %dma_wait3A_177 : memref<1x128x128xf32, #tpu.memory_space<vmem>> -> memref<128x128xf32, #tpu.memory_space<vmem>>
          %dma_wait3A_179 = arith.constant 0 : i32
          %dma_wait3A_180 = tpu.memref_slice %arg7[%add3A_161, %dma_wait3A_179] : memref<40x128xi32, #tpu.memory_space<vmem>> -> memref<1x128xi32, #tpu.memory_space<vmem>>
          %dma_wait3A_181 = tpu.memref_squeeze %dma_wait3A_180 : memref<1x128xi32, #tpu.memory_space<vmem>> -> memref<128xi32, #tpu.memory_space<vmem>>
          %dma_wait3A_182 = arith.constant 0 : i32
          %dma_wait3A_183 = arith.constant 0 : i32
          %dma_wait3A_184 = tpu.memref_slice %arg9[%dma_wait3A_182, %dma_wait3A_183] : memref<10240x128xf32, #tpu.memory_space<vmem_shared>> -> memref<10240x128xf32, #tpu.memory_space<vmem_shared>>
          tpu.wait_indirect_dma semaphore(%run_scoped3A_164 : memref<!tpu.dma_semaphore, #tpu.memory_space<semaphore_mem>>) src(%dma_wait3A_178 : memref<128x128xf32, #tpu.memory_space<vmem>>) dst(%dma_wait3A_184 : memref<10240x128xf32, #tpu.memory_space<vmem_shared>>)
          tpu.yield
        }) : () -> ()
        %scan3A_163 = arith.constant 0 : i32
        scf.yield %scan3A_163 : i32
      }
      %scan3A_70 = arith.constant 20 : i32
      %add3A_71 = arith.constant 40 : i32
      %add3A_72 = arith.addi %add3A_38, %add3A_71 : i32
      "tpu.region"() ({
        %run_scoped3A_113 = tpu.sem_alloc : memref<!tpu.dma_semaphore, #tpu.memory_space<semaphore_mem>>
        %dma_start3A_114 = arith.constant 0 : i32
        %dma_start3A_115 = tpu.memref_slice %arg3[%add3A_72, %dma_start3A_114] : memref<2560x128xi32, #tpu.memory_space<hbm>> -> memref<40x128xi32, #tpu.memory_space<hbm>>
        %dma_start3A_116 = arith.constant 0 : i32
        %dma_start3A_117 = tpu.memref_slice %arg3[%add3A_72, %dma_start3A_116] : memref<2560x128xi32, #tpu.memory_space<hbm>> -> memref<40x128xi32, #tpu.memory_space<hbm>>
        tpu.enqueue_dma source(%dma_start3A_117 : memref<40x128xi32, #tpu.memory_space<hbm>>) target(%arg6 : memref<40x128xi32, #tpu.memory_space<vmem>>) target_semaphore(%run_scoped3A_113 : memref<!tpu.dma_semaphore, #tpu.memory_space<semaphore_mem>>)
        %dma_wait3A = arith.constant 0 : i32
        %dma_wait3A_118 = tpu.memref_slice %arg3[%add3A_72, %dma_wait3A] : memref<2560x128xi32, #tpu.memory_space<hbm>> -> memref<40x128xi32, #tpu.memory_space<hbm>>
        %dma_wait3A_119 = arith.constant 0 : i32
        %dma_wait3A_120 = tpu.memref_slice %arg3[%add3A_72, %dma_wait3A_119] : memref<2560x128xi32, #tpu.memory_space<hbm>> -> memref<40x128xi32, #tpu.memory_space<hbm>>
        tpu.wait_dma2 semaphore(%run_scoped3A_113 : memref<!tpu.dma_semaphore, #tpu.memory_space<semaphore_mem>>) src(%dma_wait3A_120 : memref<40x128xi32, #tpu.memory_space<hbm>>) dst(%arg6 : memref<40x128xi32, #tpu.memory_space<vmem>>)
        tpu.yield
      }) : () -> ()
      "tpu.region"() ({
        %run_scoped3A_113 = tpu.sem_alloc : memref<!tpu.dma_semaphore, #tpu.memory_space<semaphore_mem>>
        %dma_start3A_114 = arith.constant 0 : i32
        %dma_start3A_115 = tpu.memref_slice %arg4[%add3A_72, %dma_start3A_114] : memref<2560x128xi32, #tpu.memory_space<hbm>> -> memref<40x128xi32, #tpu.memory_space<hbm>>
        %dma_start3A_116 = arith.constant 0 : i32
        %dma_start3A_117 = tpu.memref_slice %arg4[%add3A_72, %dma_start3A_116] : memref<2560x128xi32, #tpu.memory_space<hbm>> -> memref<40x128xi32, #tpu.memory_space<hbm>>
        tpu.enqueue_dma source(%dma_start3A_117 : memref<40x128xi32, #tpu.memory_space<hbm>>) target(%arg7 : memref<40x128xi32, #tpu.memory_space<vmem>>) target_semaphore(%run_scoped3A_113 : memref<!tpu.dma_semaphore, #tpu.memory_space<semaphore_mem>>)
        %dma_wait3A = arith.constant 0 : i32
        %dma_wait3A_118 = tpu.memref_slice %arg4[%add3A_72, %dma_wait3A] : memref<2560x128xi32, #tpu.memory_space<hbm>> -> memref<40x128xi32, #tpu.memory_space<hbm>>
        %dma_wait3A_119 = arith.constant 0 : i32
        %dma_wait3A_120 = tpu.memref_slice %arg4[%add3A_72, %dma_wait3A_119] : memref<2560x128xi32, #tpu.memory_space<hbm>> -> memref<40x128xi32, #tpu.memory_space<hbm>>
        tpu.wait_dma2 semaphore(%run_scoped3A_113 : memref<!tpu.dma_semaphore, #tpu.memory_space<semaphore_mem>>) src(%dma_wait3A_120 : memref<40x128xi32, #tpu.memory_space<hbm>>) dst(%arg7 : memref<40x128xi32, #tpu.memory_space<vmem>>)
        tpu.yield
      }) : () -> ()
      %dma_start3A_73 = arith.constant 0 : i32
      %dma_start3A_74 = arith.constant 0 : i32
      %dma_start3A_75 = arith.constant 0 : i32
      %dma_start3A_76 = arith.constant 0 : i32
      %dma_start3A_77 = tpu.memref_slice %arg8[%dma_start3A_74, %dma_start3A_75, %dma_start3A_76] : memref<2x128x128xf32, #tpu.memory_space<vmem>> -> memref<1x128x128xf32, #tpu.memory_space<vmem>>
      %dma_start3A_78 = tpu.memref_squeeze %dma_start3A_77 : memref<1x128x128xf32, #tpu.memory_space<vmem>> -> memref<128x128xf32, #tpu.memory_space<vmem>>
      %dma_start3A_79 = arith.constant 0 : i32
      %dma_start3A_80 = tpu.memref_slice %arg6[%dma_start3A_73, %dma_start3A_79] : memref<40x128xi32, #tpu.memory_space<vmem>> -> memref<1x128xi32, #tpu.memory_space<vmem>>
      %dma_start3A_81 = tpu.memref_squeeze %dma_start3A_80 : memref<1x128xi32, #tpu.memory_space<vmem>> -> memref<128xi32, #tpu.memory_space<vmem>>
      %dma_start3A_82 = arith.constant 0 : i32
      %dma_start3A_83 = arith.constant 0 : i32
      %dma_start3A_84 = tpu.memref_slice %arg2[%dma_start3A_82, %dma_start3A_83] : memref<10240x128xf32, #tpu.memory_space<hbm>> -> memref<10240x128xf32, #tpu.memory_space<hbm>>
      tpu.enqueue_indirect_dma source(%dma_start3A_84 : memref<10240x128xf32, #tpu.memory_space<hbm>>) target(%dma_start3A_78 : memref<128x128xf32, #tpu.memory_space<vmem>>) offsets(%dma_start3A_81 : memref<128xi32, #tpu.memory_space<vmem>>) semaphore(%arg10 : memref<!tpu.dma_semaphore, #tpu.memory_space<semaphore_mem>>)
      %scan3A_85 = arith.constant 0 : i32
      %scan3A_86 = arith.constant 0 : i32
      %scan3A_87 = arith.constant 20 : i32
      %scan3A_88 = arith.addi %scan3A_86, %scan3A_87 : i32
      %scan3A_89 = arith.constant 1 : i32
      %scan3A_90 = scf.for %scan3A_113 = %scan3A_86 to %scan3A_88 step %scan3A_89 iter_args(%scan3A_114 = %scan3A_85) -> (i32)  : i32 {
        %mul3A_115 = arith.constant 2 : i32
        %mul3A_116 = arith.muli %mul3A_115, %scan3A_113 : i32
        %add3A_117 = arith.constant 1 : i32
        %add3A_118 = arith.addi %mul3A_116, %add3A_117 : i32
        %dma_start3A_119 = arith.constant 1 : i32
        %dma_start3A_120 = arith.constant 0 : i32
        %dma_start3A_121 = arith.constant 0 : i32
        %dma_start3A_122 = tpu.memref_slice %arg8[%dma_start3A_119, %dma_start3A_120, %dma_start3A_121] : memref<2x128x128xf32, #tpu.memory_space<vmem>> -> memref<1x128x128xf32, #tpu.memory_space<vmem>>
        %dma_start3A_123 = tpu.memref_squeeze %dma_start3A_122 : memref<1x128x128xf32, #tpu.memory_space<vmem>> -> memref<128x128xf32, #tpu.memory_space<vmem>>
        %dma_start3A_124 = arith.constant 0 : i32
        %dma_start3A_125 = tpu.memref_slice %arg6[%add3A_118, %dma_start3A_124] : memref<40x128xi32, #tpu.memory_space<vmem>> -> memref<1x128xi32, #tpu.memory_space<vmem>>
        %dma_start3A_126 = tpu.memref_squeeze %dma_start3A_125 : memref<1x128xi32, #tpu.memory_space<vmem>> -> memref<128xi32, #tpu.memory_space<vmem>>
        %dma_start3A_127 = arith.constant 0 : i32
        %dma_start3A_128 = arith.constant 0 : i32
        %dma_start3A_129 = tpu.memref_slice %arg2[%dma_start3A_127, %dma_start3A_128] : memref<10240x128xf32, #tpu.memory_space<hbm>> -> memref<10240x128xf32, #tpu.memory_space<hbm>>
        tpu.enqueue_indirect_dma source(%dma_start3A_129 : memref<10240x128xf32, #tpu.memory_space<hbm>>) target(%dma_start3A_123 : memref<128x128xf32, #tpu.memory_space<vmem>>) offsets(%dma_start3A_126 : memref<128xi32, #tpu.memory_space<vmem>>) semaphore(%arg11 : memref<!tpu.dma_semaphore, #tpu.memory_space<semaphore_mem>>)
        %dma_wait3A = arith.constant 0 : i32
        %dma_wait3A_130 = arith.constant 0 : i32
        %dma_wait3A_131 = arith.constant 0 : i32
        %dma_wait3A_132 = tpu.memref_slice %arg8[%dma_wait3A, %dma_wait3A_130, %dma_wait3A_131] : memref<2x128x128xf32, #tpu.memory_space<vmem>> -> memref<1x128x128xf32, #tpu.memory_space<vmem>>
        %dma_wait3A_133 = tpu.memref_squeeze %dma_wait3A_132 : memref<1x128x128xf32, #tpu.memory_space<vmem>> -> memref<128x128xf32, #tpu.memory_space<vmem>>
        %dma_wait3A_134 = arith.constant 0 : i32
        %dma_wait3A_135 = tpu.memref_slice %arg6[%mul3A_116, %dma_wait3A_134] : memref<40x128xi32, #tpu.memory_space<vmem>> -> memref<1x128xi32, #tpu.memory_space<vmem>>
        %dma_wait3A_136 = tpu.memref_squeeze %dma_wait3A_135 : memref<1x128xi32, #tpu.memory_space<vmem>> -> memref<128xi32, #tpu.memory_space<vmem>>
        %dma_wait3A_137 = arith.constant 0 : i32
        %dma_wait3A_138 = arith.constant 0 : i32
        %dma_wait3A_139 = tpu.memref_slice %arg2[%dma_wait3A_137, %dma_wait3A_138] : memref<10240x128xf32, #tpu.memory_space<hbm>> -> memref<10240x128xf32, #tpu.memory_space<hbm>>
        tpu.wait_indirect_dma semaphore(%arg10 : memref<!tpu.dma_semaphore, #tpu.memory_space<semaphore_mem>>) src(%dma_wait3A_139 : memref<10240x128xf32, #tpu.memory_space<hbm>>) dst(%dma_wait3A_133 : memref<128x128xf32, #tpu.memory_space<vmem>>)
        %run_scoped3A_140 = arith.constant 0 : i32
        "tpu.region"() ({
          %run_scoped3A_164 = tpu.sem_alloc : memref<!tpu.dma_semaphore, #tpu.memory_space<semaphore_mem>>
          %dma_start3A_165 = arith.constant 0 : i32
          %dma_start3A_166 = arith.constant 0 : i32
          %dma_start3A_167 = tpu.memref_slice %arg8[%run_scoped3A_140, %dma_start3A_165, %dma_start3A_166] : memref<2x128x128xf32, #tpu.memory_space<vmem>> -> memref<1x128x128xf32, #tpu.memory_space<vmem>>
          %dma_start3A_168 = tpu.memref_squeeze %dma_start3A_167 : memref<1x128x128xf32, #tpu.memory_space<vmem>> -> memref<128x128xf32, #tpu.memory_space<vmem>>
          %dma_start3A_169 = arith.constant 0 : i32
          %dma_start3A_170 = tpu.memref_slice %arg7[%mul3A_116, %dma_start3A_169] : memref<40x128xi32, #tpu.memory_space<vmem>> -> memref<1x128xi32, #tpu.memory_space<vmem>>
          %dma_start3A_171 = tpu.memref_squeeze %dma_start3A_170 : memref<1x128xi32, #tpu.memory_space<vmem>> -> memref<128xi32, #tpu.memory_space<vmem>>
          %dma_start3A_172 = arith.constant 0 : i32
          %dma_start3A_173 = arith.constant 0 : i32
          %dma_start3A_174 = tpu.memref_slice %arg9[%dma_start3A_172, %dma_start3A_173] : memref<10240x128xf32, #tpu.memory_space<vmem_shared>> -> memref<10240x128xf32, #tpu.memory_space<vmem_shared>>
          tpu.enqueue_indirect_dma source(%dma_start3A_168 : memref<128x128xf32, #tpu.memory_space<vmem>>) target(%dma_start3A_174 : memref<10240x128xf32, #tpu.memory_space<vmem_shared>>) offsets(%dma_start3A_171 : memref<128xi32, #tpu.memory_space<vmem>>) semaphore(%run_scoped3A_164 : memref<!tpu.dma_semaphore, #tpu.memory_space<semaphore_mem>>) {add = true}
          %dma_wait3A_175 = arith.constant 0 : i32
          %dma_wait3A_176 = arith.constant 0 : i32
          %dma_wait3A_177 = tpu.memref_slice %arg8[%run_scoped3A_140, %dma_wait3A_175, %dma_wait3A_176] : memref<2x128x128xf32, #tpu.memory_space<vmem>> -> memref<1x128x128xf32, #tpu.memory_space<vmem>>
          %dma_wait3A_178 = tpu.memref_squeeze %dma_wait3A_177 : memref<1x128x128xf32, #tpu.memory_space<vmem>> -> memref<128x128xf32, #tpu.memory_space<vmem>>
          %dma_wait3A_179 = arith.constant 0 : i32
          %dma_wait3A_180 = tpu.memref_slice %arg7[%mul3A_116, %dma_wait3A_179] : memref<40x128xi32, #tpu.memory_space<vmem>> -> memref<1x128xi32, #tpu.memory_space<vmem>>
          %dma_wait3A_181 = tpu.memref_squeeze %dma_wait3A_180 : memref<1x128xi32, #tpu.memory_space<vmem>> -> memref<128xi32, #tpu.memory_space<vmem>>
          %dma_wait3A_182 = arith.constant 0 : i32
          %dma_wait3A_183 = arith.constant 0 : i32
          %dma_wait3A_184 = tpu.memref_slice %arg9[%dma_wait3A_182, %dma_wait3A_183] : memref<10240x128xf32, #tpu.memory_space<vmem_shared>> -> memref<10240x128xf32, #tpu.memory_space<vmem_shared>>
          tpu.wait_indirect_dma semaphore(%run_scoped3A_164 : memref<!tpu.dma_semaphore, #tpu.memory_space<semaphore_mem>>) src(%dma_wait3A_178 : memref<128x128xf32, #tpu.memory_space<vmem>>) dst(%dma_wait3A_184 : memref<10240x128xf32, #tpu.memory_space<vmem_shared>>)
          tpu.yield
        }) : () -> ()
        %add3A_141 = arith.constant 2 : i32
        %add3A_142 = arith.addi %mul3A_116, %add3A_141 : i32
        %lt3A = arith.constant 40 : i32
        %lt3A_143 = arith.cmpi slt, %add3A_142, %lt3A : i32
        %convert_element_type3A_144 = arith.extui %lt3A_143 : i1 to i32
        %cond3A_145 = arith.constant 0 : i32
        %cond3A_146 = arith.cmpi ne, %convert_element_type3A_144, %cond3A_145 : i32
        scf.if %cond3A_146 {
          %add3A_164 = arith.constant 2 : i32
          %add3A_165 = arith.addi %mul3A_116, %add3A_164 : i32
          %dma_start3A_166 = arith.constant 0 : i32
          %dma_start3A_167 = arith.constant 0 : i32
          %dma_start3A_168 = arith.constant 0 : i32
          %dma_start3A_169 = tpu.memref_slice %arg8[%dma_start3A_166, %dma_start3A_167, %dma_start3A_168] : memref<2x128x128xf32, #tpu.memory_space<vmem>> -> memref<1x128x128xf32, #tpu.memory_space<vmem>>
          %dma_start3A_170 = tpu.memref_squeeze %dma_start3A_169 : memref<1x128x128xf32, #tpu.memory_space<vmem>> -> memref<128x128xf32, #tpu.memory_space<vmem>>
          %dma_start3A_171 = arith.constant 0 : i32
          %dma_start3A_172 = tpu.memref_slice %arg6[%add3A_165, %dma_start3A_171] : memref<40x128xi32, #tpu.memory_space<vmem>> -> memref<1x128xi32, #tpu.memory_space<vmem>>
          %dma_start3A_173 = tpu.memref_squeeze %dma_start3A_172 : memref<1x128xi32, #tpu.memory_space<vmem>> -> memref<128xi32, #tpu.memory_space<vmem>>
          %dma_start3A_174 = arith.constant 0 : i32
          %dma_start3A_175 = arith.constant 0 : i32
          %dma_start3A_176 = tpu.memref_slice %arg2[%dma_start3A_174, %dma_start3A_175] : memref<10240x128xf32, #tpu.memory_space<hbm>> -> memref<10240x128xf32, #tpu.memory_space<hbm>>
          tpu.enqueue_indirect_dma source(%dma_start3A_176 : memref<10240x128xf32, #tpu.memory_space<hbm>>) target(%dma_start3A_170 : memref<128x128xf32, #tpu.memory_space<vmem>>) offsets(%dma_start3A_173 : memref<128xi32, #tpu.memory_space<vmem>>) semaphore(%arg10 : memref<!tpu.dma_semaphore, #tpu.memory_space<semaphore_mem>>)
        } else {
        }
        %add3A_147 = arith.constant 1 : i32
        %add3A_148 = arith.addi %mul3A_116, %add3A_147 : i32
        %dma_wait3A_149 = arith.constant 1 : i32
        %dma_wait3A_150 = arith.constant 0 : i32
        %dma_wait3A_151 = arith.constant 0 : i32
        %dma_wait3A_152 = tpu.memref_slice %arg8[%dma_wait3A_149, %dma_wait3A_150, %dma_wait3A_151] : memref<2x128x128xf32, #tpu.memory_space<vmem>> -> memref<1x128x128xf32, #tpu.memory_space<vmem>>
        %dma_wait3A_153 = tpu.memref_squeeze %dma_wait3A_152 : memref<1x128x128xf32, #tpu.memory_space<vmem>> -> memref<128x128xf32, #tpu.memory_space<vmem>>
        %dma_wait3A_154 = arith.constant 0 : i32
        %dma_wait3A_155 = tpu.memref_slice %arg6[%add3A_148, %dma_wait3A_154] : memref<40x128xi32, #tpu.memory_space<vmem>> -> memref<1x128xi32, #tpu.memory_space<vmem>>
        %dma_wait3A_156 = tpu.memref_squeeze %dma_wait3A_155 : memref<1x128xi32, #tpu.memory_space<vmem>> -> memref<128xi32, #tpu.memory_space<vmem>>
        %dma_wait3A_157 = arith.constant 0 : i32
        %dma_wait3A_158 = arith.constant 0 : i32
        %dma_wait3A_159 = tpu.memref_slice %arg2[%dma_wait3A_157, %dma_wait3A_158] : memref<10240x128xf32, #tpu.memory_space<hbm>> -> memref<10240x128xf32, #tpu.memory_space<hbm>>
        tpu.wait_indirect_dma semaphore(%arg11 : memref<!tpu.dma_semaphore, #tpu.memory_space<semaphore_mem>>) src(%dma_wait3A_159 : memref<10240x128xf32, #tpu.memory_space<hbm>>) dst(%dma_wait3A_153 : memref<128x128xf32, #tpu.memory_space<vmem>>)
        %add3A_160 = arith.constant 1 : i32
        %add3A_161 = arith.addi %mul3A_116, %add3A_160 : i32
        %run_scoped3A_162 = arith.constant 1 : i32
        "tpu.region"() ({
          %run_scoped3A_164 = tpu.sem_alloc : memref<!tpu.dma_semaphore, #tpu.memory_space<semaphore_mem>>
          %dma_start3A_165 = arith.constant 0 : i32
          %dma_start3A_166 = arith.constant 0 : i32
          %dma_start3A_167 = tpu.memref_slice %arg8[%run_scoped3A_162, %dma_start3A_165, %dma_start3A_166] : memref<2x128x128xf32, #tpu.memory_space<vmem>> -> memref<1x128x128xf32, #tpu.memory_space<vmem>>
          %dma_start3A_168 = tpu.memref_squeeze %dma_start3A_167 : memref<1x128x128xf32, #tpu.memory_space<vmem>> -> memref<128x128xf32, #tpu.memory_space<vmem>>
          %dma_start3A_169 = arith.constant 0 : i32
          %dma_start3A_170 = tpu.memref_slice %arg7[%add3A_161, %dma_start3A_169] : memref<40x128xi32, #tpu.memory_space<vmem>> -> memref<1x128xi32, #tpu.memory_space<vmem>>
          %dma_start3A_171 = tpu.memref_squeeze %dma_start3A_170 : memref<1x128xi32, #tpu.memory_space<vmem>> -> memref<128xi32, #tpu.memory_space<vmem>>
          %dma_start3A_172 = arith.constant 0 : i32
          %dma_start3A_173 = arith.constant 0 : i32
          %dma_start3A_174 = tpu.memref_slice %arg9[%dma_start3A_172, %dma_start3A_173] : memref<10240x128xf32, #tpu.memory_space<vmem_shared>> -> memref<10240x128xf32, #tpu.memory_space<vmem_shared>>
          tpu.enqueue_indirect_dma source(%dma_start3A_168 : memref<128x128xf32, #tpu.memory_space<vmem>>) target(%dma_start3A_174 : memref<10240x128xf32, #tpu.memory_space<vmem_shared>>) offsets(%dma_start3A_171 : memref<128xi32, #tpu.memory_space<vmem>>) semaphore(%run_scoped3A_164 : memref<!tpu.dma_semaphore, #tpu.memory_space<semaphore_mem>>) {add = true}
          %dma_wait3A_175 = arith.constant 0 : i32
          %dma_wait3A_176 = arith.constant 0 : i32
          %dma_wait3A_177 = tpu.memref_slice %arg8[%run_scoped3A_162, %dma_wait3A_175, %dma_wait3A_176] : memref<2x128x128xf32, #tpu.memory_space<vmem>> -> memref<1x128x128xf32, #tpu.memory_space<vmem>>
          %dma_wait3A_178 = tpu.memref_squeeze %dma_wait3A_177 : memref<1x128x128xf32, #tpu.memory_space<vmem>> -> memref<128x128xf32, #tpu.memory_space<vmem>>
          %dma_wait3A_179 = arith.constant 0 : i32
          %dma_wait3A_180 = tpu.memref_slice %arg7[%add3A_161, %dma_wait3A_179] : memref<40x128xi32, #tpu.memory_space<vmem>> -> memref<1x128xi32, #tpu.memory_space<vmem>>
          %dma_wait3A_181 = tpu.memref_squeeze %dma_wait3A_180 : memref<1x128xi32, #tpu.memory_space<vmem>> -> memref<128xi32, #tpu.memory_space<vmem>>
          %dma_wait3A_182 = arith.constant 0 : i32
          %dma_wait3A_183 = arith.constant 0 : i32
          %dma_wait3A_184 = tpu.memref_slice %arg9[%dma_wait3A_182, %dma_wait3A_183] : memref<10240x128xf32, #tpu.memory_space<vmem_shared>> -> memref<10240x128xf32, #tpu.memory_space<vmem_shared>>
          tpu.wait_indirect_dma semaphore(%run_scoped3A_164 : memref<!tpu.dma_semaphore, #tpu.memory_space<semaphore_mem>>) src(%dma_wait3A_178 : memref<128x128xf32, #tpu.memory_space<vmem>>) dst(%dma_wait3A_184 : memref<10240x128xf32, #tpu.memory_space<vmem_shared>>)
          tpu.yield
        }) : () -> ()
        %scan3A_163 = arith.constant 0 : i32
        scf.yield %scan3A_163 : i32
      }
      %scan3A_91 = arith.constant 20 : i32
      %add3A_92 = arith.constant 80 : i32
      %add3A_93 = arith.addi %add3A_38, %add3A_92 : i32
      "tpu.region"() ({
        %run_scoped3A_113 = tpu.sem_alloc : memref<!tpu.dma_semaphore, #tpu.memory_space<semaphore_mem>>
        %dma_start3A_114 = arith.constant 0 : i32
        %dma_start3A_115 = tpu.memref_slice %arg3[%add3A_93, %dma_start3A_114] : memref<2560x128xi32, #tpu.memory_space<hbm>> -> memref<40x128xi32, #tpu.memory_space<hbm>>
        %dma_start3A_116 = arith.constant 0 : i32
        %dma_start3A_117 = tpu.memref_slice %arg3[%add3A_93, %dma_start3A_116] : memref<2560x128xi32, #tpu.memory_space<hbm>> -> memref<40x128xi32, #tpu.memory_space<hbm>>
        tpu.enqueue_dma source(%dma_start3A_117 : memref<40x128xi32, #tpu.memory_space<hbm>>) target(%arg6 : memref<40x128xi32, #tpu.memory_space<vmem>>) target_semaphore(%run_scoped3A_113 : memref<!tpu.dma_semaphore, #tpu.memory_space<semaphore_mem>>)
        %dma_wait3A = arith.constant 0 : i32
        %dma_wait3A_118 = tpu.memref_slice %arg3[%add3A_93, %dma_wait3A] : memref<2560x128xi32, #tpu.memory_space<hbm>> -> memref<40x128xi32, #tpu.memory_space<hbm>>
        %dma_wait3A_119 = arith.constant 0 : i32
        %dma_wait3A_120 = tpu.memref_slice %arg3[%add3A_93, %dma_wait3A_119] : memref<2560x128xi32, #tpu.memory_space<hbm>> -> memref<40x128xi32, #tpu.memory_space<hbm>>
        tpu.wait_dma2 semaphore(%run_scoped3A_113 : memref<!tpu.dma_semaphore, #tpu.memory_space<semaphore_mem>>) src(%dma_wait3A_120 : memref<40x128xi32, #tpu.memory_space<hbm>>) dst(%arg6 : memref<40x128xi32, #tpu.memory_space<vmem>>)
        tpu.yield
      }) : () -> ()
      "tpu.region"() ({
        %run_scoped3A_113 = tpu.sem_alloc : memref<!tpu.dma_semaphore, #tpu.memory_space<semaphore_mem>>
        %dma_start3A_114 = arith.constant 0 : i32
        %dma_start3A_115 = tpu.memref_slice %arg4[%add3A_93, %dma_start3A_114] : memref<2560x128xi32, #tpu.memory_space<hbm>> -> memref<40x128xi32, #tpu.memory_space<hbm>>
        %dma_start3A_116 = arith.constant 0 : i32
        %dma_start3A_117 = tpu.memref_slice %arg4[%add3A_93, %dma_start3A_116] : memref<2560x128xi32, #tpu.memory_space<hbm>> -> memref<40x128xi32, #tpu.memory_space<hbm>>
        tpu.enqueue_dma source(%dma_start3A_117 : memref<40x128xi32, #tpu.memory_space<hbm>>) target(%arg7 : memref<40x128xi32, #tpu.memory_space<vmem>>) target_semaphore(%run_scoped3A_113 : memref<!tpu.dma_semaphore, #tpu.memory_space<semaphore_mem>>)
        %dma_wait3A = arith.constant 0 : i32
        %dma_wait3A_118 = tpu.memref_slice %arg4[%add3A_93, %dma_wait3A] : memref<2560x128xi32, #tpu.memory_space<hbm>> -> memref<40x128xi32, #tpu.memory_space<hbm>>
        %dma_wait3A_119 = arith.constant 0 : i32
        %dma_wait3A_120 = tpu.memref_slice %arg4[%add3A_93, %dma_wait3A_119] : memref<2560x128xi32, #tpu.memory_space<hbm>> -> memref<40x128xi32, #tpu.memory_space<hbm>>
        tpu.wait_dma2 semaphore(%run_scoped3A_113 : memref<!tpu.dma_semaphore, #tpu.memory_space<semaphore_mem>>) src(%dma_wait3A_120 : memref<40x128xi32, #tpu.memory_space<hbm>>) dst(%arg7 : memref<40x128xi32, #tpu.memory_space<vmem>>)
        tpu.yield
      }) : () -> ()
      %dma_start3A_94 = arith.constant 0 : i32
      %dma_start3A_95 = arith.constant 0 : i32
      %dma_start3A_96 = arith.constant 0 : i32
      %dma_start3A_97 = arith.constant 0 : i32
      %dma_start3A_98 = tpu.memref_slice %arg8[%dma_start3A_95, %dma_start3A_96, %dma_start3A_97] : memref<2x128x128xf32, #tpu.memory_space<vmem>> -> memref<1x128x128xf32, #tpu.memory_space<vmem>>
      %dma_start3A_99 = tpu.memref_squeeze %dma_start3A_98 : memref<1x128x128xf32, #tpu.memory_space<vmem>> -> memref<128x128xf32, #tpu.memory_space<vmem>>
      %dma_start3A_100 = arith.constant 0 : i32
      %dma_start3A_101 = tpu.memref_slice %arg6[%dma_start3A_94, %dma_start3A_100] : memref<40x128xi32, #tpu.memory_space<vmem>> -> memref<1x128xi32, #tpu.memory_space<vmem>>
      %dma_start3A_102 = tpu.memref_squeeze %dma_start3A_101 : memref<1x128xi32, #tpu.memory_space<vmem>> -> memref<128xi32, #tpu.memory_space<vmem>>
      %dma_start3A_103 = arith.constant 0 : i32
      %dma_start3A_104 = arith.constant 0 : i32
      %dma_start3A_105 = tpu.memref_slice %arg2[%dma_start3A_103, %dma_start3A_104] : memref<10240x128xf32, #tpu.memory_space<hbm>> -> memref<10240x128xf32, #tpu.memory_space<hbm>>
      tpu.enqueue_indirect_dma source(%dma_start3A_105 : memref<10240x128xf32, #tpu.memory_space<hbm>>) target(%dma_start3A_99 : memref<128x128xf32, #tpu.memory_space<vmem>>) offsets(%dma_start3A_102 : memref<128xi32, #tpu.memory_space<vmem>>) semaphore(%arg10 : memref<!tpu.dma_semaphore, #tpu.memory_space<semaphore_mem>>)
      %scan3A_106 = arith.constant 0 : i32
      %scan3A_107 = arith.constant 0 : i32
      %scan3A_108 = arith.constant 20 : i32
      %scan3A_109 = arith.addi %scan3A_107, %scan3A_108 : i32
      %scan3A_110 = arith.constant 1 : i32
      %scan3A_111 = scf.for %scan3A_113 = %scan3A_107 to %scan3A_109 step %scan3A_110 iter_args(%scan3A_114 = %scan3A_106) -> (i32)  : i32 {
        %mul3A_115 = arith.constant 2 : i32
        %mul3A_116 = arith.muli %mul3A_115, %scan3A_113 : i32
        %add3A_117 = arith.constant 1 : i32
        %add3A_118 = arith.addi %mul3A_116, %add3A_117 : i32
        %dma_start3A_119 = arith.constant 1 : i32
        %dma_start3A_120 = arith.constant 0 : i32
        %dma_start3A_121 = arith.constant 0 : i32
        %dma_start3A_122 = tpu.memref_slice %arg8[%dma_start3A_119, %dma_start3A_120, %dma_start3A_121] : memref<2x128x128xf32, #tpu.memory_space<vmem>> -> memref<1x128x128xf32, #tpu.memory_space<vmem>>
        %dma_start3A_123 = tpu.memref_squeeze %dma_start3A_122 : memref<1x128x128xf32, #tpu.memory_space<vmem>> -> memref<128x128xf32, #tpu.memory_space<vmem>>
        %dma_start3A_124 = arith.constant 0 : i32
        %dma_start3A_125 = tpu.memref_slice %arg6[%add3A_118, %dma_start3A_124] : memref<40x128xi32, #tpu.memory_space<vmem>> -> memref<1x128xi32, #tpu.memory_space<vmem>>
        %dma_start3A_126 = tpu.memref_squeeze %dma_start3A_125 : memref<1x128xi32, #tpu.memory_space<vmem>> -> memref<128xi32, #tpu.memory_space<vmem>>
        %dma_start3A_127 = arith.constant 0 : i32
        %dma_start3A_128 = arith.constant 0 : i32
        %dma_start3A_129 = tpu.memref_slice %arg2[%dma_start3A_127, %dma_start3A_128] : memref<10240x128xf32, #tpu.memory_space<hbm>> -> memref<10240x128xf32, #tpu.memory_space<hbm>>
        tpu.enqueue_indirect_dma source(%dma_start3A_129 : memref<10240x128xf32, #tpu.memory_space<hbm>>) target(%dma_start3A_123 : memref<128x128xf32, #tpu.memory_space<vmem>>) offsets(%dma_start3A_126 : memref<128xi32, #tpu.memory_space<vmem>>) semaphore(%arg11 : memref<!tpu.dma_semaphore, #tpu.memory_space<semaphore_mem>>)
        %dma_wait3A = arith.constant 0 : i32
        %dma_wait3A_130 = arith.constant 0 : i32
        %dma_wait3A_131 = arith.constant 0 : i32
        %dma_wait3A_132 = tpu.memref_slice %arg8[%dma_wait3A, %dma_wait3A_130, %dma_wait3A_131] : memref<2x128x128xf32, #tpu.memory_space<vmem>> -> memref<1x128x128xf32, #tpu.memory_space<vmem>>
        %dma_wait3A_133 = tpu.memref_squeeze %dma_wait3A_132 : memref<1x128x128xf32, #tpu.memory_space<vmem>> -> memref<128x128xf32, #tpu.memory_space<vmem>>
        %dma_wait3A_134 = arith.constant 0 : i32
        %dma_wait3A_135 = tpu.memref_slice %arg6[%mul3A_116, %dma_wait3A_134] : memref<40x128xi32, #tpu.memory_space<vmem>> -> memref<1x128xi32, #tpu.memory_space<vmem>>
        %dma_wait3A_136 = tpu.memref_squeeze %dma_wait3A_135 : memref<1x128xi32, #tpu.memory_space<vmem>> -> memref<128xi32, #tpu.memory_space<vmem>>
        %dma_wait3A_137 = arith.constant 0 : i32
        %dma_wait3A_138 = arith.constant 0 : i32
        %dma_wait3A_139 = tpu.memref_slice %arg2[%dma_wait3A_137, %dma_wait3A_138] : memref<10240x128xf32, #tpu.memory_space<hbm>> -> memref<10240x128xf32, #tpu.memory_space<hbm>>
        tpu.wait_indirect_dma semaphore(%arg10 : memref<!tpu.dma_semaphore, #tpu.memory_space<semaphore_mem>>) src(%dma_wait3A_139 : memref<10240x128xf32, #tpu.memory_space<hbm>>) dst(%dma_wait3A_133 : memref<128x128xf32, #tpu.memory_space<vmem>>)
        %run_scoped3A_140 = arith.constant 0 : i32
        "tpu.region"() ({
          %run_scoped3A_164 = tpu.sem_alloc : memref<!tpu.dma_semaphore, #tpu.memory_space<semaphore_mem>>
          %dma_start3A_165 = arith.constant 0 : i32
          %dma_start3A_166 = arith.constant 0 : i32
          %dma_start3A_167 = tpu.memref_slice %arg8[%run_scoped3A_140, %dma_start3A_165, %dma_start3A_166] : memref<2x128x128xf32, #tpu.memory_space<vmem>> -> memref<1x128x128xf32, #tpu.memory_space<vmem>>
          %dma_start3A_168 = tpu.memref_squeeze %dma_start3A_167 : memref<1x128x128xf32, #tpu.memory_space<vmem>> -> memref<128x128xf32, #tpu.memory_space<vmem>>
          %dma_start3A_169 = arith.constant 0 : i32
          %dma_start3A_170 = tpu.memref_slice %arg7[%mul3A_116, %dma_start3A_169] : memref<40x128xi32, #tpu.memory_space<vmem>> -> memref<1x128xi32, #tpu.memory_space<vmem>>
          %dma_start3A_171 = tpu.memref_squeeze %dma_start3A_170 : memref<1x128xi32, #tpu.memory_space<vmem>> -> memref<128xi32, #tpu.memory_space<vmem>>
          %dma_start3A_172 = arith.constant 0 : i32
          %dma_start3A_173 = arith.constant 0 : i32
          %dma_start3A_174 = tpu.memref_slice %arg9[%dma_start3A_172, %dma_start3A_173] : memref<10240x128xf32, #tpu.memory_space<vmem_shared>> -> memref<10240x128xf32, #tpu.memory_space<vmem_shared>>
          tpu.enqueue_indirect_dma source(%dma_start3A_168 : memref<128x128xf32, #tpu.memory_space<vmem>>) target(%dma_start3A_174 : memref<10240x128xf32, #tpu.memory_space<vmem_shared>>) offsets(%dma_start3A_171 : memref<128xi32, #tpu.memory_space<vmem>>) semaphore(%run_scoped3A_164 : memref<!tpu.dma_semaphore, #tpu.memory_space<semaphore_mem>>) {add = true}
          %dma_wait3A_175 = arith.constant 0 : i32
          %dma_wait3A_176 = arith.constant 0 : i32
          %dma_wait3A_177 = tpu.memref_slice %arg8[%run_scoped3A_140, %dma_wait3A_175, %dma_wait3A_176] : memref<2x128x128xf32, #tpu.memory_space<vmem>> -> memref<1x128x128xf32, #tpu.memory_space<vmem>>
          %dma_wait3A_178 = tpu.memref_squeeze %dma_wait3A_177 : memref<1x128x128xf32, #tpu.memory_space<vmem>> -> memref<128x128xf32, #tpu.memory_space<vmem>>
          %dma_wait3A_179 = arith.constant 0 : i32
          %dma_wait3A_180 = tpu.memref_slice %arg7[%mul3A_116, %dma_wait3A_179] : memref<40x128xi32, #tpu.memory_space<vmem>> -> memref<1x128xi32, #tpu.memory_space<vmem>>
          %dma_wait3A_181 = tpu.memref_squeeze %dma_wait3A_180 : memref<1x128xi32, #tpu.memory_space<vmem>> -> memref<128xi32, #tpu.memory_space<vmem>>
          %dma_wait3A_182 = arith.constant 0 : i32
          %dma_wait3A_183 = arith.constant 0 : i32
          %dma_wait3A_184 = tpu.memref_slice %arg9[%dma_wait3A_182, %dma_wait3A_183] : memref<10240x128xf32, #tpu.memory_space<vmem_shared>> -> memref<10240x128xf32, #tpu.memory_space<vmem_shared>>
          tpu.wait_indirect_dma semaphore(%run_scoped3A_164 : memref<!tpu.dma_semaphore, #tpu.memory_space<semaphore_mem>>) src(%dma_wait3A_178 : memref<128x128xf32, #tpu.memory_space<vmem>>) dst(%dma_wait3A_184 : memref<10240x128xf32, #tpu.memory_space<vmem_shared>>)
          tpu.yield
        }) : () -> ()
        %add3A_141 = arith.constant 2 : i32
        %add3A_142 = arith.addi %mul3A_116, %add3A_141 : i32
        %lt3A = arith.constant 40 : i32
        %lt3A_143 = arith.cmpi slt, %add3A_142, %lt3A : i32
        %convert_element_type3A_144 = arith.extui %lt3A_143 : i1 to i32
        %cond3A_145 = arith.constant 0 : i32
        %cond3A_146 = arith.cmpi ne, %convert_element_type3A_144, %cond3A_145 : i32
        scf.if %cond3A_146 {
          %add3A_164 = arith.constant 2 : i32
          %add3A_165 = arith.addi %mul3A_116, %add3A_164 : i32
          %dma_start3A_166 = arith.constant 0 : i32
          %dma_start3A_167 = arith.constant 0 : i32
          %dma_start3A_168 = arith.constant 0 : i32
          %dma_start3A_169 = tpu.memref_slice %arg8[%dma_start3A_166, %dma_start3A_167, %dma_start3A_168] : memref<2x128x128xf32, #tpu.memory_space<vmem>> -> memref<1x128x128xf32, #tpu.memory_space<vmem>>
          %dma_start3A_170 = tpu.memref_squeeze %dma_start3A_169 : memref<1x128x128xf32, #tpu.memory_space<vmem>> -> memref<128x128xf32, #tpu.memory_space<vmem>>
          %dma_start3A_171 = arith.constant 0 : i32
          %dma_start3A_172 = tpu.memref_slice %arg6[%add3A_165, %dma_start3A_171] : memref<40x128xi32, #tpu.memory_space<vmem>> -> memref<1x128xi32, #tpu.memory_space<vmem>>
          %dma_start3A_173 = tpu.memref_squeeze %dma_start3A_172 : memref<1x128xi32, #tpu.memory_space<vmem>> -> memref<128xi32, #tpu.memory_space<vmem>>
          %dma_start3A_174 = arith.constant 0 : i32
          %dma_start3A_175 = arith.constant 0 : i32
          %dma_start3A_176 = tpu.memref_slice %arg2[%dma_start3A_174, %dma_start3A_175] : memref<10240x128xf32, #tpu.memory_space<hbm>> -> memref<10240x128xf32, #tpu.memory_space<hbm>>
          tpu.enqueue_indirect_dma source(%dma_start3A_176 : memref<10240x128xf32, #tpu.memory_space<hbm>>) target(%dma_start3A_170 : memref<128x128xf32, #tpu.memory_space<vmem>>) offsets(%dma_start3A_173 : memref<128xi32, #tpu.memory_space<vmem>>) semaphore(%arg10 : memref<!tpu.dma_semaphore, #tpu.memory_space<semaphore_mem>>)
        } else {
        }
        %add3A_147 = arith.constant 1 : i32
        %add3A_148 = arith.addi %mul3A_116, %add3A_147 : i32
        %dma_wait3A_149 = arith.constant 1 : i32
        %dma_wait3A_150 = arith.constant 0 : i32
        %dma_wait3A_151 = arith.constant 0 : i32
        %dma_wait3A_152 = tpu.memref_slice %arg8[%dma_wait3A_149, %dma_wait3A_150, %dma_wait3A_151] : memref<2x128x128xf32, #tpu.memory_space<vmem>> -> memref<1x128x128xf32, #tpu.memory_space<vmem>>
        %dma_wait3A_153 = tpu.memref_squeeze %dma_wait3A_152 : memref<1x128x128xf32, #tpu.memory_space<vmem>> -> memref<128x128xf32, #tpu.memory_space<vmem>>
        %dma_wait3A_154 = arith.constant 0 : i32
        %dma_wait3A_155 = tpu.memref_slice %arg6[%add3A_148, %dma_wait3A_154] : memref<40x128xi32, #tpu.memory_space<vmem>> -> memref<1x128xi32, #tpu.memory_space<vmem>>
        %dma_wait3A_156 = tpu.memref_squeeze %dma_wait3A_155 : memref<1x128xi32, #tpu.memory_space<vmem>> -> memref<128xi32, #tpu.memory_space<vmem>>
        %dma_wait3A_157 = arith.constant 0 : i32
        %dma_wait3A_158 = arith.constant 0 : i32
        %dma_wait3A_159 = tpu.memref_slice %arg2[%dma_wait3A_157, %dma_wait3A_158] : memref<10240x128xf32, #tpu.memory_space<hbm>> -> memref<10240x128xf32, #tpu.memory_space<hbm>>
        tpu.wait_indirect_dma semaphore(%arg11 : memref<!tpu.dma_semaphore, #tpu.memory_space<semaphore_mem>>) src(%dma_wait3A_159 : memref<10240x128xf32, #tpu.memory_space<hbm>>) dst(%dma_wait3A_153 : memref<128x128xf32, #tpu.memory_space<vmem>>)
        %add3A_160 = arith.constant 1 : i32
        %add3A_161 = arith.addi %mul3A_116, %add3A_160 : i32
        %run_scoped3A_162 = arith.constant 1 : i32
        "tpu.region"() ({
          %run_scoped3A_164 = tpu.sem_alloc : memref<!tpu.dma_semaphore, #tpu.memory_space<semaphore_mem>>
          %dma_start3A_165 = arith.constant 0 : i32
          %dma_start3A_166 = arith.constant 0 : i32
          %dma_start3A_167 = tpu.memref_slice %arg8[%run_scoped3A_162, %dma_start3A_165, %dma_start3A_166] : memref<2x128x128xf32, #tpu.memory_space<vmem>> -> memref<1x128x128xf32, #tpu.memory_space<vmem>>
          %dma_start3A_168 = tpu.memref_squeeze %dma_start3A_167 : memref<1x128x128xf32, #tpu.memory_space<vmem>> -> memref<128x128xf32, #tpu.memory_space<vmem>>
          %dma_start3A_169 = arith.constant 0 : i32
          %dma_start3A_170 = tpu.memref_slice %arg7[%add3A_161, %dma_start3A_169] : memref<40x128xi32, #tpu.memory_space<vmem>> -> memref<1x128xi32, #tpu.memory_space<vmem>>
          %dma_start3A_171 = tpu.memref_squeeze %dma_start3A_170 : memref<1x128xi32, #tpu.memory_space<vmem>> -> memref<128xi32, #tpu.memory_space<vmem>>
          %dma_start3A_172 = arith.constant 0 : i32
          %dma_start3A_173 = arith.constant 0 : i32
          %dma_start3A_174 = tpu.memref_slice %arg9[%dma_start3A_172, %dma_start3A_173] : memref<10240x128xf32, #tpu.memory_space<vmem_shared>> -> memref<10240x128xf32, #tpu.memory_space<vmem_shared>>
          tpu.enqueue_indirect_dma source(%dma_start3A_168 : memref<128x128xf32, #tpu.memory_space<vmem>>) target(%dma_start3A_174 : memref<10240x128xf32, #tpu.memory_space<vmem_shared>>) offsets(%dma_start3A_171 : memref<128xi32, #tpu.memory_space<vmem>>) semaphore(%run_scoped3A_164 : memref<!tpu.dma_semaphore, #tpu.memory_space<semaphore_mem>>) {add = true}
          %dma_wait3A_175 = arith.constant 0 : i32
          %dma_wait3A_176 = arith.constant 0 : i32
          %dma_wait3A_177 = tpu.memref_slice %arg8[%run_scoped3A_162, %dma_wait3A_175, %dma_wait3A_176] : memref<2x128x128xf32, #tpu.memory_space<vmem>> -> memref<1x128x128xf32, #tpu.memory_space<vmem>>
          %dma_wait3A_178 = tpu.memref_squeeze %dma_wait3A_177 : memref<1x128x128xf32, #tpu.memory_space<vmem>> -> memref<128x128xf32, #tpu.memory_space<vmem>>
          %dma_wait3A_179 = arith.constant 0 : i32
          %dma_wait3A_180 = tpu.memref_slice %arg7[%add3A_161, %dma_wait3A_179] : memref<40x128xi32, #tpu.memory_space<vmem>> -> memref<1x128xi32, #tpu.memory_space<vmem>>
          %dma_wait3A_181 = tpu.memref_squeeze %dma_wait3A_180 : memref<1x128xi32, #tpu.memory_space<vmem>> -> memref<128xi32, #tpu.memory_space<vmem>>
          %dma_wait3A_182 = arith.constant 0 : i32
          %dma_wait3A_183 = arith.constant 0 : i32
          %dma_wait3A_184 = tpu.memref_slice %arg9[%dma_wait3A_182, %dma_wait3A_183] : memref<10240x128xf32, #tpu.memory_space<vmem_shared>> -> memref<10240x128xf32, #tpu.memory_space<vmem_shared>>
          tpu.wait_indirect_dma semaphore(%run_scoped3A_164 : memref<!tpu.dma_semaphore, #tpu.memory_space<semaphore_mem>>) src(%dma_wait3A_178 : memref<128x128xf32, #tpu.memory_space<vmem>>) dst(%dma_wait3A_184 : memref<10240x128xf32, #tpu.memory_space<vmem_shared>>)
          tpu.yield
        }) : () -> ()
        %scan3A_163 = arith.constant 0 : i32
        scf.yield %scan3A_163 : i32
      }
      %scan3A_112 = arith.constant 20 : i32
    } else {
    }
    %eq3A_41 = arith.constant 1 : i32
    %eq3A_42 = arith.cmpi eq, %arg0, %eq3A_41 : i32
    %convert_element_type3A_43 = arith.extui %eq3A_42 : i1 to i32
    %cond3A_44 = arith.constant 0 : i32
    %cond3A_45 = arith.cmpi ne, %convert_element_type3A_43, %cond3A_44 : i32
    scf.if %cond3A_45 {
      %add3A_51 = arith.constant 0 : i32
      %add3A_52 = arith.addi %add3A_38, %add3A_51 : i32
      "tpu.region"() ({
        %run_scoped3A_71 = tpu.sem_alloc : memref<!tpu.dma_semaphore, #tpu.memory_space<semaphore_mem>>
        %dma_start3A_72 = arith.constant 0 : i32
        %dma_start3A_73 = tpu.memref_slice %arg3[%add3A_52, %dma_start3A_72] : memref<2560x128xi32, #tpu.memory_space<hbm>> -> memref<40x128xi32, #tpu.memory_space<hbm>>
        %dma_start3A_74 = arith.constant 0 : i32
        %dma_start3A_75 = tpu.memref_slice %arg3[%add3A_52, %dma_start3A_74] : memref<2560x128xi32, #tpu.memory_space<hbm>> -> memref<40x128xi32, #tpu.memory_space<hbm>>
        tpu.enqueue_dma source(%dma_start3A_75 : memref<40x128xi32, #tpu.memory_space<hbm>>) target(%arg6 : memref<40x128xi32, #tpu.memory_space<vmem>>) target_semaphore(%run_scoped3A_71 : memref<!tpu.dma_semaphore, #tpu.memory_space<semaphore_mem>>)
        %dma_wait3A = arith.constant 0 : i32
        %dma_wait3A_76 = tpu.memref_slice %arg3[%add3A_52, %dma_wait3A] : memref<2560x128xi32, #tpu.memory_space<hbm>> -> memref<40x128xi32, #tpu.memory_space<hbm>>
        %dma_wait3A_77 = arith.constant 0 : i32
        %dma_wait3A_78 = tpu.memref_slice %arg3[%add3A_52, %dma_wait3A_77] : memref<2560x128xi32, #tpu.memory_space<hbm>> -> memref<40x128xi32, #tpu.memory_space<hbm>>
        tpu.wait_dma2 semaphore(%run_scoped3A_71 : memref<!tpu.dma_semaphore, #tpu.memory_space<semaphore_mem>>) src(%dma_wait3A_78 : memref<40x128xi32, #tpu.memory_space<hbm>>) dst(%arg6 : memref<40x128xi32, #tpu.memory_space<vmem>>)
        tpu.yield
      }) : () -> ()
      "tpu.region"() ({
        %run_scoped3A_71 = tpu.sem_alloc : memref<!tpu.dma_semaphore, #tpu.memory_space<semaphore_mem>>
        %dma_start3A_72 = arith.constant 0 : i32
        %dma_start3A_73 = tpu.memref_slice %arg4[%add3A_52, %dma_start3A_72] : memref<2560x128xi32, #tpu.memory_space<hbm>> -> memref<40x128xi32, #tpu.memory_space<hbm>>
        %dma_start3A_74 = arith.constant 0 : i32
        %dma_start3A_75 = tpu.memref_slice %arg4[%add3A_52, %dma_start3A_74] : memref<2560x128xi32, #tpu.memory_space<hbm>> -> memref<40x128xi32, #tpu.memory_space<hbm>>
        tpu.enqueue_dma source(%dma_start3A_75 : memref<40x128xi32, #tpu.memory_space<hbm>>) target(%arg7 : memref<40x128xi32, #tpu.memory_space<vmem>>) target_semaphore(%run_scoped3A_71 : memref<!tpu.dma_semaphore, #tpu.memory_space<semaphore_mem>>)
        %dma_wait3A = arith.constant 0 : i32
        %dma_wait3A_76 = tpu.memref_slice %arg4[%add3A_52, %dma_wait3A] : memref<2560x128xi32, #tpu.memory_space<hbm>> -> memref<40x128xi32, #tpu.memory_space<hbm>>
        %dma_wait3A_77 = arith.constant 0 : i32
        %dma_wait3A_78 = tpu.memref_slice %arg4[%add3A_52, %dma_wait3A_77] : memref<2560x128xi32, #tpu.memory_space<hbm>> -> memref<40x128xi32, #tpu.memory_space<hbm>>
        tpu.wait_dma2 semaphore(%run_scoped3A_71 : memref<!tpu.dma_semaphore, #tpu.memory_space<semaphore_mem>>) src(%dma_wait3A_78 : memref<40x128xi32, #tpu.memory_space<hbm>>) dst(%arg7 : memref<40x128xi32, #tpu.memory_space<vmem>>)
        tpu.yield
      }) : () -> ()
      %dma_start3A = arith.constant 0 : i32
      %dma_start3A_53 = arith.constant 0 : i32
      %dma_start3A_54 = arith.constant 0 : i32
      %dma_start3A_55 = arith.constant 0 : i32
      %dma_start3A_56 = tpu.memref_slice %arg8[%dma_start3A_53, %dma_start3A_54, %dma_start3A_55] : memref<2x128x128xf32, #tpu.memory_space<vmem>> -> memref<1x128x128xf32, #tpu.memory_space<vmem>>
      %dma_start3A_57 = tpu.memref_squeeze %dma_start3A_56 : memref<1x128x128xf32, #tpu.memory_space<vmem>> -> memref<128x128xf32, #tpu.memory_space<vmem>>
      %dma_start3A_58 = arith.constant 0 : i32
      %dma_start3A_59 = tpu.memref_slice %arg6[%dma_start3A, %dma_start3A_58] : memref<40x128xi32, #tpu.memory_space<vmem>> -> memref<1x128xi32, #tpu.memory_space<vmem>>
      %dma_start3A_60 = tpu.memref_squeeze %dma_start3A_59 : memref<1x128xi32, #tpu.memory_space<vmem>> -> memref<128xi32, #tpu.memory_space<vmem>>
      %dma_start3A_61 = arith.constant 0 : i32
      %dma_start3A_62 = arith.constant 0 : i32
      %dma_start3A_63 = tpu.memref_slice %arg2[%dma_start3A_61, %dma_start3A_62] : memref<10240x128xf32, #tpu.memory_space<hbm>> -> memref<10240x128xf32, #tpu.memory_space<hbm>>
      tpu.enqueue_indirect_dma source(%dma_start3A_63 : memref<10240x128xf32, #tpu.memory_space<hbm>>) target(%dma_start3A_57 : memref<128x128xf32, #tpu.memory_space<vmem>>) offsets(%dma_start3A_60 : memref<128xi32, #tpu.memory_space<vmem>>) semaphore(%arg10 : memref<!tpu.dma_semaphore, #tpu.memory_space<semaphore_mem>>)
      %scan3A_64 = arith.constant 0 : i32
      %scan3A_65 = arith.constant 0 : i32
      %scan3A_66 = arith.constant 20 : i32
      %scan3A_67 = arith.addi %scan3A_65, %scan3A_66 : i32
      %scan3A_68 = arith.constant 1 : i32
      %scan3A_69 = scf.for %scan3A_71 = %scan3A_65 to %scan3A_67 step %scan3A_68 iter_args(%scan3A_72 = %scan3A_64) -> (i32)  : i32 {
        %mul3A_73 = arith.constant 2 : i32
        %mul3A_74 = arith.muli %mul3A_73, %scan3A_71 : i32
        %add3A_75 = arith.constant 1 : i32
        %add3A_76 = arith.addi %mul3A_74, %add3A_75 : i32
        %dma_start3A_77 = arith.constant 1 : i32
        %dma_start3A_78 = arith.constant 0 : i32
        %dma_start3A_79 = arith.constant 0 : i32
        %dma_start3A_80 = tpu.memref_slice %arg8[%dma_start3A_77, %dma_start3A_78, %dma_start3A_79] : memref<2x128x128xf32, #tpu.memory_space<vmem>> -> memref<1x128x128xf32, #tpu.memory_space<vmem>>
        %dma_start3A_81 = tpu.memref_squeeze %dma_start3A_80 : memref<1x128x128xf32, #tpu.memory_space<vmem>> -> memref<128x128xf32, #tpu.memory_space<vmem>>
        %dma_start3A_82 = arith.constant 0 : i32
        %dma_start3A_83 = tpu.memref_slice %arg6[%add3A_76, %dma_start3A_82] : memref<40x128xi32, #tpu.memory_space<vmem>> -> memref<1x128xi32, #tpu.memory_space<vmem>>
        %dma_start3A_84 = tpu.memref_squeeze %dma_start3A_83 : memref<1x128xi32, #tpu.memory_space<vmem>> -> memref<128xi32, #tpu.memory_space<vmem>>
        %dma_start3A_85 = arith.constant 0 : i32
        %dma_start3A_86 = arith.constant 0 : i32
        %dma_start3A_87 = tpu.memref_slice %arg2[%dma_start3A_85, %dma_start3A_86] : memref<10240x128xf32, #tpu.memory_space<hbm>> -> memref<10240x128xf32, #tpu.memory_space<hbm>>
        tpu.enqueue_indirect_dma source(%dma_start3A_87 : memref<10240x128xf32, #tpu.memory_space<hbm>>) target(%dma_start3A_81 : memref<128x128xf32, #tpu.memory_space<vmem>>) offsets(%dma_start3A_84 : memref<128xi32, #tpu.memory_space<vmem>>) semaphore(%arg11 : memref<!tpu.dma_semaphore, #tpu.memory_space<semaphore_mem>>)
        %dma_wait3A = arith.constant 0 : i32
        %dma_wait3A_88 = arith.constant 0 : i32
        %dma_wait3A_89 = arith.constant 0 : i32
        %dma_wait3A_90 = tpu.memref_slice %arg8[%dma_wait3A, %dma_wait3A_88, %dma_wait3A_89] : memref<2x128x128xf32, #tpu.memory_space<vmem>> -> memref<1x128x128xf32, #tpu.memory_space<vmem>>
        %dma_wait3A_91 = tpu.memref_squeeze %dma_wait3A_90 : memref<1x128x128xf32, #tpu.memory_space<vmem>> -> memref<128x128xf32, #tpu.memory_space<vmem>>
        %dma_wait3A_92 = arith.constant 0 : i32
        %dma_wait3A_93 = tpu.memref_slice %arg6[%mul3A_74, %dma_wait3A_92] : memref<40x128xi32, #tpu.memory_space<vmem>> -> memref<1x128xi32, #tpu.memory_space<vmem>>
        %dma_wait3A_94 = tpu.memref_squeeze %dma_wait3A_93 : memref<1x128xi32, #tpu.memory_space<vmem>> -> memref<128xi32, #tpu.memory_space<vmem>>
        %dma_wait3A_95 = arith.constant 0 : i32
        %dma_wait3A_96 = arith.constant 0 : i32
        %dma_wait3A_97 = tpu.memref_slice %arg2[%dma_wait3A_95, %dma_wait3A_96] : memref<10240x128xf32, #tpu.memory_space<hbm>> -> memref<10240x128xf32, #tpu.memory_space<hbm>>
        tpu.wait_indirect_dma semaphore(%arg10 : memref<!tpu.dma_semaphore, #tpu.memory_space<semaphore_mem>>) src(%dma_wait3A_97 : memref<10240x128xf32, #tpu.memory_space<hbm>>) dst(%dma_wait3A_91 : memref<128x128xf32, #tpu.memory_space<vmem>>)
        %run_scoped3A_98 = arith.constant 0 : i32
        "tpu.region"() ({
          %run_scoped3A_122 = tpu.sem_alloc : memref<!tpu.dma_semaphore, #tpu.memory_space<semaphore_mem>>
          %dma_start3A_123 = arith.constant 0 : i32
          %dma_start3A_124 = arith.constant 0 : i32
          %dma_start3A_125 = tpu.memref_slice %arg8[%run_scoped3A_98, %dma_start3A_123, %dma_start3A_124] : memref<2x128x128xf32, #tpu.memory_space<vmem>> -> memref<1x128x128xf32, #tpu.memory_space<vmem>>
          %dma_start3A_126 = tpu.memref_squeeze %dma_start3A_125 : memref<1x128x128xf32, #tpu.memory_space<vmem>> -> memref<128x128xf32, #tpu.memory_space<vmem>>
          %dma_start3A_127 = arith.constant 0 : i32
          %dma_start3A_128 = tpu.memref_slice %arg7[%mul3A_74, %dma_start3A_127] : memref<40x128xi32, #tpu.memory_space<vmem>> -> memref<1x128xi32, #tpu.memory_space<vmem>>
          %dma_start3A_129 = tpu.memref_squeeze %dma_start3A_128 : memref<1x128xi32, #tpu.memory_space<vmem>> -> memref<128xi32, #tpu.memory_space<vmem>>
          %dma_start3A_130 = arith.constant 0 : i32
          %dma_start3A_131 = arith.constant 0 : i32
          %dma_start3A_132 = tpu.memref_slice %arg9[%dma_start3A_130, %dma_start3A_131] : memref<10240x128xf32, #tpu.memory_space<vmem_shared>> -> memref<10240x128xf32, #tpu.memory_space<vmem_shared>>
          tpu.enqueue_indirect_dma source(%dma_start3A_126 : memref<128x128xf32, #tpu.memory_space<vmem>>) target(%dma_start3A_132 : memref<10240x128xf32, #tpu.memory_space<vmem_shared>>) offsets(%dma_start3A_129 : memref<128xi32, #tpu.memory_space<vmem>>) semaphore(%run_scoped3A_122 : memref<!tpu.dma_semaphore, #tpu.memory_space<semaphore_mem>>) {add = true}
          %dma_wait3A_133 = arith.constant 0 : i32
          %dma_wait3A_134 = arith.constant 0 : i32
          %dma_wait3A_135 = tpu.memref_slice %arg8[%run_scoped3A_98, %dma_wait3A_133, %dma_wait3A_134] : memref<2x128x128xf32, #tpu.memory_space<vmem>> -> memref<1x128x128xf32, #tpu.memory_space<vmem>>
          %dma_wait3A_136 = tpu.memref_squeeze %dma_wait3A_135 : memref<1x128x128xf32, #tpu.memory_space<vmem>> -> memref<128x128xf32, #tpu.memory_space<vmem>>
          %dma_wait3A_137 = arith.constant 0 : i32
          %dma_wait3A_138 = tpu.memref_slice %arg7[%mul3A_74, %dma_wait3A_137] : memref<40x128xi32, #tpu.memory_space<vmem>> -> memref<1x128xi32, #tpu.memory_space<vmem>>
          %dma_wait3A_139 = tpu.memref_squeeze %dma_wait3A_138 : memref<1x128xi32, #tpu.memory_space<vmem>> -> memref<128xi32, #tpu.memory_space<vmem>>
          %dma_wait3A_140 = arith.constant 0 : i32
          %dma_wait3A_141 = arith.constant 0 : i32
          %dma_wait3A_142 = tpu.memref_slice %arg9[%dma_wait3A_140, %dma_wait3A_141] : memref<10240x128xf32, #tpu.memory_space<vmem_shared>> -> memref<10240x128xf32, #tpu.memory_space<vmem_shared>>
          tpu.wait_indirect_dma semaphore(%run_scoped3A_122 : memref<!tpu.dma_semaphore, #tpu.memory_space<semaphore_mem>>) src(%dma_wait3A_136 : memref<128x128xf32, #tpu.memory_space<vmem>>) dst(%dma_wait3A_142 : memref<10240x128xf32, #tpu.memory_space<vmem_shared>>)
          tpu.yield
        }) : () -> ()
        %add3A_99 = arith.constant 2 : i32
        %add3A_100 = arith.addi %mul3A_74, %add3A_99 : i32
        %lt3A = arith.constant 40 : i32
        %lt3A_101 = arith.cmpi slt, %add3A_100, %lt3A : i32
        %convert_element_type3A_102 = arith.extui %lt3A_101 : i1 to i32
        %cond3A_103 = arith.constant 0 : i32
        %cond3A_104 = arith.cmpi ne, %convert_element_type3A_102, %cond3A_103 : i32
        scf.if %cond3A_104 {
          %add3A_122 = arith.constant 2 : i32
          %add3A_123 = arith.addi %mul3A_74, %add3A_122 : i32
          %dma_start3A_124 = arith.constant 0 : i32
          %dma_start3A_125 = arith.constant 0 : i32
          %dma_start3A_126 = arith.constant 0 : i32
          %dma_start3A_127 = tpu.memref_slice %arg8[%dma_start3A_124, %dma_start3A_125, %dma_start3A_126] : memref<2x128x128xf32, #tpu.memory_space<vmem>> -> memref<1x128x128xf32, #tpu.memory_space<vmem>>
          %dma_start3A_128 = tpu.memref_squeeze %dma_start3A_127 : memref<1x128x128xf32, #tpu.memory_space<vmem>> -> memref<128x128xf32, #tpu.memory_space<vmem>>
          %dma_start3A_129 = arith.constant 0 : i32
          %dma_start3A_130 = tpu.memref_slice %arg6[%add3A_123, %dma_start3A_129] : memref<40x128xi32, #tpu.memory_space<vmem>> -> memref<1x128xi32, #tpu.memory_space<vmem>>
          %dma_start3A_131 = tpu.memref_squeeze %dma_start3A_130 : memref<1x128xi32, #tpu.memory_space<vmem>> -> memref<128xi32, #tpu.memory_space<vmem>>
          %dma_start3A_132 = arith.constant 0 : i32
          %dma_start3A_133 = arith.constant 0 : i32
          %dma_start3A_134 = tpu.memref_slice %arg2[%dma_start3A_132, %dma_start3A_133] : memref<10240x128xf32, #tpu.memory_space<hbm>> -> memref<10240x128xf32, #tpu.memory_space<hbm>>
          tpu.enqueue_indirect_dma source(%dma_start3A_134 : memref<10240x128xf32, #tpu.memory_space<hbm>>) target(%dma_start3A_128 : memref<128x128xf32, #tpu.memory_space<vmem>>) offsets(%dma_start3A_131 : memref<128xi32, #tpu.memory_space<vmem>>) semaphore(%arg10 : memref<!tpu.dma_semaphore, #tpu.memory_space<semaphore_mem>>)
        } else {
        }
        %add3A_105 = arith.constant 1 : i32
        %add3A_106 = arith.addi %mul3A_74, %add3A_105 : i32
        %dma_wait3A_107 = arith.constant 1 : i32
        %dma_wait3A_108 = arith.constant 0 : i32
        %dma_wait3A_109 = arith.constant 0 : i32
        %dma_wait3A_110 = tpu.memref_slice %arg8[%dma_wait3A_107, %dma_wait3A_108, %dma_wait3A_109] : memref<2x128x128xf32, #tpu.memory_space<vmem>> -> memref<1x128x128xf32, #tpu.memory_space<vmem>>
        %dma_wait3A_111 = tpu.memref_squeeze %dma_wait3A_110 : memref<1x128x128xf32, #tpu.memory_space<vmem>> -> memref<128x128xf32, #tpu.memory_space<vmem>>
        %dma_wait3A_112 = arith.constant 0 : i32
        %dma_wait3A_113 = tpu.memref_slice %arg6[%add3A_106, %dma_wait3A_112] : memref<40x128xi32, #tpu.memory_space<vmem>> -> memref<1x128xi32, #tpu.memory_space<vmem>>
        %dma_wait3A_114 = tpu.memref_squeeze %dma_wait3A_113 : memref<1x128xi32, #tpu.memory_space<vmem>> -> memref<128xi32, #tpu.memory_space<vmem>>
        %dma_wait3A_115 = arith.constant 0 : i32
        %dma_wait3A_116 = arith.constant 0 : i32
        %dma_wait3A_117 = tpu.memref_slice %arg2[%dma_wait3A_115, %dma_wait3A_116] : memref<10240x128xf32, #tpu.memory_space<hbm>> -> memref<10240x128xf32, #tpu.memory_space<hbm>>
        tpu.wait_indirect_dma semaphore(%arg11 : memref<!tpu.dma_semaphore, #tpu.memory_space<semaphore_mem>>) src(%dma_wait3A_117 : memref<10240x128xf32, #tpu.memory_space<hbm>>) dst(%dma_wait3A_111 : memref<128x128xf32, #tpu.memory_space<vmem>>)
        %add3A_118 = arith.constant 1 : i32
        %add3A_119 = arith.addi %mul3A_74, %add3A_118 : i32
        %run_scoped3A_120 = arith.constant 1 : i32
        "tpu.region"() ({
          %run_scoped3A_122 = tpu.sem_alloc : memref<!tpu.dma_semaphore, #tpu.memory_space<semaphore_mem>>
          %dma_start3A_123 = arith.constant 0 : i32
          %dma_start3A_124 = arith.constant 0 : i32
          %dma_start3A_125 = tpu.memref_slice %arg8[%run_scoped3A_120, %dma_start3A_123, %dma_start3A_124] : memref<2x128x128xf32, #tpu.memory_space<vmem>> -> memref<1x128x128xf32, #tpu.memory_space<vmem>>
          %dma_start3A_126 = tpu.memref_squeeze %dma_start3A_125 : memref<1x128x128xf32, #tpu.memory_space<vmem>> -> memref<128x128xf32, #tpu.memory_space<vmem>>
          %dma_start3A_127 = arith.constant 0 : i32
          %dma_start3A_128 = tpu.memref_slice %arg7[%add3A_119, %dma_start3A_127] : memref<40x128xi32, #tpu.memory_space<vmem>> -> memref<1x128xi32, #tpu.memory_space<vmem>>
          %dma_start3A_129 = tpu.memref_squeeze %dma_start3A_128 : memref<1x128xi32, #tpu.memory_space<vmem>> -> memref<128xi32, #tpu.memory_space<vmem>>
          %dma_start3A_130 = arith.constant 0 : i32
          %dma_start3A_131 = arith.constant 0 : i32
          %dma_start3A_132 = tpu.memref_slice %arg9[%dma_start3A_130, %dma_start3A_131] : memref<10240x128xf32, #tpu.memory_space<vmem_shared>> -> memref<10240x128xf32, #tpu.memory_space<vmem_shared>>
          tpu.enqueue_indirect_dma source(%dma_start3A_126 : memref<128x128xf32, #tpu.memory_space<vmem>>) target(%dma_start3A_132 : memref<10240x128xf32, #tpu.memory_space<vmem_shared>>) offsets(%dma_start3A_129 : memref<128xi32, #tpu.memory_space<vmem>>) semaphore(%run_scoped3A_122 : memref<!tpu.dma_semaphore, #tpu.memory_space<semaphore_mem>>) {add = true}
          %dma_wait3A_133 = arith.constant 0 : i32
          %dma_wait3A_134 = arith.constant 0 : i32
          %dma_wait3A_135 = tpu.memref_slice %arg8[%run_scoped3A_120, %dma_wait3A_133, %dma_wait3A_134] : memref<2x128x128xf32, #tpu.memory_space<vmem>> -> memref<1x128x128xf32, #tpu.memory_space<vmem>>
          %dma_wait3A_136 = tpu.memref_squeeze %dma_wait3A_135 : memref<1x128x128xf32, #tpu.memory_space<vmem>> -> memref<128x128xf32, #tpu.memory_space<vmem>>
          %dma_wait3A_137 = arith.constant 0 : i32
          %dma_wait3A_138 = tpu.memref_slice %arg7[%add3A_119, %dma_wait3A_137] : memref<40x128xi32, #tpu.memory_space<vmem>> -> memref<1x128xi32, #tpu.memory_space<vmem>>
          %dma_wait3A_139 = tpu.memref_squeeze %dma_wait3A_138 : memref<1x128xi32, #tpu.memory_space<vmem>> -> memref<128xi32, #tpu.memory_space<vmem>>
          %dma_wait3A_140 = arith.constant 0 : i32
          %dma_wait3A_141 = arith.constant 0 : i32
          %dma_wait3A_142 = tpu.memref_slice %arg9[%dma_wait3A_140, %dma_wait3A_141] : memref<10240x128xf32, #tpu.memory_space<vmem_shared>> -> memref<10240x128xf32, #tpu.memory_space<vmem_shared>>
          tpu.wait_indirect_dma semaphore(%run_scoped3A_122 : memref<!tpu.dma_semaphore, #tpu.memory_space<semaphore_mem>>) src(%dma_wait3A_136 : memref<128x128xf32, #tpu.memory_space<vmem>>) dst(%dma_wait3A_142 : memref<10240x128xf32, #tpu.memory_space<vmem_shared>>)
          tpu.yield
        }) : () -> ()
        %scan3A_121 = arith.constant 0 : i32
        scf.yield %scan3A_121 : i32
      }
      %scan3A_70 = arith.constant 20 : i32
    } else {
    }
    %barrier3A_46 = arith.constant 0 : index
    tpu.barrier barrier_id(%barrier3A_46)
    %mul3A_47 = arith.constant 640 : i32
    %mul3A_48 = arith.muli %arg1, %mul3A_47 : i32
    %mul3A_49 = arith.constant 640 : i32
    %mul3A_50 = arith.muli %arg1, %mul3A_49 : i32
    "tpu.region"() ({
      %run_scoped3A_51 = tpu.sem_alloc : memref<!tpu.dma_semaphore, #tpu.memory_space<semaphore_mem>>
      %dma_start3A = arith.constant 0 : i32
      %dma_start3A_52 = tpu.memref_slice %arg5[%arg0, %mul3A_50, %dma_start3A] : memref<2x10240x128xf32, #tpu.memory_space<hbm>> -> memref<1x640x128xf32, #tpu.memory_space<hbm>>
      %dma_start3A_53 = tpu.memref_squeeze %dma_start3A_52 : memref<1x640x128xf32, #tpu.memory_space<hbm>> -> memref<640x128xf32, #tpu.memory_space<hbm>>
      %dma_start3A_54 = arith.constant 0 : i32
      %dma_start3A_55 = tpu.memref_slice %arg9[%mul3A_48, %dma_start3A_54] : memref<10240x128xf32, #tpu.memory_space<vmem_shared>> -> memref<640x128xf32, #tpu.memory_space<vmem_shared>>
      tpu.enqueue_dma source(%dma_start3A_55 : memref<640x128xf32, #tpu.memory_space<vmem_shared>>) target(%dma_start3A_53 : memref<640x128xf32, #tpu.memory_space<hbm>>) target_semaphore(%run_scoped3A_51 : memref<!tpu.dma_semaphore, #tpu.memory_space<semaphore_mem>>)
      %dma_wait3A = arith.constant 0 : i32
      %dma_wait3A_56 = tpu.memref_slice %arg5[%arg0, %mul3A_50, %dma_wait3A] : memref<2x10240x128xf32, #tpu.memory_space<hbm>> -> memref<1x640x128xf32, #tpu.memory_space<hbm>>
      %dma_wait3A_57 = tpu.memref_squeeze %dma_wait3A_56 : memref<1x640x128xf32, #tpu.memory_space<hbm>> -> memref<640x128xf32, #tpu.memory_space<hbm>>
      %dma_wait3A_58 = arith.constant 0 : i32
      %dma_wait3A_59 = tpu.memref_slice %arg9[%mul3A_48, %dma_wait3A_58] : memref<10240x128xf32, #tpu.memory_space<vmem_shared>> -> memref<640x128xf32, #tpu.memory_space<vmem_shared>>
      tpu.wait_dma2 semaphore(%run_scoped3A_51 : memref<!tpu.dma_semaphore, #tpu.memory_space<semaphore_mem>>) src(%dma_wait3A_59 : memref<640x128xf32, #tpu.memory_space<vmem_shared>>) dst(%dma_wait3A_57 : memref<640x128xf32, #tpu.memory_space<hbm>>)
      tpu.yield
    }) : () -> ()
    return
  }
}

#map = affine_map<(d0, d1) -> (0, 0)>
#map1 = affine_map<(d0, d1) -> (0, 0, 0)>
module attributes {stable_mosaic.version = 14 : i64} {
  func.func @_deg_body(%arg0: i32, %arg1: i32, %arg2: memref<2560x128xi32, #tpu.memory_space<hbm>>, %arg3: memref<2x10240x128xf32, #tpu.memory_space<hbm>>, %arg4: memref<80x128xi32, #tpu.memory_space<vmem>>, %arg5: memref<128x128xf32, #tpu.memory_space<vmem>>, %arg6: memref<10240x128xf32, #tpu.memory_space<vmem_shared>>) attributes {dimension_semantics = [#tpu.dimension_semantics<core_parallel>, #tpu.dimension_semantics<subcore_parallel>], iteration_bounds = array<i64: 2, 16>, scalar_prefetch = 0 : i64, scratch_operands = 3 : i64, tpu.core_type = #tpu.core_type<sc_vector_subcore>, window_params = [{transform_indices = #map}, {transform_indices = #map1}]} {
    %mul3A = arith.constant 16 : i32
    %mul3A_0 = arith.muli %arg0, %mul3A : i32
    %add3A = arith.addi %mul3A_0, %arg1 : i32
    %mul3A_1 = arith.constant 80 : i32
    %mul3A_2 = arith.muli %add3A, %mul3A_1 : i32
    "tpu.region"() ({
      %run_scoped3A = tpu.sem_alloc : memref<!tpu.dma_semaphore, #tpu.memory_space<semaphore_mem>>
      %dma_start3A = arith.constant 0 : i32
      %dma_start3A_51 = tpu.memref_slice %arg2[%mul3A_2, %dma_start3A] : memref<2560x128xi32, #tpu.memory_space<hbm>> -> memref<80x128xi32, #tpu.memory_space<hbm>>
      %dma_start3A_52 = arith.constant 0 : i32
      %dma_start3A_53 = tpu.memref_slice %arg2[%mul3A_2, %dma_start3A_52] : memref<2560x128xi32, #tpu.memory_space<hbm>> -> memref<80x128xi32, #tpu.memory_space<hbm>>
      tpu.enqueue_dma source(%dma_start3A_53 : memref<80x128xi32, #tpu.memory_space<hbm>>) target(%arg4 : memref<80x128xi32, #tpu.memory_space<vmem>>) target_semaphore(%run_scoped3A : memref<!tpu.dma_semaphore, #tpu.memory_space<semaphore_mem>>)
      %dma_wait3A = arith.constant 0 : i32
      %dma_wait3A_54 = tpu.memref_slice %arg2[%mul3A_2, %dma_wait3A] : memref<2560x128xi32, #tpu.memory_space<hbm>> -> memref<80x128xi32, #tpu.memory_space<hbm>>
      %dma_wait3A_55 = arith.constant 0 : i32
      %dma_wait3A_56 = tpu.memref_slice %arg2[%mul3A_2, %dma_wait3A_55] : memref<2560x128xi32, #tpu.memory_space<hbm>> -> memref<80x128xi32, #tpu.memory_space<hbm>>
      tpu.wait_dma2 semaphore(%run_scoped3A : memref<!tpu.dma_semaphore, #tpu.memory_space<semaphore_mem>>) src(%dma_wait3A_56 : memref<80x128xi32, #tpu.memory_space<hbm>>) dst(%arg4 : memref<80x128xi32, #tpu.memory_space<vmem>>)
      tpu.yield
    }) : () -> ()
    %broadcast_in_dim3A = arith.constant 0.000000e+00 : f32
    %broadcast_in_dim3A_3 = vector.broadcast %broadcast_in_dim3A : f32 to vector<16xf32>
    %broadcast_in_dim3A_4 = arith.constant 1.000000e+00 : f32
    %broadcast_in_dim3A_5 = vector.broadcast %broadcast_in_dim3A_4 : f32 to vector<16xf32>
    %scan3A = arith.constant 0 : i32
    %scan3A_6 = arith.constant 0 : i32
    %scan3A_7 = arith.constant 128 : i32
    %scan3A_8 = arith.addi %scan3A_6, %scan3A_7 : i32
    %scan3A_9 = arith.constant 1 : i32
    %scan3A_10 = scf.for %scan3A_51 = %scan3A_6 to %scan3A_8 step %scan3A_9 iter_args(%scan3A_52 = %scan3A) -> (i32)  : i32 {
      %swap3A = arith.index_cast %scan3A_51 : i32 to index
      %swap3A_53 = arith.constant 0 : index
      %swap3A_54 = tpu.vector_load %arg5[%swap3A, %swap3A_53] {strides = array<i32>} : memref<128x128xf32, #tpu.memory_space<vmem>>, vector<1x16xf32>,
      %swap3A_55 = vector.shape_cast %swap3A_54 : vector<1x16xf32> to vector<16xf32>
      %swap3A_56 = vector.shape_cast %broadcast_in_dim3A_3 : vector<16xf32> to vector<1x16xf32>
      tpu.vector_store %arg5[%swap3A, %swap3A_53], %swap3A_56 {strides = array<i32>} : memref<128x128xf32, #tpu.memory_space<vmem>>, vector<1x16xf32>,
      %swap3A_57 = arith.index_cast %scan3A_51 : i32 to index
      %swap3A_58 = arith.constant 16 : index
      %swap3A_59 = tpu.vector_load %arg5[%swap3A_57, %swap3A_58] {strides = array<i32>} : memref<128x128xf32, #tpu.memory_space<vmem>>, vector<1x16xf32>,
      %swap3A_60 = vector.shape_cast %swap3A_59 : vector<1x16xf32> to vector<16xf32>
      %swap3A_61 = vector.shape_cast %broadcast_in_dim3A_3 : vector<16xf32> to vector<1x16xf32>
      tpu.vector_store %arg5[%swap3A_57, %swap3A_58], %swap3A_61 {strides = array<i32>} : memref<128x128xf32, #tpu.memory_space<vmem>>, vector<1x16xf32>,
      %swap3A_62 = arith.index_cast %scan3A_51 : i32 to index
      %swap3A_63 = arith.constant 32 : index
      %swap3A_64 = tpu.vector_load %arg5[%swap3A_62, %swap3A_63] {strides = array<i32>} : memref<128x128xf32, #tpu.memory_space<vmem>>, vector<1x16xf32>,
      %swap3A_65 = vector.shape_cast %swap3A_64 : vector<1x16xf32> to vector<16xf32>
      %swap3A_66 = vector.shape_cast %broadcast_in_dim3A_3 : vector<16xf32> to vector<1x16xf32>
      tpu.vector_store %arg5[%swap3A_62, %swap3A_63], %swap3A_66 {strides = array<i32>} : memref<128x128xf32, #tpu.memory_space<vmem>>, vector<1x16xf32>,
      %swap3A_67 = arith.index_cast %scan3A_51 : i32 to index
      %swap3A_68 = arith.constant 48 : index
      %swap3A_69 = tpu.vector_load %arg5[%swap3A_67, %swap3A_68] {strides = array<i32>} : memref<128x128xf32, #tpu.memory_space<vmem>>, vector<1x16xf32>,
      %swap3A_70 = vector.shape_cast %swap3A_69 : vector<1x16xf32> to vector<16xf32>
      %swap3A_71 = vector.shape_cast %broadcast_in_dim3A_3 : vector<16xf32> to vector<1x16xf32>
      tpu.vector_store %arg5[%swap3A_67, %swap3A_68], %swap3A_71 {strides = array<i32>} : memref<128x128xf32, #tpu.memory_space<vmem>>, vector<1x16xf32>,
      %swap3A_72 = arith.index_cast %scan3A_51 : i32 to index
      %swap3A_73 = arith.constant 64 : index
      %swap3A_74 = tpu.vector_load %arg5[%swap3A_72, %swap3A_73] {strides = array<i32>} : memref<128x128xf32, #tpu.memory_space<vmem>>, vector<1x16xf32>,
      %swap3A_75 = vector.shape_cast %swap3A_74 : vector<1x16xf32> to vector<16xf32>
      %swap3A_76 = vector.shape_cast %broadcast_in_dim3A_3 : vector<16xf32> to vector<1x16xf32>
      tpu.vector_store %arg5[%swap3A_72, %swap3A_73], %swap3A_76 {strides = array<i32>} : memref<128x128xf32, #tpu.memory_space<vmem>>, vector<1x16xf32>,
      %swap3A_77 = arith.index_cast %scan3A_51 : i32 to index
      %swap3A_78 = arith.constant 80 : index
      %swap3A_79 = tpu.vector_load %arg5[%swap3A_77, %swap3A_78] {strides = array<i32>} : memref<128x128xf32, #tpu.memory_space<vmem>>, vector<1x16xf32>,
      %swap3A_80 = vector.shape_cast %swap3A_79 : vector<1x16xf32> to vector<16xf32>
      %swap3A_81 = vector.shape_cast %broadcast_in_dim3A_3 : vector<16xf32> to vector<1x16xf32>
      tpu.vector_store %arg5[%swap3A_77, %swap3A_78], %swap3A_81 {strides = array<i32>} : memref<128x128xf32, #tpu.memory_space<vmem>>, vector<1x16xf32>,
      %swap3A_82 = arith.index_cast %scan3A_51 : i32 to index
      %swap3A_83 = arith.constant 96 : index
      %swap3A_84 = tpu.vector_load %arg5[%swap3A_82, %swap3A_83] {strides = array<i32>} : memref<128x128xf32, #tpu.memory_space<vmem>>, vector<1x16xf32>,
      %swap3A_85 = vector.shape_cast %swap3A_84 : vector<1x16xf32> to vector<16xf32>
      %swap3A_86 = vector.shape_cast %broadcast_in_dim3A_3 : vector<16xf32> to vector<1x16xf32>
      tpu.vector_store %arg5[%swap3A_82, %swap3A_83], %swap3A_86 {strides = array<i32>} : memref<128x128xf32, #tpu.memory_space<vmem>>, vector<1x16xf32>,
      %swap3A_87 = arith.index_cast %scan3A_51 : i32 to index
      %swap3A_88 = arith.constant 112 : index
      %swap3A_89 = tpu.vector_load %arg5[%swap3A_87, %swap3A_88] {strides = array<i32>} : memref<128x128xf32, #tpu.memory_space<vmem>>, vector<1x16xf32>,
      %swap3A_90 = vector.shape_cast %swap3A_89 : vector<1x16xf32> to vector<16xf32>
      %swap3A_91 = vector.shape_cast %broadcast_in_dim3A_3 : vector<16xf32> to vector<1x16xf32>
      tpu.vector_store %arg5[%swap3A_87, %swap3A_88], %swap3A_91 {strides = array<i32>} : memref<128x128xf32, #tpu.memory_space<vmem>>, vector<1x16xf32>,
      %scan3A_92 = arith.constant 0 : i32
      scf.yield %scan3A_92 : i32
    }
    %scan3A_11 = arith.constant 128 : i32
    %mul3A_12 = arith.constant 640 : i32
    %mul3A_13 = arith.muli %arg1, %mul3A_12 : i32
    %add3A_14 = arith.constant 0 : i32
    %add3A_15 = arith.addi %mul3A_13, %add3A_14 : i32
    "tpu.region"() ({
      %run_scoped3A = tpu.sem_alloc : memref<!tpu.dma_semaphore, #tpu.memory_space<semaphore_mem>>
      %dma_start3A = arith.constant 0 : i32
      %dma_start3A_51 = tpu.memref_slice %arg6[%add3A_15, %dma_start3A] : memref<10240x128xf32, #tpu.memory_space<vmem_shared>> -> memref<128x128xf32, #tpu.memory_space<vmem_shared>>
      %dma_start3A_52 = arith.constant 0 : i32
      %dma_start3A_53 = tpu.memref_slice %arg6[%add3A_15, %dma_start3A_52] : memref<10240x128xf32, #tpu.memory_space<vmem_shared>> -> memref<128x128xf32, #tpu.memory_space<vmem_shared>>
      tpu.enqueue_dma source(%arg5 : memref<128x128xf32, #tpu.memory_space<vmem>>) target(%dma_start3A_53 : memref<128x128xf32, #tpu.memory_space<vmem_shared>>) target_semaphore(%run_scoped3A : memref<!tpu.dma_semaphore, #tpu.memory_space<semaphore_mem>>)
      %dma_wait3A = arith.constant 0 : i32
      %dma_wait3A_54 = tpu.memref_slice %arg6[%add3A_15, %dma_wait3A] : memref<10240x128xf32, #tpu.memory_space<vmem_shared>> -> memref<128x128xf32, #tpu.memory_space<vmem_shared>>
      %dma_wait3A_55 = arith.constant 0 : i32
      %dma_wait3A_56 = tpu.memref_slice %arg6[%add3A_15, %dma_wait3A_55] : memref<10240x128xf32, #tpu.memory_space<vmem_shared>> -> memref<128x128xf32, #tpu.memory_space<vmem_shared>>
      tpu.wait_dma2 semaphore(%run_scoped3A : memref<!tpu.dma_semaphore, #tpu.memory_space<semaphore_mem>>) src(%arg5 : memref<128x128xf32, #tpu.memory_space<vmem>>) dst(%dma_wait3A_56 : memref<128x128xf32, #tpu.memory_space<vmem_shared>>)
      tpu.yield
    }) : () -> ()
    %mul3A_16 = arith.constant 640 : i32
    %mul3A_17 = arith.muli %arg1, %mul3A_16 : i32
    %add3A_18 = arith.constant 128 : i32
    %add3A_19 = arith.addi %mul3A_17, %add3A_18 : i32
    "tpu.region"() ({
      %run_scoped3A = tpu.sem_alloc : memref<!tpu.dma_semaphore, #tpu.memory_space<semaphore_mem>>
      %dma_start3A = arith.constant 0 : i32
      %dma_start3A_51 = tpu.memref_slice %arg6[%add3A_19, %dma_start3A] : memref<10240x128xf32, #tpu.memory_space<vmem_shared>> -> memref<128x128xf32, #tpu.memory_space<vmem_shared>>
      %dma_start3A_52 = arith.constant 0 : i32
      %dma_start3A_53 = tpu.memref_slice %arg6[%add3A_19, %dma_start3A_52] : memref<10240x128xf32, #tpu.memory_space<vmem_shared>> -> memref<128x128xf32, #tpu.memory_space<vmem_shared>>
      tpu.enqueue_dma source(%arg5 : memref<128x128xf32, #tpu.memory_space<vmem>>) target(%dma_start3A_53 : memref<128x128xf32, #tpu.memory_space<vmem_shared>>) target_semaphore(%run_scoped3A : memref<!tpu.dma_semaphore, #tpu.memory_space<semaphore_mem>>)
      %dma_wait3A = arith.constant 0 : i32
      %dma_wait3A_54 = tpu.memref_slice %arg6[%add3A_19, %dma_wait3A] : memref<10240x128xf32, #tpu.memory_space<vmem_shared>> -> memref<128x128xf32, #tpu.memory_space<vmem_shared>>
      %dma_wait3A_55 = arith.constant 0 : i32
      %dma_wait3A_56 = tpu.memref_slice %arg6[%add3A_19, %dma_wait3A_55] : memref<10240x128xf32, #tpu.memory_space<vmem_shared>> -> memref<128x128xf32, #tpu.memory_space<vmem_shared>>
      tpu.wait_dma2 semaphore(%run_scoped3A : memref<!tpu.dma_semaphore, #tpu.memory_space<semaphore_mem>>) src(%arg5 : memref<128x128xf32, #tpu.memory_space<vmem>>) dst(%dma_wait3A_56 : memref<128x128xf32, #tpu.memory_space<vmem_shared>>)
      tpu.yield
    }) : () -> ()
    %mul3A_20 = arith.constant 640 : i32
    %mul3A_21 = arith.muli %arg1, %mul3A_20 : i32
    %add3A_22 = arith.constant 256 : i32
    %add3A_23 = arith.addi %mul3A_21, %add3A_22 : i32
    "tpu.region"() ({
      %run_scoped3A = tpu.sem_alloc : memref<!tpu.dma_semaphore, #tpu.memory_space<semaphore_mem>>
      %dma_start3A = arith.constant 0 : i32
      %dma_start3A_51 = tpu.memref_slice %arg6[%add3A_23, %dma_start3A] : memref<10240x128xf32, #tpu.memory_space<vmem_shared>> -> memref<128x128xf32, #tpu.memory_space<vmem_shared>>
      %dma_start3A_52 = arith.constant 0 : i32
      %dma_start3A_53 = tpu.memref_slice %arg6[%add3A_23, %dma_start3A_52] : memref<10240x128xf32, #tpu.memory_space<vmem_shared>> -> memref<128x128xf32, #tpu.memory_space<vmem_shared>>
      tpu.enqueue_dma source(%arg5 : memref<128x128xf32, #tpu.memory_space<vmem>>) target(%dma_start3A_53 : memref<128x128xf32, #tpu.memory_space<vmem_shared>>) target_semaphore(%run_scoped3A : memref<!tpu.dma_semaphore, #tpu.memory_space<semaphore_mem>>)
      %dma_wait3A = arith.constant 0 : i32
      %dma_wait3A_54 = tpu.memref_slice %arg6[%add3A_23, %dma_wait3A] : memref<10240x128xf32, #tpu.memory_space<vmem_shared>> -> memref<128x128xf32, #tpu.memory_space<vmem_shared>>
      %dma_wait3A_55 = arith.constant 0 : i32
      %dma_wait3A_56 = tpu.memref_slice %arg6[%add3A_23, %dma_wait3A_55] : memref<10240x128xf32, #tpu.memory_space<vmem_shared>> -> memref<128x128xf32, #tpu.memory_space<vmem_shared>>
      tpu.wait_dma2 semaphore(%run_scoped3A : memref<!tpu.dma_semaphore, #tpu.memory_space<semaphore_mem>>) src(%arg5 : memref<128x128xf32, #tpu.memory_space<vmem>>) dst(%dma_wait3A_56 : memref<128x128xf32, #tpu.memory_space<vmem_shared>>)
      tpu.yield
    }) : () -> ()
    %mul3A_24 = arith.constant 640 : i32
    %mul3A_25 = arith.muli %arg1, %mul3A_24 : i32
    %add3A_26 = arith.constant 384 : i32
    %add3A_27 = arith.addi %mul3A_25, %add3A_26 : i32
    "tpu.region"() ({
      %run_scoped3A = tpu.sem_alloc : memref<!tpu.dma_semaphore, #tpu.memory_space<semaphore_mem>>
      %dma_start3A = arith.constant 0 : i32
      %dma_start3A_51 = tpu.memref_slice %arg6[%add3A_27, %dma_start3A] : memref<10240x128xf32, #tpu.memory_space<vmem_shared>> -> memref<128x128xf32, #tpu.memory_space<vmem_shared>>
      %dma_start3A_52 = arith.constant 0 : i32
      %dma_start3A_53 = tpu.memref_slice %arg6[%add3A_27, %dma_start3A_52] : memref<10240x128xf32, #tpu.memory_space<vmem_shared>> -> memref<128x128xf32, #tpu.memory_space<vmem_shared>>
      tpu.enqueue_dma source(%arg5 : memref<128x128xf32, #tpu.memory_space<vmem>>) target(%dma_start3A_53 : memref<128x128xf32, #tpu.memory_space<vmem_shared>>) target_semaphore(%run_scoped3A : memref<!tpu.dma_semaphore, #tpu.memory_space<semaphore_mem>>)
      %dma_wait3A = arith.constant 0 : i32
      %dma_wait3A_54 = tpu.memref_slice %arg6[%add3A_27, %dma_wait3A] : memref<10240x128xf32, #tpu.memory_space<vmem_shared>> -> memref<128x128xf32, #tpu.memory_space<vmem_shared>>
      %dma_wait3A_55 = arith.constant 0 : i32
      %dma_wait3A_56 = tpu.memref_slice %arg6[%add3A_27, %dma_wait3A_55] : memref<10240x128xf32, #tpu.memory_space<vmem_shared>> -> memref<128x128xf32, #tpu.memory_space<vmem_shared>>
      tpu.wait_dma2 semaphore(%run_scoped3A : memref<!tpu.dma_semaphore, #tpu.memory_space<semaphore_mem>>) src(%arg5 : memref<128x128xf32, #tpu.memory_space<vmem>>) dst(%dma_wait3A_56 : memref<128x128xf32, #tpu.memory_space<vmem_shared>>)
      tpu.yield
    }) : () -> ()
    %mul3A_28 = arith.constant 640 : i32
    %mul3A_29 = arith.muli %arg1, %mul3A_28 : i32
    %add3A_30 = arith.constant 512 : i32
    %add3A_31 = arith.addi %mul3A_29, %add3A_30 : i32
    "tpu.region"() ({
      %run_scoped3A = tpu.sem_alloc : memref<!tpu.dma_semaphore, #tpu.memory_space<semaphore_mem>>
      %dma_start3A = arith.constant 0 : i32
      %dma_start3A_51 = tpu.memref_slice %arg6[%add3A_31, %dma_start3A] : memref<10240x128xf32, #tpu.memory_space<vmem_shared>> -> memref<128x128xf32, #tpu.memory_space<vmem_shared>>
      %dma_start3A_52 = arith.constant 0 : i32
      %dma_start3A_53 = tpu.memref_slice %arg6[%add3A_31, %dma_start3A_52] : memref<10240x128xf32, #tpu.memory_space<vmem_shared>> -> memref<128x128xf32, #tpu.memory_space<vmem_shared>>
      tpu.enqueue_dma source(%arg5 : memref<128x128xf32, #tpu.memory_space<vmem>>) target(%dma_start3A_53 : memref<128x128xf32, #tpu.memory_space<vmem_shared>>) target_semaphore(%run_scoped3A : memref<!tpu.dma_semaphore, #tpu.memory_space<semaphore_mem>>)
      %dma_wait3A = arith.constant 0 : i32
      %dma_wait3A_54 = tpu.memref_slice %arg6[%add3A_31, %dma_wait3A] : memref<10240x128xf32, #tpu.memory_space<vmem_shared>> -> memref<128x128xf32, #tpu.memory_space<vmem_shared>>
      %dma_wait3A_55 = arith.constant 0 : i32
      %dma_wait3A_56 = tpu.memref_slice %arg6[%add3A_31, %dma_wait3A_55] : memref<10240x128xf32, #tpu.memory_space<vmem_shared>> -> memref<128x128xf32, #tpu.memory_space<vmem_shared>>
      tpu.wait_dma2 semaphore(%run_scoped3A : memref<!tpu.dma_semaphore, #tpu.memory_space<semaphore_mem>>) src(%arg5 : memref<128x128xf32, #tpu.memory_space<vmem>>) dst(%dma_wait3A_56 : memref<128x128xf32, #tpu.memory_space<vmem_shared>>)
      tpu.yield
    }) : () -> ()
    %scan3A_32 = arith.constant 0 : i32
    %scan3A_33 = arith.constant 0 : i32
    %scan3A_34 = arith.constant 128 : i32
    %scan3A_35 = arith.addi %scan3A_33, %scan3A_34 : i32
    %scan3A_36 = arith.constant 1 : i32
    %scan3A_37 = scf.for %scan3A_51 = %scan3A_33 to %scan3A_35 step %scan3A_36 iter_args(%scan3A_52 = %scan3A_32) -> (i32)  : i32 {
      %swap3A = arith.index_cast %scan3A_51 : i32 to index
      %swap3A_53 = arith.constant 0 : index
      %swap3A_54 = tpu.vector_load %arg5[%swap3A, %swap3A_53] {strides = array<i32>} : memref<128x128xf32, #tpu.memory_space<vmem>>, vector<1x16xf32>,
      %swap3A_55 = vector.shape_cast %swap3A_54 : vector<1x16xf32> to vector<16xf32>
      %swap3A_56 = vector.shape_cast %broadcast_in_dim3A_5 : vector<16xf32> to vector<1x16xf32>
      tpu.vector_store %arg5[%swap3A, %swap3A_53], %swap3A_56 {strides = array<i32>} : memref<128x128xf32, #tpu.memory_space<vmem>>, vector<1x16xf32>,
      %swap3A_57 = arith.index_cast %scan3A_51 : i32 to index
      %swap3A_58 = arith.constant 16 : index
      %swap3A_59 = tpu.vector_load %arg5[%swap3A_57, %swap3A_58] {strides = array<i32>} : memref<128x128xf32, #tpu.memory_space<vmem>>, vector<1x16xf32>,
      %swap3A_60 = vector.shape_cast %swap3A_59 : vector<1x16xf32> to vector<16xf32>
      %swap3A_61 = vector.shape_cast %broadcast_in_dim3A_5 : vector<16xf32> to vector<1x16xf32>
      tpu.vector_store %arg5[%swap3A_57, %swap3A_58], %swap3A_61 {strides = array<i32>} : memref<128x128xf32, #tpu.memory_space<vmem>>, vector<1x16xf32>,
      %swap3A_62 = arith.index_cast %scan3A_51 : i32 to index
      %swap3A_63 = arith.constant 32 : index
      %swap3A_64 = tpu.vector_load %arg5[%swap3A_62, %swap3A_63] {strides = array<i32>} : memref<128x128xf32, #tpu.memory_space<vmem>>, vector<1x16xf32>,
      %swap3A_65 = vector.shape_cast %swap3A_64 : vector<1x16xf32> to vector<16xf32>
      %swap3A_66 = vector.shape_cast %broadcast_in_dim3A_5 : vector<16xf32> to vector<1x16xf32>
      tpu.vector_store %arg5[%swap3A_62, %swap3A_63], %swap3A_66 {strides = array<i32>} : memref<128x128xf32, #tpu.memory_space<vmem>>, vector<1x16xf32>,
      %swap3A_67 = arith.index_cast %scan3A_51 : i32 to index
      %swap3A_68 = arith.constant 48 : index
      %swap3A_69 = tpu.vector_load %arg5[%swap3A_67, %swap3A_68] {strides = array<i32>} : memref<128x128xf32, #tpu.memory_space<vmem>>, vector<1x16xf32>,
      %swap3A_70 = vector.shape_cast %swap3A_69 : vector<1x16xf32> to vector<16xf32>
      %swap3A_71 = vector.shape_cast %broadcast_in_dim3A_5 : vector<16xf32> to vector<1x16xf32>
      tpu.vector_store %arg5[%swap3A_67, %swap3A_68], %swap3A_71 {strides = array<i32>} : memref<128x128xf32, #tpu.memory_space<vmem>>, vector<1x16xf32>,
      %swap3A_72 = arith.index_cast %scan3A_51 : i32 to index
      %swap3A_73 = arith.constant 64 : index
      %swap3A_74 = tpu.vector_load %arg5[%swap3A_72, %swap3A_73] {strides = array<i32>} : memref<128x128xf32, #tpu.memory_space<vmem>>, vector<1x16xf32>,
      %swap3A_75 = vector.shape_cast %swap3A_74 : vector<1x16xf32> to vector<16xf32>
      %swap3A_76 = vector.shape_cast %broadcast_in_dim3A_5 : vector<16xf32> to vector<1x16xf32>
      tpu.vector_store %arg5[%swap3A_72, %swap3A_73], %swap3A_76 {strides = array<i32>} : memref<128x128xf32, #tpu.memory_space<vmem>>, vector<1x16xf32>,
      %swap3A_77 = arith.index_cast %scan3A_51 : i32 to index
      %swap3A_78 = arith.constant 80 : index
      %swap3A_79 = tpu.vector_load %arg5[%swap3A_77, %swap3A_78] {strides = array<i32>} : memref<128x128xf32, #tpu.memory_space<vmem>>, vector<1x16xf32>,
      %swap3A_80 = vector.shape_cast %swap3A_79 : vector<1x16xf32> to vector<16xf32>
      %swap3A_81 = vector.shape_cast %broadcast_in_dim3A_5 : vector<16xf32> to vector<1x16xf32>
      tpu.vector_store %arg5[%swap3A_77, %swap3A_78], %swap3A_81 {strides = array<i32>} : memref<128x128xf32, #tpu.memory_space<vmem>>, vector<1x16xf32>,
      %swap3A_82 = arith.index_cast %scan3A_51 : i32 to index
      %swap3A_83 = arith.constant 96 : index
      %swap3A_84 = tpu.vector_load %arg5[%swap3A_82, %swap3A_83] {strides = array<i32>} : memref<128x128xf32, #tpu.memory_space<vmem>>, vector<1x16xf32>,
      %swap3A_85 = vector.shape_cast %swap3A_84 : vector<1x16xf32> to vector<16xf32>
      %swap3A_86 = vector.shape_cast %broadcast_in_dim3A_5 : vector<16xf32> to vector<1x16xf32>
      tpu.vector_store %arg5[%swap3A_82, %swap3A_83], %swap3A_86 {strides = array<i32>} : memref<128x128xf32, #tpu.memory_space<vmem>>, vector<1x16xf32>,
      %swap3A_87 = arith.index_cast %scan3A_51 : i32 to index
      %swap3A_88 = arith.constant 112 : index
      %swap3A_89 = tpu.vector_load %arg5[%swap3A_87, %swap3A_88] {strides = array<i32>} : memref<128x128xf32, #tpu.memory_space<vmem>>, vector<1x16xf32>,
      %swap3A_90 = vector.shape_cast %swap3A_89 : vector<1x16xf32> to vector<16xf32>
      %swap3A_91 = vector.shape_cast %broadcast_in_dim3A_5 : vector<16xf32> to vector<1x16xf32>
      tpu.vector_store %arg5[%swap3A_87, %swap3A_88], %swap3A_91 {strides = array<i32>} : memref<128x128xf32, #tpu.memory_space<vmem>>, vector<1x16xf32>,
      %scan3A_92 = arith.constant 0 : i32
      scf.yield %scan3A_92 : i32
    }
    %scan3A_38 = arith.constant 128 : i32
    %barrier3A = arith.constant 0 : index
    tpu.barrier barrier_id(%barrier3A)
    %scan3A_39 = arith.constant 0 : i32
    %scan3A_40 = arith.constant 0 : i32
    %scan3A_41 = arith.constant 80 : i32
    %scan3A_42 = arith.addi %scan3A_40, %scan3A_41 : i32
    %scan3A_43 = arith.constant 1 : i32
    %scan3A_44 = scf.for %scan3A_51 = %scan3A_40 to %scan3A_42 step %scan3A_43 iter_args(%scan3A_52 = %scan3A_39) -> (i32)  : i32 {
      "tpu.region"() ({
        %run_scoped3A = tpu.sem_alloc : memref<!tpu.dma_semaphore, #tpu.memory_space<semaphore_mem>>
        %dma_start3A = arith.constant 0 : i32
        %dma_start3A_54 = tpu.memref_slice %arg4[%scan3A_51, %dma_start3A] : memref<80x128xi32, #tpu.memory_space<vmem>> -> memref<1x128xi32, #tpu.memory_space<vmem>>
        %dma_start3A_55 = tpu.memref_squeeze %dma_start3A_54 : memref<1x128xi32, #tpu.memory_space<vmem>> -> memref<128xi32, #tpu.memory_space<vmem>>
        %dma_start3A_56 = arith.constant 0 : i32
        %dma_start3A_57 = arith.constant 0 : i32
        %dma_start3A_58 = tpu.memref_slice %arg6[%dma_start3A_56, %dma_start3A_57] : memref<10240x128xf32, #tpu.memory_space<vmem_shared>> -> memref<10240x128xf32, #tpu.memory_space<vmem_shared>>
        tpu.enqueue_indirect_dma source(%arg5 : memref<128x128xf32, #tpu.memory_space<vmem>>) target(%dma_start3A_58 : memref<10240x128xf32, #tpu.memory_space<vmem_shared>>) offsets(%dma_start3A_55 : memref<128xi32, #tpu.memory_space<vmem>>) semaphore(%run_scoped3A : memref<!tpu.dma_semaphore, #tpu.memory_space<semaphore_mem>>) {add = true}
        %dma_wait3A = arith.constant 0 : i32
        %dma_wait3A_59 = tpu.memref_slice %arg4[%scan3A_51, %dma_wait3A] : memref<80x128xi32, #tpu.memory_space<vmem>> -> memref<1x128xi32, #tpu.memory_space<vmem>>
        %dma_wait3A_60 = tpu.memref_squeeze %dma_wait3A_59 : memref<1x128xi32, #tpu.memory_space<vmem>> -> memref<128xi32, #tpu.memory_space<vmem>>
        %dma_wait3A_61 = arith.constant 0 : i32
        %dma_wait3A_62 = arith.constant 0 : i32
        %dma_wait3A_63 = tpu.memref_slice %arg6[%dma_wait3A_61, %dma_wait3A_62] : memref<10240x128xf32, #tpu.memory_space<vmem_shared>> -> memref<10240x128xf32, #tpu.memory_space<vmem_shared>>
        tpu.wait_indirect_dma semaphore(%run_scoped3A : memref<!tpu.dma_semaphore, #tpu.memory_space<semaphore_mem>>) src(%arg5 : memref<128x128xf32, #tpu.memory_space<vmem>>) dst(%dma_wait3A_63 : memref<10240x128xf32, #tpu.memory_space<vmem_shared>>)
        tpu.yield
      }) : () -> ()
      %scan3A_53 = arith.constant 0 : i32
      scf.yield %scan3A_53 : i32
    }
    %scan3A_45 = arith.constant 80 : i32
    %barrier3A_46 = arith.constant 0 : index
    tpu.barrier barrier_id(%barrier3A_46)
    %mul3A_47 = arith.constant 640 : i32
    %mul3A_48 = arith.muli %arg1, %mul3A_47 : i32
    %mul3A_49 = arith.constant 640 : i32
    %mul3A_50 = arith.muli %arg1, %mul3A_49 : i32
    "tpu.region"() ({
      %run_scoped3A = tpu.sem_alloc : memref<!tpu.dma_semaphore, #tpu.memory_space<semaphore_mem>>
      %dma_start3A = arith.constant 0 : i32
      %dma_start3A_51 = tpu.memref_slice %arg3[%arg0, %mul3A_50, %dma_start3A] : memref<2x10240x128xf32, #tpu.memory_space<hbm>> -> memref<1x640x128xf32, #tpu.memory_space<hbm>>
      %dma_start3A_52 = tpu.memref_squeeze %dma_start3A_51 : memref<1x640x128xf32, #tpu.memory_space<hbm>> -> memref<640x128xf32, #tpu.memory_space<hbm>>
      %dma_start3A_53 = arith.constant 0 : i32
      %dma_start3A_54 = tpu.memref_slice %arg6[%mul3A_48, %dma_start3A_53] : memref<10240x128xf32, #tpu.memory_space<vmem_shared>> -> memref<640x128xf32, #tpu.memory_space<vmem_shared>>
      tpu.enqueue_dma source(%dma_start3A_54 : memref<640x128xf32, #tpu.memory_space<vmem_shared>>) target(%dma_start3A_52 : memref<640x128xf32, #tpu.memory_space<hbm>>) target_semaphore(%run_scoped3A : memref<!tpu.dma_semaphore, #tpu.memory_space<semaphore_mem>>)
      %dma_wait3A = arith.constant 0 : i32
      %dma_wait3A_55 = tpu.memref_slice %arg3[%arg0, %mul3A_50, %dma_wait3A] : memref<2x10240x128xf32, #tpu.memory_space<hbm>> -> memref<1x640x128xf32, #tpu.memory_space<hbm>>
      %dma_wait3A_56 = tpu.memref_squeeze %dma_wait3A_55 : memref<1x640x128xf32, #tpu.memory_space<hbm>> -> memref<640x128xf32, #tpu.memory_space<hbm>>
      %dma_wait3A_57 = arith.constant 0 : i32
      %dma_wait3A_58 = tpu.memref_slice %arg6[%mul3A_48, %dma_wait3A_57] : memref<10240x128xf32, #tpu.memory_space<vmem_shared>> -> memref<640x128xf32, #tpu.memory_space<vmem_shared>>
      tpu.wait_dma2 semaphore(%run_scoped3A : memref<!tpu.dma_semaphore, #tpu.memory_space<semaphore_mem>>) src(%dma_wait3A_58 : memref<640x128xf32, #tpu.memory_space<vmem_shared>>) dst(%dma_wait3A_56 : memref<640x128xf32, #tpu.memory_space<hbm>>)
      tpu.yield
    }) : () -> ()
    return
  }
}

#map = affine_map<(d0, d1) -> (0, 0)>
#map1 = affine_map<(d0, d1) -> (0, 0, 0)>
module attributes {stable_mosaic.version = 14 : i64} {
  func.func @_agg_body(%arg0: i32, %arg1: i32, %arg2: memref<10240x128xf32, #tpu.memory_space<hbm>>, %arg3: memref<2560x128xi32, #tpu.memory_space<hbm>>, %arg4: memref<2560x128xi32, #tpu.memory_space<hbm>>, %arg5: memref<2x10240x128xf32, #tpu.memory_space<hbm>>, %arg6: memref<40x128xi32, #tpu.memory_space<vmem>>, %arg7: memref<40x128xi32, #tpu.memory_space<vmem>>, %arg8: memref<2x128x128xf32, #tpu.memory_space<vmem>>, %arg9: memref<10240x128xf32, #tpu.memory_space<vmem_shared>>, %arg10: memref<!tpu.dma_semaphore, #tpu.memory_space<semaphore_mem>>, %arg11: memref<!tpu.dma_semaphore, #tpu.memory_space<semaphore_mem>>) attributes {dimension_semantics = [#tpu.dimension_semantics<core_parallel>, #tpu.dimension_semantics<subcore_parallel>], iteration_bounds = array<i64: 2, 16>, scalar_prefetch = 0 : i64, scratch_operands = 6 : i64, tpu.core_type = #tpu.core_type<sc_vector_subcore>, window_params = [{transform_indices = #map}, {transform_indices = #map}, {transform_indices = #map}, {transform_indices = #map1}]} {
    %broadcast_in_dim3A = arith.constant 0.000000e+00 : f32
    %broadcast_in_dim3A_0 = vector.broadcast %broadcast_in_dim3A : f32 to vector<16xf32>
    %scan3A = arith.constant 0 : i32
    %scan3A_1 = arith.constant 0 : i32
    %scan3A_2 = arith.constant 128 : i32
    %scan3A_3 = arith.addi %scan3A_1, %scan3A_2 : i32
    %scan3A_4 = arith.constant 1 : i32
    %scan3A_5 = scf.for %scan3A_51 = %scan3A_1 to %scan3A_3 step %scan3A_4 iter_args(%scan3A_52 = %scan3A) -> (i32)  : i32 {
      %swap3A = arith.constant 0 : i32
      %swap3A_53 = arith.index_cast %swap3A : i32 to index
      %swap3A_54 = arith.index_cast %scan3A_51 : i32 to index
      %swap3A_55 = arith.constant 0 : index
      %swap3A_56 = tpu.vector_load %arg8[%swap3A_53, %swap3A_54, %swap3A_55] {strides = array<i32>} : memref<2x128x128xf32, #tpu.memory_space<vmem>>, vector<1x1x16xf32>,
      %swap3A_57 = vector.shape_cast %swap3A_56 : vector<1x1x16xf32> to vector<16xf32>
      %swap3A_58 = vector.shape_cast %broadcast_in_dim3A_0 : vector<16xf32> to vector<1x1x16xf32>
      tpu.vector_store %arg8[%swap3A_53, %swap3A_54, %swap3A_55], %swap3A_58 {strides = array<i32>} : memref<2x128x128xf32, #tpu.memory_space<vmem>>, vector<1x1x16xf32>,
      %swap3A_59 = arith.constant 0 : i32
      %swap3A_60 = arith.index_cast %swap3A_59 : i32 to index
      %swap3A_61 = arith.index_cast %scan3A_51 : i32 to index
      %swap3A_62 = arith.constant 16 : index
      %swap3A_63 = tpu.vector_load %arg8[%swap3A_60, %swap3A_61, %swap3A_62] {strides = array<i32>} : memref<2x128x128xf32, #tpu.memory_space<vmem>>, vector<1x1x16xf32>,
      %swap3A_64 = vector.shape_cast %swap3A_63 : vector<1x1x16xf32> to vector<16xf32>
      %swap3A_65 = vector.shape_cast %broadcast_in_dim3A_0 : vector<16xf32> to vector<1x1x16xf32>
      tpu.vector_store %arg8[%swap3A_60, %swap3A_61, %swap3A_62], %swap3A_65 {strides = array<i32>} : memref<2x128x128xf32, #tpu.memory_space<vmem>>, vector<1x1x16xf32>,
      %swap3A_66 = arith.constant 0 : i32
      %swap3A_67 = arith.index_cast %swap3A_66 : i32 to index
      %swap3A_68 = arith.index_cast %scan3A_51 : i32 to index
      %swap3A_69 = arith.constant 32 : index
      %swap3A_70 = tpu.vector_load %arg8[%swap3A_67, %swap3A_68, %swap3A_69] {strides = array<i32>} : memref<2x128x128xf32, #tpu.memory_space<vmem>>, vector<1x1x16xf32>,
      %swap3A_71 = vector.shape_cast %swap3A_70 : vector<1x1x16xf32> to vector<16xf32>
      %swap3A_72 = vector.shape_cast %broadcast_in_dim3A_0 : vector<16xf32> to vector<1x1x16xf32>
      tpu.vector_store %arg8[%swap3A_67, %swap3A_68, %swap3A_69], %swap3A_72 {strides = array<i32>} : memref<2x128x128xf32, #tpu.memory_space<vmem>>, vector<1x1x16xf32>,
      %swap3A_73 = arith.constant 0 : i32
      %swap3A_74 = arith.index_cast %swap3A_73 : i32 to index
      %swap3A_75 = arith.index_cast %scan3A_51 : i32 to index
      %swap3A_76 = arith.constant 48 : index
      %swap3A_77 = tpu.vector_load %arg8[%swap3A_74, %swap3A_75, %swap3A_76] {strides = array<i32>} : memref<2x128x128xf32, #tpu.memory_space<vmem>>, vector<1x1x16xf32>,
      %swap3A_78 = vector.shape_cast %swap3A_77 : vector<1x1x16xf32> to vector<16xf32>
      %swap3A_79 = vector.shape_cast %broadcast_in_dim3A_0 : vector<16xf32> to vector<1x1x16xf32>
      tpu.vector_store %arg8[%swap3A_74, %swap3A_75, %swap3A_76], %swap3A_79 {strides = array<i32>} : memref<2x128x128xf32, #tpu.memory_space<vmem>>, vector<1x1x16xf32>,
      %swap3A_80 = arith.constant 0 : i32
      %swap3A_81 = arith.index_cast %swap3A_80 : i32 to index
      %swap3A_82 = arith.index_cast %scan3A_51 : i32 to index
      %swap3A_83 = arith.constant 64 : index
      %swap3A_84 = tpu.vector_load %arg8[%swap3A_81, %swap3A_82, %swap3A_83] {strides = array<i32>} : memref<2x128x128xf32, #tpu.memory_space<vmem>>, vector<1x1x16xf32>,
      %swap3A_85 = vector.shape_cast %swap3A_84 : vector<1x1x16xf32> to vector<16xf32>
      %swap3A_86 = vector.shape_cast %broadcast_in_dim3A_0 : vector<16xf32> to vector<1x1x16xf32>
      tpu.vector_store %arg8[%swap3A_81, %swap3A_82, %swap3A_83], %swap3A_86 {strides = array<i32>} : memref<2x128x128xf32, #tpu.memory_space<vmem>>, vector<1x1x16xf32>,
      %swap3A_87 = arith.constant 0 : i32
      %swap3A_88 = arith.index_cast %swap3A_87 : i32 to index
      %swap3A_89 = arith.index_cast %scan3A_51 : i32 to index
      %swap3A_90 = arith.constant 80 : index
      %swap3A_91 = tpu.vector_load %arg8[%swap3A_88, %swap3A_89, %swap3A_90] {strides = array<i32>} : memref<2x128x128xf32, #tpu.memory_space<vmem>>, vector<1x1x16xf32>,
      %swap3A_92 = vector.shape_cast %swap3A_91 : vector<1x1x16xf32> to vector<16xf32>
      %swap3A_93 = vector.shape_cast %broadcast_in_dim3A_0 : vector<16xf32> to vector<1x1x16xf32>
      tpu.vector_store %arg8[%swap3A_88, %swap3A_89, %swap3A_90], %swap3A_93 {strides = array<i32>} : memref<2x128x128xf32, #tpu.memory_space<vmem>>, vector<1x1x16xf32>,
      %swap3A_94 = arith.constant 0 : i32
      %swap3A_95 = arith.index_cast %swap3A_94 : i32 to index
      %swap3A_96 = arith.index_cast %scan3A_51 : i32 to index
      %swap3A_97 = arith.constant 96 : index
      %swap3A_98 = tpu.vector_load %arg8[%swap3A_95, %swap3A_96, %swap3A_97] {strides = array<i32>} : memref<2x128x128xf32, #tpu.memory_space<vmem>>, vector<1x1x16xf32>,
      %swap3A_99 = vector.shape_cast %swap3A_98 : vector<1x1x16xf32> to vector<16xf32>
      %swap3A_100 = vector.shape_cast %broadcast_in_dim3A_0 : vector<16xf32> to vector<1x1x16xf32>
      tpu.vector_store %arg8[%swap3A_95, %swap3A_96, %swap3A_97], %swap3A_100 {strides = array<i32>} : memref<2x128x128xf32, #tpu.memory_space<vmem>>, vector<1x1x16xf32>,
      %swap3A_101 = arith.constant 0 : i32
      %swap3A_102 = arith.index_cast %swap3A_101 : i32 to index
      %swap3A_103 = arith.index_cast %scan3A_51 : i32 to index
      %swap3A_104 = arith.constant 112 : index
      %swap3A_105 = tpu.vector_load %arg8[%swap3A_102, %swap3A_103, %swap3A_104] {strides = array<i32>} : memref<2x128x128xf32, #tpu.memory_space<vmem>>, vector<1x1x16xf32>,
      %swap3A_106 = vector.shape_cast %swap3A_105 : vector<1x1x16xf32> to vector<16xf32>
      %swap3A_107 = vector.shape_cast %broadcast_in_dim3A_0 : vector<16xf32> to vector<1x1x16xf32>
      tpu.vector_store %arg8[%swap3A_102, %swap3A_103, %swap3A_104], %swap3A_107 {strides = array<i32>} : memref<2x128x128xf32, #tpu.memory_space<vmem>>, vector<1x1x16xf32>,
      %scan3A_108 = arith.constant 0 : i32
      scf.yield %scan3A_108 : i32
    }
    %scan3A_6 = arith.constant 128 : i32
    %mul3A = arith.constant 640 : i32
    %mul3A_7 = arith.muli %arg1, %mul3A : i32
    %add3A = arith.constant 0 : i32
    %add3A_8 = arith.addi %mul3A_7, %add3A : i32
    %run_scoped3A = arith.constant 0 : i32
    "tpu.region"() ({
      %run_scoped3A_51 = tpu.sem_alloc : memref<!tpu.dma_semaphore, #tpu.memory_space<semaphore_mem>>
      %dma_start3A = arith.constant 0 : i32
      %dma_start3A_52 = arith.constant 0 : i32
      %dma_start3A_53 = tpu.memref_slice %arg8[%run_scoped3A, %dma_start3A, %dma_start3A_52] : memref<2x128x128xf32, #tpu.memory_space<vmem>> -> memref<1x128x128xf32, #tpu.memory_space<vmem>>
      %dma_start3A_54 = tpu.memref_squeeze %dma_start3A_53 : memref<1x128x128xf32, #tpu.memory_space<vmem>> -> memref<128x128xf32, #tpu.memory_space<vmem>>
      %dma_start3A_55 = arith.constant 0 : i32
      %dma_start3A_56 = tpu.memref_slice %arg9[%add3A_8, %dma_start3A_55] : memref<10240x128xf32, #tpu.memory_space<vmem_shared>> -> memref<128x128xf32, #tpu.memory_space<vmem_shared>>
      %dma_start3A_57 = arith.constant 0 : i32
      %dma_start3A_58 = tpu.memref_slice %arg9[%add3A_8, %dma_start3A_57] : memref<10240x128xf32, #tpu.memory_space<vmem_shared>> -> memref<128x128xf32, #tpu.memory_space<vmem_shared>>
      %dma_start3A_59 = arith.constant 0 : i32
      %dma_start3A_60 = arith.constant 0 : i32
      %dma_start3A_61 = tpu.memref_slice %arg8[%run_scoped3A, %dma_start3A_59, %dma_start3A_60] : memref<2x128x128xf32, #tpu.memory_space<vmem>> -> memref<1x128x128xf32, #tpu.memory_space<vmem>>
      %dma_start3A_62 = tpu.memref_squeeze %dma_start3A_61 : memref<1x128x128xf32, #tpu.memory_space<vmem>> -> memref<128x128xf32, #tpu.memory_space<vmem>>
      tpu.enqueue_dma source(%dma_start3A_62 : memref<128x128xf32, #tpu.memory_space<vmem>>) target(%dma_start3A_58 : memref<128x128xf32, #tpu.memory_space<vmem_shared>>) target_semaphore(%run_scoped3A_51 : memref<!tpu.dma_semaphore, #tpu.memory_space<semaphore_mem>>)
      %dma_wait3A = arith.constant 0 : i32
      %dma_wait3A_63 = arith.constant 0 : i32
      %dma_wait3A_64 = tpu.memref_slice %arg8[%run_scoped3A, %dma_wait3A, %dma_wait3A_63] : memref<2x128x128xf32, #tpu.memory_space<vmem>> -> memref<1x128x128xf32, #tpu.memory_space<vmem>>
      %dma_wait3A_65 = tpu.memref_squeeze %dma_wait3A_64 : memref<1x128x128xf32, #tpu.memory_space<vmem>> -> memref<128x128xf32, #tpu.memory_space<vmem>>
      %dma_wait3A_66 = arith.constant 0 : i32
      %dma_wait3A_67 = tpu.memref_slice %arg9[%add3A_8, %dma_wait3A_66] : memref<10240x128xf32, #tpu.memory_space<vmem_shared>> -> memref<128x128xf32, #tpu.memory_space<vmem_shared>>
      %dma_wait3A_68 = arith.constant 0 : i32
      %dma_wait3A_69 = tpu.memref_slice %arg9[%add3A_8, %dma_wait3A_68] : memref<10240x128xf32, #tpu.memory_space<vmem_shared>> -> memref<128x128xf32, #tpu.memory_space<vmem_shared>>
      %dma_wait3A_70 = arith.constant 0 : i32
      %dma_wait3A_71 = arith.constant 0 : i32
      %dma_wait3A_72 = tpu.memref_slice %arg8[%run_scoped3A, %dma_wait3A_70, %dma_wait3A_71] : memref<2x128x128xf32, #tpu.memory_space<vmem>> -> memref<1x128x128xf32, #tpu.memory_space<vmem>>
      %dma_wait3A_73 = tpu.memref_squeeze %dma_wait3A_72 : memref<1x128x128xf32, #tpu.memory_space<vmem>> -> memref<128x128xf32, #tpu.memory_space<vmem>>
      tpu.wait_dma2 semaphore(%run_scoped3A_51 : memref<!tpu.dma_semaphore, #tpu.memory_space<semaphore_mem>>) src(%dma_wait3A_73 : memref<128x128xf32, #tpu.memory_space<vmem>>) dst(%dma_wait3A_69 : memref<128x128xf32, #tpu.memory_space<vmem_shared>>)
      tpu.yield
    }) : () -> ()
    %mul3A_9 = arith.constant 640 : i32
    %mul3A_10 = arith.muli %arg1, %mul3A_9 : i32
    %add3A_11 = arith.constant 128 : i32
    %add3A_12 = arith.addi %mul3A_10, %add3A_11 : i32
    %run_scoped3A_13 = arith.constant 0 : i32
    "tpu.region"() ({
      %run_scoped3A_51 = tpu.sem_alloc : memref<!tpu.dma_semaphore, #tpu.memory_space<semaphore_mem>>
      %dma_start3A = arith.constant 0 : i32
      %dma_start3A_52 = arith.constant 0 : i32
      %dma_start3A_53 = tpu.memref_slice %arg8[%run_scoped3A_13, %dma_start3A, %dma_start3A_52] : memref<2x128x128xf32, #tpu.memory_space<vmem>> -> memref<1x128x128xf32, #tpu.memory_space<vmem>>
      %dma_start3A_54 = tpu.memref_squeeze %dma_start3A_53 : memref<1x128x128xf32, #tpu.memory_space<vmem>> -> memref<128x128xf32, #tpu.memory_space<vmem>>
      %dma_start3A_55 = arith.constant 0 : i32
      %dma_start3A_56 = tpu.memref_slice %arg9[%add3A_12, %dma_start3A_55] : memref<10240x128xf32, #tpu.memory_space<vmem_shared>> -> memref<128x128xf32, #tpu.memory_space<vmem_shared>>
      %dma_start3A_57 = arith.constant 0 : i32
      %dma_start3A_58 = tpu.memref_slice %arg9[%add3A_12, %dma_start3A_57] : memref<10240x128xf32, #tpu.memory_space<vmem_shared>> -> memref<128x128xf32, #tpu.memory_space<vmem_shared>>
      %dma_start3A_59 = arith.constant 0 : i32
      %dma_start3A_60 = arith.constant 0 : i32
      %dma_start3A_61 = tpu.memref_slice %arg8[%run_scoped3A_13, %dma_start3A_59, %dma_start3A_60] : memref<2x128x128xf32, #tpu.memory_space<vmem>> -> memref<1x128x128xf32, #tpu.memory_space<vmem>>
      %dma_start3A_62 = tpu.memref_squeeze %dma_start3A_61 : memref<1x128x128xf32, #tpu.memory_space<vmem>> -> memref<128x128xf32, #tpu.memory_space<vmem>>
      tpu.enqueue_dma source(%dma_start3A_62 : memref<128x128xf32, #tpu.memory_space<vmem>>) target(%dma_start3A_58 : memref<128x128xf32, #tpu.memory_space<vmem_shared>>) target_semaphore(%run_scoped3A_51 : memref<!tpu.dma_semaphore, #tpu.memory_space<semaphore_mem>>)
      %dma_wait3A = arith.constant 0 : i32
      %dma_wait3A_63 = arith.constant 0 : i32
      %dma_wait3A_64 = tpu.memref_slice %arg8[%run_scoped3A_13, %dma_wait3A, %dma_wait3A_63] : memref<2x128x128xf32, #tpu.memory_space<vmem>> -> memref<1x128x128xf32, #tpu.memory_space<vmem>>
      %dma_wait3A_65 = tpu.memref_squeeze %dma_wait3A_64 : memref<1x128x128xf32, #tpu.memory_space<vmem>> -> memref<128x128xf32, #tpu.memory_space<vmem>>
      %dma_wait3A_66 = arith.constant 0 : i32
      %dma_wait3A_67 = tpu.memref_slice %arg9[%add3A_12, %dma_wait3A_66] : memref<10240x128xf32, #tpu.memory_space<vmem_shared>> -> memref<128x128xf32, #tpu.memory_space<vmem_shared>>
      %dma_wait3A_68 = arith.constant 0 : i32
      %dma_wait3A_69 = tpu.memref_slice %arg9[%add3A_12, %dma_wait3A_68] : memref<10240x128xf32, #tpu.memory_space<vmem_shared>> -> memref<128x128xf32, #tpu.memory_space<vmem_shared>>
      %dma_wait3A_70 = arith.constant 0 : i32
      %dma_wait3A_71 = arith.constant 0 : i32
      %dma_wait3A_72 = tpu.memref_slice %arg8[%run_scoped3A_13, %dma_wait3A_70, %dma_wait3A_71] : memref<2x128x128xf32, #tpu.memory_space<vmem>> -> memref<1x128x128xf32, #tpu.memory_space<vmem>>
      %dma_wait3A_73 = tpu.memref_squeeze %dma_wait3A_72 : memref<1x128x128xf32, #tpu.memory_space<vmem>> -> memref<128x128xf32, #tpu.memory_space<vmem>>
      tpu.wait_dma2 semaphore(%run_scoped3A_51 : memref<!tpu.dma_semaphore, #tpu.memory_space<semaphore_mem>>) src(%dma_wait3A_73 : memref<128x128xf32, #tpu.memory_space<vmem>>) dst(%dma_wait3A_69 : memref<128x128xf32, #tpu.memory_space<vmem_shared>>)
      tpu.yield
    }) : () -> ()
    %mul3A_14 = arith.constant 640 : i32
    %mul3A_15 = arith.muli %arg1, %mul3A_14 : i32
    %add3A_16 = arith.constant 256 : i32
    %add3A_17 = arith.addi %mul3A_15, %add3A_16 : i32
    %run_scoped3A_18 = arith.constant 0 : i32
    "tpu.region"() ({
      %run_scoped3A_51 = tpu.sem_alloc : memref<!tpu.dma_semaphore, #tpu.memory_space<semaphore_mem>>
      %dma_start3A = arith.constant 0 : i32
      %dma_start3A_52 = arith.constant 0 : i32
      %dma_start3A_53 = tpu.memref_slice %arg8[%run_scoped3A_18, %dma_start3A, %dma_start3A_52] : memref<2x128x128xf32, #tpu.memory_space<vmem>> -> memref<1x128x128xf32, #tpu.memory_space<vmem>>
      %dma_start3A_54 = tpu.memref_squeeze %dma_start3A_53 : memref<1x128x128xf32, #tpu.memory_space<vmem>> -> memref<128x128xf32, #tpu.memory_space<vmem>>
      %dma_start3A_55 = arith.constant 0 : i32
      %dma_start3A_56 = tpu.memref_slice %arg9[%add3A_17, %dma_start3A_55] : memref<10240x128xf32, #tpu.memory_space<vmem_shared>> -> memref<128x128xf32, #tpu.memory_space<vmem_shared>>
      %dma_start3A_57 = arith.constant 0 : i32
      %dma_start3A_58 = tpu.memref_slice %arg9[%add3A_17, %dma_start3A_57] : memref<10240x128xf32, #tpu.memory_space<vmem_shared>> -> memref<128x128xf32, #tpu.memory_space<vmem_shared>>
      %dma_start3A_59 = arith.constant 0 : i32
      %dma_start3A_60 = arith.constant 0 : i32
      %dma_start3A_61 = tpu.memref_slice %arg8[%run_scoped3A_18, %dma_start3A_59, %dma_start3A_60] : memref<2x128x128xf32, #tpu.memory_space<vmem>> -> memref<1x128x128xf32, #tpu.memory_space<vmem>>
      %dma_start3A_62 = tpu.memref_squeeze %dma_start3A_61 : memref<1x128x128xf32, #tpu.memory_space<vmem>> -> memref<128x128xf32, #tpu.memory_space<vmem>>
      tpu.enqueue_dma source(%dma_start3A_62 : memref<128x128xf32, #tpu.memory_space<vmem>>) target(%dma_start3A_58 : memref<128x128xf32, #tpu.memory_space<vmem_shared>>) target_semaphore(%run_scoped3A_51 : memref<!tpu.dma_semaphore, #tpu.memory_space<semaphore_mem>>)
      %dma_wait3A = arith.constant 0 : i32
      %dma_wait3A_63 = arith.constant 0 : i32
      %dma_wait3A_64 = tpu.memref_slice %arg8[%run_scoped3A_18, %dma_wait3A, %dma_wait3A_63] : memref<2x128x128xf32, #tpu.memory_space<vmem>> -> memref<1x128x128xf32, #tpu.memory_space<vmem>>
      %dma_wait3A_65 = tpu.memref_squeeze %dma_wait3A_64 : memref<1x128x128xf32, #tpu.memory_space<vmem>> -> memref<128x128xf32, #tpu.memory_space<vmem>>
      %dma_wait3A_66 = arith.constant 0 : i32
      %dma_wait3A_67 = tpu.memref_slice %arg9[%add3A_17, %dma_wait3A_66] : memref<10240x128xf32, #tpu.memory_space<vmem_shared>> -> memref<128x128xf32, #tpu.memory_space<vmem_shared>>
      %dma_wait3A_68 = arith.constant 0 : i32
      %dma_wait3A_69 = tpu.memref_slice %arg9[%add3A_17, %dma_wait3A_68] : memref<10240x128xf32, #tpu.memory_space<vmem_shared>> -> memref<128x128xf32, #tpu.memory_space<vmem_shared>>
      %dma_wait3A_70 = arith.constant 0 : i32
      %dma_wait3A_71 = arith.constant 0 : i32
      %dma_wait3A_72 = tpu.memref_slice %arg8[%run_scoped3A_18, %dma_wait3A_70, %dma_wait3A_71] : memref<2x128x128xf32, #tpu.memory_space<vmem>> -> memref<1x128x128xf32, #tpu.memory_space<vmem>>
      %dma_wait3A_73 = tpu.memref_squeeze %dma_wait3A_72 : memref<1x128x128xf32, #tpu.memory_space<vmem>> -> memref<128x128xf32, #tpu.memory_space<vmem>>
      tpu.wait_dma2 semaphore(%run_scoped3A_51 : memref<!tpu.dma_semaphore, #tpu.memory_space<semaphore_mem>>) src(%dma_wait3A_73 : memref<128x128xf32, #tpu.memory_space<vmem>>) dst(%dma_wait3A_69 : memref<128x128xf32, #tpu.memory_space<vmem_shared>>)
      tpu.yield
    }) : () -> ()
    %mul3A_19 = arith.constant 640 : i32
    %mul3A_20 = arith.muli %arg1, %mul3A_19 : i32
    %add3A_21 = arith.constant 384 : i32
    %add3A_22 = arith.addi %mul3A_20, %add3A_21 : i32
    %run_scoped3A_23 = arith.constant 0 : i32
    "tpu.region"() ({
      %run_scoped3A_51 = tpu.sem_alloc : memref<!tpu.dma_semaphore, #tpu.memory_space<semaphore_mem>>
      %dma_start3A = arith.constant 0 : i32
      %dma_start3A_52 = arith.constant 0 : i32
      %dma_start3A_53 = tpu.memref_slice %arg8[%run_scoped3A_23, %dma_start3A, %dma_start3A_52] : memref<2x128x128xf32, #tpu.memory_space<vmem>> -> memref<1x128x128xf32, #tpu.memory_space<vmem>>
      %dma_start3A_54 = tpu.memref_squeeze %dma_start3A_53 : memref<1x128x128xf32, #tpu.memory_space<vmem>> -> memref<128x128xf32, #tpu.memory_space<vmem>>
      %dma_start3A_55 = arith.constant 0 : i32
      %dma_start3A_56 = tpu.memref_slice %arg9[%add3A_22, %dma_start3A_55] : memref<10240x128xf32, #tpu.memory_space<vmem_shared>> -> memref<128x128xf32, #tpu.memory_space<vmem_shared>>
      %dma_start3A_57 = arith.constant 0 : i32
      %dma_start3A_58 = tpu.memref_slice %arg9[%add3A_22, %dma_start3A_57] : memref<10240x128xf32, #tpu.memory_space<vmem_shared>> -> memref<128x128xf32, #tpu.memory_space<vmem_shared>>
      %dma_start3A_59 = arith.constant 0 : i32
      %dma_start3A_60 = arith.constant 0 : i32
      %dma_start3A_61 = tpu.memref_slice %arg8[%run_scoped3A_23, %dma_start3A_59, %dma_start3A_60] : memref<2x128x128xf32, #tpu.memory_space<vmem>> -> memref<1x128x128xf32, #tpu.memory_space<vmem>>
      %dma_start3A_62 = tpu.memref_squeeze %dma_start3A_61 : memref<1x128x128xf32, #tpu.memory_space<vmem>> -> memref<128x128xf32, #tpu.memory_space<vmem>>
      tpu.enqueue_dma source(%dma_start3A_62 : memref<128x128xf32, #tpu.memory_space<vmem>>) target(%dma_start3A_58 : memref<128x128xf32, #tpu.memory_space<vmem_shared>>) target_semaphore(%run_scoped3A_51 : memref<!tpu.dma_semaphore, #tpu.memory_space<semaphore_mem>>)
      %dma_wait3A = arith.constant 0 : i32
      %dma_wait3A_63 = arith.constant 0 : i32
      %dma_wait3A_64 = tpu.memref_slice %arg8[%run_scoped3A_23, %dma_wait3A, %dma_wait3A_63] : memref<2x128x128xf32, #tpu.memory_space<vmem>> -> memref<1x128x128xf32, #tpu.memory_space<vmem>>
      %dma_wait3A_65 = tpu.memref_squeeze %dma_wait3A_64 : memref<1x128x128xf32, #tpu.memory_space<vmem>> -> memref<128x128xf32, #tpu.memory_space<vmem>>
      %dma_wait3A_66 = arith.constant 0 : i32
      %dma_wait3A_67 = tpu.memref_slice %arg9[%add3A_22, %dma_wait3A_66] : memref<10240x128xf32, #tpu.memory_space<vmem_shared>> -> memref<128x128xf32, #tpu.memory_space<vmem_shared>>
      %dma_wait3A_68 = arith.constant 0 : i32
      %dma_wait3A_69 = tpu.memref_slice %arg9[%add3A_22, %dma_wait3A_68] : memref<10240x128xf32, #tpu.memory_space<vmem_shared>> -> memref<128x128xf32, #tpu.memory_space<vmem_shared>>
      %dma_wait3A_70 = arith.constant 0 : i32
      %dma_wait3A_71 = arith.constant 0 : i32
      %dma_wait3A_72 = tpu.memref_slice %arg8[%run_scoped3A_23, %dma_wait3A_70, %dma_wait3A_71] : memref<2x128x128xf32, #tpu.memory_space<vmem>> -> memref<1x128x128xf32, #tpu.memory_space<vmem>>
      %dma_wait3A_73 = tpu.memref_squeeze %dma_wait3A_72 : memref<1x128x128xf32, #tpu.memory_space<vmem>> -> memref<128x128xf32, #tpu.memory_space<vmem>>
      tpu.wait_dma2 semaphore(%run_scoped3A_51 : memref<!tpu.dma_semaphore, #tpu.memory_space<semaphore_mem>>) src(%dma_wait3A_73 : memref<128x128xf32, #tpu.memory_space<vmem>>) dst(%dma_wait3A_69 : memref<128x128xf32, #tpu.memory_space<vmem_shared>>)
      tpu.yield
    }) : () -> ()
    %mul3A_24 = arith.constant 640 : i32
    %mul3A_25 = arith.muli %arg1, %mul3A_24 : i32
    %add3A_26 = arith.constant 512 : i32
    %add3A_27 = arith.addi %mul3A_25, %add3A_26 : i32
    %run_scoped3A_28 = arith.constant 0 : i32
    "tpu.region"() ({
      %run_scoped3A_51 = tpu.sem_alloc : memref<!tpu.dma_semaphore, #tpu.memory_space<semaphore_mem>>
      %dma_start3A = arith.constant 0 : i32
      %dma_start3A_52 = arith.constant 0 : i32
      %dma_start3A_53 = tpu.memref_slice %arg8[%run_scoped3A_28, %dma_start3A, %dma_start3A_52] : memref<2x128x128xf32, #tpu.memory_space<vmem>> -> memref<1x128x128xf32, #tpu.memory_space<vmem>>
      %dma_start3A_54 = tpu.memref_squeeze %dma_start3A_53 : memref<1x128x128xf32, #tpu.memory_space<vmem>> -> memref<128x128xf32, #tpu.memory_space<vmem>>
      %dma_start3A_55 = arith.constant 0 : i32
      %dma_start3A_56 = tpu.memref_slice %arg9[%add3A_27, %dma_start3A_55] : memref<10240x128xf32, #tpu.memory_space<vmem_shared>> -> memref<128x128xf32, #tpu.memory_space<vmem_shared>>
      %dma_start3A_57 = arith.constant 0 : i32
      %dma_start3A_58 = tpu.memref_slice %arg9[%add3A_27, %dma_start3A_57] : memref<10240x128xf32, #tpu.memory_space<vmem_shared>> -> memref<128x128xf32, #tpu.memory_space<vmem_shared>>
      %dma_start3A_59 = arith.constant 0 : i32
      %dma_start3A_60 = arith.constant 0 : i32
      %dma_start3A_61 = tpu.memref_slice %arg8[%run_scoped3A_28, %dma_start3A_59, %dma_start3A_60] : memref<2x128x128xf32, #tpu.memory_space<vmem>> -> memref<1x128x128xf32, #tpu.memory_space<vmem>>
      %dma_start3A_62 = tpu.memref_squeeze %dma_start3A_61 : memref<1x128x128xf32, #tpu.memory_space<vmem>> -> memref<128x128xf32, #tpu.memory_space<vmem>>
      tpu.enqueue_dma source(%dma_start3A_62 : memref<128x128xf32, #tpu.memory_space<vmem>>) target(%dma_start3A_58 : memref<128x128xf32, #tpu.memory_space<vmem_shared>>) target_semaphore(%run_scoped3A_51 : memref<!tpu.dma_semaphore, #tpu.memory_space<semaphore_mem>>)
      %dma_wait3A = arith.constant 0 : i32
      %dma_wait3A_63 = arith.constant 0 : i32
      %dma_wait3A_64 = tpu.memref_slice %arg8[%run_scoped3A_28, %dma_wait3A, %dma_wait3A_63] : memref<2x128x128xf32, #tpu.memory_space<vmem>> -> memref<1x128x128xf32, #tpu.memory_space<vmem>>
      %dma_wait3A_65 = tpu.memref_squeeze %dma_wait3A_64 : memref<1x128x128xf32, #tpu.memory_space<vmem>> -> memref<128x128xf32, #tpu.memory_space<vmem>>
      %dma_wait3A_66 = arith.constant 0 : i32
      %dma_wait3A_67 = tpu.memref_slice %arg9[%add3A_27, %dma_wait3A_66] : memref<10240x128xf32, #tpu.memory_space<vmem_shared>> -> memref<128x128xf32, #tpu.memory_space<vmem_shared>>
      %dma_wait3A_68 = arith.constant 0 : i32
      %dma_wait3A_69 = tpu.memref_slice %arg9[%add3A_27, %dma_wait3A_68] : memref<10240x128xf32, #tpu.memory_space<vmem_shared>> -> memref<128x128xf32, #tpu.memory_space<vmem_shared>>
      %dma_wait3A_70 = arith.constant 0 : i32
      %dma_wait3A_71 = arith.constant 0 : i32
      %dma_wait3A_72 = tpu.memref_slice %arg8[%run_scoped3A_28, %dma_wait3A_70, %dma_wait3A_71] : memref<2x128x128xf32, #tpu.memory_space<vmem>> -> memref<1x128x128xf32, #tpu.memory_space<vmem>>
      %dma_wait3A_73 = tpu.memref_squeeze %dma_wait3A_72 : memref<1x128x128xf32, #tpu.memory_space<vmem>> -> memref<128x128xf32, #tpu.memory_space<vmem>>
      tpu.wait_dma2 semaphore(%run_scoped3A_51 : memref<!tpu.dma_semaphore, #tpu.memory_space<semaphore_mem>>) src(%dma_wait3A_73 : memref<128x128xf32, #tpu.memory_space<vmem>>) dst(%dma_wait3A_69 : memref<128x128xf32, #tpu.memory_space<vmem_shared>>)
      tpu.yield
    }) : () -> ()
    %barrier3A = arith.constant 0 : index
    tpu.barrier barrier_id(%barrier3A)
    %sub3A = arith.constant 1 : i32
    %sub3A_29 = arith.subi %sub3A, %arg0 : i32
    %mul3A_30 = arith.muli %sub3A_29, %arg1 : i32
    %mul3A_31 = arith.constant 120 : i32
    %mul3A_32 = arith.muli %mul3A_30, %mul3A_31 : i32
    %mul3A_33 = arith.constant 40 : i32
    %mul3A_34 = arith.muli %arg1, %mul3A_33 : i32
    %add3A_35 = arith.constant 1920 : i32
    %add3A_36 = arith.addi %add3A_35, %mul3A_34 : i32
    %mul3A_37 = arith.muli %arg0, %add3A_36 : i32
    %add3A_38 = arith.addi %mul3A_32, %mul3A_37 : i32
    %eq3A = arith.constant 0 : i32
    %eq3A_39 = arith.cmpi eq, %arg0, %eq3A : i32
    %convert_element_type3A = arith.extui %eq3A_39 : i1 to i32
    %cond3A = arith.constant 0 : i32
    %cond3A_40 = arith.cmpi ne, %convert_element_type3A, %cond3A : i32
    scf.if %cond3A_40 {
      %add3A_51 = arith.constant 0 : i32
      %add3A_52 = arith.addi %add3A_38, %add3A_51 : i32
      "tpu.region"() ({
        %run_scoped3A_113 = tpu.sem_alloc : memref<!tpu.dma_semaphore, #tpu.memory_space<semaphore_mem>>
        %dma_start3A_114 = arith.constant 0 : i32
        %dma_start3A_115 = tpu.memref_slice %arg3[%add3A_52, %dma_start3A_114] : memref<2560x128xi32, #tpu.memory_space<hbm>> -> memref<40x128xi32, #tpu.memory_space<hbm>>
        %dma_start3A_116 = arith.constant 0 : i32
        %dma_start3A_117 = tpu.memref_slice %arg3[%add3A_52, %dma_start3A_116] : memref<2560x128xi32, #tpu.memory_space<hbm>> -> memref<40x128xi32, #tpu.memory_space<hbm>>
        tpu.enqueue_dma source(%dma_start3A_117 : memref<40x128xi32, #tpu.memory_space<hbm>>) target(%arg6 : memref<40x128xi32, #tpu.memory_space<vmem>>) target_semaphore(%run_scoped3A_113 : memref<!tpu.dma_semaphore, #tpu.memory_space<semaphore_mem>>)
        %dma_wait3A = arith.constant 0 : i32
        %dma_wait3A_118 = tpu.memref_slice %arg3[%add3A_52, %dma_wait3A] : memref<2560x128xi32, #tpu.memory_space<hbm>> -> memref<40x128xi32, #tpu.memory_space<hbm>>
        %dma_wait3A_119 = arith.constant 0 : i32
        %dma_wait3A_120 = tpu.memref_slice %arg3[%add3A_52, %dma_wait3A_119] : memref<2560x128xi32, #tpu.memory_space<hbm>> -> memref<40x128xi32, #tpu.memory_space<hbm>>
        tpu.wait_dma2 semaphore(%run_scoped3A_113 : memref<!tpu.dma_semaphore, #tpu.memory_space<semaphore_mem>>) src(%dma_wait3A_120 : memref<40x128xi32, #tpu.memory_space<hbm>>) dst(%arg6 : memref<40x128xi32, #tpu.memory_space<vmem>>)
        tpu.yield
      }) : () -> ()
      "tpu.region"() ({
        %run_scoped3A_113 = tpu.sem_alloc : memref<!tpu.dma_semaphore, #tpu.memory_space<semaphore_mem>>
        %dma_start3A_114 = arith.constant 0 : i32
        %dma_start3A_115 = tpu.memref_slice %arg4[%add3A_52, %dma_start3A_114] : memref<2560x128xi32, #tpu.memory_space<hbm>> -> memref<40x128xi32, #tpu.memory_space<hbm>>
        %dma_start3A_116 = arith.constant 0 : i32
        %dma_start3A_117 = tpu.memref_slice %arg4[%add3A_52, %dma_start3A_116] : memref<2560x128xi32, #tpu.memory_space<hbm>> -> memref<40x128xi32, #tpu.memory_space<hbm>>
        tpu.enqueue_dma source(%dma_start3A_117 : memref<40x128xi32, #tpu.memory_space<hbm>>) target(%arg7 : memref<40x128xi32, #tpu.memory_space<vmem>>) target_semaphore(%run_scoped3A_113 : memref<!tpu.dma_semaphore, #tpu.memory_space<semaphore_mem>>)
        %dma_wait3A = arith.constant 0 : i32
        %dma_wait3A_118 = tpu.memref_slice %arg4[%add3A_52, %dma_wait3A] : memref<2560x128xi32, #tpu.memory_space<hbm>> -> memref<40x128xi32, #tpu.memory_space<hbm>>
        %dma_wait3A_119 = arith.constant 0 : i32
        %dma_wait3A_120 = tpu.memref_slice %arg4[%add3A_52, %dma_wait3A_119] : memref<2560x128xi32, #tpu.memory_space<hbm>> -> memref<40x128xi32, #tpu.memory_space<hbm>>
        tpu.wait_dma2 semaphore(%run_scoped3A_113 : memref<!tpu.dma_semaphore, #tpu.memory_space<semaphore_mem>>) src(%dma_wait3A_120 : memref<40x128xi32, #tpu.memory_space<hbm>>) dst(%arg7 : memref<40x128xi32, #tpu.memory_space<vmem>>)
        tpu.yield
      }) : () -> ()
      %dma_start3A = arith.constant 0 : i32
      %dma_start3A_53 = arith.constant 0 : i32
      %dma_start3A_54 = arith.constant 0 : i32
      %dma_start3A_55 = arith.constant 0 : i32
      %dma_start3A_56 = tpu.memref_slice %arg8[%dma_start3A_53, %dma_start3A_54, %dma_start3A_55] : memref<2x128x128xf32, #tpu.memory_space<vmem>> -> memref<1x128x128xf32, #tpu.memory_space<vmem>>
      %dma_start3A_57 = tpu.memref_squeeze %dma_start3A_56 : memref<1x128x128xf32, #tpu.memory_space<vmem>> -> memref<128x128xf32, #tpu.memory_space<vmem>>
      %dma_start3A_58 = arith.constant 0 : i32
      %dma_start3A_59 = tpu.memref_slice %arg6[%dma_start3A, %dma_start3A_58] : memref<40x128xi32, #tpu.memory_space<vmem>> -> memref<1x128xi32, #tpu.memory_space<vmem>>
      %dma_start3A_60 = tpu.memref_squeeze %dma_start3A_59 : memref<1x128xi32, #tpu.memory_space<vmem>> -> memref<128xi32, #tpu.memory_space<vmem>>
      %dma_start3A_61 = arith.constant 0 : i32
      %dma_start3A_62 = arith.constant 0 : i32
      %dma_start3A_63 = tpu.memref_slice %arg2[%dma_start3A_61, %dma_start3A_62] : memref<10240x128xf32, #tpu.memory_space<hbm>> -> memref<10240x128xf32, #tpu.memory_space<hbm>>
      tpu.enqueue_indirect_dma source(%dma_start3A_63 : memref<10240x128xf32, #tpu.memory_space<hbm>>) target(%dma_start3A_57 : memref<128x128xf32, #tpu.memory_space<vmem>>) offsets(%dma_start3A_60 : memref<128xi32, #tpu.memory_space<vmem>>) semaphore(%arg10 : memref<!tpu.dma_semaphore, #tpu.memory_space<semaphore_mem>>)
      %scan3A_64 = arith.constant 0 : i32
      %scan3A_65 = arith.constant 0 : i32
      %scan3A_66 = arith.constant 20 : i32
      %scan3A_67 = arith.addi %scan3A_65, %scan3A_66 : i32
      %scan3A_68 = arith.constant 1 : i32
      %scan3A_69 = scf.for %scan3A_113 = %scan3A_65 to %scan3A_67 step %scan3A_68 iter_args(%scan3A_114 = %scan3A_64) -> (i32)  : i32 {
        %mul3A_115 = arith.constant 2 : i32
        %mul3A_116 = arith.muli %mul3A_115, %scan3A_113 : i32
        %add3A_117 = arith.constant 1 : i32
        %add3A_118 = arith.addi %mul3A_116, %add3A_117 : i32
        %dma_start3A_119 = arith.constant 1 : i32
        %dma_start3A_120 = arith.constant 0 : i32
        %dma_start3A_121 = arith.constant 0 : i32
        %dma_start3A_122 = tpu.memref_slice %arg8[%dma_start3A_119, %dma_start3A_120, %dma_start3A_121] : memref<2x128x128xf32, #tpu.memory_space<vmem>> -> memref<1x128x128xf32, #tpu.memory_space<vmem>>
        %dma_start3A_123 = tpu.memref_squeeze %dma_start3A_122 : memref<1x128x128xf32, #tpu.memory_space<vmem>> -> memref<128x128xf32, #tpu.memory_space<vmem>>
        %dma_start3A_124 = arith.constant 0 : i32
        %dma_start3A_125 = tpu.memref_slice %arg6[%add3A_118, %dma_start3A_124] : memref<40x128xi32, #tpu.memory_space<vmem>> -> memref<1x128xi32, #tpu.memory_space<vmem>>
        %dma_start3A_126 = tpu.memref_squeeze %dma_start3A_125 : memref<1x128xi32, #tpu.memory_space<vmem>> -> memref<128xi32, #tpu.memory_space<vmem>>
        %dma_start3A_127 = arith.constant 0 : i32
        %dma_start3A_128 = arith.constant 0 : i32
        %dma_start3A_129 = tpu.memref_slice %arg2[%dma_start3A_127, %dma_start3A_128] : memref<10240x128xf32, #tpu.memory_space<hbm>> -> memref<10240x128xf32, #tpu.memory_space<hbm>>
        tpu.enqueue_indirect_dma source(%dma_start3A_129 : memref<10240x128xf32, #tpu.memory_space<hbm>>) target(%dma_start3A_123 : memref<128x128xf32, #tpu.memory_space<vmem>>) offsets(%dma_start3A_126 : memref<128xi32, #tpu.memory_space<vmem>>) semaphore(%arg11 : memref<!tpu.dma_semaphore, #tpu.memory_space<semaphore_mem>>)
        %dma_wait3A = arith.constant 0 : i32
        %dma_wait3A_130 = arith.constant 0 : i32
        %dma_wait3A_131 = arith.constant 0 : i32
        %dma_wait3A_132 = tpu.memref_slice %arg8[%dma_wait3A, %dma_wait3A_130, %dma_wait3A_131] : memref<2x128x128xf32, #tpu.memory_space<vmem>> -> memref<1x128x128xf32, #tpu.memory_space<vmem>>
        %dma_wait3A_133 = tpu.memref_squeeze %dma_wait3A_132 : memref<1x128x128xf32, #tpu.memory_space<vmem>> -> memref<128x128xf32, #tpu.memory_space<vmem>>
        %dma_wait3A_134 = arith.constant 0 : i32
        %dma_wait3A_135 = tpu.memref_slice %arg6[%mul3A_116, %dma_wait3A_134] : memref<40x128xi32, #tpu.memory_space<vmem>> -> memref<1x128xi32, #tpu.memory_space<vmem>>
        %dma_wait3A_136 = tpu.memref_squeeze %dma_wait3A_135 : memref<1x128xi32, #tpu.memory_space<vmem>> -> memref<128xi32, #tpu.memory_space<vmem>>
        %dma_wait3A_137 = arith.constant 0 : i32
        %dma_wait3A_138 = arith.constant 0 : i32
        %dma_wait3A_139 = tpu.memref_slice %arg2[%dma_wait3A_137, %dma_wait3A_138] : memref<10240x128xf32, #tpu.memory_space<hbm>> -> memref<10240x128xf32, #tpu.memory_space<hbm>>
        tpu.wait_indirect_dma semaphore(%arg10 : memref<!tpu.dma_semaphore, #tpu.memory_space<semaphore_mem>>) src(%dma_wait3A_139 : memref<10240x128xf32, #tpu.memory_space<hbm>>) dst(%dma_wait3A_133 : memref<128x128xf32, #tpu.memory_space<vmem>>)
        %run_scoped3A_140 = arith.constant 0 : i32
        "tpu.region"() ({
          %run_scoped3A_164 = tpu.sem_alloc : memref<!tpu.dma_semaphore, #tpu.memory_space<semaphore_mem>>
          %dma_start3A_165 = arith.constant 0 : i32
          %dma_start3A_166 = arith.constant 0 : i32
          %dma_start3A_167 = tpu.memref_slice %arg8[%run_scoped3A_140, %dma_start3A_165, %dma_start3A_166] : memref<2x128x128xf32, #tpu.memory_space<vmem>> -> memref<1x128x128xf32, #tpu.memory_space<vmem>>
          %dma_start3A_168 = tpu.memref_squeeze %dma_start3A_167 : memref<1x128x128xf32, #tpu.memory_space<vmem>> -> memref<128x128xf32, #tpu.memory_space<vmem>>
          %dma_start3A_169 = arith.constant 0 : i32
          %dma_start3A_170 = tpu.memref_slice %arg7[%mul3A_116, %dma_start3A_169] : memref<40x128xi32, #tpu.memory_space<vmem>> -> memref<1x128xi32, #tpu.memory_space<vmem>>
          %dma_start3A_171 = tpu.memref_squeeze %dma_start3A_170 : memref<1x128xi32, #tpu.memory_space<vmem>> -> memref<128xi32, #tpu.memory_space<vmem>>
          %dma_start3A_172 = arith.constant 0 : i32
          %dma_start3A_173 = arith.constant 0 : i32
          %dma_start3A_174 = tpu.memref_slice %arg9[%dma_start3A_172, %dma_start3A_173] : memref<10240x128xf32, #tpu.memory_space<vmem_shared>> -> memref<10240x128xf32, #tpu.memory_space<vmem_shared>>
          tpu.enqueue_indirect_dma source(%dma_start3A_168 : memref<128x128xf32, #tpu.memory_space<vmem>>) target(%dma_start3A_174 : memref<10240x128xf32, #tpu.memory_space<vmem_shared>>) offsets(%dma_start3A_171 : memref<128xi32, #tpu.memory_space<vmem>>) semaphore(%run_scoped3A_164 : memref<!tpu.dma_semaphore, #tpu.memory_space<semaphore_mem>>) {add = true}
          %dma_wait3A_175 = arith.constant 0 : i32
          %dma_wait3A_176 = arith.constant 0 : i32
          %dma_wait3A_177 = tpu.memref_slice %arg8[%run_scoped3A_140, %dma_wait3A_175, %dma_wait3A_176] : memref<2x128x128xf32, #tpu.memory_space<vmem>> -> memref<1x128x128xf32, #tpu.memory_space<vmem>>
          %dma_wait3A_178 = tpu.memref_squeeze %dma_wait3A_177 : memref<1x128x128xf32, #tpu.memory_space<vmem>> -> memref<128x128xf32, #tpu.memory_space<vmem>>
          %dma_wait3A_179 = arith.constant 0 : i32
          %dma_wait3A_180 = tpu.memref_slice %arg7[%mul3A_116, %dma_wait3A_179] : memref<40x128xi32, #tpu.memory_space<vmem>> -> memref<1x128xi32, #tpu.memory_space<vmem>>
          %dma_wait3A_181 = tpu.memref_squeeze %dma_wait3A_180 : memref<1x128xi32, #tpu.memory_space<vmem>> -> memref<128xi32, #tpu.memory_space<vmem>>
          %dma_wait3A_182 = arith.constant 0 : i32
          %dma_wait3A_183 = arith.constant 0 : i32
          %dma_wait3A_184 = tpu.memref_slice %arg9[%dma_wait3A_182, %dma_wait3A_183] : memref<10240x128xf32, #tpu.memory_space<vmem_shared>> -> memref<10240x128xf32, #tpu.memory_space<vmem_shared>>
          tpu.wait_indirect_dma semaphore(%run_scoped3A_164 : memref<!tpu.dma_semaphore, #tpu.memory_space<semaphore_mem>>) src(%dma_wait3A_178 : memref<128x128xf32, #tpu.memory_space<vmem>>) dst(%dma_wait3A_184 : memref<10240x128xf32, #tpu.memory_space<vmem_shared>>)
          tpu.yield
        }) : () -> ()
        %add3A_141 = arith.constant 2 : i32
        %add3A_142 = arith.addi %mul3A_116, %add3A_141 : i32
        %lt3A = arith.constant 40 : i32
        %lt3A_143 = arith.cmpi slt, %add3A_142, %lt3A : i32
        %convert_element_type3A_144 = arith.extui %lt3A_143 : i1 to i32
        %cond3A_145 = arith.constant 0 : i32
        %cond3A_146 = arith.cmpi ne, %convert_element_type3A_144, %cond3A_145 : i32
        scf.if %cond3A_146 {
          %add3A_164 = arith.constant 2 : i32
          %add3A_165 = arith.addi %mul3A_116, %add3A_164 : i32
          %dma_start3A_166 = arith.constant 0 : i32
          %dma_start3A_167 = arith.constant 0 : i32
          %dma_start3A_168 = arith.constant 0 : i32
          %dma_start3A_169 = tpu.memref_slice %arg8[%dma_start3A_166, %dma_start3A_167, %dma_start3A_168] : memref<2x128x128xf32, #tpu.memory_space<vmem>> -> memref<1x128x128xf32, #tpu.memory_space<vmem>>
          %dma_start3A_170 = tpu.memref_squeeze %dma_start3A_169 : memref<1x128x128xf32, #tpu.memory_space<vmem>> -> memref<128x128xf32, #tpu.memory_space<vmem>>
          %dma_start3A_171 = arith.constant 0 : i32
          %dma_start3A_172 = tpu.memref_slice %arg6[%add3A_165, %dma_start3A_171] : memref<40x128xi32, #tpu.memory_space<vmem>> -> memref<1x128xi32, #tpu.memory_space<vmem>>
          %dma_start3A_173 = tpu.memref_squeeze %dma_start3A_172 : memref<1x128xi32, #tpu.memory_space<vmem>> -> memref<128xi32, #tpu.memory_space<vmem>>
          %dma_start3A_174 = arith.constant 0 : i32
          %dma_start3A_175 = arith.constant 0 : i32
          %dma_start3A_176 = tpu.memref_slice %arg2[%dma_start3A_174, %dma_start3A_175] : memref<10240x128xf32, #tpu.memory_space<hbm>> -> memref<10240x128xf32, #tpu.memory_space<hbm>>
          tpu.enqueue_indirect_dma source(%dma_start3A_176 : memref<10240x128xf32, #tpu.memory_space<hbm>>) target(%dma_start3A_170 : memref<128x128xf32, #tpu.memory_space<vmem>>) offsets(%dma_start3A_173 : memref<128xi32, #tpu.memory_space<vmem>>) semaphore(%arg10 : memref<!tpu.dma_semaphore, #tpu.memory_space<semaphore_mem>>)
        } else {
        }
        %add3A_147 = arith.constant 1 : i32
        %add3A_148 = arith.addi %mul3A_116, %add3A_147 : i32
        %dma_wait3A_149 = arith.constant 1 : i32
        %dma_wait3A_150 = arith.constant 0 : i32
        %dma_wait3A_151 = arith.constant 0 : i32
        %dma_wait3A_152 = tpu.memref_slice %arg8[%dma_wait3A_149, %dma_wait3A_150, %dma_wait3A_151] : memref<2x128x128xf32, #tpu.memory_space<vmem>> -> memref<1x128x128xf32, #tpu.memory_space<vmem>>
        %dma_wait3A_153 = tpu.memref_squeeze %dma_wait3A_152 : memref<1x128x128xf32, #tpu.memory_space<vmem>> -> memref<128x128xf32, #tpu.memory_space<vmem>>
        %dma_wait3A_154 = arith.constant 0 : i32
        %dma_wait3A_155 = tpu.memref_slice %arg6[%add3A_148, %dma_wait3A_154] : memref<40x128xi32, #tpu.memory_space<vmem>> -> memref<1x128xi32, #tpu.memory_space<vmem>>
        %dma_wait3A_156 = tpu.memref_squeeze %dma_wait3A_155 : memref<1x128xi32, #tpu.memory_space<vmem>> -> memref<128xi32, #tpu.memory_space<vmem>>
        %dma_wait3A_157 = arith.constant 0 : i32
        %dma_wait3A_158 = arith.constant 0 : i32
        %dma_wait3A_159 = tpu.memref_slice %arg2[%dma_wait3A_157, %dma_wait3A_158] : memref<10240x128xf32, #tpu.memory_space<hbm>> -> memref<10240x128xf32, #tpu.memory_space<hbm>>
        tpu.wait_indirect_dma semaphore(%arg11 : memref<!tpu.dma_semaphore, #tpu.memory_space<semaphore_mem>>) src(%dma_wait3A_159 : memref<10240x128xf32, #tpu.memory_space<hbm>>) dst(%dma_wait3A_153 : memref<128x128xf32, #tpu.memory_space<vmem>>)
        %add3A_160 = arith.constant 1 : i32
        %add3A_161 = arith.addi %mul3A_116, %add3A_160 : i32
        %run_scoped3A_162 = arith.constant 1 : i32
        "tpu.region"() ({
          %run_scoped3A_164 = tpu.sem_alloc : memref<!tpu.dma_semaphore, #tpu.memory_space<semaphore_mem>>
          %dma_start3A_165 = arith.constant 0 : i32
          %dma_start3A_166 = arith.constant 0 : i32
          %dma_start3A_167 = tpu.memref_slice %arg8[%run_scoped3A_162, %dma_start3A_165, %dma_start3A_166] : memref<2x128x128xf32, #tpu.memory_space<vmem>> -> memref<1x128x128xf32, #tpu.memory_space<vmem>>
          %dma_start3A_168 = tpu.memref_squeeze %dma_start3A_167 : memref<1x128x128xf32, #tpu.memory_space<vmem>> -> memref<128x128xf32, #tpu.memory_space<vmem>>
          %dma_start3A_169 = arith.constant 0 : i32
          %dma_start3A_170 = tpu.memref_slice %arg7[%add3A_161, %dma_start3A_169] : memref<40x128xi32, #tpu.memory_space<vmem>> -> memref<1x128xi32, #tpu.memory_space<vmem>>
          %dma_start3A_171 = tpu.memref_squeeze %dma_start3A_170 : memref<1x128xi32, #tpu.memory_space<vmem>> -> memref<128xi32, #tpu.memory_space<vmem>>
          %dma_start3A_172 = arith.constant 0 : i32
          %dma_start3A_173 = arith.constant 0 : i32
          %dma_start3A_174 = tpu.memref_slice %arg9[%dma_start3A_172, %dma_start3A_173] : memref<10240x128xf32, #tpu.memory_space<vmem_shared>> -> memref<10240x128xf32, #tpu.memory_space<vmem_shared>>
          tpu.enqueue_indirect_dma source(%dma_start3A_168 : memref<128x128xf32, #tpu.memory_space<vmem>>) target(%dma_start3A_174 : memref<10240x128xf32, #tpu.memory_space<vmem_shared>>) offsets(%dma_start3A_171 : memref<128xi32, #tpu.memory_space<vmem>>) semaphore(%run_scoped3A_164 : memref<!tpu.dma_semaphore, #tpu.memory_space<semaphore_mem>>) {add = true}
          %dma_wait3A_175 = arith.constant 0 : i32
          %dma_wait3A_176 = arith.constant 0 : i32
          %dma_wait3A_177 = tpu.memref_slice %arg8[%run_scoped3A_162, %dma_wait3A_175, %dma_wait3A_176] : memref<2x128x128xf32, #tpu.memory_space<vmem>> -> memref<1x128x128xf32, #tpu.memory_space<vmem>>
          %dma_wait3A_178 = tpu.memref_squeeze %dma_wait3A_177 : memref<1x128x128xf32, #tpu.memory_space<vmem>> -> memref<128x128xf32, #tpu.memory_space<vmem>>
          %dma_wait3A_179 = arith.constant 0 : i32
          %dma_wait3A_180 = tpu.memref_slice %arg7[%add3A_161, %dma_wait3A_179] : memref<40x128xi32, #tpu.memory_space<vmem>> -> memref<1x128xi32, #tpu.memory_space<vmem>>
          %dma_wait3A_181 = tpu.memref_squeeze %dma_wait3A_180 : memref<1x128xi32, #tpu.memory_space<vmem>> -> memref<128xi32, #tpu.memory_space<vmem>>
          %dma_wait3A_182 = arith.constant 0 : i32
          %dma_wait3A_183 = arith.constant 0 : i32
          %dma_wait3A_184 = tpu.memref_slice %arg9[%dma_wait3A_182, %dma_wait3A_183] : memref<10240x128xf32, #tpu.memory_space<vmem_shared>> -> memref<10240x128xf32, #tpu.memory_space<vmem_shared>>
          tpu.wait_indirect_dma semaphore(%run_scoped3A_164 : memref<!tpu.dma_semaphore, #tpu.memory_space<semaphore_mem>>) src(%dma_wait3A_178 : memref<128x128xf32, #tpu.memory_space<vmem>>) dst(%dma_wait3A_184 : memref<10240x128xf32, #tpu.memory_space<vmem_shared>>)
          tpu.yield
        }) : () -> ()
        %scan3A_163 = arith.constant 0 : i32
        scf.yield %scan3A_163 : i32
      }
      %scan3A_70 = arith.constant 20 : i32
      %add3A_71 = arith.constant 40 : i32
      %add3A_72 = arith.addi %add3A_38, %add3A_71 : i32
      "tpu.region"() ({
        %run_scoped3A_113 = tpu.sem_alloc : memref<!tpu.dma_semaphore, #tpu.memory_space<semaphore_mem>>
        %dma_start3A_114 = arith.constant 0 : i32
        %dma_start3A_115 = tpu.memref_slice %arg3[%add3A_72, %dma_start3A_114] : memref<2560x128xi32, #tpu.memory_space<hbm>> -> memref<40x128xi32, #tpu.memory_space<hbm>>
        %dma_start3A_116 = arith.constant 0 : i32
        %dma_start3A_117 = tpu.memref_slice %arg3[%add3A_72, %dma_start3A_116] : memref<2560x128xi32, #tpu.memory_space<hbm>> -> memref<40x128xi32, #tpu.memory_space<hbm>>
        tpu.enqueue_dma source(%dma_start3A_117 : memref<40x128xi32, #tpu.memory_space<hbm>>) target(%arg6 : memref<40x128xi32, #tpu.memory_space<vmem>>) target_semaphore(%run_scoped3A_113 : memref<!tpu.dma_semaphore, #tpu.memory_space<semaphore_mem>>)
        %dma_wait3A = arith.constant 0 : i32
        %dma_wait3A_118 = tpu.memref_slice %arg3[%add3A_72, %dma_wait3A] : memref<2560x128xi32, #tpu.memory_space<hbm>> -> memref<40x128xi32, #tpu.memory_space<hbm>>
        %dma_wait3A_119 = arith.constant 0 : i32
        %dma_wait3A_120 = tpu.memref_slice %arg3[%add3A_72, %dma_wait3A_119] : memref<2560x128xi32, #tpu.memory_space<hbm>> -> memref<40x128xi32, #tpu.memory_space<hbm>>
        tpu.wait_dma2 semaphore(%run_scoped3A_113 : memref<!tpu.dma_semaphore, #tpu.memory_space<semaphore_mem>>) src(%dma_wait3A_120 : memref<40x128xi32, #tpu.memory_space<hbm>>) dst(%arg6 : memref<40x128xi32, #tpu.memory_space<vmem>>)
        tpu.yield
      }) : () -> ()
      "tpu.region"() ({
        %run_scoped3A_113 = tpu.sem_alloc : memref<!tpu.dma_semaphore, #tpu.memory_space<semaphore_mem>>
        %dma_start3A_114 = arith.constant 0 : i32
        %dma_start3A_115 = tpu.memref_slice %arg4[%add3A_72, %dma_start3A_114] : memref<2560x128xi32, #tpu.memory_space<hbm>> -> memref<40x128xi32, #tpu.memory_space<hbm>>
        %dma_start3A_116 = arith.constant 0 : i32
        %dma_start3A_117 = tpu.memref_slice %arg4[%add3A_72, %dma_start3A_116] : memref<2560x128xi32, #tpu.memory_space<hbm>> -> memref<40x128xi32, #tpu.memory_space<hbm>>
        tpu.enqueue_dma source(%dma_start3A_117 : memref<40x128xi32, #tpu.memory_space<hbm>>) target(%arg7 : memref<40x128xi32, #tpu.memory_space<vmem>>) target_semaphore(%run_scoped3A_113 : memref<!tpu.dma_semaphore, #tpu.memory_space<semaphore_mem>>)
        %dma_wait3A = arith.constant 0 : i32
        %dma_wait3A_118 = tpu.memref_slice %arg4[%add3A_72, %dma_wait3A] : memref<2560x128xi32, #tpu.memory_space<hbm>> -> memref<40x128xi32, #tpu.memory_space<hbm>>
        %dma_wait3A_119 = arith.constant 0 : i32
        %dma_wait3A_120 = tpu.memref_slice %arg4[%add3A_72, %dma_wait3A_119] : memref<2560x128xi32, #tpu.memory_space<hbm>> -> memref<40x128xi32, #tpu.memory_space<hbm>>
        tpu.wait_dma2 semaphore(%run_scoped3A_113 : memref<!tpu.dma_semaphore, #tpu.memory_space<semaphore_mem>>) src(%dma_wait3A_120 : memref<40x128xi32, #tpu.memory_space<hbm>>) dst(%arg7 : memref<40x128xi32, #tpu.memory_space<vmem>>)
        tpu.yield
      }) : () -> ()
      %dma_start3A_73 = arith.constant 0 : i32
      %dma_start3A_74 = arith.constant 0 : i32
      %dma_start3A_75 = arith.constant 0 : i32
      %dma_start3A_76 = arith.constant 0 : i32
      %dma_start3A_77 = tpu.memref_slice %arg8[%dma_start3A_74, %dma_start3A_75, %dma_start3A_76] : memref<2x128x128xf32, #tpu.memory_space<vmem>> -> memref<1x128x128xf32, #tpu.memory_space<vmem>>
      %dma_start3A_78 = tpu.memref_squeeze %dma_start3A_77 : memref<1x128x128xf32, #tpu.memory_space<vmem>> -> memref<128x128xf32, #tpu.memory_space<vmem>>
      %dma_start3A_79 = arith.constant 0 : i32
      %dma_start3A_80 = tpu.memref_slice %arg6[%dma_start3A_73, %dma_start3A_79] : memref<40x128xi32, #tpu.memory_space<vmem>> -> memref<1x128xi32, #tpu.memory_space<vmem>>
      %dma_start3A_81 = tpu.memref_squeeze %dma_start3A_80 : memref<1x128xi32, #tpu.memory_space<vmem>> -> memref<128xi32, #tpu.memory_space<vmem>>
      %dma_start3A_82 = arith.constant 0 : i32
      %dma_start3A_83 = arith.constant 0 : i32
      %dma_start3A_84 = tpu.memref_slice %arg2[%dma_start3A_82, %dma_start3A_83] : memref<10240x128xf32, #tpu.memory_space<hbm>> -> memref<10240x128xf32, #tpu.memory_space<hbm>>
      tpu.enqueue_indirect_dma source(%dma_start3A_84 : memref<10240x128xf32, #tpu.memory_space<hbm>>) target(%dma_start3A_78 : memref<128x128xf32, #tpu.memory_space<vmem>>) offsets(%dma_start3A_81 : memref<128xi32, #tpu.memory_space<vmem>>) semaphore(%arg10 : memref<!tpu.dma_semaphore, #tpu.memory_space<semaphore_mem>>)
      %scan3A_85 = arith.constant 0 : i32
      %scan3A_86 = arith.constant 0 : i32
      %scan3A_87 = arith.constant 20 : i32
      %scan3A_88 = arith.addi %scan3A_86, %scan3A_87 : i32
      %scan3A_89 = arith.constant 1 : i32
      %scan3A_90 = scf.for %scan3A_113 = %scan3A_86 to %scan3A_88 step %scan3A_89 iter_args(%scan3A_114 = %scan3A_85) -> (i32)  : i32 {
        %mul3A_115 = arith.constant 2 : i32
        %mul3A_116 = arith.muli %mul3A_115, %scan3A_113 : i32
        %add3A_117 = arith.constant 1 : i32
        %add3A_118 = arith.addi %mul3A_116, %add3A_117 : i32
        %dma_start3A_119 = arith.constant 1 : i32
        %dma_start3A_120 = arith.constant 0 : i32
        %dma_start3A_121 = arith.constant 0 : i32
        %dma_start3A_122 = tpu.memref_slice %arg8[%dma_start3A_119, %dma_start3A_120, %dma_start3A_121] : memref<2x128x128xf32, #tpu.memory_space<vmem>> -> memref<1x128x128xf32, #tpu.memory_space<vmem>>
        %dma_start3A_123 = tpu.memref_squeeze %dma_start3A_122 : memref<1x128x128xf32, #tpu.memory_space<vmem>> -> memref<128x128xf32, #tpu.memory_space<vmem>>
        %dma_start3A_124 = arith.constant 0 : i32
        %dma_start3A_125 = tpu.memref_slice %arg6[%add3A_118, %dma_start3A_124] : memref<40x128xi32, #tpu.memory_space<vmem>> -> memref<1x128xi32, #tpu.memory_space<vmem>>
        %dma_start3A_126 = tpu.memref_squeeze %dma_start3A_125 : memref<1x128xi32, #tpu.memory_space<vmem>> -> memref<128xi32, #tpu.memory_space<vmem>>
        %dma_start3A_127 = arith.constant 0 : i32
        %dma_start3A_128 = arith.constant 0 : i32
        %dma_start3A_129 = tpu.memref_slice %arg2[%dma_start3A_127, %dma_start3A_128] : memref<10240x128xf32, #tpu.memory_space<hbm>> -> memref<10240x128xf32, #tpu.memory_space<hbm>>
        tpu.enqueue_indirect_dma source(%dma_start3A_129 : memref<10240x128xf32, #tpu.memory_space<hbm>>) target(%dma_start3A_123 : memref<128x128xf32, #tpu.memory_space<vmem>>) offsets(%dma_start3A_126 : memref<128xi32, #tpu.memory_space<vmem>>) semaphore(%arg11 : memref<!tpu.dma_semaphore, #tpu.memory_space<semaphore_mem>>)
        %dma_wait3A = arith.constant 0 : i32
        %dma_wait3A_130 = arith.constant 0 : i32
        %dma_wait3A_131 = arith.constant 0 : i32
        %dma_wait3A_132 = tpu.memref_slice %arg8[%dma_wait3A, %dma_wait3A_130, %dma_wait3A_131] : memref<2x128x128xf32, #tpu.memory_space<vmem>> -> memref<1x128x128xf32, #tpu.memory_space<vmem>>
        %dma_wait3A_133 = tpu.memref_squeeze %dma_wait3A_132 : memref<1x128x128xf32, #tpu.memory_space<vmem>> -> memref<128x128xf32, #tpu.memory_space<vmem>>
        %dma_wait3A_134 = arith.constant 0 : i32
        %dma_wait3A_135 = tpu.memref_slice %arg6[%mul3A_116, %dma_wait3A_134] : memref<40x128xi32, #tpu.memory_space<vmem>> -> memref<1x128xi32, #tpu.memory_space<vmem>>
        %dma_wait3A_136 = tpu.memref_squeeze %dma_wait3A_135 : memref<1x128xi32, #tpu.memory_space<vmem>> -> memref<128xi32, #tpu.memory_space<vmem>>
        %dma_wait3A_137 = arith.constant 0 : i32
        %dma_wait3A_138 = arith.constant 0 : i32
        %dma_wait3A_139 = tpu.memref_slice %arg2[%dma_wait3A_137, %dma_wait3A_138] : memref<10240x128xf32, #tpu.memory_space<hbm>> -> memref<10240x128xf32, #tpu.memory_space<hbm>>
        tpu.wait_indirect_dma semaphore(%arg10 : memref<!tpu.dma_semaphore, #tpu.memory_space<semaphore_mem>>) src(%dma_wait3A_139 : memref<10240x128xf32, #tpu.memory_space<hbm>>) dst(%dma_wait3A_133 : memref<128x128xf32, #tpu.memory_space<vmem>>)
        %run_scoped3A_140 = arith.constant 0 : i32
        "tpu.region"() ({
          %run_scoped3A_164 = tpu.sem_alloc : memref<!tpu.dma_semaphore, #tpu.memory_space<semaphore_mem>>
          %dma_start3A_165 = arith.constant 0 : i32
          %dma_start3A_166 = arith.constant 0 : i32
          %dma_start3A_167 = tpu.memref_slice %arg8[%run_scoped3A_140, %dma_start3A_165, %dma_start3A_166] : memref<2x128x128xf32, #tpu.memory_space<vmem>> -> memref<1x128x128xf32, #tpu.memory_space<vmem>>
          %dma_start3A_168 = tpu.memref_squeeze %dma_start3A_167 : memref<1x128x128xf32, #tpu.memory_space<vmem>> -> memref<128x128xf32, #tpu.memory_space<vmem>>
          %dma_start3A_169 = arith.constant 0 : i32
          %dma_start3A_170 = tpu.memref_slice %arg7[%mul3A_116, %dma_start3A_169] : memref<40x128xi32, #tpu.memory_space<vmem>> -> memref<1x128xi32, #tpu.memory_space<vmem>>
          %dma_start3A_171 = tpu.memref_squeeze %dma_start3A_170 : memref<1x128xi32, #tpu.memory_space<vmem>> -> memref<128xi32, #tpu.memory_space<vmem>>
          %dma_start3A_172 = arith.constant 0 : i32
          %dma_start3A_173 = arith.constant 0 : i32
          %dma_start3A_174 = tpu.memref_slice %arg9[%dma_start3A_172, %dma_start3A_173] : memref<10240x128xf32, #tpu.memory_space<vmem_shared>> -> memref<10240x128xf32, #tpu.memory_space<vmem_shared>>
          tpu.enqueue_indirect_dma source(%dma_start3A_168 : memref<128x128xf32, #tpu.memory_space<vmem>>) target(%dma_start3A_174 : memref<10240x128xf32, #tpu.memory_space<vmem_shared>>) offsets(%dma_start3A_171 : memref<128xi32, #tpu.memory_space<vmem>>) semaphore(%run_scoped3A_164 : memref<!tpu.dma_semaphore, #tpu.memory_space<semaphore_mem>>) {add = true}
          %dma_wait3A_175 = arith.constant 0 : i32
          %dma_wait3A_176 = arith.constant 0 : i32
          %dma_wait3A_177 = tpu.memref_slice %arg8[%run_scoped3A_140, %dma_wait3A_175, %dma_wait3A_176] : memref<2x128x128xf32, #tpu.memory_space<vmem>> -> memref<1x128x128xf32, #tpu.memory_space<vmem>>
          %dma_wait3A_178 = tpu.memref_squeeze %dma_wait3A_177 : memref<1x128x128xf32, #tpu.memory_space<vmem>> -> memref<128x128xf32, #tpu.memory_space<vmem>>
          %dma_wait3A_179 = arith.constant 0 : i32
          %dma_wait3A_180 = tpu.memref_slice %arg7[%mul3A_116, %dma_wait3A_179] : memref<40x128xi32, #tpu.memory_space<vmem>> -> memref<1x128xi32, #tpu.memory_space<vmem>>
          %dma_wait3A_181 = tpu.memref_squeeze %dma_wait3A_180 : memref<1x128xi32, #tpu.memory_space<vmem>> -> memref<128xi32, #tpu.memory_space<vmem>>
          %dma_wait3A_182 = arith.constant 0 : i32
          %dma_wait3A_183 = arith.constant 0 : i32
          %dma_wait3A_184 = tpu.memref_slice %arg9[%dma_wait3A_182, %dma_wait3A_183] : memref<10240x128xf32, #tpu.memory_space<vmem_shared>> -> memref<10240x128xf32, #tpu.memory_space<vmem_shared>>
          tpu.wait_indirect_dma semaphore(%run_scoped3A_164 : memref<!tpu.dma_semaphore, #tpu.memory_space<semaphore_mem>>) src(%dma_wait3A_178 : memref<128x128xf32, #tpu.memory_space<vmem>>) dst(%dma_wait3A_184 : memref<10240x128xf32, #tpu.memory_space<vmem_shared>>)
          tpu.yield
        }) : () -> ()
        %add3A_141 = arith.constant 2 : i32
        %add3A_142 = arith.addi %mul3A_116, %add3A_141 : i32
        %lt3A = arith.constant 40 : i32
        %lt3A_143 = arith.cmpi slt, %add3A_142, %lt3A : i32
        %convert_element_type3A_144 = arith.extui %lt3A_143 : i1 to i32
        %cond3A_145 = arith.constant 0 : i32
        %cond3A_146 = arith.cmpi ne, %convert_element_type3A_144, %cond3A_145 : i32
        scf.if %cond3A_146 {
          %add3A_164 = arith.constant 2 : i32
          %add3A_165 = arith.addi %mul3A_116, %add3A_164 : i32
          %dma_start3A_166 = arith.constant 0 : i32
          %dma_start3A_167 = arith.constant 0 : i32
          %dma_start3A_168 = arith.constant 0 : i32
          %dma_start3A_169 = tpu.memref_slice %arg8[%dma_start3A_166, %dma_start3A_167, %dma_start3A_168] : memref<2x128x128xf32, #tpu.memory_space<vmem>> -> memref<1x128x128xf32, #tpu.memory_space<vmem>>
          %dma_start3A_170 = tpu.memref_squeeze %dma_start3A_169 : memref<1x128x128xf32, #tpu.memory_space<vmem>> -> memref<128x128xf32, #tpu.memory_space<vmem>>
          %dma_start3A_171 = arith.constant 0 : i32
          %dma_start3A_172 = tpu.memref_slice %arg6[%add3A_165, %dma_start3A_171] : memref<40x128xi32, #tpu.memory_space<vmem>> -> memref<1x128xi32, #tpu.memory_space<vmem>>
          %dma_start3A_173 = tpu.memref_squeeze %dma_start3A_172 : memref<1x128xi32, #tpu.memory_space<vmem>> -> memref<128xi32, #tpu.memory_space<vmem>>
          %dma_start3A_174 = arith.constant 0 : i32
          %dma_start3A_175 = arith.constant 0 : i32
          %dma_start3A_176 = tpu.memref_slice %arg2[%dma_start3A_174, %dma_start3A_175] : memref<10240x128xf32, #tpu.memory_space<hbm>> -> memref<10240x128xf32, #tpu.memory_space<hbm>>
          tpu.enqueue_indirect_dma source(%dma_start3A_176 : memref<10240x128xf32, #tpu.memory_space<hbm>>) target(%dma_start3A_170 : memref<128x128xf32, #tpu.memory_space<vmem>>) offsets(%dma_start3A_173 : memref<128xi32, #tpu.memory_space<vmem>>) semaphore(%arg10 : memref<!tpu.dma_semaphore, #tpu.memory_space<semaphore_mem>>)
        } else {
        }
        %add3A_147 = arith.constant 1 : i32
        %add3A_148 = arith.addi %mul3A_116, %add3A_147 : i32
        %dma_wait3A_149 = arith.constant 1 : i32
        %dma_wait3A_150 = arith.constant 0 : i32
        %dma_wait3A_151 = arith.constant 0 : i32
        %dma_wait3A_152 = tpu.memref_slice %arg8[%dma_wait3A_149, %dma_wait3A_150, %dma_wait3A_151] : memref<2x128x128xf32, #tpu.memory_space<vmem>> -> memref<1x128x128xf32, #tpu.memory_space<vmem>>
        %dma_wait3A_153 = tpu.memref_squeeze %dma_wait3A_152 : memref<1x128x128xf32, #tpu.memory_space<vmem>> -> memref<128x128xf32, #tpu.memory_space<vmem>>
        %dma_wait3A_154 = arith.constant 0 : i32
        %dma_wait3A_155 = tpu.memref_slice %arg6[%add3A_148, %dma_wait3A_154] : memref<40x128xi32, #tpu.memory_space<vmem>> -> memref<1x128xi32, #tpu.memory_space<vmem>>
        %dma_wait3A_156 = tpu.memref_squeeze %dma_wait3A_155 : memref<1x128xi32, #tpu.memory_space<vmem>> -> memref<128xi32, #tpu.memory_space<vmem>>
        %dma_wait3A_157 = arith.constant 0 : i32
        %dma_wait3A_158 = arith.constant 0 : i32
        %dma_wait3A_159 = tpu.memref_slice %arg2[%dma_wait3A_157, %dma_wait3A_158] : memref<10240x128xf32, #tpu.memory_space<hbm>> -> memref<10240x128xf32, #tpu.memory_space<hbm>>
        tpu.wait_indirect_dma semaphore(%arg11 : memref<!tpu.dma_semaphore, #tpu.memory_space<semaphore_mem>>) src(%dma_wait3A_159 : memref<10240x128xf32, #tpu.memory_space<hbm>>) dst(%dma_wait3A_153 : memref<128x128xf32, #tpu.memory_space<vmem>>)
        %add3A_160 = arith.constant 1 : i32
        %add3A_161 = arith.addi %mul3A_116, %add3A_160 : i32
        %run_scoped3A_162 = arith.constant 1 : i32
        "tpu.region"() ({
          %run_scoped3A_164 = tpu.sem_alloc : memref<!tpu.dma_semaphore, #tpu.memory_space<semaphore_mem>>
          %dma_start3A_165 = arith.constant 0 : i32
          %dma_start3A_166 = arith.constant 0 : i32
          %dma_start3A_167 = tpu.memref_slice %arg8[%run_scoped3A_162, %dma_start3A_165, %dma_start3A_166] : memref<2x128x128xf32, #tpu.memory_space<vmem>> -> memref<1x128x128xf32, #tpu.memory_space<vmem>>
          %dma_start3A_168 = tpu.memref_squeeze %dma_start3A_167 : memref<1x128x128xf32, #tpu.memory_space<vmem>> -> memref<128x128xf32, #tpu.memory_space<vmem>>
          %dma_start3A_169 = arith.constant 0 : i32
          %dma_start3A_170 = tpu.memref_slice %arg7[%add3A_161, %dma_start3A_169] : memref<40x128xi32, #tpu.memory_space<vmem>> -> memref<1x128xi32, #tpu.memory_space<vmem>>
          %dma_start3A_171 = tpu.memref_squeeze %dma_start3A_170 : memref<1x128xi32, #tpu.memory_space<vmem>> -> memref<128xi32, #tpu.memory_space<vmem>>
          %dma_start3A_172 = arith.constant 0 : i32
          %dma_start3A_173 = arith.constant 0 : i32
          %dma_start3A_174 = tpu.memref_slice %arg9[%dma_start3A_172, %dma_start3A_173] : memref<10240x128xf32, #tpu.memory_space<vmem_shared>> -> memref<10240x128xf32, #tpu.memory_space<vmem_shared>>
          tpu.enqueue_indirect_dma source(%dma_start3A_168 : memref<128x128xf32, #tpu.memory_space<vmem>>) target(%dma_start3A_174 : memref<10240x128xf32, #tpu.memory_space<vmem_shared>>) offsets(%dma_start3A_171 : memref<128xi32, #tpu.memory_space<vmem>>) semaphore(%run_scoped3A_164 : memref<!tpu.dma_semaphore, #tpu.memory_space<semaphore_mem>>) {add = true}
          %dma_wait3A_175 = arith.constant 0 : i32
          %dma_wait3A_176 = arith.constant 0 : i32
          %dma_wait3A_177 = tpu.memref_slice %arg8[%run_scoped3A_162, %dma_wait3A_175, %dma_wait3A_176] : memref<2x128x128xf32, #tpu.memory_space<vmem>> -> memref<1x128x128xf32, #tpu.memory_space<vmem>>
          %dma_wait3A_178 = tpu.memref_squeeze %dma_wait3A_177 : memref<1x128x128xf32, #tpu.memory_space<vmem>> -> memref<128x128xf32, #tpu.memory_space<vmem>>
          %dma_wait3A_179 = arith.constant 0 : i32
          %dma_wait3A_180 = tpu.memref_slice %arg7[%add3A_161, %dma_wait3A_179] : memref<40x128xi32, #tpu.memory_space<vmem>> -> memref<1x128xi32, #tpu.memory_space<vmem>>
          %dma_wait3A_181 = tpu.memref_squeeze %dma_wait3A_180 : memref<1x128xi32, #tpu.memory_space<vmem>> -> memref<128xi32, #tpu.memory_space<vmem>>
          %dma_wait3A_182 = arith.constant 0 : i32
          %dma_wait3A_183 = arith.constant 0 : i32
          %dma_wait3A_184 = tpu.memref_slice %arg9[%dma_wait3A_182, %dma_wait3A_183] : memref<10240x128xf32, #tpu.memory_space<vmem_shared>> -> memref<10240x128xf32, #tpu.memory_space<vmem_shared>>
          tpu.wait_indirect_dma semaphore(%run_scoped3A_164 : memref<!tpu.dma_semaphore, #tpu.memory_space<semaphore_mem>>) src(%dma_wait3A_178 : memref<128x128xf32, #tpu.memory_space<vmem>>) dst(%dma_wait3A_184 : memref<10240x128xf32, #tpu.memory_space<vmem_shared>>)
          tpu.yield
        }) : () -> ()
        %scan3A_163 = arith.constant 0 : i32
        scf.yield %scan3A_163 : i32
      }
      %scan3A_91 = arith.constant 20 : i32
      %add3A_92 = arith.constant 80 : i32
      %add3A_93 = arith.addi %add3A_38, %add3A_92 : i32
      "tpu.region"() ({
        %run_scoped3A_113 = tpu.sem_alloc : memref<!tpu.dma_semaphore, #tpu.memory_space<semaphore_mem>>
        %dma_start3A_114 = arith.constant 0 : i32
        %dma_start3A_115 = tpu.memref_slice %arg3[%add3A_93, %dma_start3A_114] : memref<2560x128xi32, #tpu.memory_space<hbm>> -> memref<40x128xi32, #tpu.memory_space<hbm>>
        %dma_start3A_116 = arith.constant 0 : i32
        %dma_start3A_117 = tpu.memref_slice %arg3[%add3A_93, %dma_start3A_116] : memref<2560x128xi32, #tpu.memory_space<hbm>> -> memref<40x128xi32, #tpu.memory_space<hbm>>
        tpu.enqueue_dma source(%dma_start3A_117 : memref<40x128xi32, #tpu.memory_space<hbm>>) target(%arg6 : memref<40x128xi32, #tpu.memory_space<vmem>>) target_semaphore(%run_scoped3A_113 : memref<!tpu.dma_semaphore, #tpu.memory_space<semaphore_mem>>)
        %dma_wait3A = arith.constant 0 : i32
        %dma_wait3A_118 = tpu.memref_slice %arg3[%add3A_93, %dma_wait3A] : memref<2560x128xi32, #tpu.memory_space<hbm>> -> memref<40x128xi32, #tpu.memory_space<hbm>>
        %dma_wait3A_119 = arith.constant 0 : i32
        %dma_wait3A_120 = tpu.memref_slice %arg3[%add3A_93, %dma_wait3A_119] : memref<2560x128xi32, #tpu.memory_space<hbm>> -> memref<40x128xi32, #tpu.memory_space<hbm>>
        tpu.wait_dma2 semaphore(%run_scoped3A_113 : memref<!tpu.dma_semaphore, #tpu.memory_space<semaphore_mem>>) src(%dma_wait3A_120 : memref<40x128xi32, #tpu.memory_space<hbm>>) dst(%arg6 : memref<40x128xi32, #tpu.memory_space<vmem>>)
        tpu.yield
      }) : () -> ()
      "tpu.region"() ({
        %run_scoped3A_113 = tpu.sem_alloc : memref<!tpu.dma_semaphore, #tpu.memory_space<semaphore_mem>>
        %dma_start3A_114 = arith.constant 0 : i32
        %dma_start3A_115 = tpu.memref_slice %arg4[%add3A_93, %dma_start3A_114] : memref<2560x128xi32, #tpu.memory_space<hbm>> -> memref<40x128xi32, #tpu.memory_space<hbm>>
        %dma_start3A_116 = arith.constant 0 : i32
        %dma_start3A_117 = tpu.memref_slice %arg4[%add3A_93, %dma_start3A_116] : memref<2560x128xi32, #tpu.memory_space<hbm>> -> memref<40x128xi32, #tpu.memory_space<hbm>>
        tpu.enqueue_dma source(%dma_start3A_117 : memref<40x128xi32, #tpu.memory_space<hbm>>) target(%arg7 : memref<40x128xi32, #tpu.memory_space<vmem>>) target_semaphore(%run_scoped3A_113 : memref<!tpu.dma_semaphore, #tpu.memory_space<semaphore_mem>>)
        %dma_wait3A = arith.constant 0 : i32
        %dma_wait3A_118 = tpu.memref_slice %arg4[%add3A_93, %dma_wait3A] : memref<2560x128xi32, #tpu.memory_space<hbm>> -> memref<40x128xi32, #tpu.memory_space<hbm>>
        %dma_wait3A_119 = arith.constant 0 : i32
        %dma_wait3A_120 = tpu.memref_slice %arg4[%add3A_93, %dma_wait3A_119] : memref<2560x128xi32, #tpu.memory_space<hbm>> -> memref<40x128xi32, #tpu.memory_space<hbm>>
        tpu.wait_dma2 semaphore(%run_scoped3A_113 : memref<!tpu.dma_semaphore, #tpu.memory_space<semaphore_mem>>) src(%dma_wait3A_120 : memref<40x128xi32, #tpu.memory_space<hbm>>) dst(%arg7 : memref<40x128xi32, #tpu.memory_space<vmem>>)
        tpu.yield
      }) : () -> ()
      %dma_start3A_94 = arith.constant 0 : i32
      %dma_start3A_95 = arith.constant 0 : i32
      %dma_start3A_96 = arith.constant 0 : i32
      %dma_start3A_97 = arith.constant 0 : i32
      %dma_start3A_98 = tpu.memref_slice %arg8[%dma_start3A_95, %dma_start3A_96, %dma_start3A_97] : memref<2x128x128xf32, #tpu.memory_space<vmem>> -> memref<1x128x128xf32, #tpu.memory_space<vmem>>
      %dma_start3A_99 = tpu.memref_squeeze %dma_start3A_98 : memref<1x128x128xf32, #tpu.memory_space<vmem>> -> memref<128x128xf32, #tpu.memory_space<vmem>>
      %dma_start3A_100 = arith.constant 0 : i32
      %dma_start3A_101 = tpu.memref_slice %arg6[%dma_start3A_94, %dma_start3A_100] : memref<40x128xi32, #tpu.memory_space<vmem>> -> memref<1x128xi32, #tpu.memory_space<vmem>>
      %dma_start3A_102 = tpu.memref_squeeze %dma_start3A_101 : memref<1x128xi32, #tpu.memory_space<vmem>> -> memref<128xi32, #tpu.memory_space<vmem>>
      %dma_start3A_103 = arith.constant 0 : i32
      %dma_start3A_104 = arith.constant 0 : i32
      %dma_start3A_105 = tpu.memref_slice %arg2[%dma_start3A_103, %dma_start3A_104] : memref<10240x128xf32, #tpu.memory_space<hbm>> -> memref<10240x128xf32, #tpu.memory_space<hbm>>
      tpu.enqueue_indirect_dma source(%dma_start3A_105 : memref<10240x128xf32, #tpu.memory_space<hbm>>) target(%dma_start3A_99 : memref<128x128xf32, #tpu.memory_space<vmem>>) offsets(%dma_start3A_102 : memref<128xi32, #tpu.memory_space<vmem>>) semaphore(%arg10 : memref<!tpu.dma_semaphore, #tpu.memory_space<semaphore_mem>>)
      %scan3A_106 = arith.constant 0 : i32
      %scan3A_107 = arith.constant 0 : i32
      %scan3A_108 = arith.constant 20 : i32
      %scan3A_109 = arith.addi %scan3A_107, %scan3A_108 : i32
      %scan3A_110 = arith.constant 1 : i32
      %scan3A_111 = scf.for %scan3A_113 = %scan3A_107 to %scan3A_109 step %scan3A_110 iter_args(%scan3A_114 = %scan3A_106) -> (i32)  : i32 {
        %mul3A_115 = arith.constant 2 : i32
        %mul3A_116 = arith.muli %mul3A_115, %scan3A_113 : i32
        %add3A_117 = arith.constant 1 : i32
        %add3A_118 = arith.addi %mul3A_116, %add3A_117 : i32
        %dma_start3A_119 = arith.constant 1 : i32
        %dma_start3A_120 = arith.constant 0 : i32
        %dma_start3A_121 = arith.constant 0 : i32
        %dma_start3A_122 = tpu.memref_slice %arg8[%dma_start3A_119, %dma_start3A_120, %dma_start3A_121] : memref<2x128x128xf32, #tpu.memory_space<vmem>> -> memref<1x128x128xf32, #tpu.memory_space<vmem>>
        %dma_start3A_123 = tpu.memref_squeeze %dma_start3A_122 : memref<1x128x128xf32, #tpu.memory_space<vmem>> -> memref<128x128xf32, #tpu.memory_space<vmem>>
        %dma_start3A_124 = arith.constant 0 : i32
        %dma_start3A_125 = tpu.memref_slice %arg6[%add3A_118, %dma_start3A_124] : memref<40x128xi32, #tpu.memory_space<vmem>> -> memref<1x128xi32, #tpu.memory_space<vmem>>
        %dma_start3A_126 = tpu.memref_squeeze %dma_start3A_125 : memref<1x128xi32, #tpu.memory_space<vmem>> -> memref<128xi32, #tpu.memory_space<vmem>>
        %dma_start3A_127 = arith.constant 0 : i32
        %dma_start3A_128 = arith.constant 0 : i32
        %dma_start3A_129 = tpu.memref_slice %arg2[%dma_start3A_127, %dma_start3A_128] : memref<10240x128xf32, #tpu.memory_space<hbm>> -> memref<10240x128xf32, #tpu.memory_space<hbm>>
        tpu.enqueue_indirect_dma source(%dma_start3A_129 : memref<10240x128xf32, #tpu.memory_space<hbm>>) target(%dma_start3A_123 : memref<128x128xf32, #tpu.memory_space<vmem>>) offsets(%dma_start3A_126 : memref<128xi32, #tpu.memory_space<vmem>>) semaphore(%arg11 : memref<!tpu.dma_semaphore, #tpu.memory_space<semaphore_mem>>)
        %dma_wait3A = arith.constant 0 : i32
        %dma_wait3A_130 = arith.constant 0 : i32
        %dma_wait3A_131 = arith.constant 0 : i32
        %dma_wait3A_132 = tpu.memref_slice %arg8[%dma_wait3A, %dma_wait3A_130, %dma_wait3A_131] : memref<2x128x128xf32, #tpu.memory_space<vmem>> -> memref<1x128x128xf32, #tpu.memory_space<vmem>>
        %dma_wait3A_133 = tpu.memref_squeeze %dma_wait3A_132 : memref<1x128x128xf32, #tpu.memory_space<vmem>> -> memref<128x128xf32, #tpu.memory_space<vmem>>
        %dma_wait3A_134 = arith.constant 0 : i32
        %dma_wait3A_135 = tpu.memref_slice %arg6[%mul3A_116, %dma_wait3A_134] : memref<40x128xi32, #tpu.memory_space<vmem>> -> memref<1x128xi32, #tpu.memory_space<vmem>>
        %dma_wait3A_136 = tpu.memref_squeeze %dma_wait3A_135 : memref<1x128xi32, #tpu.memory_space<vmem>> -> memref<128xi32, #tpu.memory_space<vmem>>
        %dma_wait3A_137 = arith.constant 0 : i32
        %dma_wait3A_138 = arith.constant 0 : i32
        %dma_wait3A_139 = tpu.memref_slice %arg2[%dma_wait3A_137, %dma_wait3A_138] : memref<10240x128xf32, #tpu.memory_space<hbm>> -> memref<10240x128xf32, #tpu.memory_space<hbm>>
        tpu.wait_indirect_dma semaphore(%arg10 : memref<!tpu.dma_semaphore, #tpu.memory_space<semaphore_mem>>) src(%dma_wait3A_139 : memref<10240x128xf32, #tpu.memory_space<hbm>>) dst(%dma_wait3A_133 : memref<128x128xf32, #tpu.memory_space<vmem>>)
        %run_scoped3A_140 = arith.constant 0 : i32
        "tpu.region"() ({
          %run_scoped3A_164 = tpu.sem_alloc : memref<!tpu.dma_semaphore, #tpu.memory_space<semaphore_mem>>
          %dma_start3A_165 = arith.constant 0 : i32
          %dma_start3A_166 = arith.constant 0 : i32
          %dma_start3A_167 = tpu.memref_slice %arg8[%run_scoped3A_140, %dma_start3A_165, %dma_start3A_166] : memref<2x128x128xf32, #tpu.memory_space<vmem>> -> memref<1x128x128xf32, #tpu.memory_space<vmem>>
          %dma_start3A_168 = tpu.memref_squeeze %dma_start3A_167 : memref<1x128x128xf32, #tpu.memory_space<vmem>> -> memref<128x128xf32, #tpu.memory_space<vmem>>
          %dma_start3A_169 = arith.constant 0 : i32
          %dma_start3A_170 = tpu.memref_slice %arg7[%mul3A_116, %dma_start3A_169] : memref<40x128xi32, #tpu.memory_space<vmem>> -> memref<1x128xi32, #tpu.memory_space<vmem>>
          %dma_start3A_171 = tpu.memref_squeeze %dma_start3A_170 : memref<1x128xi32, #tpu.memory_space<vmem>> -> memref<128xi32, #tpu.memory_space<vmem>>
          %dma_start3A_172 = arith.constant 0 : i32
          %dma_start3A_173 = arith.constant 0 : i32
          %dma_start3A_174 = tpu.memref_slice %arg9[%dma_start3A_172, %dma_start3A_173] : memref<10240x128xf32, #tpu.memory_space<vmem_shared>> -> memref<10240x128xf32, #tpu.memory_space<vmem_shared>>
          tpu.enqueue_indirect_dma source(%dma_start3A_168 : memref<128x128xf32, #tpu.memory_space<vmem>>) target(%dma_start3A_174 : memref<10240x128xf32, #tpu.memory_space<vmem_shared>>) offsets(%dma_start3A_171 : memref<128xi32, #tpu.memory_space<vmem>>) semaphore(%run_scoped3A_164 : memref<!tpu.dma_semaphore, #tpu.memory_space<semaphore_mem>>) {add = true}
          %dma_wait3A_175 = arith.constant 0 : i32
          %dma_wait3A_176 = arith.constant 0 : i32
          %dma_wait3A_177 = tpu.memref_slice %arg8[%run_scoped3A_140, %dma_wait3A_175, %dma_wait3A_176] : memref<2x128x128xf32, #tpu.memory_space<vmem>> -> memref<1x128x128xf32, #tpu.memory_space<vmem>>
          %dma_wait3A_178 = tpu.memref_squeeze %dma_wait3A_177 : memref<1x128x128xf32, #tpu.memory_space<vmem>> -> memref<128x128xf32, #tpu.memory_space<vmem>>
          %dma_wait3A_179 = arith.constant 0 : i32
          %dma_wait3A_180 = tpu.memref_slice %arg7[%mul3A_116, %dma_wait3A_179] : memref<40x128xi32, #tpu.memory_space<vmem>> -> memref<1x128xi32, #tpu.memory_space<vmem>>
          %dma_wait3A_181 = tpu.memref_squeeze %dma_wait3A_180 : memref<1x128xi32, #tpu.memory_space<vmem>> -> memref<128xi32, #tpu.memory_space<vmem>>
          %dma_wait3A_182 = arith.constant 0 : i32
          %dma_wait3A_183 = arith.constant 0 : i32
          %dma_wait3A_184 = tpu.memref_slice %arg9[%dma_wait3A_182, %dma_wait3A_183] : memref<10240x128xf32, #tpu.memory_space<vmem_shared>> -> memref<10240x128xf32, #tpu.memory_space<vmem_shared>>
          tpu.wait_indirect_dma semaphore(%run_scoped3A_164 : memref<!tpu.dma_semaphore, #tpu.memory_space<semaphore_mem>>) src(%dma_wait3A_178 : memref<128x128xf32, #tpu.memory_space<vmem>>) dst(%dma_wait3A_184 : memref<10240x128xf32, #tpu.memory_space<vmem_shared>>)
          tpu.yield
        }) : () -> ()
        %add3A_141 = arith.constant 2 : i32
        %add3A_142 = arith.addi %mul3A_116, %add3A_141 : i32
        %lt3A = arith.constant 40 : i32
        %lt3A_143 = arith.cmpi slt, %add3A_142, %lt3A : i32
        %convert_element_type3A_144 = arith.extui %lt3A_143 : i1 to i32
        %cond3A_145 = arith.constant 0 : i32
        %cond3A_146 = arith.cmpi ne, %convert_element_type3A_144, %cond3A_145 : i32
        scf.if %cond3A_146 {
          %add3A_164 = arith.constant 2 : i32
          %add3A_165 = arith.addi %mul3A_116, %add3A_164 : i32
          %dma_start3A_166 = arith.constant 0 : i32
          %dma_start3A_167 = arith.constant 0 : i32
          %dma_start3A_168 = arith.constant 0 : i32
          %dma_start3A_169 = tpu.memref_slice %arg8[%dma_start3A_166, %dma_start3A_167, %dma_start3A_168] : memref<2x128x128xf32, #tpu.memory_space<vmem>> -> memref<1x128x128xf32, #tpu.memory_space<vmem>>
          %dma_start3A_170 = tpu.memref_squeeze %dma_start3A_169 : memref<1x128x128xf32, #tpu.memory_space<vmem>> -> memref<128x128xf32, #tpu.memory_space<vmem>>
          %dma_start3A_171 = arith.constant 0 : i32
          %dma_start3A_172 = tpu.memref_slice %arg6[%add3A_165, %dma_start3A_171] : memref<40x128xi32, #tpu.memory_space<vmem>> -> memref<1x128xi32, #tpu.memory_space<vmem>>
          %dma_start3A_173 = tpu.memref_squeeze %dma_start3A_172 : memref<1x128xi32, #tpu.memory_space<vmem>> -> memref<128xi32, #tpu.memory_space<vmem>>
          %dma_start3A_174 = arith.constant 0 : i32
          %dma_start3A_175 = arith.constant 0 : i32
          %dma_start3A_176 = tpu.memref_slice %arg2[%dma_start3A_174, %dma_start3A_175] : memref<10240x128xf32, #tpu.memory_space<hbm>> -> memref<10240x128xf32, #tpu.memory_space<hbm>>
          tpu.enqueue_indirect_dma source(%dma_start3A_176 : memref<10240x128xf32, #tpu.memory_space<hbm>>) target(%dma_start3A_170 : memref<128x128xf32, #tpu.memory_space<vmem>>) offsets(%dma_start3A_173 : memref<128xi32, #tpu.memory_space<vmem>>) semaphore(%arg10 : memref<!tpu.dma_semaphore, #tpu.memory_space<semaphore_mem>>)
        } else {
        }
        %add3A_147 = arith.constant 1 : i32
        %add3A_148 = arith.addi %mul3A_116, %add3A_147 : i32
        %dma_wait3A_149 = arith.constant 1 : i32
        %dma_wait3A_150 = arith.constant 0 : i32
        %dma_wait3A_151 = arith.constant 0 : i32
        %dma_wait3A_152 = tpu.memref_slice %arg8[%dma_wait3A_149, %dma_wait3A_150, %dma_wait3A_151] : memref<2x128x128xf32, #tpu.memory_space<vmem>> -> memref<1x128x128xf32, #tpu.memory_space<vmem>>
        %dma_wait3A_153 = tpu.memref_squeeze %dma_wait3A_152 : memref<1x128x128xf32, #tpu.memory_space<vmem>> -> memref<128x128xf32, #tpu.memory_space<vmem>>
        %dma_wait3A_154 = arith.constant 0 : i32
        %dma_wait3A_155 = tpu.memref_slice %arg6[%add3A_148, %dma_wait3A_154] : memref<40x128xi32, #tpu.memory_space<vmem>> -> memref<1x128xi32, #tpu.memory_space<vmem>>
        %dma_wait3A_156 = tpu.memref_squeeze %dma_wait3A_155 : memref<1x128xi32, #tpu.memory_space<vmem>> -> memref<128xi32, #tpu.memory_space<vmem>>
        %dma_wait3A_157 = arith.constant 0 : i32
        %dma_wait3A_158 = arith.constant 0 : i32
        %dma_wait3A_159 = tpu.memref_slice %arg2[%dma_wait3A_157, %dma_wait3A_158] : memref<10240x128xf32, #tpu.memory_space<hbm>> -> memref<10240x128xf32, #tpu.memory_space<hbm>>
        tpu.wait_indirect_dma semaphore(%arg11 : memref<!tpu.dma_semaphore, #tpu.memory_space<semaphore_mem>>) src(%dma_wait3A_159 : memref<10240x128xf32, #tpu.memory_space<hbm>>) dst(%dma_wait3A_153 : memref<128x128xf32, #tpu.memory_space<vmem>>)
        %add3A_160 = arith.constant 1 : i32
        %add3A_161 = arith.addi %mul3A_116, %add3A_160 : i32
        %run_scoped3A_162 = arith.constant 1 : i32
        "tpu.region"() ({
          %run_scoped3A_164 = tpu.sem_alloc : memref<!tpu.dma_semaphore, #tpu.memory_space<semaphore_mem>>
          %dma_start3A_165 = arith.constant 0 : i32
          %dma_start3A_166 = arith.constant 0 : i32
          %dma_start3A_167 = tpu.memref_slice %arg8[%run_scoped3A_162, %dma_start3A_165, %dma_start3A_166] : memref<2x128x128xf32, #tpu.memory_space<vmem>> -> memref<1x128x128xf32, #tpu.memory_space<vmem>>
          %dma_start3A_168 = tpu.memref_squeeze %dma_start3A_167 : memref<1x128x128xf32, #tpu.memory_space<vmem>> -> memref<128x128xf32, #tpu.memory_space<vmem>>
          %dma_start3A_169 = arith.constant 0 : i32
          %dma_start3A_170 = tpu.memref_slice %arg7[%add3A_161, %dma_start3A_169] : memref<40x128xi32, #tpu.memory_space<vmem>> -> memref<1x128xi32, #tpu.memory_space<vmem>>
          %dma_start3A_171 = tpu.memref_squeeze %dma_start3A_170 : memref<1x128xi32, #tpu.memory_space<vmem>> -> memref<128xi32, #tpu.memory_space<vmem>>
          %dma_start3A_172 = arith.constant 0 : i32
          %dma_start3A_173 = arith.constant 0 : i32
          %dma_start3A_174 = tpu.memref_slice %arg9[%dma_start3A_172, %dma_start3A_173] : memref<10240x128xf32, #tpu.memory_space<vmem_shared>> -> memref<10240x128xf32, #tpu.memory_space<vmem_shared>>
          tpu.enqueue_indirect_dma source(%dma_start3A_168 : memref<128x128xf32, #tpu.memory_space<vmem>>) target(%dma_start3A_174 : memref<10240x128xf32, #tpu.memory_space<vmem_shared>>) offsets(%dma_start3A_171 : memref<128xi32, #tpu.memory_space<vmem>>) semaphore(%run_scoped3A_164 : memref<!tpu.dma_semaphore, #tpu.memory_space<semaphore_mem>>) {add = true}
          %dma_wait3A_175 = arith.constant 0 : i32
          %dma_wait3A_176 = arith.constant 0 : i32
          %dma_wait3A_177 = tpu.memref_slice %arg8[%run_scoped3A_162, %dma_wait3A_175, %dma_wait3A_176] : memref<2x128x128xf32, #tpu.memory_space<vmem>> -> memref<1x128x128xf32, #tpu.memory_space<vmem>>
          %dma_wait3A_178 = tpu.memref_squeeze %dma_wait3A_177 : memref<1x128x128xf32, #tpu.memory_space<vmem>> -> memref<128x128xf32, #tpu.memory_space<vmem>>
          %dma_wait3A_179 = arith.constant 0 : i32
          %dma_wait3A_180 = tpu.memref_slice %arg7[%add3A_161, %dma_wait3A_179] : memref<40x128xi32, #tpu.memory_space<vmem>> -> memref<1x128xi32, #tpu.memory_space<vmem>>
          %dma_wait3A_181 = tpu.memref_squeeze %dma_wait3A_180 : memref<1x128xi32, #tpu.memory_space<vmem>> -> memref<128xi32, #tpu.memory_space<vmem>>
          %dma_wait3A_182 = arith.constant 0 : i32
          %dma_wait3A_183 = arith.constant 0 : i32
          %dma_wait3A_184 = tpu.memref_slice %arg9[%dma_wait3A_182, %dma_wait3A_183] : memref<10240x128xf32, #tpu.memory_space<vmem_shared>> -> memref<10240x128xf32, #tpu.memory_space<vmem_shared>>
          tpu.wait_indirect_dma semaphore(%run_scoped3A_164 : memref<!tpu.dma_semaphore, #tpu.memory_space<semaphore_mem>>) src(%dma_wait3A_178 : memref<128x128xf32, #tpu.memory_space<vmem>>) dst(%dma_wait3A_184 : memref<10240x128xf32, #tpu.memory_space<vmem_shared>>)
          tpu.yield
        }) : () -> ()
        %scan3A_163 = arith.constant 0 : i32
        scf.yield %scan3A_163 : i32
      }
      %scan3A_112 = arith.constant 20 : i32
    } else {
    }
    %eq3A_41 = arith.constant 1 : i32
    %eq3A_42 = arith.cmpi eq, %arg0, %eq3A_41 : i32
    %convert_element_type3A_43 = arith.extui %eq3A_42 : i1 to i32
    %cond3A_44 = arith.constant 0 : i32
    %cond3A_45 = arith.cmpi ne, %convert_element_type3A_43, %cond3A_44 : i32
    scf.if %cond3A_45 {
      %add3A_51 = arith.constant 0 : i32
      %add3A_52 = arith.addi %add3A_38, %add3A_51 : i32
      "tpu.region"() ({
        %run_scoped3A_71 = tpu.sem_alloc : memref<!tpu.dma_semaphore, #tpu.memory_space<semaphore_mem>>
        %dma_start3A_72 = arith.constant 0 : i32
        %dma_start3A_73 = tpu.memref_slice %arg3[%add3A_52, %dma_start3A_72] : memref<2560x128xi32, #tpu.memory_space<hbm>> -> memref<40x128xi32, #tpu.memory_space<hbm>>
        %dma_start3A_74 = arith.constant 0 : i32
        %dma_start3A_75 = tpu.memref_slice %arg3[%add3A_52, %dma_start3A_74] : memref<2560x128xi32, #tpu.memory_space<hbm>> -> memref<40x128xi32, #tpu.memory_space<hbm>>
        tpu.enqueue_dma source(%dma_start3A_75 : memref<40x128xi32, #tpu.memory_space<hbm>>) target(%arg6 : memref<40x128xi32, #tpu.memory_space<vmem>>) target_semaphore(%run_scoped3A_71 : memref<!tpu.dma_semaphore, #tpu.memory_space<semaphore_mem>>)
        %dma_wait3A = arith.constant 0 : i32
        %dma_wait3A_76 = tpu.memref_slice %arg3[%add3A_52, %dma_wait3A] : memref<2560x128xi32, #tpu.memory_space<hbm>> -> memref<40x128xi32, #tpu.memory_space<hbm>>
        %dma_wait3A_77 = arith.constant 0 : i32
        %dma_wait3A_78 = tpu.memref_slice %arg3[%add3A_52, %dma_wait3A_77] : memref<2560x128xi32, #tpu.memory_space<hbm>> -> memref<40x128xi32, #tpu.memory_space<hbm>>
        tpu.wait_dma2 semaphore(%run_scoped3A_71 : memref<!tpu.dma_semaphore, #tpu.memory_space<semaphore_mem>>) src(%dma_wait3A_78 : memref<40x128xi32, #tpu.memory_space<hbm>>) dst(%arg6 : memref<40x128xi32, #tpu.memory_space<vmem>>)
        tpu.yield
      }) : () -> ()
      "tpu.region"() ({
        %run_scoped3A_71 = tpu.sem_alloc : memref<!tpu.dma_semaphore, #tpu.memory_space<semaphore_mem>>
        %dma_start3A_72 = arith.constant 0 : i32
        %dma_start3A_73 = tpu.memref_slice %arg4[%add3A_52, %dma_start3A_72] : memref<2560x128xi32, #tpu.memory_space<hbm>> -> memref<40x128xi32, #tpu.memory_space<hbm>>
        %dma_start3A_74 = arith.constant 0 : i32
        %dma_start3A_75 = tpu.memref_slice %arg4[%add3A_52, %dma_start3A_74] : memref<2560x128xi32, #tpu.memory_space<hbm>> -> memref<40x128xi32, #tpu.memory_space<hbm>>
        tpu.enqueue_dma source(%dma_start3A_75 : memref<40x128xi32, #tpu.memory_space<hbm>>) target(%arg7 : memref<40x128xi32, #tpu.memory_space<vmem>>) target_semaphore(%run_scoped3A_71 : memref<!tpu.dma_semaphore, #tpu.memory_space<semaphore_mem>>)
        %dma_wait3A = arith.constant 0 : i32
        %dma_wait3A_76 = tpu.memref_slice %arg4[%add3A_52, %dma_wait3A] : memref<2560x128xi32, #tpu.memory_space<hbm>> -> memref<40x128xi32, #tpu.memory_space<hbm>>
        %dma_wait3A_77 = arith.constant 0 : i32
        %dma_wait3A_78 = tpu.memref_slice %arg4[%add3A_52, %dma_wait3A_77] : memref<2560x128xi32, #tpu.memory_space<hbm>> -> memref<40x128xi32, #tpu.memory_space<hbm>>
        tpu.wait_dma2 semaphore(%run_scoped3A_71 : memref<!tpu.dma_semaphore, #tpu.memory_space<semaphore_mem>>) src(%dma_wait3A_78 : memref<40x128xi32, #tpu.memory_space<hbm>>) dst(%arg7 : memref<40x128xi32, #tpu.memory_space<vmem>>)
        tpu.yield
      }) : () -> ()
      %dma_start3A = arith.constant 0 : i32
      %dma_start3A_53 = arith.constant 0 : i32
      %dma_start3A_54 = arith.constant 0 : i32
      %dma_start3A_55 = arith.constant 0 : i32
      %dma_start3A_56 = tpu.memref_slice %arg8[%dma_start3A_53, %dma_start3A_54, %dma_start3A_55] : memref<2x128x128xf32, #tpu.memory_space<vmem>> -> memref<1x128x128xf32, #tpu.memory_space<vmem>>
      %dma_start3A_57 = tpu.memref_squeeze %dma_start3A_56 : memref<1x128x128xf32, #tpu.memory_space<vmem>> -> memref<128x128xf32, #tpu.memory_space<vmem>>
      %dma_start3A_58 = arith.constant 0 : i32
      %dma_start3A_59 = tpu.memref_slice %arg6[%dma_start3A, %dma_start3A_58] : memref<40x128xi32, #tpu.memory_space<vmem>> -> memref<1x128xi32, #tpu.memory_space<vmem>>
      %dma_start3A_60 = tpu.memref_squeeze %dma_start3A_59 : memref<1x128xi32, #tpu.memory_space<vmem>> -> memref<128xi32, #tpu.memory_space<vmem>>
      %dma_start3A_61 = arith.constant 0 : i32
      %dma_start3A_62 = arith.constant 0 : i32
      %dma_start3A_63 = tpu.memref_slice %arg2[%dma_start3A_61, %dma_start3A_62] : memref<10240x128xf32, #tpu.memory_space<hbm>> -> memref<10240x128xf32, #tpu.memory_space<hbm>>
      tpu.enqueue_indirect_dma source(%dma_start3A_63 : memref<10240x128xf32, #tpu.memory_space<hbm>>) target(%dma_start3A_57 : memref<128x128xf32, #tpu.memory_space<vmem>>) offsets(%dma_start3A_60 : memref<128xi32, #tpu.memory_space<vmem>>) semaphore(%arg10 : memref<!tpu.dma_semaphore, #tpu.memory_space<semaphore_mem>>)
      %scan3A_64 = arith.constant 0 : i32
      %scan3A_65 = arith.constant 0 : i32
      %scan3A_66 = arith.constant 20 : i32
      %scan3A_67 = arith.addi %scan3A_65, %scan3A_66 : i32
      %scan3A_68 = arith.constant 1 : i32
      %scan3A_69 = scf.for %scan3A_71 = %scan3A_65 to %scan3A_67 step %scan3A_68 iter_args(%scan3A_72 = %scan3A_64) -> (i32)  : i32 {
        %mul3A_73 = arith.constant 2 : i32
        %mul3A_74 = arith.muli %mul3A_73, %scan3A_71 : i32
        %add3A_75 = arith.constant 1 : i32
        %add3A_76 = arith.addi %mul3A_74, %add3A_75 : i32
        %dma_start3A_77 = arith.constant 1 : i32
        %dma_start3A_78 = arith.constant 0 : i32
        %dma_start3A_79 = arith.constant 0 : i32
        %dma_start3A_80 = tpu.memref_slice %arg8[%dma_start3A_77, %dma_start3A_78, %dma_start3A_79] : memref<2x128x128xf32, #tpu.memory_space<vmem>> -> memref<1x128x128xf32, #tpu.memory_space<vmem>>
        %dma_start3A_81 = tpu.memref_squeeze %dma_start3A_80 : memref<1x128x128xf32, #tpu.memory_space<vmem>> -> memref<128x128xf32, #tpu.memory_space<vmem>>
        %dma_start3A_82 = arith.constant 0 : i32
        %dma_start3A_83 = tpu.memref_slice %arg6[%add3A_76, %dma_start3A_82] : memref<40x128xi32, #tpu.memory_space<vmem>> -> memref<1x128xi32, #tpu.memory_space<vmem>>
        %dma_start3A_84 = tpu.memref_squeeze %dma_start3A_83 : memref<1x128xi32, #tpu.memory_space<vmem>> -> memref<128xi32, #tpu.memory_space<vmem>>
        %dma_start3A_85 = arith.constant 0 : i32
        %dma_start3A_86 = arith.constant 0 : i32
        %dma_start3A_87 = tpu.memref_slice %arg2[%dma_start3A_85, %dma_start3A_86] : memref<10240x128xf32, #tpu.memory_space<hbm>> -> memref<10240x128xf32, #tpu.memory_space<hbm>>
        tpu.enqueue_indirect_dma source(%dma_start3A_87 : memref<10240x128xf32, #tpu.memory_space<hbm>>) target(%dma_start3A_81 : memref<128x128xf32, #tpu.memory_space<vmem>>) offsets(%dma_start3A_84 : memref<128xi32, #tpu.memory_space<vmem>>) semaphore(%arg11 : memref<!tpu.dma_semaphore, #tpu.memory_space<semaphore_mem>>)
        %dma_wait3A = arith.constant 0 : i32
        %dma_wait3A_88 = arith.constant 0 : i32
        %dma_wait3A_89 = arith.constant 0 : i32
        %dma_wait3A_90 = tpu.memref_slice %arg8[%dma_wait3A, %dma_wait3A_88, %dma_wait3A_89] : memref<2x128x128xf32, #tpu.memory_space<vmem>> -> memref<1x128x128xf32, #tpu.memory_space<vmem>>
        %dma_wait3A_91 = tpu.memref_squeeze %dma_wait3A_90 : memref<1x128x128xf32, #tpu.memory_space<vmem>> -> memref<128x128xf32, #tpu.memory_space<vmem>>
        %dma_wait3A_92 = arith.constant 0 : i32
        %dma_wait3A_93 = tpu.memref_slice %arg6[%mul3A_74, %dma_wait3A_92] : memref<40x128xi32, #tpu.memory_space<vmem>> -> memref<1x128xi32, #tpu.memory_space<vmem>>
        %dma_wait3A_94 = tpu.memref_squeeze %dma_wait3A_93 : memref<1x128xi32, #tpu.memory_space<vmem>> -> memref<128xi32, #tpu.memory_space<vmem>>
        %dma_wait3A_95 = arith.constant 0 : i32
        %dma_wait3A_96 = arith.constant 0 : i32
        %dma_wait3A_97 = tpu.memref_slice %arg2[%dma_wait3A_95, %dma_wait3A_96] : memref<10240x128xf32, #tpu.memory_space<hbm>> -> memref<10240x128xf32, #tpu.memory_space<hbm>>
        tpu.wait_indirect_dma semaphore(%arg10 : memref<!tpu.dma_semaphore, #tpu.memory_space<semaphore_mem>>) src(%dma_wait3A_97 : memref<10240x128xf32, #tpu.memory_space<hbm>>) dst(%dma_wait3A_91 : memref<128x128xf32, #tpu.memory_space<vmem>>)
        %run_scoped3A_98 = arith.constant 0 : i32
        "tpu.region"() ({
          %run_scoped3A_122 = tpu.sem_alloc : memref<!tpu.dma_semaphore, #tpu.memory_space<semaphore_mem>>
          %dma_start3A_123 = arith.constant 0 : i32
          %dma_start3A_124 = arith.constant 0 : i32
          %dma_start3A_125 = tpu.memref_slice %arg8[%run_scoped3A_98, %dma_start3A_123, %dma_start3A_124] : memref<2x128x128xf32, #tpu.memory_space<vmem>> -> memref<1x128x128xf32, #tpu.memory_space<vmem>>
          %dma_start3A_126 = tpu.memref_squeeze %dma_start3A_125 : memref<1x128x128xf32, #tpu.memory_space<vmem>> -> memref<128x128xf32, #tpu.memory_space<vmem>>
          %dma_start3A_127 = arith.constant 0 : i32
          %dma_start3A_128 = tpu.memref_slice %arg7[%mul3A_74, %dma_start3A_127] : memref<40x128xi32, #tpu.memory_space<vmem>> -> memref<1x128xi32, #tpu.memory_space<vmem>>
          %dma_start3A_129 = tpu.memref_squeeze %dma_start3A_128 : memref<1x128xi32, #tpu.memory_space<vmem>> -> memref<128xi32, #tpu.memory_space<vmem>>
          %dma_start3A_130 = arith.constant 0 : i32
          %dma_start3A_131 = arith.constant 0 : i32
          %dma_start3A_132 = tpu.memref_slice %arg9[%dma_start3A_130, %dma_start3A_131] : memref<10240x128xf32, #tpu.memory_space<vmem_shared>> -> memref<10240x128xf32, #tpu.memory_space<vmem_shared>>
          tpu.enqueue_indirect_dma source(%dma_start3A_126 : memref<128x128xf32, #tpu.memory_space<vmem>>) target(%dma_start3A_132 : memref<10240x128xf32, #tpu.memory_space<vmem_shared>>) offsets(%dma_start3A_129 : memref<128xi32, #tpu.memory_space<vmem>>) semaphore(%run_scoped3A_122 : memref<!tpu.dma_semaphore, #tpu.memory_space<semaphore_mem>>) {add = true}
          %dma_wait3A_133 = arith.constant 0 : i32
          %dma_wait3A_134 = arith.constant 0 : i32
          %dma_wait3A_135 = tpu.memref_slice %arg8[%run_scoped3A_98, %dma_wait3A_133, %dma_wait3A_134] : memref<2x128x128xf32, #tpu.memory_space<vmem>> -> memref<1x128x128xf32, #tpu.memory_space<vmem>>
          %dma_wait3A_136 = tpu.memref_squeeze %dma_wait3A_135 : memref<1x128x128xf32, #tpu.memory_space<vmem>> -> memref<128x128xf32, #tpu.memory_space<vmem>>
          %dma_wait3A_137 = arith.constant 0 : i32
          %dma_wait3A_138 = tpu.memref_slice %arg7[%mul3A_74, %dma_wait3A_137] : memref<40x128xi32, #tpu.memory_space<vmem>> -> memref<1x128xi32, #tpu.memory_space<vmem>>
          %dma_wait3A_139 = tpu.memref_squeeze %dma_wait3A_138 : memref<1x128xi32, #tpu.memory_space<vmem>> -> memref<128xi32, #tpu.memory_space<vmem>>
          %dma_wait3A_140 = arith.constant 0 : i32
          %dma_wait3A_141 = arith.constant 0 : i32
          %dma_wait3A_142 = tpu.memref_slice %arg9[%dma_wait3A_140, %dma_wait3A_141] : memref<10240x128xf32, #tpu.memory_space<vmem_shared>> -> memref<10240x128xf32, #tpu.memory_space<vmem_shared>>
          tpu.wait_indirect_dma semaphore(%run_scoped3A_122 : memref<!tpu.dma_semaphore, #tpu.memory_space<semaphore_mem>>) src(%dma_wait3A_136 : memref<128x128xf32, #tpu.memory_space<vmem>>) dst(%dma_wait3A_142 : memref<10240x128xf32, #tpu.memory_space<vmem_shared>>)
          tpu.yield
        }) : () -> ()
        %add3A_99 = arith.constant 2 : i32
        %add3A_100 = arith.addi %mul3A_74, %add3A_99 : i32
        %lt3A = arith.constant 40 : i32
        %lt3A_101 = arith.cmpi slt, %add3A_100, %lt3A : i32
        %convert_element_type3A_102 = arith.extui %lt3A_101 : i1 to i32
        %cond3A_103 = arith.constant 0 : i32
        %cond3A_104 = arith.cmpi ne, %convert_element_type3A_102, %cond3A_103 : i32
        scf.if %cond3A_104 {
          %add3A_122 = arith.constant 2 : i32
          %add3A_123 = arith.addi %mul3A_74, %add3A_122 : i32
          %dma_start3A_124 = arith.constant 0 : i32
          %dma_start3A_125 = arith.constant 0 : i32
          %dma_start3A_126 = arith.constant 0 : i32
          %dma_start3A_127 = tpu.memref_slice %arg8[%dma_start3A_124, %dma_start3A_125, %dma_start3A_126] : memref<2x128x128xf32, #tpu.memory_space<vmem>> -> memref<1x128x128xf32, #tpu.memory_space<vmem>>
          %dma_start3A_128 = tpu.memref_squeeze %dma_start3A_127 : memref<1x128x128xf32, #tpu.memory_space<vmem>> -> memref<128x128xf32, #tpu.memory_space<vmem>>
          %dma_start3A_129 = arith.constant 0 : i32
          %dma_start3A_130 = tpu.memref_slice %arg6[%add3A_123, %dma_start3A_129] : memref<40x128xi32, #tpu.memory_space<vmem>> -> memref<1x128xi32, #tpu.memory_space<vmem>>
          %dma_start3A_131 = tpu.memref_squeeze %dma_start3A_130 : memref<1x128xi32, #tpu.memory_space<vmem>> -> memref<128xi32, #tpu.memory_space<vmem>>
          %dma_start3A_132 = arith.constant 0 : i32
          %dma_start3A_133 = arith.constant 0 : i32
          %dma_start3A_134 = tpu.memref_slice %arg2[%dma_start3A_132, %dma_start3A_133] : memref<10240x128xf32, #tpu.memory_space<hbm>> -> memref<10240x128xf32, #tpu.memory_space<hbm>>
          tpu.enqueue_indirect_dma source(%dma_start3A_134 : memref<10240x128xf32, #tpu.memory_space<hbm>>) target(%dma_start3A_128 : memref<128x128xf32, #tpu.memory_space<vmem>>) offsets(%dma_start3A_131 : memref<128xi32, #tpu.memory_space<vmem>>) semaphore(%arg10 : memref<!tpu.dma_semaphore, #tpu.memory_space<semaphore_mem>>)
        } else {
        }
        %add3A_105 = arith.constant 1 : i32
        %add3A_106 = arith.addi %mul3A_74, %add3A_105 : i32
        %dma_wait3A_107 = arith.constant 1 : i32
        %dma_wait3A_108 = arith.constant 0 : i32
        %dma_wait3A_109 = arith.constant 0 : i32
        %dma_wait3A_110 = tpu.memref_slice %arg8[%dma_wait3A_107, %dma_wait3A_108, %dma_wait3A_109] : memref<2x128x128xf32, #tpu.memory_space<vmem>> -> memref<1x128x128xf32, #tpu.memory_space<vmem>>
        %dma_wait3A_111 = tpu.memref_squeeze %dma_wait3A_110 : memref<1x128x128xf32, #tpu.memory_space<vmem>> -> memref<128x128xf32, #tpu.memory_space<vmem>>
        %dma_wait3A_112 = arith.constant 0 : i32
        %dma_wait3A_113 = tpu.memref_slice %arg6[%add3A_106, %dma_wait3A_112] : memref<40x128xi32, #tpu.memory_space<vmem>> -> memref<1x128xi32, #tpu.memory_space<vmem>>
        %dma_wait3A_114 = tpu.memref_squeeze %dma_wait3A_113 : memref<1x128xi32, #tpu.memory_space<vmem>> -> memref<128xi32, #tpu.memory_space<vmem>>
        %dma_wait3A_115 = arith.constant 0 : i32
        %dma_wait3A_116 = arith.constant 0 : i32
        %dma_wait3A_117 = tpu.memref_slice %arg2[%dma_wait3A_115, %dma_wait3A_116] : memref<10240x128xf32, #tpu.memory_space<hbm>> -> memref<10240x128xf32, #tpu.memory_space<hbm>>
        tpu.wait_indirect_dma semaphore(%arg11 : memref<!tpu.dma_semaphore, #tpu.memory_space<semaphore_mem>>) src(%dma_wait3A_117 : memref<10240x128xf32, #tpu.memory_space<hbm>>) dst(%dma_wait3A_111 : memref<128x128xf32, #tpu.memory_space<vmem>>)
        %add3A_118 = arith.constant 1 : i32
        %add3A_119 = arith.addi %mul3A_74, %add3A_118 : i32
        %run_scoped3A_120 = arith.constant 1 : i32
        "tpu.region"() ({
          %run_scoped3A_122 = tpu.sem_alloc : memref<!tpu.dma_semaphore, #tpu.memory_space<semaphore_mem>>
          %dma_start3A_123 = arith.constant 0 : i32
          %dma_start3A_124 = arith.constant 0 : i32
          %dma_start3A_125 = tpu.memref_slice %arg8[%run_scoped3A_120, %dma_start3A_123, %dma_start3A_124] : memref<2x128x128xf32, #tpu.memory_space<vmem>> -> memref<1x128x128xf32, #tpu.memory_space<vmem>>
          %dma_start3A_126 = tpu.memref_squeeze %dma_start3A_125 : memref<1x128x128xf32, #tpu.memory_space<vmem>> -> memref<128x128xf32, #tpu.memory_space<vmem>>
          %dma_start3A_127 = arith.constant 0 : i32
          %dma_start3A_128 = tpu.memref_slice %arg7[%add3A_119, %dma_start3A_127] : memref<40x128xi32, #tpu.memory_space<vmem>> -> memref<1x128xi32, #tpu.memory_space<vmem>>
          %dma_start3A_129 = tpu.memref_squeeze %dma_start3A_128 : memref<1x128xi32, #tpu.memory_space<vmem>> -> memref<128xi32, #tpu.memory_space<vmem>>
          %dma_start3A_130 = arith.constant 0 : i32
          %dma_start3A_131 = arith.constant 0 : i32
          %dma_start3A_132 = tpu.memref_slice %arg9[%dma_start3A_130, %dma_start3A_131] : memref<10240x128xf32, #tpu.memory_space<vmem_shared>> -> memref<10240x128xf32, #tpu.memory_space<vmem_shared>>
          tpu.enqueue_indirect_dma source(%dma_start3A_126 : memref<128x128xf32, #tpu.memory_space<vmem>>) target(%dma_start3A_132 : memref<10240x128xf32, #tpu.memory_space<vmem_shared>>) offsets(%dma_start3A_129 : memref<128xi32, #tpu.memory_space<vmem>>) semaphore(%run_scoped3A_122 : memref<!tpu.dma_semaphore, #tpu.memory_space<semaphore_mem>>) {add = true}
          %dma_wait3A_133 = arith.constant 0 : i32
          %dma_wait3A_134 = arith.constant 0 : i32
          %dma_wait3A_135 = tpu.memref_slice %arg8[%run_scoped3A_120, %dma_wait3A_133, %dma_wait3A_134] : memref<2x128x128xf32, #tpu.memory_space<vmem>> -> memref<1x128x128xf32, #tpu.memory_space<vmem>>
          %dma_wait3A_136 = tpu.memref_squeeze %dma_wait3A_135 : memref<1x128x128xf32, #tpu.memory_space<vmem>> -> memref<128x128xf32, #tpu.memory_space<vmem>>
          %dma_wait3A_137 = arith.constant 0 : i32
          %dma_wait3A_138 = tpu.memref_slice %arg7[%add3A_119, %dma_wait3A_137] : memref<40x128xi32, #tpu.memory_space<vmem>> -> memref<1x128xi32, #tpu.memory_space<vmem>>
          %dma_wait3A_139 = tpu.memref_squeeze %dma_wait3A_138 : memref<1x128xi32, #tpu.memory_space<vmem>> -> memref<128xi32, #tpu.memory_space<vmem>>
          %dma_wait3A_140 = arith.constant 0 : i32
          %dma_wait3A_141 = arith.constant 0 : i32
          %dma_wait3A_142 = tpu.memref_slice %arg9[%dma_wait3A_140, %dma_wait3A_141] : memref<10240x128xf32, #tpu.memory_space<vmem_shared>> -> memref<10240x128xf32, #tpu.memory_space<vmem_shared>>
          tpu.wait_indirect_dma semaphore(%run_scoped3A_122 : memref<!tpu.dma_semaphore, #tpu.memory_space<semaphore_mem>>) src(%dma_wait3A_136 : memref<128x128xf32, #tpu.memory_space<vmem>>) dst(%dma_wait3A_142 : memref<10240x128xf32, #tpu.memory_space<vmem_shared>>)
          tpu.yield
        }) : () -> ()
        %scan3A_121 = arith.constant 0 : i32
        scf.yield %scan3A_121 : i32
      }
      %scan3A_70 = arith.constant 20 : i32
    } else {
    }
    %barrier3A_46 = arith.constant 0 : index
    tpu.barrier barrier_id(%barrier3A_46)
    %mul3A_47 = arith.constant 640 : i32
    %mul3A_48 = arith.muli %arg1, %mul3A_47 : i32
    %mul3A_49 = arith.constant 640 : i32
    %mul3A_50 = arith.muli %arg1, %mul3A_49 : i32
    "tpu.region"() ({
      %run_scoped3A_51 = tpu.sem_alloc : memref<!tpu.dma_semaphore, #tpu.memory_space<semaphore_mem>>
      %dma_start3A = arith.constant 0 : i32
      %dma_start3A_52 = tpu.memref_slice %arg5[%arg0, %mul3A_50, %dma_start3A] : memref<2x10240x128xf32, #tpu.memory_space<hbm>> -> memref<1x640x128xf32, #tpu.memory_space<hbm>>
      %dma_start3A_53 = tpu.memref_squeeze %dma_start3A_52 : memref<1x640x128xf32, #tpu.memory_space<hbm>> -> memref<640x128xf32, #tpu.memory_space<hbm>>
      %dma_start3A_54 = arith.constant 0 : i32
      %dma_start3A_55 = tpu.memref_slice %arg9[%mul3A_48, %dma_start3A_54] : memref<10240x128xf32, #tpu.memory_space<vmem_shared>> -> memref<640x128xf32, #tpu.memory_space<vmem_shared>>
      tpu.enqueue_dma source(%dma_start3A_55 : memref<640x128xf32, #tpu.memory_space<vmem_shared>>) target(%dma_start3A_53 : memref<640x128xf32, #tpu.memory_space<hbm>>) target_semaphore(%run_scoped3A_51 : memref<!tpu.dma_semaphore, #tpu.memory_space<semaphore_mem>>)
      %dma_wait3A = arith.constant 0 : i32
      %dma_wait3A_56 = tpu.memref_slice %arg5[%arg0, %mul3A_50, %dma_wait3A] : memref<2x10240x128xf32, #tpu.memory_space<hbm>> -> memref<1x640x128xf32, #tpu.memory_space<hbm>>
      %dma_wait3A_57 = tpu.memref_squeeze %dma_wait3A_56 : memref<1x640x128xf32, #tpu.memory_space<hbm>> -> memref<640x128xf32, #tpu.memory_space<hbm>>
      %dma_wait3A_58 = arith.constant 0 : i32
      %dma_wait3A_59 = tpu.memref_slice %arg9[%mul3A_48, %dma_wait3A_58] : memref<10240x128xf32, #tpu.memory_space<vmem_shared>> -> memref<640x128xf32, #tpu.memory_space<vmem_shared>>
      tpu.wait_dma2 semaphore(%run_scoped3A_51 : memref<!tpu.dma_semaphore, #tpu.memory_space<semaphore_mem>>) src(%dma_wait3A_59 : memref<640x128xf32, #tpu.memory_space<vmem_shared>>) dst(%dma_wait3A_57 : memref<640x128xf32, #tpu.memory_space<hbm>>)
      tpu.yield
    }) : () -> ()
    return
  }
}

#map = affine_map<(d0, d1) -> (0, 0)>
#map1 = affine_map<(d0, d1) -> (0, 0, 0)>
module attributes {stable_mosaic.version = 14 : i64} {
  func.func @_agg_body(%arg0: i32, %arg1: i32, %arg2: memref<10240x128xf32, #tpu.memory_space<hbm>>, %arg3: memref<2560x128xi32, #tpu.memory_space<hbm>>, %arg4: memref<2560x128xi32, #tpu.memory_space<hbm>>, %arg5: memref<2x10240x128xf32, #tpu.memory_space<hbm>>, %arg6: memref<40x128xi32, #tpu.memory_space<vmem>>, %arg7: memref<40x128xi32, #tpu.memory_space<vmem>>, %arg8: memref<2x128x128xf32, #tpu.memory_space<vmem>>, %arg9: memref<10240x128xf32, #tpu.memory_space<vmem_shared>>, %arg10: memref<!tpu.dma_semaphore, #tpu.memory_space<semaphore_mem>>, %arg11: memref<!tpu.dma_semaphore, #tpu.memory_space<semaphore_mem>>) attributes {dimension_semantics = [#tpu.dimension_semantics<core_parallel>, #tpu.dimension_semantics<subcore_parallel>], iteration_bounds = array<i64: 2, 16>, scalar_prefetch = 0 : i64, scratch_operands = 6 : i64, tpu.core_type = #tpu.core_type<sc_vector_subcore>, window_params = [{transform_indices = #map}, {transform_indices = #map}, {transform_indices = #map}, {transform_indices = #map1}]} {
    %broadcast_in_dim3A = arith.constant 0.000000e+00 : f32
    %broadcast_in_dim3A_0 = vector.broadcast %broadcast_in_dim3A : f32 to vector<16xf32>
    %scan3A = arith.constant 0 : i32
    %scan3A_1 = arith.constant 0 : i32
    %scan3A_2 = arith.constant 128 : i32
    %scan3A_3 = arith.addi %scan3A_1, %scan3A_2 : i32
    %scan3A_4 = arith.constant 1 : i32
    %scan3A_5 = scf.for %scan3A_51 = %scan3A_1 to %scan3A_3 step %scan3A_4 iter_args(%scan3A_52 = %scan3A) -> (i32)  : i32 {
      %swap3A = arith.constant 0 : i32
      %swap3A_53 = arith.index_cast %swap3A : i32 to index
      %swap3A_54 = arith.index_cast %scan3A_51 : i32 to index
      %swap3A_55 = arith.constant 0 : index
      %swap3A_56 = tpu.vector_load %arg8[%swap3A_53, %swap3A_54, %swap3A_55] {strides = array<i32>} : memref<2x128x128xf32, #tpu.memory_space<vmem>>, vector<1x1x16xf32>,
      %swap3A_57 = vector.shape_cast %swap3A_56 : vector<1x1x16xf32> to vector<16xf32>
      %swap3A_58 = vector.shape_cast %broadcast_in_dim3A_0 : vector<16xf32> to vector<1x1x16xf32>
      tpu.vector_store %arg8[%swap3A_53, %swap3A_54, %swap3A_55], %swap3A_58 {strides = array<i32>} : memref<2x128x128xf32, #tpu.memory_space<vmem>>, vector<1x1x16xf32>,
      %swap3A_59 = arith.constant 0 : i32
      %swap3A_60 = arith.index_cast %swap3A_59 : i32 to index
      %swap3A_61 = arith.index_cast %scan3A_51 : i32 to index
      %swap3A_62 = arith.constant 16 : index
      %swap3A_63 = tpu.vector_load %arg8[%swap3A_60, %swap3A_61, %swap3A_62] {strides = array<i32>} : memref<2x128x128xf32, #tpu.memory_space<vmem>>, vector<1x1x16xf32>,
      %swap3A_64 = vector.shape_cast %swap3A_63 : vector<1x1x16xf32> to vector<16xf32>
      %swap3A_65 = vector.shape_cast %broadcast_in_dim3A_0 : vector<16xf32> to vector<1x1x16xf32>
      tpu.vector_store %arg8[%swap3A_60, %swap3A_61, %swap3A_62], %swap3A_65 {strides = array<i32>} : memref<2x128x128xf32, #tpu.memory_space<vmem>>, vector<1x1x16xf32>,
      %swap3A_66 = arith.constant 0 : i32
      %swap3A_67 = arith.index_cast %swap3A_66 : i32 to index
      %swap3A_68 = arith.index_cast %scan3A_51 : i32 to index
      %swap3A_69 = arith.constant 32 : index
      %swap3A_70 = tpu.vector_load %arg8[%swap3A_67, %swap3A_68, %swap3A_69] {strides = array<i32>} : memref<2x128x128xf32, #tpu.memory_space<vmem>>, vector<1x1x16xf32>,
      %swap3A_71 = vector.shape_cast %swap3A_70 : vector<1x1x16xf32> to vector<16xf32>
      %swap3A_72 = vector.shape_cast %broadcast_in_dim3A_0 : vector<16xf32> to vector<1x1x16xf32>
      tpu.vector_store %arg8[%swap3A_67, %swap3A_68, %swap3A_69], %swap3A_72 {strides = array<i32>} : memref<2x128x128xf32, #tpu.memory_space<vmem>>, vector<1x1x16xf32>,
      %swap3A_73 = arith.constant 0 : i32
      %swap3A_74 = arith.index_cast %swap3A_73 : i32 to index
      %swap3A_75 = arith.index_cast %scan3A_51 : i32 to index
      %swap3A_76 = arith.constant 48 : index
      %swap3A_77 = tpu.vector_load %arg8[%swap3A_74, %swap3A_75, %swap3A_76] {strides = array<i32>} : memref<2x128x128xf32, #tpu.memory_space<vmem>>, vector<1x1x16xf32>,
      %swap3A_78 = vector.shape_cast %swap3A_77 : vector<1x1x16xf32> to vector<16xf32>
      %swap3A_79 = vector.shape_cast %broadcast_in_dim3A_0 : vector<16xf32> to vector<1x1x16xf32>
      tpu.vector_store %arg8[%swap3A_74, %swap3A_75, %swap3A_76], %swap3A_79 {strides = array<i32>} : memref<2x128x128xf32, #tpu.memory_space<vmem>>, vector<1x1x16xf32>,
      %swap3A_80 = arith.constant 0 : i32
      %swap3A_81 = arith.index_cast %swap3A_80 : i32 to index
      %swap3A_82 = arith.index_cast %scan3A_51 : i32 to index
      %swap3A_83 = arith.constant 64 : index
      %swap3A_84 = tpu.vector_load %arg8[%swap3A_81, %swap3A_82, %swap3A_83] {strides = array<i32>} : memref<2x128x128xf32, #tpu.memory_space<vmem>>, vector<1x1x16xf32>,
      %swap3A_85 = vector.shape_cast %swap3A_84 : vector<1x1x16xf32> to vector<16xf32>
      %swap3A_86 = vector.shape_cast %broadcast_in_dim3A_0 : vector<16xf32> to vector<1x1x16xf32>
      tpu.vector_store %arg8[%swap3A_81, %swap3A_82, %swap3A_83], %swap3A_86 {strides = array<i32>} : memref<2x128x128xf32, #tpu.memory_space<vmem>>, vector<1x1x16xf32>,
      %swap3A_87 = arith.constant 0 : i32
      %swap3A_88 = arith.index_cast %swap3A_87 : i32 to index
      %swap3A_89 = arith.index_cast %scan3A_51 : i32 to index
      %swap3A_90 = arith.constant 80 : index
      %swap3A_91 = tpu.vector_load %arg8[%swap3A_88, %swap3A_89, %swap3A_90] {strides = array<i32>} : memref<2x128x128xf32, #tpu.memory_space<vmem>>, vector<1x1x16xf32>,
      %swap3A_92 = vector.shape_cast %swap3A_91 : vector<1x1x16xf32> to vector<16xf32>
      %swap3A_93 = vector.shape_cast %broadcast_in_dim3A_0 : vector<16xf32> to vector<1x1x16xf32>
      tpu.vector_store %arg8[%swap3A_88, %swap3A_89, %swap3A_90], %swap3A_93 {strides = array<i32>} : memref<2x128x128xf32, #tpu.memory_space<vmem>>, vector<1x1x16xf32>,
      %swap3A_94 = arith.constant 0 : i32
      %swap3A_95 = arith.index_cast %swap3A_94 : i32 to index
      %swap3A_96 = arith.index_cast %scan3A_51 : i32 to index
      %swap3A_97 = arith.constant 96 : index
      %swap3A_98 = tpu.vector_load %arg8[%swap3A_95, %swap3A_96, %swap3A_97] {strides = array<i32>} : memref<2x128x128xf32, #tpu.memory_space<vmem>>, vector<1x1x16xf32>,
      %swap3A_99 = vector.shape_cast %swap3A_98 : vector<1x1x16xf32> to vector<16xf32>
      %swap3A_100 = vector.shape_cast %broadcast_in_dim3A_0 : vector<16xf32> to vector<1x1x16xf32>
      tpu.vector_store %arg8[%swap3A_95, %swap3A_96, %swap3A_97], %swap3A_100 {strides = array<i32>} : memref<2x128x128xf32, #tpu.memory_space<vmem>>, vector<1x1x16xf32>,
      %swap3A_101 = arith.constant 0 : i32
      %swap3A_102 = arith.index_cast %swap3A_101 : i32 to index
      %swap3A_103 = arith.index_cast %scan3A_51 : i32 to index
      %swap3A_104 = arith.constant 112 : index
      %swap3A_105 = tpu.vector_load %arg8[%swap3A_102, %swap3A_103, %swap3A_104] {strides = array<i32>} : memref<2x128x128xf32, #tpu.memory_space<vmem>>, vector<1x1x16xf32>,
      %swap3A_106 = vector.shape_cast %swap3A_105 : vector<1x1x16xf32> to vector<16xf32>
      %swap3A_107 = vector.shape_cast %broadcast_in_dim3A_0 : vector<16xf32> to vector<1x1x16xf32>
      tpu.vector_store %arg8[%swap3A_102, %swap3A_103, %swap3A_104], %swap3A_107 {strides = array<i32>} : memref<2x128x128xf32, #tpu.memory_space<vmem>>, vector<1x1x16xf32>,
      %scan3A_108 = arith.constant 0 : i32
      scf.yield %scan3A_108 : i32
    }
    %scan3A_6 = arith.constant 128 : i32
    %mul3A = arith.constant 640 : i32
    %mul3A_7 = arith.muli %arg1, %mul3A : i32
    %add3A = arith.constant 0 : i32
    %add3A_8 = arith.addi %mul3A_7, %add3A : i32
    %run_scoped3A = arith.constant 0 : i32
    "tpu.region"() ({
      %run_scoped3A_51 = tpu.sem_alloc : memref<!tpu.dma_semaphore, #tpu.memory_space<semaphore_mem>>
      %dma_start3A = arith.constant 0 : i32
      %dma_start3A_52 = arith.constant 0 : i32
      %dma_start3A_53 = tpu.memref_slice %arg8[%run_scoped3A, %dma_start3A, %dma_start3A_52] : memref<2x128x128xf32, #tpu.memory_space<vmem>> -> memref<1x128x128xf32, #tpu.memory_space<vmem>>
      %dma_start3A_54 = tpu.memref_squeeze %dma_start3A_53 : memref<1x128x128xf32, #tpu.memory_space<vmem>> -> memref<128x128xf32, #tpu.memory_space<vmem>>
      %dma_start3A_55 = arith.constant 0 : i32
      %dma_start3A_56 = tpu.memref_slice %arg9[%add3A_8, %dma_start3A_55] : memref<10240x128xf32, #tpu.memory_space<vmem_shared>> -> memref<128x128xf32, #tpu.memory_space<vmem_shared>>
      %dma_start3A_57 = arith.constant 0 : i32
      %dma_start3A_58 = tpu.memref_slice %arg9[%add3A_8, %dma_start3A_57] : memref<10240x128xf32, #tpu.memory_space<vmem_shared>> -> memref<128x128xf32, #tpu.memory_space<vmem_shared>>
      %dma_start3A_59 = arith.constant 0 : i32
      %dma_start3A_60 = arith.constant 0 : i32
      %dma_start3A_61 = tpu.memref_slice %arg8[%run_scoped3A, %dma_start3A_59, %dma_start3A_60] : memref<2x128x128xf32, #tpu.memory_space<vmem>> -> memref<1x128x128xf32, #tpu.memory_space<vmem>>
      %dma_start3A_62 = tpu.memref_squeeze %dma_start3A_61 : memref<1x128x128xf32, #tpu.memory_space<vmem>> -> memref<128x128xf32, #tpu.memory_space<vmem>>
      tpu.enqueue_dma source(%dma_start3A_62 : memref<128x128xf32, #tpu.memory_space<vmem>>) target(%dma_start3A_58 : memref<128x128xf32, #tpu.memory_space<vmem_shared>>) target_semaphore(%run_scoped3A_51 : memref<!tpu.dma_semaphore, #tpu.memory_space<semaphore_mem>>)
      %dma_wait3A = arith.constant 0 : i32
      %dma_wait3A_63 = arith.constant 0 : i32
      %dma_wait3A_64 = tpu.memref_slice %arg8[%run_scoped3A, %dma_wait3A, %dma_wait3A_63] : memref<2x128x128xf32, #tpu.memory_space<vmem>> -> memref<1x128x128xf32, #tpu.memory_space<vmem>>
      %dma_wait3A_65 = tpu.memref_squeeze %dma_wait3A_64 : memref<1x128x128xf32, #tpu.memory_space<vmem>> -> memref<128x128xf32, #tpu.memory_space<vmem>>
      %dma_wait3A_66 = arith.constant 0 : i32
      %dma_wait3A_67 = tpu.memref_slice %arg9[%add3A_8, %dma_wait3A_66] : memref<10240x128xf32, #tpu.memory_space<vmem_shared>> -> memref<128x128xf32, #tpu.memory_space<vmem_shared>>
      %dma_wait3A_68 = arith.constant 0 : i32
      %dma_wait3A_69 = tpu.memref_slice %arg9[%add3A_8, %dma_wait3A_68] : memref<10240x128xf32, #tpu.memory_space<vmem_shared>> -> memref<128x128xf32, #tpu.memory_space<vmem_shared>>
      %dma_wait3A_70 = arith.constant 0 : i32
      %dma_wait3A_71 = arith.constant 0 : i32
      %dma_wait3A_72 = tpu.memref_slice %arg8[%run_scoped3A, %dma_wait3A_70, %dma_wait3A_71] : memref<2x128x128xf32, #tpu.memory_space<vmem>> -> memref<1x128x128xf32, #tpu.memory_space<vmem>>
      %dma_wait3A_73 = tpu.memref_squeeze %dma_wait3A_72 : memref<1x128x128xf32, #tpu.memory_space<vmem>> -> memref<128x128xf32, #tpu.memory_space<vmem>>
      tpu.wait_dma2 semaphore(%run_scoped3A_51 : memref<!tpu.dma_semaphore, #tpu.memory_space<semaphore_mem>>) src(%dma_wait3A_73 : memref<128x128xf32, #tpu.memory_space<vmem>>) dst(%dma_wait3A_69 : memref<128x128xf32, #tpu.memory_space<vmem_shared>>)
      tpu.yield
    }) : () -> ()
    %mul3A_9 = arith.constant 640 : i32
    %mul3A_10 = arith.muli %arg1, %mul3A_9 : i32
    %add3A_11 = arith.constant 128 : i32
    %add3A_12 = arith.addi %mul3A_10, %add3A_11 : i32
    %run_scoped3A_13 = arith.constant 0 : i32
    "tpu.region"() ({
      %run_scoped3A_51 = tpu.sem_alloc : memref<!tpu.dma_semaphore, #tpu.memory_space<semaphore_mem>>
      %dma_start3A = arith.constant 0 : i32
      %dma_start3A_52 = arith.constant 0 : i32
      %dma_start3A_53 = tpu.memref_slice %arg8[%run_scoped3A_13, %dma_start3A, %dma_start3A_52] : memref<2x128x128xf32, #tpu.memory_space<vmem>> -> memref<1x128x128xf32, #tpu.memory_space<vmem>>
      %dma_start3A_54 = tpu.memref_squeeze %dma_start3A_53 : memref<1x128x128xf32, #tpu.memory_space<vmem>> -> memref<128x128xf32, #tpu.memory_space<vmem>>
      %dma_start3A_55 = arith.constant 0 : i32
      %dma_start3A_56 = tpu.memref_slice %arg9[%add3A_12, %dma_start3A_55] : memref<10240x128xf32, #tpu.memory_space<vmem_shared>> -> memref<128x128xf32, #tpu.memory_space<vmem_shared>>
      %dma_start3A_57 = arith.constant 0 : i32
      %dma_start3A_58 = tpu.memref_slice %arg9[%add3A_12, %dma_start3A_57] : memref<10240x128xf32, #tpu.memory_space<vmem_shared>> -> memref<128x128xf32, #tpu.memory_space<vmem_shared>>
      %dma_start3A_59 = arith.constant 0 : i32
      %dma_start3A_60 = arith.constant 0 : i32
      %dma_start3A_61 = tpu.memref_slice %arg8[%run_scoped3A_13, %dma_start3A_59, %dma_start3A_60] : memref<2x128x128xf32, #tpu.memory_space<vmem>> -> memref<1x128x128xf32, #tpu.memory_space<vmem>>
      %dma_start3A_62 = tpu.memref_squeeze %dma_start3A_61 : memref<1x128x128xf32, #tpu.memory_space<vmem>> -> memref<128x128xf32, #tpu.memory_space<vmem>>
      tpu.enqueue_dma source(%dma_start3A_62 : memref<128x128xf32, #tpu.memory_space<vmem>>) target(%dma_start3A_58 : memref<128x128xf32, #tpu.memory_space<vmem_shared>>) target_semaphore(%run_scoped3A_51 : memref<!tpu.dma_semaphore, #tpu.memory_space<semaphore_mem>>)
      %dma_wait3A = arith.constant 0 : i32
      %dma_wait3A_63 = arith.constant 0 : i32
      %dma_wait3A_64 = tpu.memref_slice %arg8[%run_scoped3A_13, %dma_wait3A, %dma_wait3A_63] : memref<2x128x128xf32, #tpu.memory_space<vmem>> -> memref<1x128x128xf32, #tpu.memory_space<vmem>>
      %dma_wait3A_65 = tpu.memref_squeeze %dma_wait3A_64 : memref<1x128x128xf32, #tpu.memory_space<vmem>> -> memref<128x128xf32, #tpu.memory_space<vmem>>
      %dma_wait3A_66 = arith.constant 0 : i32
      %dma_wait3A_67 = tpu.memref_slice %arg9[%add3A_12, %dma_wait3A_66] : memref<10240x128xf32, #tpu.memory_space<vmem_shared>> -> memref<128x128xf32, #tpu.memory_space<vmem_shared>>
      %dma_wait3A_68 = arith.constant 0 : i32
      %dma_wait3A_69 = tpu.memref_slice %arg9[%add3A_12, %dma_wait3A_68] : memref<10240x128xf32, #tpu.memory_space<vmem_shared>> -> memref<128x128xf32, #tpu.memory_space<vmem_shared>>
      %dma_wait3A_70 = arith.constant 0 : i32
      %dma_wait3A_71 = arith.constant 0 : i32
      %dma_wait3A_72 = tpu.memref_slice %arg8[%run_scoped3A_13, %dma_wait3A_70, %dma_wait3A_71] : memref<2x128x128xf32, #tpu.memory_space<vmem>> -> memref<1x128x128xf32, #tpu.memory_space<vmem>>
      %dma_wait3A_73 = tpu.memref_squeeze %dma_wait3A_72 : memref<1x128x128xf32, #tpu.memory_space<vmem>> -> memref<128x128xf32, #tpu.memory_space<vmem>>
      tpu.wait_dma2 semaphore(%run_scoped3A_51 : memref<!tpu.dma_semaphore, #tpu.memory_space<semaphore_mem>>) src(%dma_wait3A_73 : memref<128x128xf32, #tpu.memory_space<vmem>>) dst(%dma_wait3A_69 : memref<128x128xf32, #tpu.memory_space<vmem_shared>>)
      tpu.yield
    }) : () -> ()
    %mul3A_14 = arith.constant 640 : i32
    %mul3A_15 = arith.muli %arg1, %mul3A_14 : i32
    %add3A_16 = arith.constant 256 : i32
    %add3A_17 = arith.addi %mul3A_15, %add3A_16 : i32
    %run_scoped3A_18 = arith.constant 0 : i32
    "tpu.region"() ({
      %run_scoped3A_51 = tpu.sem_alloc : memref<!tpu.dma_semaphore, #tpu.memory_space<semaphore_mem>>
      %dma_start3A = arith.constant 0 : i32
      %dma_start3A_52 = arith.constant 0 : i32
      %dma_start3A_53 = tpu.memref_slice %arg8[%run_scoped3A_18, %dma_start3A, %dma_start3A_52] : memref<2x128x128xf32, #tpu.memory_space<vmem>> -> memref<1x128x128xf32, #tpu.memory_space<vmem>>
      %dma_start3A_54 = tpu.memref_squeeze %dma_start3A_53 : memref<1x128x128xf32, #tpu.memory_space<vmem>> -> memref<128x128xf32, #tpu.memory_space<vmem>>
      %dma_start3A_55 = arith.constant 0 : i32
      %dma_start3A_56 = tpu.memref_slice %arg9[%add3A_17, %dma_start3A_55] : memref<10240x128xf32, #tpu.memory_space<vmem_shared>> -> memref<128x128xf32, #tpu.memory_space<vmem_shared>>
      %dma_start3A_57 = arith.constant 0 : i32
      %dma_start3A_58 = tpu.memref_slice %arg9[%add3A_17, %dma_start3A_57] : memref<10240x128xf32, #tpu.memory_space<vmem_shared>> -> memref<128x128xf32, #tpu.memory_space<vmem_shared>>
      %dma_start3A_59 = arith.constant 0 : i32
      %dma_start3A_60 = arith.constant 0 : i32
      %dma_start3A_61 = tpu.memref_slice %arg8[%run_scoped3A_18, %dma_start3A_59, %dma_start3A_60] : memref<2x128x128xf32, #tpu.memory_space<vmem>> -> memref<1x128x128xf32, #tpu.memory_space<vmem>>
      %dma_start3A_62 = tpu.memref_squeeze %dma_start3A_61 : memref<1x128x128xf32, #tpu.memory_space<vmem>> -> memref<128x128xf32, #tpu.memory_space<vmem>>
      tpu.enqueue_dma source(%dma_start3A_62 : memref<128x128xf32, #tpu.memory_space<vmem>>) target(%dma_start3A_58 : memref<128x128xf32, #tpu.memory_space<vmem_shared>>) target_semaphore(%run_scoped3A_51 : memref<!tpu.dma_semaphore, #tpu.memory_space<semaphore_mem>>)
      %dma_wait3A = arith.constant 0 : i32
      %dma_wait3A_63 = arith.constant 0 : i32
      %dma_wait3A_64 = tpu.memref_slice %arg8[%run_scoped3A_18, %dma_wait3A, %dma_wait3A_63] : memref<2x128x128xf32, #tpu.memory_space<vmem>> -> memref<1x128x128xf32, #tpu.memory_space<vmem>>
      %dma_wait3A_65 = tpu.memref_squeeze %dma_wait3A_64 : memref<1x128x128xf32, #tpu.memory_space<vmem>> -> memref<128x128xf32, #tpu.memory_space<vmem>>
      %dma_wait3A_66 = arith.constant 0 : i32
      %dma_wait3A_67 = tpu.memref_slice %arg9[%add3A_17, %dma_wait3A_66] : memref<10240x128xf32, #tpu.memory_space<vmem_shared>> -> memref<128x128xf32, #tpu.memory_space<vmem_shared>>
      %dma_wait3A_68 = arith.constant 0 : i32
      %dma_wait3A_69 = tpu.memref_slice %arg9[%add3A_17, %dma_wait3A_68] : memref<10240x128xf32, #tpu.memory_space<vmem_shared>> -> memref<128x128xf32, #tpu.memory_space<vmem_shared>>
      %dma_wait3A_70 = arith.constant 0 : i32
      %dma_wait3A_71 = arith.constant 0 : i32
      %dma_wait3A_72 = tpu.memref_slice %arg8[%run_scoped3A_18, %dma_wait3A_70, %dma_wait3A_71] : memref<2x128x128xf32, #tpu.memory_space<vmem>> -> memref<1x128x128xf32, #tpu.memory_space<vmem>>
      %dma_wait3A_73 = tpu.memref_squeeze %dma_wait3A_72 : memref<1x128x128xf32, #tpu.memory_space<vmem>> -> memref<128x128xf32, #tpu.memory_space<vmem>>
      tpu.wait_dma2 semaphore(%run_scoped3A_51 : memref<!tpu.dma_semaphore, #tpu.memory_space<semaphore_mem>>) src(%dma_wait3A_73 : memref<128x128xf32, #tpu.memory_space<vmem>>) dst(%dma_wait3A_69 : memref<128x128xf32, #tpu.memory_space<vmem_shared>>)
      tpu.yield
    }) : () -> ()
    %mul3A_19 = arith.constant 640 : i32
    %mul3A_20 = arith.muli %arg1, %mul3A_19 : i32
    %add3A_21 = arith.constant 384 : i32
    %add3A_22 = arith.addi %mul3A_20, %add3A_21 : i32
    %run_scoped3A_23 = arith.constant 0 : i32
    "tpu.region"() ({
      %run_scoped3A_51 = tpu.sem_alloc : memref<!tpu.dma_semaphore, #tpu.memory_space<semaphore_mem>>
      %dma_start3A = arith.constant 0 : i32
      %dma_start3A_52 = arith.constant 0 : i32
      %dma_start3A_53 = tpu.memref_slice %arg8[%run_scoped3A_23, %dma_start3A, %dma_start3A_52] : memref<2x128x128xf32, #tpu.memory_space<vmem>> -> memref<1x128x128xf32, #tpu.memory_space<vmem>>
      %dma_start3A_54 = tpu.memref_squeeze %dma_start3A_53 : memref<1x128x128xf32, #tpu.memory_space<vmem>> -> memref<128x128xf32, #tpu.memory_space<vmem>>
      %dma_start3A_55 = arith.constant 0 : i32
      %dma_start3A_56 = tpu.memref_slice %arg9[%add3A_22, %dma_start3A_55] : memref<10240x128xf32, #tpu.memory_space<vmem_shared>> -> memref<128x128xf32, #tpu.memory_space<vmem_shared>>
      %dma_start3A_57 = arith.constant 0 : i32
      %dma_start3A_58 = tpu.memref_slice %arg9[%add3A_22, %dma_start3A_57] : memref<10240x128xf32, #tpu.memory_space<vmem_shared>> -> memref<128x128xf32, #tpu.memory_space<vmem_shared>>
      %dma_start3A_59 = arith.constant 0 : i32
      %dma_start3A_60 = arith.constant 0 : i32
      %dma_start3A_61 = tpu.memref_slice %arg8[%run_scoped3A_23, %dma_start3A_59, %dma_start3A_60] : memref<2x128x128xf32, #tpu.memory_space<vmem>> -> memref<1x128x128xf32, #tpu.memory_space<vmem>>
      %dma_start3A_62 = tpu.memref_squeeze %dma_start3A_61 : memref<1x128x128xf32, #tpu.memory_space<vmem>> -> memref<128x128xf32, #tpu.memory_space<vmem>>
      tpu.enqueue_dma source(%dma_start3A_62 : memref<128x128xf32, #tpu.memory_space<vmem>>) target(%dma_start3A_58 : memref<128x128xf32, #tpu.memory_space<vmem_shared>>) target_semaphore(%run_scoped3A_51 : memref<!tpu.dma_semaphore, #tpu.memory_space<semaphore_mem>>)
      %dma_wait3A = arith.constant 0 : i32
      %dma_wait3A_63 = arith.constant 0 : i32
      %dma_wait3A_64 = tpu.memref_slice %arg8[%run_scoped3A_23, %dma_wait3A, %dma_wait3A_63] : memref<2x128x128xf32, #tpu.memory_space<vmem>> -> memref<1x128x128xf32, #tpu.memory_space<vmem>>
      %dma_wait3A_65 = tpu.memref_squeeze %dma_wait3A_64 : memref<1x128x128xf32, #tpu.memory_space<vmem>> -> memref<128x128xf32, #tpu.memory_space<vmem>>
      %dma_wait3A_66 = arith.constant 0 : i32
      %dma_wait3A_67 = tpu.memref_slice %arg9[%add3A_22, %dma_wait3A_66] : memref<10240x128xf32, #tpu.memory_space<vmem_shared>> -> memref<128x128xf32, #tpu.memory_space<vmem_shared>>
      %dma_wait3A_68 = arith.constant 0 : i32
      %dma_wait3A_69 = tpu.memref_slice %arg9[%add3A_22, %dma_wait3A_68] : memref<10240x128xf32, #tpu.memory_space<vmem_shared>> -> memref<128x128xf32, #tpu.memory_space<vmem_shared>>
      %dma_wait3A_70 = arith.constant 0 : i32
      %dma_wait3A_71 = arith.constant 0 : i32
      %dma_wait3A_72 = tpu.memref_slice %arg8[%run_scoped3A_23, %dma_wait3A_70, %dma_wait3A_71] : memref<2x128x128xf32, #tpu.memory_space<vmem>> -> memref<1x128x128xf32, #tpu.memory_space<vmem>>
      %dma_wait3A_73 = tpu.memref_squeeze %dma_wait3A_72 : memref<1x128x128xf32, #tpu.memory_space<vmem>> -> memref<128x128xf32, #tpu.memory_space<vmem>>
      tpu.wait_dma2 semaphore(%run_scoped3A_51 : memref<!tpu.dma_semaphore, #tpu.memory_space<semaphore_mem>>) src(%dma_wait3A_73 : memref<128x128xf32, #tpu.memory_space<vmem>>) dst(%dma_wait3A_69 : memref<128x128xf32, #tpu.memory_space<vmem_shared>>)
      tpu.yield
    }) : () -> ()
    %mul3A_24 = arith.constant 640 : i32
    %mul3A_25 = arith.muli %arg1, %mul3A_24 : i32
    %add3A_26 = arith.constant 512 : i32
    %add3A_27 = arith.addi %mul3A_25, %add3A_26 : i32
    %run_scoped3A_28 = arith.constant 0 : i32
    "tpu.region"() ({
      %run_scoped3A_51 = tpu.sem_alloc : memref<!tpu.dma_semaphore, #tpu.memory_space<semaphore_mem>>
      %dma_start3A = arith.constant 0 : i32
      %dma_start3A_52 = arith.constant 0 : i32
      %dma_start3A_53 = tpu.memref_slice %arg8[%run_scoped3A_28, %dma_start3A, %dma_start3A_52] : memref<2x128x128xf32, #tpu.memory_space<vmem>> -> memref<1x128x128xf32, #tpu.memory_space<vmem>>
      %dma_start3A_54 = tpu.memref_squeeze %dma_start3A_53 : memref<1x128x128xf32, #tpu.memory_space<vmem>> -> memref<128x128xf32, #tpu.memory_space<vmem>>
      %dma_start3A_55 = arith.constant 0 : i32
      %dma_start3A_56 = tpu.memref_slice %arg9[%add3A_27, %dma_start3A_55] : memref<10240x128xf32, #tpu.memory_space<vmem_shared>> -> memref<128x128xf32, #tpu.memory_space<vmem_shared>>
      %dma_start3A_57 = arith.constant 0 : i32
      %dma_start3A_58 = tpu.memref_slice %arg9[%add3A_27, %dma_start3A_57] : memref<10240x128xf32, #tpu.memory_space<vmem_shared>> -> memref<128x128xf32, #tpu.memory_space<vmem_shared>>
      %dma_start3A_59 = arith.constant 0 : i32
      %dma_start3A_60 = arith.constant 0 : i32
      %dma_start3A_61 = tpu.memref_slice %arg8[%run_scoped3A_28, %dma_start3A_59, %dma_start3A_60] : memref<2x128x128xf32, #tpu.memory_space<vmem>> -> memref<1x128x128xf32, #tpu.memory_space<vmem>>
      %dma_start3A_62 = tpu.memref_squeeze %dma_start3A_61 : memref<1x128x128xf32, #tpu.memory_space<vmem>> -> memref<128x128xf32, #tpu.memory_space<vmem>>
      tpu.enqueue_dma source(%dma_start3A_62 : memref<128x128xf32, #tpu.memory_space<vmem>>) target(%dma_start3A_58 : memref<128x128xf32, #tpu.memory_space<vmem_shared>>) target_semaphore(%run_scoped3A_51 : memref<!tpu.dma_semaphore, #tpu.memory_space<semaphore_mem>>)
      %dma_wait3A = arith.constant 0 : i32
      %dma_wait3A_63 = arith.constant 0 : i32
      %dma_wait3A_64 = tpu.memref_slice %arg8[%run_scoped3A_28, %dma_wait3A, %dma_wait3A_63] : memref<2x128x128xf32, #tpu.memory_space<vmem>> -> memref<1x128x128xf32, #tpu.memory_space<vmem>>
      %dma_wait3A_65 = tpu.memref_squeeze %dma_wait3A_64 : memref<1x128x128xf32, #tpu.memory_space<vmem>> -> memref<128x128xf32, #tpu.memory_space<vmem>>
      %dma_wait3A_66 = arith.constant 0 : i32
      %dma_wait3A_67 = tpu.memref_slice %arg9[%add3A_27, %dma_wait3A_66] : memref<10240x128xf32, #tpu.memory_space<vmem_shared>> -> memref<128x128xf32, #tpu.memory_space<vmem_shared>>
      %dma_wait3A_68 = arith.constant 0 : i32
      %dma_wait3A_69 = tpu.memref_slice %arg9[%add3A_27, %dma_wait3A_68] : memref<10240x128xf32, #tpu.memory_space<vmem_shared>> -> memref<128x128xf32, #tpu.memory_space<vmem_shared>>
      %dma_wait3A_70 = arith.constant 0 : i32
      %dma_wait3A_71 = arith.constant 0 : i32
      %dma_wait3A_72 = tpu.memref_slice %arg8[%run_scoped3A_28, %dma_wait3A_70, %dma_wait3A_71] : memref<2x128x128xf32, #tpu.memory_space<vmem>> -> memref<1x128x128xf32, #tpu.memory_space<vmem>>
      %dma_wait3A_73 = tpu.memref_squeeze %dma_wait3A_72 : memref<1x128x128xf32, #tpu.memory_space<vmem>> -> memref<128x128xf32, #tpu.memory_space<vmem>>
      tpu.wait_dma2 semaphore(%run_scoped3A_51 : memref<!tpu.dma_semaphore, #tpu.memory_space<semaphore_mem>>) src(%dma_wait3A_73 : memref<128x128xf32, #tpu.memory_space<vmem>>) dst(%dma_wait3A_69 : memref<128x128xf32, #tpu.memory_space<vmem_shared>>)
      tpu.yield
    }) : () -> ()
    %barrier3A = arith.constant 0 : index
    tpu.barrier barrier_id(%barrier3A)
    %sub3A = arith.constant 1 : i32
    %sub3A_29 = arith.subi %sub3A, %arg0 : i32
    %mul3A_30 = arith.muli %sub3A_29, %arg1 : i32
    %mul3A_31 = arith.constant 120 : i32
    %mul3A_32 = arith.muli %mul3A_30, %mul3A_31 : i32
    %mul3A_33 = arith.constant 40 : i32
    %mul3A_34 = arith.muli %arg1, %mul3A_33 : i32
    %add3A_35 = arith.constant 1920 : i32
    %add3A_36 = arith.addi %add3A_35, %mul3A_34 : i32
    %mul3A_37 = arith.muli %arg0, %add3A_36 : i32
    %add3A_38 = arith.addi %mul3A_32, %mul3A_37 : i32
    %eq3A = arith.constant 0 : i32
    %eq3A_39 = arith.cmpi eq, %arg0, %eq3A : i32
    %convert_element_type3A = arith.extui %eq3A_39 : i1 to i32
    %cond3A = arith.constant 0 : i32
    %cond3A_40 = arith.cmpi ne, %convert_element_type3A, %cond3A : i32
    scf.if %cond3A_40 {
      %add3A_51 = arith.constant 0 : i32
      %add3A_52 = arith.addi %add3A_38, %add3A_51 : i32
      "tpu.region"() ({
        %run_scoped3A_113 = tpu.sem_alloc : memref<!tpu.dma_semaphore, #tpu.memory_space<semaphore_mem>>
        %dma_start3A_114 = arith.constant 0 : i32
        %dma_start3A_115 = tpu.memref_slice %arg3[%add3A_52, %dma_start3A_114] : memref<2560x128xi32, #tpu.memory_space<hbm>> -> memref<40x128xi32, #tpu.memory_space<hbm>>
        %dma_start3A_116 = arith.constant 0 : i32
        %dma_start3A_117 = tpu.memref_slice %arg3[%add3A_52, %dma_start3A_116] : memref<2560x128xi32, #tpu.memory_space<hbm>> -> memref<40x128xi32, #tpu.memory_space<hbm>>
        tpu.enqueue_dma source(%dma_start3A_117 : memref<40x128xi32, #tpu.memory_space<hbm>>) target(%arg6 : memref<40x128xi32, #tpu.memory_space<vmem>>) target_semaphore(%run_scoped3A_113 : memref<!tpu.dma_semaphore, #tpu.memory_space<semaphore_mem>>)
        %dma_wait3A = arith.constant 0 : i32
        %dma_wait3A_118 = tpu.memref_slice %arg3[%add3A_52, %dma_wait3A] : memref<2560x128xi32, #tpu.memory_space<hbm>> -> memref<40x128xi32, #tpu.memory_space<hbm>>
        %dma_wait3A_119 = arith.constant 0 : i32
        %dma_wait3A_120 = tpu.memref_slice %arg3[%add3A_52, %dma_wait3A_119] : memref<2560x128xi32, #tpu.memory_space<hbm>> -> memref<40x128xi32, #tpu.memory_space<hbm>>
        tpu.wait_dma2 semaphore(%run_scoped3A_113 : memref<!tpu.dma_semaphore, #tpu.memory_space<semaphore_mem>>) src(%dma_wait3A_120 : memref<40x128xi32, #tpu.memory_space<hbm>>) dst(%arg6 : memref<40x128xi32, #tpu.memory_space<vmem>>)
        tpu.yield
      }) : () -> ()
      "tpu.region"() ({
        %run_scoped3A_113 = tpu.sem_alloc : memref<!tpu.dma_semaphore, #tpu.memory_space<semaphore_mem>>
        %dma_start3A_114 = arith.constant 0 : i32
        %dma_start3A_115 = tpu.memref_slice %arg4[%add3A_52, %dma_start3A_114] : memref<2560x128xi32, #tpu.memory_space<hbm>> -> memref<40x128xi32, #tpu.memory_space<hbm>>
        %dma_start3A_116 = arith.constant 0 : i32
        %dma_start3A_117 = tpu.memref_slice %arg4[%add3A_52, %dma_start3A_116] : memref<2560x128xi32, #tpu.memory_space<hbm>> -> memref<40x128xi32, #tpu.memory_space<hbm>>
        tpu.enqueue_dma source(%dma_start3A_117 : memref<40x128xi32, #tpu.memory_space<hbm>>) target(%arg7 : memref<40x128xi32, #tpu.memory_space<vmem>>) target_semaphore(%run_scoped3A_113 : memref<!tpu.dma_semaphore, #tpu.memory_space<semaphore_mem>>)
        %dma_wait3A = arith.constant 0 : i32
        %dma_wait3A_118 = tpu.memref_slice %arg4[%add3A_52, %dma_wait3A] : memref<2560x128xi32, #tpu.memory_space<hbm>> -> memref<40x128xi32, #tpu.memory_space<hbm>>
        %dma_wait3A_119 = arith.constant 0 : i32
        %dma_wait3A_120 = tpu.memref_slice %arg4[%add3A_52, %dma_wait3A_119] : memref<2560x128xi32, #tpu.memory_space<hbm>> -> memref<40x128xi32, #tpu.memory_space<hbm>>
        tpu.wait_dma2 semaphore(%run_scoped3A_113 : memref<!tpu.dma_semaphore, #tpu.memory_space<semaphore_mem>>) src(%dma_wait3A_120 : memref<40x128xi32, #tpu.memory_space<hbm>>) dst(%arg7 : memref<40x128xi32, #tpu.memory_space<vmem>>)
        tpu.yield
      }) : () -> ()
      %dma_start3A = arith.constant 0 : i32
      %dma_start3A_53 = arith.constant 0 : i32
      %dma_start3A_54 = arith.constant 0 : i32
      %dma_start3A_55 = arith.constant 0 : i32
      %dma_start3A_56 = tpu.memref_slice %arg8[%dma_start3A_53, %dma_start3A_54, %dma_start3A_55] : memref<2x128x128xf32, #tpu.memory_space<vmem>> -> memref<1x128x128xf32, #tpu.memory_space<vmem>>
      %dma_start3A_57 = tpu.memref_squeeze %dma_start3A_56 : memref<1x128x128xf32, #tpu.memory_space<vmem>> -> memref<128x128xf32, #tpu.memory_space<vmem>>
      %dma_start3A_58 = arith.constant 0 : i32
      %dma_start3A_59 = tpu.memref_slice %arg6[%dma_start3A, %dma_start3A_58] : memref<40x128xi32, #tpu.memory_space<vmem>> -> memref<1x128xi32, #tpu.memory_space<vmem>>
      %dma_start3A_60 = tpu.memref_squeeze %dma_start3A_59 : memref<1x128xi32, #tpu.memory_space<vmem>> -> memref<128xi32, #tpu.memory_space<vmem>>
      %dma_start3A_61 = arith.constant 0 : i32
      %dma_start3A_62 = arith.constant 0 : i32
      %dma_start3A_63 = tpu.memref_slice %arg2[%dma_start3A_61, %dma_start3A_62] : memref<10240x128xf32, #tpu.memory_space<hbm>> -> memref<10240x128xf32, #tpu.memory_space<hbm>>
      tpu.enqueue_indirect_dma source(%dma_start3A_63 : memref<10240x128xf32, #tpu.memory_space<hbm>>) target(%dma_start3A_57 : memref<128x128xf32, #tpu.memory_space<vmem>>) offsets(%dma_start3A_60 : memref<128xi32, #tpu.memory_space<vmem>>) semaphore(%arg10 : memref<!tpu.dma_semaphore, #tpu.memory_space<semaphore_mem>>)
      %scan3A_64 = arith.constant 0 : i32
      %scan3A_65 = arith.constant 0 : i32
      %scan3A_66 = arith.constant 20 : i32
      %scan3A_67 = arith.addi %scan3A_65, %scan3A_66 : i32
      %scan3A_68 = arith.constant 1 : i32
      %scan3A_69 = scf.for %scan3A_113 = %scan3A_65 to %scan3A_67 step %scan3A_68 iter_args(%scan3A_114 = %scan3A_64) -> (i32)  : i32 {
        %mul3A_115 = arith.constant 2 : i32
        %mul3A_116 = arith.muli %mul3A_115, %scan3A_113 : i32
        %add3A_117 = arith.constant 1 : i32
        %add3A_118 = arith.addi %mul3A_116, %add3A_117 : i32
        %dma_start3A_119 = arith.constant 1 : i32
        %dma_start3A_120 = arith.constant 0 : i32
        %dma_start3A_121 = arith.constant 0 : i32
        %dma_start3A_122 = tpu.memref_slice %arg8[%dma_start3A_119, %dma_start3A_120, %dma_start3A_121] : memref<2x128x128xf32, #tpu.memory_space<vmem>> -> memref<1x128x128xf32, #tpu.memory_space<vmem>>
        %dma_start3A_123 = tpu.memref_squeeze %dma_start3A_122 : memref<1x128x128xf32, #tpu.memory_space<vmem>> -> memref<128x128xf32, #tpu.memory_space<vmem>>
        %dma_start3A_124 = arith.constant 0 : i32
        %dma_start3A_125 = tpu.memref_slice %arg6[%add3A_118, %dma_start3A_124] : memref<40x128xi32, #tpu.memory_space<vmem>> -> memref<1x128xi32, #tpu.memory_space<vmem>>
        %dma_start3A_126 = tpu.memref_squeeze %dma_start3A_125 : memref<1x128xi32, #tpu.memory_space<vmem>> -> memref<128xi32, #tpu.memory_space<vmem>>
        %dma_start3A_127 = arith.constant 0 : i32
        %dma_start3A_128 = arith.constant 0 : i32
        %dma_start3A_129 = tpu.memref_slice %arg2[%dma_start3A_127, %dma_start3A_128] : memref<10240x128xf32, #tpu.memory_space<hbm>> -> memref<10240x128xf32, #tpu.memory_space<hbm>>
        tpu.enqueue_indirect_dma source(%dma_start3A_129 : memref<10240x128xf32, #tpu.memory_space<hbm>>) target(%dma_start3A_123 : memref<128x128xf32, #tpu.memory_space<vmem>>) offsets(%dma_start3A_126 : memref<128xi32, #tpu.memory_space<vmem>>) semaphore(%arg11 : memref<!tpu.dma_semaphore, #tpu.memory_space<semaphore_mem>>)
        %dma_wait3A = arith.constant 0 : i32
        %dma_wait3A_130 = arith.constant 0 : i32
        %dma_wait3A_131 = arith.constant 0 : i32
        %dma_wait3A_132 = tpu.memref_slice %arg8[%dma_wait3A, %dma_wait3A_130, %dma_wait3A_131] : memref<2x128x128xf32, #tpu.memory_space<vmem>> -> memref<1x128x128xf32, #tpu.memory_space<vmem>>
        %dma_wait3A_133 = tpu.memref_squeeze %dma_wait3A_132 : memref<1x128x128xf32, #tpu.memory_space<vmem>> -> memref<128x128xf32, #tpu.memory_space<vmem>>
        %dma_wait3A_134 = arith.constant 0 : i32
        %dma_wait3A_135 = tpu.memref_slice %arg6[%mul3A_116, %dma_wait3A_134] : memref<40x128xi32, #tpu.memory_space<vmem>> -> memref<1x128xi32, #tpu.memory_space<vmem>>
        %dma_wait3A_136 = tpu.memref_squeeze %dma_wait3A_135 : memref<1x128xi32, #tpu.memory_space<vmem>> -> memref<128xi32, #tpu.memory_space<vmem>>
        %dma_wait3A_137 = arith.constant 0 : i32
        %dma_wait3A_138 = arith.constant 0 : i32
        %dma_wait3A_139 = tpu.memref_slice %arg2[%dma_wait3A_137, %dma_wait3A_138] : memref<10240x128xf32, #tpu.memory_space<hbm>> -> memref<10240x128xf32, #tpu.memory_space<hbm>>
        tpu.wait_indirect_dma semaphore(%arg10 : memref<!tpu.dma_semaphore, #tpu.memory_space<semaphore_mem>>) src(%dma_wait3A_139 : memref<10240x128xf32, #tpu.memory_space<hbm>>) dst(%dma_wait3A_133 : memref<128x128xf32, #tpu.memory_space<vmem>>)
        %run_scoped3A_140 = arith.constant 0 : i32
        "tpu.region"() ({
          %run_scoped3A_164 = tpu.sem_alloc : memref<!tpu.dma_semaphore, #tpu.memory_space<semaphore_mem>>
          %dma_start3A_165 = arith.constant 0 : i32
          %dma_start3A_166 = arith.constant 0 : i32
          %dma_start3A_167 = tpu.memref_slice %arg8[%run_scoped3A_140, %dma_start3A_165, %dma_start3A_166] : memref<2x128x128xf32, #tpu.memory_space<vmem>> -> memref<1x128x128xf32, #tpu.memory_space<vmem>>
          %dma_start3A_168 = tpu.memref_squeeze %dma_start3A_167 : memref<1x128x128xf32, #tpu.memory_space<vmem>> -> memref<128x128xf32, #tpu.memory_space<vmem>>
          %dma_start3A_169 = arith.constant 0 : i32
          %dma_start3A_170 = tpu.memref_slice %arg7[%mul3A_116, %dma_start3A_169] : memref<40x128xi32, #tpu.memory_space<vmem>> -> memref<1x128xi32, #tpu.memory_space<vmem>>
          %dma_start3A_171 = tpu.memref_squeeze %dma_start3A_170 : memref<1x128xi32, #tpu.memory_space<vmem>> -> memref<128xi32, #tpu.memory_space<vmem>>
          %dma_start3A_172 = arith.constant 0 : i32
          %dma_start3A_173 = arith.constant 0 : i32
          %dma_start3A_174 = tpu.memref_slice %arg9[%dma_start3A_172, %dma_start3A_173] : memref<10240x128xf32, #tpu.memory_space<vmem_shared>> -> memref<10240x128xf32, #tpu.memory_space<vmem_shared>>
          tpu.enqueue_indirect_dma source(%dma_start3A_168 : memref<128x128xf32, #tpu.memory_space<vmem>>) target(%dma_start3A_174 : memref<10240x128xf32, #tpu.memory_space<vmem_shared>>) offsets(%dma_start3A_171 : memref<128xi32, #tpu.memory_space<vmem>>) semaphore(%run_scoped3A_164 : memref<!tpu.dma_semaphore, #tpu.memory_space<semaphore_mem>>) {add = true}
          %dma_wait3A_175 = arith.constant 0 : i32
          %dma_wait3A_176 = arith.constant 0 : i32
          %dma_wait3A_177 = tpu.memref_slice %arg8[%run_scoped3A_140, %dma_wait3A_175, %dma_wait3A_176] : memref<2x128x128xf32, #tpu.memory_space<vmem>> -> memref<1x128x128xf32, #tpu.memory_space<vmem>>
          %dma_wait3A_178 = tpu.memref_squeeze %dma_wait3A_177 : memref<1x128x128xf32, #tpu.memory_space<vmem>> -> memref<128x128xf32, #tpu.memory_space<vmem>>
          %dma_wait3A_179 = arith.constant 0 : i32
          %dma_wait3A_180 = tpu.memref_slice %arg7[%mul3A_116, %dma_wait3A_179] : memref<40x128xi32, #tpu.memory_space<vmem>> -> memref<1x128xi32, #tpu.memory_space<vmem>>
          %dma_wait3A_181 = tpu.memref_squeeze %dma_wait3A_180 : memref<1x128xi32, #tpu.memory_space<vmem>> -> memref<128xi32, #tpu.memory_space<vmem>>
          %dma_wait3A_182 = arith.constant 0 : i32
          %dma_wait3A_183 = arith.constant 0 : i32
          %dma_wait3A_184 = tpu.memref_slice %arg9[%dma_wait3A_182, %dma_wait3A_183] : memref<10240x128xf32, #tpu.memory_space<vmem_shared>> -> memref<10240x128xf32, #tpu.memory_space<vmem_shared>>
          tpu.wait_indirect_dma semaphore(%run_scoped3A_164 : memref<!tpu.dma_semaphore, #tpu.memory_space<semaphore_mem>>) src(%dma_wait3A_178 : memref<128x128xf32, #tpu.memory_space<vmem>>) dst(%dma_wait3A_184 : memref<10240x128xf32, #tpu.memory_space<vmem_shared>>)
          tpu.yield
        }) : () -> ()
        %add3A_141 = arith.constant 2 : i32
        %add3A_142 = arith.addi %mul3A_116, %add3A_141 : i32
        %lt3A = arith.constant 40 : i32
        %lt3A_143 = arith.cmpi slt, %add3A_142, %lt3A : i32
        %convert_element_type3A_144 = arith.extui %lt3A_143 : i1 to i32
        %cond3A_145 = arith.constant 0 : i32
        %cond3A_146 = arith.cmpi ne, %convert_element_type3A_144, %cond3A_145 : i32
        scf.if %cond3A_146 {
          %add3A_164 = arith.constant 2 : i32
          %add3A_165 = arith.addi %mul3A_116, %add3A_164 : i32
          %dma_start3A_166 = arith.constant 0 : i32
          %dma_start3A_167 = arith.constant 0 : i32
          %dma_start3A_168 = arith.constant 0 : i32
          %dma_start3A_169 = tpu.memref_slice %arg8[%dma_start3A_166, %dma_start3A_167, %dma_start3A_168] : memref<2x128x128xf32, #tpu.memory_space<vmem>> -> memref<1x128x128xf32, #tpu.memory_space<vmem>>
          %dma_start3A_170 = tpu.memref_squeeze %dma_start3A_169 : memref<1x128x128xf32, #tpu.memory_space<vmem>> -> memref<128x128xf32, #tpu.memory_space<vmem>>
          %dma_start3A_171 = arith.constant 0 : i32
          %dma_start3A_172 = tpu.memref_slice %arg6[%add3A_165, %dma_start3A_171] : memref<40x128xi32, #tpu.memory_space<vmem>> -> memref<1x128xi32, #tpu.memory_space<vmem>>
          %dma_start3A_173 = tpu.memref_squeeze %dma_start3A_172 : memref<1x128xi32, #tpu.memory_space<vmem>> -> memref<128xi32, #tpu.memory_space<vmem>>
          %dma_start3A_174 = arith.constant 0 : i32
          %dma_start3A_175 = arith.constant 0 : i32
          %dma_start3A_176 = tpu.memref_slice %arg2[%dma_start3A_174, %dma_start3A_175] : memref<10240x128xf32, #tpu.memory_space<hbm>> -> memref<10240x128xf32, #tpu.memory_space<hbm>>
          tpu.enqueue_indirect_dma source(%dma_start3A_176 : memref<10240x128xf32, #tpu.memory_space<hbm>>) target(%dma_start3A_170 : memref<128x128xf32, #tpu.memory_space<vmem>>) offsets(%dma_start3A_173 : memref<128xi32, #tpu.memory_space<vmem>>) semaphore(%arg10 : memref<!tpu.dma_semaphore, #tpu.memory_space<semaphore_mem>>)
        } else {
        }
        %add3A_147 = arith.constant 1 : i32
        %add3A_148 = arith.addi %mul3A_116, %add3A_147 : i32
        %dma_wait3A_149 = arith.constant 1 : i32
        %dma_wait3A_150 = arith.constant 0 : i32
        %dma_wait3A_151 = arith.constant 0 : i32
        %dma_wait3A_152 = tpu.memref_slice %arg8[%dma_wait3A_149, %dma_wait3A_150, %dma_wait3A_151] : memref<2x128x128xf32, #tpu.memory_space<vmem>> -> memref<1x128x128xf32, #tpu.memory_space<vmem>>
        %dma_wait3A_153 = tpu.memref_squeeze %dma_wait3A_152 : memref<1x128x128xf32, #tpu.memory_space<vmem>> -> memref<128x128xf32, #tpu.memory_space<vmem>>
        %dma_wait3A_154 = arith.constant 0 : i32
        %dma_wait3A_155 = tpu.memref_slice %arg6[%add3A_148, %dma_wait3A_154] : memref<40x128xi32, #tpu.memory_space<vmem>> -> memref<1x128xi32, #tpu.memory_space<vmem>>
        %dma_wait3A_156 = tpu.memref_squeeze %dma_wait3A_155 : memref<1x128xi32, #tpu.memory_space<vmem>> -> memref<128xi32, #tpu.memory_space<vmem>>
        %dma_wait3A_157 = arith.constant 0 : i32
        %dma_wait3A_158 = arith.constant 0 : i32
        %dma_wait3A_159 = tpu.memref_slice %arg2[%dma_wait3A_157, %dma_wait3A_158] : memref<10240x128xf32, #tpu.memory_space<hbm>> -> memref<10240x128xf32, #tpu.memory_space<hbm>>
        tpu.wait_indirect_dma semaphore(%arg11 : memref<!tpu.dma_semaphore, #tpu.memory_space<semaphore_mem>>) src(%dma_wait3A_159 : memref<10240x128xf32, #tpu.memory_space<hbm>>) dst(%dma_wait3A_153 : memref<128x128xf32, #tpu.memory_space<vmem>>)
        %add3A_160 = arith.constant 1 : i32
        %add3A_161 = arith.addi %mul3A_116, %add3A_160 : i32
        %run_scoped3A_162 = arith.constant 1 : i32
        "tpu.region"() ({
          %run_scoped3A_164 = tpu.sem_alloc : memref<!tpu.dma_semaphore, #tpu.memory_space<semaphore_mem>>
          %dma_start3A_165 = arith.constant 0 : i32
          %dma_start3A_166 = arith.constant 0 : i32
          %dma_start3A_167 = tpu.memref_slice %arg8[%run_scoped3A_162, %dma_start3A_165, %dma_start3A_166] : memref<2x128x128xf32, #tpu.memory_space<vmem>> -> memref<1x128x128xf32, #tpu.memory_space<vmem>>
          %dma_start3A_168 = tpu.memref_squeeze %dma_start3A_167 : memref<1x128x128xf32, #tpu.memory_space<vmem>> -> memref<128x128xf32, #tpu.memory_space<vmem>>
          %dma_start3A_169 = arith.constant 0 : i32
          %dma_start3A_170 = tpu.memref_slice %arg7[%add3A_161, %dma_start3A_169] : memref<40x128xi32, #tpu.memory_space<vmem>> -> memref<1x128xi32, #tpu.memory_space<vmem>>
          %dma_start3A_171 = tpu.memref_squeeze %dma_start3A_170 : memref<1x128xi32, #tpu.memory_space<vmem>> -> memref<128xi32, #tpu.memory_space<vmem>>
          %dma_start3A_172 = arith.constant 0 : i32
          %dma_start3A_173 = arith.constant 0 : i32
          %dma_start3A_174 = tpu.memref_slice %arg9[%dma_start3A_172, %dma_start3A_173] : memref<10240x128xf32, #tpu.memory_space<vmem_shared>> -> memref<10240x128xf32, #tpu.memory_space<vmem_shared>>
          tpu.enqueue_indirect_dma source(%dma_start3A_168 : memref<128x128xf32, #tpu.memory_space<vmem>>) target(%dma_start3A_174 : memref<10240x128xf32, #tpu.memory_space<vmem_shared>>) offsets(%dma_start3A_171 : memref<128xi32, #tpu.memory_space<vmem>>) semaphore(%run_scoped3A_164 : memref<!tpu.dma_semaphore, #tpu.memory_space<semaphore_mem>>) {add = true}
          %dma_wait3A_175 = arith.constant 0 : i32
          %dma_wait3A_176 = arith.constant 0 : i32
          %dma_wait3A_177 = tpu.memref_slice %arg8[%run_scoped3A_162, %dma_wait3A_175, %dma_wait3A_176] : memref<2x128x128xf32, #tpu.memory_space<vmem>> -> memref<1x128x128xf32, #tpu.memory_space<vmem>>
          %dma_wait3A_178 = tpu.memref_squeeze %dma_wait3A_177 : memref<1x128x128xf32, #tpu.memory_space<vmem>> -> memref<128x128xf32, #tpu.memory_space<vmem>>
          %dma_wait3A_179 = arith.constant 0 : i32
          %dma_wait3A_180 = tpu.memref_slice %arg7[%add3A_161, %dma_wait3A_179] : memref<40x128xi32, #tpu.memory_space<vmem>> -> memref<1x128xi32, #tpu.memory_space<vmem>>
          %dma_wait3A_181 = tpu.memref_squeeze %dma_wait3A_180 : memref<1x128xi32, #tpu.memory_space<vmem>> -> memref<128xi32, #tpu.memory_space<vmem>>
          %dma_wait3A_182 = arith.constant 0 : i32
          %dma_wait3A_183 = arith.constant 0 : i32
          %dma_wait3A_184 = tpu.memref_slice %arg9[%dma_wait3A_182, %dma_wait3A_183] : memref<10240x128xf32, #tpu.memory_space<vmem_shared>> -> memref<10240x128xf32, #tpu.memory_space<vmem_shared>>
          tpu.wait_indirect_dma semaphore(%run_scoped3A_164 : memref<!tpu.dma_semaphore, #tpu.memory_space<semaphore_mem>>) src(%dma_wait3A_178 : memref<128x128xf32, #tpu.memory_space<vmem>>) dst(%dma_wait3A_184 : memref<10240x128xf32, #tpu.memory_space<vmem_shared>>)
          tpu.yield
        }) : () -> ()
        %scan3A_163 = arith.constant 0 : i32
        scf.yield %scan3A_163 : i32
      }
      %scan3A_70 = arith.constant 20 : i32
      %add3A_71 = arith.constant 40 : i32
      %add3A_72 = arith.addi %add3A_38, %add3A_71 : i32
      "tpu.region"() ({
        %run_scoped3A_113 = tpu.sem_alloc : memref<!tpu.dma_semaphore, #tpu.memory_space<semaphore_mem>>
        %dma_start3A_114 = arith.constant 0 : i32
        %dma_start3A_115 = tpu.memref_slice %arg3[%add3A_72, %dma_start3A_114] : memref<2560x128xi32, #tpu.memory_space<hbm>> -> memref<40x128xi32, #tpu.memory_space<hbm>>
        %dma_start3A_116 = arith.constant 0 : i32
        %dma_start3A_117 = tpu.memref_slice %arg3[%add3A_72, %dma_start3A_116] : memref<2560x128xi32, #tpu.memory_space<hbm>> -> memref<40x128xi32, #tpu.memory_space<hbm>>
        tpu.enqueue_dma source(%dma_start3A_117 : memref<40x128xi32, #tpu.memory_space<hbm>>) target(%arg6 : memref<40x128xi32, #tpu.memory_space<vmem>>) target_semaphore(%run_scoped3A_113 : memref<!tpu.dma_semaphore, #tpu.memory_space<semaphore_mem>>)
        %dma_wait3A = arith.constant 0 : i32
        %dma_wait3A_118 = tpu.memref_slice %arg3[%add3A_72, %dma_wait3A] : memref<2560x128xi32, #tpu.memory_space<hbm>> -> memref<40x128xi32, #tpu.memory_space<hbm>>
        %dma_wait3A_119 = arith.constant 0 : i32
        %dma_wait3A_120 = tpu.memref_slice %arg3[%add3A_72, %dma_wait3A_119] : memref<2560x128xi32, #tpu.memory_space<hbm>> -> memref<40x128xi32, #tpu.memory_space<hbm>>
        tpu.wait_dma2 semaphore(%run_scoped3A_113 : memref<!tpu.dma_semaphore, #tpu.memory_space<semaphore_mem>>) src(%dma_wait3A_120 : memref<40x128xi32, #tpu.memory_space<hbm>>) dst(%arg6 : memref<40x128xi32, #tpu.memory_space<vmem>>)
        tpu.yield
      }) : () -> ()
      "tpu.region"() ({
        %run_scoped3A_113 = tpu.sem_alloc : memref<!tpu.dma_semaphore, #tpu.memory_space<semaphore_mem>>
        %dma_start3A_114 = arith.constant 0 : i32
        %dma_start3A_115 = tpu.memref_slice %arg4[%add3A_72, %dma_start3A_114] : memref<2560x128xi32, #tpu.memory_space<hbm>> -> memref<40x128xi32, #tpu.memory_space<hbm>>
        %dma_start3A_116 = arith.constant 0 : i32
        %dma_start3A_117 = tpu.memref_slice %arg4[%add3A_72, %dma_start3A_116] : memref<2560x128xi32, #tpu.memory_space<hbm>> -> memref<40x128xi32, #tpu.memory_space<hbm>>
        tpu.enqueue_dma source(%dma_start3A_117 : memref<40x128xi32, #tpu.memory_space<hbm>>) target(%arg7 : memref<40x128xi32, #tpu.memory_space<vmem>>) target_semaphore(%run_scoped3A_113 : memref<!tpu.dma_semaphore, #tpu.memory_space<semaphore_mem>>)
        %dma_wait3A = arith.constant 0 : i32
        %dma_wait3A_118 = tpu.memref_slice %arg4[%add3A_72, %dma_wait3A] : memref<2560x128xi32, #tpu.memory_space<hbm>> -> memref<40x128xi32, #tpu.memory_space<hbm>>
        %dma_wait3A_119 = arith.constant 0 : i32
        %dma_wait3A_120 = tpu.memref_slice %arg4[%add3A_72, %dma_wait3A_119] : memref<2560x128xi32, #tpu.memory_space<hbm>> -> memref<40x128xi32, #tpu.memory_space<hbm>>
        tpu.wait_dma2 semaphore(%run_scoped3A_113 : memref<!tpu.dma_semaphore, #tpu.memory_space<semaphore_mem>>) src(%dma_wait3A_120 : memref<40x128xi32, #tpu.memory_space<hbm>>) dst(%arg7 : memref<40x128xi32, #tpu.memory_space<vmem>>)
        tpu.yield
      }) : () -> ()
      %dma_start3A_73 = arith.constant 0 : i32
      %dma_start3A_74 = arith.constant 0 : i32
      %dma_start3A_75 = arith.constant 0 : i32
      %dma_start3A_76 = arith.constant 0 : i32
      %dma_start3A_77 = tpu.memref_slice %arg8[%dma_start3A_74, %dma_start3A_75, %dma_start3A_76] : memref<2x128x128xf32, #tpu.memory_space<vmem>> -> memref<1x128x128xf32, #tpu.memory_space<vmem>>
      %dma_start3A_78 = tpu.memref_squeeze %dma_start3A_77 : memref<1x128x128xf32, #tpu.memory_space<vmem>> -> memref<128x128xf32, #tpu.memory_space<vmem>>
      %dma_start3A_79 = arith.constant 0 : i32
      %dma_start3A_80 = tpu.memref_slice %arg6[%dma_start3A_73, %dma_start3A_79] : memref<40x128xi32, #tpu.memory_space<vmem>> -> memref<1x128xi32, #tpu.memory_space<vmem>>
      %dma_start3A_81 = tpu.memref_squeeze %dma_start3A_80 : memref<1x128xi32, #tpu.memory_space<vmem>> -> memref<128xi32, #tpu.memory_space<vmem>>
      %dma_start3A_82 = arith.constant 0 : i32
      %dma_start3A_83 = arith.constant 0 : i32
      %dma_start3A_84 = tpu.memref_slice %arg2[%dma_start3A_82, %dma_start3A_83] : memref<10240x128xf32, #tpu.memory_space<hbm>> -> memref<10240x128xf32, #tpu.memory_space<hbm>>
      tpu.enqueue_indirect_dma source(%dma_start3A_84 : memref<10240x128xf32, #tpu.memory_space<hbm>>) target(%dma_start3A_78 : memref<128x128xf32, #tpu.memory_space<vmem>>) offsets(%dma_start3A_81 : memref<128xi32, #tpu.memory_space<vmem>>) semaphore(%arg10 : memref<!tpu.dma_semaphore, #tpu.memory_space<semaphore_mem>>)
      %scan3A_85 = arith.constant 0 : i32
      %scan3A_86 = arith.constant 0 : i32
      %scan3A_87 = arith.constant 20 : i32
      %scan3A_88 = arith.addi %scan3A_86, %scan3A_87 : i32
      %scan3A_89 = arith.constant 1 : i32
      %scan3A_90 = scf.for %scan3A_113 = %scan3A_86 to %scan3A_88 step %scan3A_89 iter_args(%scan3A_114 = %scan3A_85) -> (i32)  : i32 {
        %mul3A_115 = arith.constant 2 : i32
        %mul3A_116 = arith.muli %mul3A_115, %scan3A_113 : i32
        %add3A_117 = arith.constant 1 : i32
        %add3A_118 = arith.addi %mul3A_116, %add3A_117 : i32
        %dma_start3A_119 = arith.constant 1 : i32
        %dma_start3A_120 = arith.constant 0 : i32
        %dma_start3A_121 = arith.constant 0 : i32
        %dma_start3A_122 = tpu.memref_slice %arg8[%dma_start3A_119, %dma_start3A_120, %dma_start3A_121] : memref<2x128x128xf32, #tpu.memory_space<vmem>> -> memref<1x128x128xf32, #tpu.memory_space<vmem>>
        %dma_start3A_123 = tpu.memref_squeeze %dma_start3A_122 : memref<1x128x128xf32, #tpu.memory_space<vmem>> -> memref<128x128xf32, #tpu.memory_space<vmem>>
        %dma_start3A_124 = arith.constant 0 : i32
        %dma_start3A_125 = tpu.memref_slice %arg6[%add3A_118, %dma_start3A_124] : memref<40x128xi32, #tpu.memory_space<vmem>> -> memref<1x128xi32, #tpu.memory_space<vmem>>
        %dma_start3A_126 = tpu.memref_squeeze %dma_start3A_125 : memref<1x128xi32, #tpu.memory_space<vmem>> -> memref<128xi32, #tpu.memory_space<vmem>>
        %dma_start3A_127 = arith.constant 0 : i32
        %dma_start3A_128 = arith.constant 0 : i32
        %dma_start3A_129 = tpu.memref_slice %arg2[%dma_start3A_127, %dma_start3A_128] : memref<10240x128xf32, #tpu.memory_space<hbm>> -> memref<10240x128xf32, #tpu.memory_space<hbm>>
        tpu.enqueue_indirect_dma source(%dma_start3A_129 : memref<10240x128xf32, #tpu.memory_space<hbm>>) target(%dma_start3A_123 : memref<128x128xf32, #tpu.memory_space<vmem>>) offsets(%dma_start3A_126 : memref<128xi32, #tpu.memory_space<vmem>>) semaphore(%arg11 : memref<!tpu.dma_semaphore, #tpu.memory_space<semaphore_mem>>)
        %dma_wait3A = arith.constant 0 : i32
        %dma_wait3A_130 = arith.constant 0 : i32
        %dma_wait3A_131 = arith.constant 0 : i32
        %dma_wait3A_132 = tpu.memref_slice %arg8[%dma_wait3A, %dma_wait3A_130, %dma_wait3A_131] : memref<2x128x128xf32, #tpu.memory_space<vmem>> -> memref<1x128x128xf32, #tpu.memory_space<vmem>>
        %dma_wait3A_133 = tpu.memref_squeeze %dma_wait3A_132 : memref<1x128x128xf32, #tpu.memory_space<vmem>> -> memref<128x128xf32, #tpu.memory_space<vmem>>
        %dma_wait3A_134 = arith.constant 0 : i32
        %dma_wait3A_135 = tpu.memref_slice %arg6[%mul3A_116, %dma_wait3A_134] : memref<40x128xi32, #tpu.memory_space<vmem>> -> memref<1x128xi32, #tpu.memory_space<vmem>>
        %dma_wait3A_136 = tpu.memref_squeeze %dma_wait3A_135 : memref<1x128xi32, #tpu.memory_space<vmem>> -> memref<128xi32, #tpu.memory_space<vmem>>
        %dma_wait3A_137 = arith.constant 0 : i32
        %dma_wait3A_138 = arith.constant 0 : i32
        %dma_wait3A_139 = tpu.memref_slice %arg2[%dma_wait3A_137, %dma_wait3A_138] : memref<10240x128xf32, #tpu.memory_space<hbm>> -> memref<10240x128xf32, #tpu.memory_space<hbm>>
        tpu.wait_indirect_dma semaphore(%arg10 : memref<!tpu.dma_semaphore, #tpu.memory_space<semaphore_mem>>) src(%dma_wait3A_139 : memref<10240x128xf32, #tpu.memory_space<hbm>>) dst(%dma_wait3A_133 : memref<128x128xf32, #tpu.memory_space<vmem>>)
        %run_scoped3A_140 = arith.constant 0 : i32
        "tpu.region"() ({
          %run_scoped3A_164 = tpu.sem_alloc : memref<!tpu.dma_semaphore, #tpu.memory_space<semaphore_mem>>
          %dma_start3A_165 = arith.constant 0 : i32
          %dma_start3A_166 = arith.constant 0 : i32
          %dma_start3A_167 = tpu.memref_slice %arg8[%run_scoped3A_140, %dma_start3A_165, %dma_start3A_166] : memref<2x128x128xf32, #tpu.memory_space<vmem>> -> memref<1x128x128xf32, #tpu.memory_space<vmem>>
          %dma_start3A_168 = tpu.memref_squeeze %dma_start3A_167 : memref<1x128x128xf32, #tpu.memory_space<vmem>> -> memref<128x128xf32, #tpu.memory_space<vmem>>
          %dma_start3A_169 = arith.constant 0 : i32
          %dma_start3A_170 = tpu.memref_slice %arg7[%mul3A_116, %dma_start3A_169] : memref<40x128xi32, #tpu.memory_space<vmem>> -> memref<1x128xi32, #tpu.memory_space<vmem>>
          %dma_start3A_171 = tpu.memref_squeeze %dma_start3A_170 : memref<1x128xi32, #tpu.memory_space<vmem>> -> memref<128xi32, #tpu.memory_space<vmem>>
          %dma_start3A_172 = arith.constant 0 : i32
          %dma_start3A_173 = arith.constant 0 : i32
          %dma_start3A_174 = tpu.memref_slice %arg9[%dma_start3A_172, %dma_start3A_173] : memref<10240x128xf32, #tpu.memory_space<vmem_shared>> -> memref<10240x128xf32, #tpu.memory_space<vmem_shared>>
          tpu.enqueue_indirect_dma source(%dma_start3A_168 : memref<128x128xf32, #tpu.memory_space<vmem>>) target(%dma_start3A_174 : memref<10240x128xf32, #tpu.memory_space<vmem_shared>>) offsets(%dma_start3A_171 : memref<128xi32, #tpu.memory_space<vmem>>) semaphore(%run_scoped3A_164 : memref<!tpu.dma_semaphore, #tpu.memory_space<semaphore_mem>>) {add = true}
          %dma_wait3A_175 = arith.constant 0 : i32
          %dma_wait3A_176 = arith.constant 0 : i32
          %dma_wait3A_177 = tpu.memref_slice %arg8[%run_scoped3A_140, %dma_wait3A_175, %dma_wait3A_176] : memref<2x128x128xf32, #tpu.memory_space<vmem>> -> memref<1x128x128xf32, #tpu.memory_space<vmem>>
          %dma_wait3A_178 = tpu.memref_squeeze %dma_wait3A_177 : memref<1x128x128xf32, #tpu.memory_space<vmem>> -> memref<128x128xf32, #tpu.memory_space<vmem>>
          %dma_wait3A_179 = arith.constant 0 : i32
          %dma_wait3A_180 = tpu.memref_slice %arg7[%mul3A_116, %dma_wait3A_179] : memref<40x128xi32, #tpu.memory_space<vmem>> -> memref<1x128xi32, #tpu.memory_space<vmem>>
          %dma_wait3A_181 = tpu.memref_squeeze %dma_wait3A_180 : memref<1x128xi32, #tpu.memory_space<vmem>> -> memref<128xi32, #tpu.memory_space<vmem>>
          %dma_wait3A_182 = arith.constant 0 : i32
          %dma_wait3A_183 = arith.constant 0 : i32
          %dma_wait3A_184 = tpu.memref_slice %arg9[%dma_wait3A_182, %dma_wait3A_183] : memref<10240x128xf32, #tpu.memory_space<vmem_shared>> -> memref<10240x128xf32, #tpu.memory_space<vmem_shared>>
          tpu.wait_indirect_dma semaphore(%run_scoped3A_164 : memref<!tpu.dma_semaphore, #tpu.memory_space<semaphore_mem>>) src(%dma_wait3A_178 : memref<128x128xf32, #tpu.memory_space<vmem>>) dst(%dma_wait3A_184 : memref<10240x128xf32, #tpu.memory_space<vmem_shared>>)
          tpu.yield
        }) : () -> ()
        %add3A_141 = arith.constant 2 : i32
        %add3A_142 = arith.addi %mul3A_116, %add3A_141 : i32
        %lt3A = arith.constant 40 : i32
        %lt3A_143 = arith.cmpi slt, %add3A_142, %lt3A : i32
        %convert_element_type3A_144 = arith.extui %lt3A_143 : i1 to i32
        %cond3A_145 = arith.constant 0 : i32
        %cond3A_146 = arith.cmpi ne, %convert_element_type3A_144, %cond3A_145 : i32
        scf.if %cond3A_146 {
          %add3A_164 = arith.constant 2 : i32
          %add3A_165 = arith.addi %mul3A_116, %add3A_164 : i32
          %dma_start3A_166 = arith.constant 0 : i32
          %dma_start3A_167 = arith.constant 0 : i32
          %dma_start3A_168 = arith.constant 0 : i32
          %dma_start3A_169 = tpu.memref_slice %arg8[%dma_start3A_166, %dma_start3A_167, %dma_start3A_168] : memref<2x128x128xf32, #tpu.memory_space<vmem>> -> memref<1x128x128xf32, #tpu.memory_space<vmem>>
          %dma_start3A_170 = tpu.memref_squeeze %dma_start3A_169 : memref<1x128x128xf32, #tpu.memory_space<vmem>> -> memref<128x128xf32, #tpu.memory_space<vmem>>
          %dma_start3A_171 = arith.constant 0 : i32
          %dma_start3A_172 = tpu.memref_slice %arg6[%add3A_165, %dma_start3A_171] : memref<40x128xi32, #tpu.memory_space<vmem>> -> memref<1x128xi32, #tpu.memory_space<vmem>>
          %dma_start3A_173 = tpu.memref_squeeze %dma_start3A_172 : memref<1x128xi32, #tpu.memory_space<vmem>> -> memref<128xi32, #tpu.memory_space<vmem>>
          %dma_start3A_174 = arith.constant 0 : i32
          %dma_start3A_175 = arith.constant 0 : i32
          %dma_start3A_176 = tpu.memref_slice %arg2[%dma_start3A_174, %dma_start3A_175] : memref<10240x128xf32, #tpu.memory_space<hbm>> -> memref<10240x128xf32, #tpu.memory_space<hbm>>
          tpu.enqueue_indirect_dma source(%dma_start3A_176 : memref<10240x128xf32, #tpu.memory_space<hbm>>) target(%dma_start3A_170 : memref<128x128xf32, #tpu.memory_space<vmem>>) offsets(%dma_start3A_173 : memref<128xi32, #tpu.memory_space<vmem>>) semaphore(%arg10 : memref<!tpu.dma_semaphore, #tpu.memory_space<semaphore_mem>>)
        } else {
        }
        %add3A_147 = arith.constant 1 : i32
        %add3A_148 = arith.addi %mul3A_116, %add3A_147 : i32
        %dma_wait3A_149 = arith.constant 1 : i32
        %dma_wait3A_150 = arith.constant 0 : i32
        %dma_wait3A_151 = arith.constant 0 : i32
        %dma_wait3A_152 = tpu.memref_slice %arg8[%dma_wait3A_149, %dma_wait3A_150, %dma_wait3A_151] : memref<2x128x128xf32, #tpu.memory_space<vmem>> -> memref<1x128x128xf32, #tpu.memory_space<vmem>>
        %dma_wait3A_153 = tpu.memref_squeeze %dma_wait3A_152 : memref<1x128x128xf32, #tpu.memory_space<vmem>> -> memref<128x128xf32, #tpu.memory_space<vmem>>
        %dma_wait3A_154 = arith.constant 0 : i32
        %dma_wait3A_155 = tpu.memref_slice %arg6[%add3A_148, %dma_wait3A_154] : memref<40x128xi32, #tpu.memory_space<vmem>> -> memref<1x128xi32, #tpu.memory_space<vmem>>
        %dma_wait3A_156 = tpu.memref_squeeze %dma_wait3A_155 : memref<1x128xi32, #tpu.memory_space<vmem>> -> memref<128xi32, #tpu.memory_space<vmem>>
        %dma_wait3A_157 = arith.constant 0 : i32
        %dma_wait3A_158 = arith.constant 0 : i32
        %dma_wait3A_159 = tpu.memref_slice %arg2[%dma_wait3A_157, %dma_wait3A_158] : memref<10240x128xf32, #tpu.memory_space<hbm>> -> memref<10240x128xf32, #tpu.memory_space<hbm>>
        tpu.wait_indirect_dma semaphore(%arg11 : memref<!tpu.dma_semaphore, #tpu.memory_space<semaphore_mem>>) src(%dma_wait3A_159 : memref<10240x128xf32, #tpu.memory_space<hbm>>) dst(%dma_wait3A_153 : memref<128x128xf32, #tpu.memory_space<vmem>>)
        %add3A_160 = arith.constant 1 : i32
        %add3A_161 = arith.addi %mul3A_116, %add3A_160 : i32
        %run_scoped3A_162 = arith.constant 1 : i32
        "tpu.region"() ({
          %run_scoped3A_164 = tpu.sem_alloc : memref<!tpu.dma_semaphore, #tpu.memory_space<semaphore_mem>>
          %dma_start3A_165 = arith.constant 0 : i32
          %dma_start3A_166 = arith.constant 0 : i32
          %dma_start3A_167 = tpu.memref_slice %arg8[%run_scoped3A_162, %dma_start3A_165, %dma_start3A_166] : memref<2x128x128xf32, #tpu.memory_space<vmem>> -> memref<1x128x128xf32, #tpu.memory_space<vmem>>
          %dma_start3A_168 = tpu.memref_squeeze %dma_start3A_167 : memref<1x128x128xf32, #tpu.memory_space<vmem>> -> memref<128x128xf32, #tpu.memory_space<vmem>>
          %dma_start3A_169 = arith.constant 0 : i32
          %dma_start3A_170 = tpu.memref_slice %arg7[%add3A_161, %dma_start3A_169] : memref<40x128xi32, #tpu.memory_space<vmem>> -> memref<1x128xi32, #tpu.memory_space<vmem>>
          %dma_start3A_171 = tpu.memref_squeeze %dma_start3A_170 : memref<1x128xi32, #tpu.memory_space<vmem>> -> memref<128xi32, #tpu.memory_space<vmem>>
          %dma_start3A_172 = arith.constant 0 : i32
          %dma_start3A_173 = arith.constant 0 : i32
          %dma_start3A_174 = tpu.memref_slice %arg9[%dma_start3A_172, %dma_start3A_173] : memref<10240x128xf32, #tpu.memory_space<vmem_shared>> -> memref<10240x128xf32, #tpu.memory_space<vmem_shared>>
          tpu.enqueue_indirect_dma source(%dma_start3A_168 : memref<128x128xf32, #tpu.memory_space<vmem>>) target(%dma_start3A_174 : memref<10240x128xf32, #tpu.memory_space<vmem_shared>>) offsets(%dma_start3A_171 : memref<128xi32, #tpu.memory_space<vmem>>) semaphore(%run_scoped3A_164 : memref<!tpu.dma_semaphore, #tpu.memory_space<semaphore_mem>>) {add = true}
          %dma_wait3A_175 = arith.constant 0 : i32
          %dma_wait3A_176 = arith.constant 0 : i32
          %dma_wait3A_177 = tpu.memref_slice %arg8[%run_scoped3A_162, %dma_wait3A_175, %dma_wait3A_176] : memref<2x128x128xf32, #tpu.memory_space<vmem>> -> memref<1x128x128xf32, #tpu.memory_space<vmem>>
          %dma_wait3A_178 = tpu.memref_squeeze %dma_wait3A_177 : memref<1x128x128xf32, #tpu.memory_space<vmem>> -> memref<128x128xf32, #tpu.memory_space<vmem>>
          %dma_wait3A_179 = arith.constant 0 : i32
          %dma_wait3A_180 = tpu.memref_slice %arg7[%add3A_161, %dma_wait3A_179] : memref<40x128xi32, #tpu.memory_space<vmem>> -> memref<1x128xi32, #tpu.memory_space<vmem>>
          %dma_wait3A_181 = tpu.memref_squeeze %dma_wait3A_180 : memref<1x128xi32, #tpu.memory_space<vmem>> -> memref<128xi32, #tpu.memory_space<vmem>>
          %dma_wait3A_182 = arith.constant 0 : i32
          %dma_wait3A_183 = arith.constant 0 : i32
          %dma_wait3A_184 = tpu.memref_slice %arg9[%dma_wait3A_182, %dma_wait3A_183] : memref<10240x128xf32, #tpu.memory_space<vmem_shared>> -> memref<10240x128xf32, #tpu.memory_space<vmem_shared>>
          tpu.wait_indirect_dma semaphore(%run_scoped3A_164 : memref<!tpu.dma_semaphore, #tpu.memory_space<semaphore_mem>>) src(%dma_wait3A_178 : memref<128x128xf32, #tpu.memory_space<vmem>>) dst(%dma_wait3A_184 : memref<10240x128xf32, #tpu.memory_space<vmem_shared>>)
          tpu.yield
        }) : () -> ()
        %scan3A_163 = arith.constant 0 : i32
        scf.yield %scan3A_163 : i32
      }
      %scan3A_91 = arith.constant 20 : i32
      %add3A_92 = arith.constant 80 : i32
      %add3A_93 = arith.addi %add3A_38, %add3A_92 : i32
      "tpu.region"() ({
        %run_scoped3A_113 = tpu.sem_alloc : memref<!tpu.dma_semaphore, #tpu.memory_space<semaphore_mem>>
        %dma_start3A_114 = arith.constant 0 : i32
        %dma_start3A_115 = tpu.memref_slice %arg3[%add3A_93, %dma_start3A_114] : memref<2560x128xi32, #tpu.memory_space<hbm>> -> memref<40x128xi32, #tpu.memory_space<hbm>>
        %dma_start3A_116 = arith.constant 0 : i32
        %dma_start3A_117 = tpu.memref_slice %arg3[%add3A_93, %dma_start3A_116] : memref<2560x128xi32, #tpu.memory_space<hbm>> -> memref<40x128xi32, #tpu.memory_space<hbm>>
        tpu.enqueue_dma source(%dma_start3A_117 : memref<40x128xi32, #tpu.memory_space<hbm>>) target(%arg6 : memref<40x128xi32, #tpu.memory_space<vmem>>) target_semaphore(%run_scoped3A_113 : memref<!tpu.dma_semaphore, #tpu.memory_space<semaphore_mem>>)
        %dma_wait3A = arith.constant 0 : i32
        %dma_wait3A_118 = tpu.memref_slice %arg3[%add3A_93, %dma_wait3A] : memref<2560x128xi32, #tpu.memory_space<hbm>> -> memref<40x128xi32, #tpu.memory_space<hbm>>
        %dma_wait3A_119 = arith.constant 0 : i32
        %dma_wait3A_120 = tpu.memref_slice %arg3[%add3A_93, %dma_wait3A_119] : memref<2560x128xi32, #tpu.memory_space<hbm>> -> memref<40x128xi32, #tpu.memory_space<hbm>>
        tpu.wait_dma2 semaphore(%run_scoped3A_113 : memref<!tpu.dma_semaphore, #tpu.memory_space<semaphore_mem>>) src(%dma_wait3A_120 : memref<40x128xi32, #tpu.memory_space<hbm>>) dst(%arg6 : memref<40x128xi32, #tpu.memory_space<vmem>>)
        tpu.yield
      }) : () -> ()
      "tpu.region"() ({
        %run_scoped3A_113 = tpu.sem_alloc : memref<!tpu.dma_semaphore, #tpu.memory_space<semaphore_mem>>
        %dma_start3A_114 = arith.constant 0 : i32
        %dma_start3A_115 = tpu.memref_slice %arg4[%add3A_93, %dma_start3A_114] : memref<2560x128xi32, #tpu.memory_space<hbm>> -> memref<40x128xi32, #tpu.memory_space<hbm>>
        %dma_start3A_116 = arith.constant 0 : i32
        %dma_start3A_117 = tpu.memref_slice %arg4[%add3A_93, %dma_start3A_116] : memref<2560x128xi32, #tpu.memory_space<hbm>> -> memref<40x128xi32, #tpu.memory_space<hbm>>
        tpu.enqueue_dma source(%dma_start3A_117 : memref<40x128xi32, #tpu.memory_space<hbm>>) target(%arg7 : memref<40x128xi32, #tpu.memory_space<vmem>>) target_semaphore(%run_scoped3A_113 : memref<!tpu.dma_semaphore, #tpu.memory_space<semaphore_mem>>)
        %dma_wait3A = arith.constant 0 : i32
        %dma_wait3A_118 = tpu.memref_slice %arg4[%add3A_93, %dma_wait3A] : memref<2560x128xi32, #tpu.memory_space<hbm>> -> memref<40x128xi32, #tpu.memory_space<hbm>>
        %dma_wait3A_119 = arith.constant 0 : i32
        %dma_wait3A_120 = tpu.memref_slice %arg4[%add3A_93, %dma_wait3A_119] : memref<2560x128xi32, #tpu.memory_space<hbm>> -> memref<40x128xi32, #tpu.memory_space<hbm>>
        tpu.wait_dma2 semaphore(%run_scoped3A_113 : memref<!tpu.dma_semaphore, #tpu.memory_space<semaphore_mem>>) src(%dma_wait3A_120 : memref<40x128xi32, #tpu.memory_space<hbm>>) dst(%arg7 : memref<40x128xi32, #tpu.memory_space<vmem>>)
        tpu.yield
      }) : () -> ()
      %dma_start3A_94 = arith.constant 0 : i32
      %dma_start3A_95 = arith.constant 0 : i32
      %dma_start3A_96 = arith.constant 0 : i32
      %dma_start3A_97 = arith.constant 0 : i32
      %dma_start3A_98 = tpu.memref_slice %arg8[%dma_start3A_95, %dma_start3A_96, %dma_start3A_97] : memref<2x128x128xf32, #tpu.memory_space<vmem>> -> memref<1x128x128xf32, #tpu.memory_space<vmem>>
      %dma_start3A_99 = tpu.memref_squeeze %dma_start3A_98 : memref<1x128x128xf32, #tpu.memory_space<vmem>> -> memref<128x128xf32, #tpu.memory_space<vmem>>
      %dma_start3A_100 = arith.constant 0 : i32
      %dma_start3A_101 = tpu.memref_slice %arg6[%dma_start3A_94, %dma_start3A_100] : memref<40x128xi32, #tpu.memory_space<vmem>> -> memref<1x128xi32, #tpu.memory_space<vmem>>
      %dma_start3A_102 = tpu.memref_squeeze %dma_start3A_101 : memref<1x128xi32, #tpu.memory_space<vmem>> -> memref<128xi32, #tpu.memory_space<vmem>>
      %dma_start3A_103 = arith.constant 0 : i32
      %dma_start3A_104 = arith.constant 0 : i32
      %dma_start3A_105 = tpu.memref_slice %arg2[%dma_start3A_103, %dma_start3A_104] : memref<10240x128xf32, #tpu.memory_space<hbm>> -> memref<10240x128xf32, #tpu.memory_space<hbm>>
      tpu.enqueue_indirect_dma source(%dma_start3A_105 : memref<10240x128xf32, #tpu.memory_space<hbm>>) target(%dma_start3A_99 : memref<128x128xf32, #tpu.memory_space<vmem>>) offsets(%dma_start3A_102 : memref<128xi32, #tpu.memory_space<vmem>>) semaphore(%arg10 : memref<!tpu.dma_semaphore, #tpu.memory_space<semaphore_mem>>)
      %scan3A_106 = arith.constant 0 : i32
      %scan3A_107 = arith.constant 0 : i32
      %scan3A_108 = arith.constant 20 : i32
      %scan3A_109 = arith.addi %scan3A_107, %scan3A_108 : i32
      %scan3A_110 = arith.constant 1 : i32
      %scan3A_111 = scf.for %scan3A_113 = %scan3A_107 to %scan3A_109 step %scan3A_110 iter_args(%scan3A_114 = %scan3A_106) -> (i32)  : i32 {
        %mul3A_115 = arith.constant 2 : i32
        %mul3A_116 = arith.muli %mul3A_115, %scan3A_113 : i32
        %add3A_117 = arith.constant 1 : i32
        %add3A_118 = arith.addi %mul3A_116, %add3A_117 : i32
        %dma_start3A_119 = arith.constant 1 : i32
        %dma_start3A_120 = arith.constant 0 : i32
        %dma_start3A_121 = arith.constant 0 : i32
        %dma_start3A_122 = tpu.memref_slice %arg8[%dma_start3A_119, %dma_start3A_120, %dma_start3A_121] : memref<2x128x128xf32, #tpu.memory_space<vmem>> -> memref<1x128x128xf32, #tpu.memory_space<vmem>>
        %dma_start3A_123 = tpu.memref_squeeze %dma_start3A_122 : memref<1x128x128xf32, #tpu.memory_space<vmem>> -> memref<128x128xf32, #tpu.memory_space<vmem>>
        %dma_start3A_124 = arith.constant 0 : i32
        %dma_start3A_125 = tpu.memref_slice %arg6[%add3A_118, %dma_start3A_124] : memref<40x128xi32, #tpu.memory_space<vmem>> -> memref<1x128xi32, #tpu.memory_space<vmem>>
        %dma_start3A_126 = tpu.memref_squeeze %dma_start3A_125 : memref<1x128xi32, #tpu.memory_space<vmem>> -> memref<128xi32, #tpu.memory_space<vmem>>
        %dma_start3A_127 = arith.constant 0 : i32
        %dma_start3A_128 = arith.constant 0 : i32
        %dma_start3A_129 = tpu.memref_slice %arg2[%dma_start3A_127, %dma_start3A_128] : memref<10240x128xf32, #tpu.memory_space<hbm>> -> memref<10240x128xf32, #tpu.memory_space<hbm>>
        tpu.enqueue_indirect_dma source(%dma_start3A_129 : memref<10240x128xf32, #tpu.memory_space<hbm>>) target(%dma_start3A_123 : memref<128x128xf32, #tpu.memory_space<vmem>>) offsets(%dma_start3A_126 : memref<128xi32, #tpu.memory_space<vmem>>) semaphore(%arg11 : memref<!tpu.dma_semaphore, #tpu.memory_space<semaphore_mem>>)
        %dma_wait3A = arith.constant 0 : i32
        %dma_wait3A_130 = arith.constant 0 : i32
        %dma_wait3A_131 = arith.constant 0 : i32
        %dma_wait3A_132 = tpu.memref_slice %arg8[%dma_wait3A, %dma_wait3A_130, %dma_wait3A_131] : memref<2x128x128xf32, #tpu.memory_space<vmem>> -> memref<1x128x128xf32, #tpu.memory_space<vmem>>
        %dma_wait3A_133 = tpu.memref_squeeze %dma_wait3A_132 : memref<1x128x128xf32, #tpu.memory_space<vmem>> -> memref<128x128xf32, #tpu.memory_space<vmem>>
        %dma_wait3A_134 = arith.constant 0 : i32
        %dma_wait3A_135 = tpu.memref_slice %arg6[%mul3A_116, %dma_wait3A_134] : memref<40x128xi32, #tpu.memory_space<vmem>> -> memref<1x128xi32, #tpu.memory_space<vmem>>
        %dma_wait3A_136 = tpu.memref_squeeze %dma_wait3A_135 : memref<1x128xi32, #tpu.memory_space<vmem>> -> memref<128xi32, #tpu.memory_space<vmem>>
        %dma_wait3A_137 = arith.constant 0 : i32
        %dma_wait3A_138 = arith.constant 0 : i32
        %dma_wait3A_139 = tpu.memref_slice %arg2[%dma_wait3A_137, %dma_wait3A_138] : memref<10240x128xf32, #tpu.memory_space<hbm>> -> memref<10240x128xf32, #tpu.memory_space<hbm>>
        tpu.wait_indirect_dma semaphore(%arg10 : memref<!tpu.dma_semaphore, #tpu.memory_space<semaphore_mem>>) src(%dma_wait3A_139 : memref<10240x128xf32, #tpu.memory_space<hbm>>) dst(%dma_wait3A_133 : memref<128x128xf32, #tpu.memory_space<vmem>>)
        %run_scoped3A_140 = arith.constant 0 : i32
        "tpu.region"() ({
          %run_scoped3A_164 = tpu.sem_alloc : memref<!tpu.dma_semaphore, #tpu.memory_space<semaphore_mem>>
          %dma_start3A_165 = arith.constant 0 : i32
          %dma_start3A_166 = arith.constant 0 : i32
          %dma_start3A_167 = tpu.memref_slice %arg8[%run_scoped3A_140, %dma_start3A_165, %dma_start3A_166] : memref<2x128x128xf32, #tpu.memory_space<vmem>> -> memref<1x128x128xf32, #tpu.memory_space<vmem>>
          %dma_start3A_168 = tpu.memref_squeeze %dma_start3A_167 : memref<1x128x128xf32, #tpu.memory_space<vmem>> -> memref<128x128xf32, #tpu.memory_space<vmem>>
          %dma_start3A_169 = arith.constant 0 : i32
          %dma_start3A_170 = tpu.memref_slice %arg7[%mul3A_116, %dma_start3A_169] : memref<40x128xi32, #tpu.memory_space<vmem>> -> memref<1x128xi32, #tpu.memory_space<vmem>>
          %dma_start3A_171 = tpu.memref_squeeze %dma_start3A_170 : memref<1x128xi32, #tpu.memory_space<vmem>> -> memref<128xi32, #tpu.memory_space<vmem>>
          %dma_start3A_172 = arith.constant 0 : i32
          %dma_start3A_173 = arith.constant 0 : i32
          %dma_start3A_174 = tpu.memref_slice %arg9[%dma_start3A_172, %dma_start3A_173] : memref<10240x128xf32, #tpu.memory_space<vmem_shared>> -> memref<10240x128xf32, #tpu.memory_space<vmem_shared>>
          tpu.enqueue_indirect_dma source(%dma_start3A_168 : memref<128x128xf32, #tpu.memory_space<vmem>>) target(%dma_start3A_174 : memref<10240x128xf32, #tpu.memory_space<vmem_shared>>) offsets(%dma_start3A_171 : memref<128xi32, #tpu.memory_space<vmem>>) semaphore(%run_scoped3A_164 : memref<!tpu.dma_semaphore, #tpu.memory_space<semaphore_mem>>) {add = true}
          %dma_wait3A_175 = arith.constant 0 : i32
          %dma_wait3A_176 = arith.constant 0 : i32
          %dma_wait3A_177 = tpu.memref_slice %arg8[%run_scoped3A_140, %dma_wait3A_175, %dma_wait3A_176] : memref<2x128x128xf32, #tpu.memory_space<vmem>> -> memref<1x128x128xf32, #tpu.memory_space<vmem>>
          %dma_wait3A_178 = tpu.memref_squeeze %dma_wait3A_177 : memref<1x128x128xf32, #tpu.memory_space<vmem>> -> memref<128x128xf32, #tpu.memory_space<vmem>>
          %dma_wait3A_179 = arith.constant 0 : i32
          %dma_wait3A_180 = tpu.memref_slice %arg7[%mul3A_116, %dma_wait3A_179] : memref<40x128xi32, #tpu.memory_space<vmem>> -> memref<1x128xi32, #tpu.memory_space<vmem>>
          %dma_wait3A_181 = tpu.memref_squeeze %dma_wait3A_180 : memref<1x128xi32, #tpu.memory_space<vmem>> -> memref<128xi32, #tpu.memory_space<vmem>>
          %dma_wait3A_182 = arith.constant 0 : i32
          %dma_wait3A_183 = arith.constant 0 : i32
          %dma_wait3A_184 = tpu.memref_slice %arg9[%dma_wait3A_182, %dma_wait3A_183] : memref<10240x128xf32, #tpu.memory_space<vmem_shared>> -> memref<10240x128xf32, #tpu.memory_space<vmem_shared>>
          tpu.wait_indirect_dma semaphore(%run_scoped3A_164 : memref<!tpu.dma_semaphore, #tpu.memory_space<semaphore_mem>>) src(%dma_wait3A_178 : memref<128x128xf32, #tpu.memory_space<vmem>>) dst(%dma_wait3A_184 : memref<10240x128xf32, #tpu.memory_space<vmem_shared>>)
          tpu.yield
        }) : () -> ()
        %add3A_141 = arith.constant 2 : i32
        %add3A_142 = arith.addi %mul3A_116, %add3A_141 : i32
        %lt3A = arith.constant 40 : i32
        %lt3A_143 = arith.cmpi slt, %add3A_142, %lt3A : i32
        %convert_element_type3A_144 = arith.extui %lt3A_143 : i1 to i32
        %cond3A_145 = arith.constant 0 : i32
        %cond3A_146 = arith.cmpi ne, %convert_element_type3A_144, %cond3A_145 : i32
        scf.if %cond3A_146 {
          %add3A_164 = arith.constant 2 : i32
          %add3A_165 = arith.addi %mul3A_116, %add3A_164 : i32
          %dma_start3A_166 = arith.constant 0 : i32
          %dma_start3A_167 = arith.constant 0 : i32
          %dma_start3A_168 = arith.constant 0 : i32
          %dma_start3A_169 = tpu.memref_slice %arg8[%dma_start3A_166, %dma_start3A_167, %dma_start3A_168] : memref<2x128x128xf32, #tpu.memory_space<vmem>> -> memref<1x128x128xf32, #tpu.memory_space<vmem>>
          %dma_start3A_170 = tpu.memref_squeeze %dma_start3A_169 : memref<1x128x128xf32, #tpu.memory_space<vmem>> -> memref<128x128xf32, #tpu.memory_space<vmem>>
          %dma_start3A_171 = arith.constant 0 : i32
          %dma_start3A_172 = tpu.memref_slice %arg6[%add3A_165, %dma_start3A_171] : memref<40x128xi32, #tpu.memory_space<vmem>> -> memref<1x128xi32, #tpu.memory_space<vmem>>
          %dma_start3A_173 = tpu.memref_squeeze %dma_start3A_172 : memref<1x128xi32, #tpu.memory_space<vmem>> -> memref<128xi32, #tpu.memory_space<vmem>>
          %dma_start3A_174 = arith.constant 0 : i32
          %dma_start3A_175 = arith.constant 0 : i32
          %dma_start3A_176 = tpu.memref_slice %arg2[%dma_start3A_174, %dma_start3A_175] : memref<10240x128xf32, #tpu.memory_space<hbm>> -> memref<10240x128xf32, #tpu.memory_space<hbm>>
          tpu.enqueue_indirect_dma source(%dma_start3A_176 : memref<10240x128xf32, #tpu.memory_space<hbm>>) target(%dma_start3A_170 : memref<128x128xf32, #tpu.memory_space<vmem>>) offsets(%dma_start3A_173 : memref<128xi32, #tpu.memory_space<vmem>>) semaphore(%arg10 : memref<!tpu.dma_semaphore, #tpu.memory_space<semaphore_mem>>)
        } else {
        }
        %add3A_147 = arith.constant 1 : i32
        %add3A_148 = arith.addi %mul3A_116, %add3A_147 : i32
        %dma_wait3A_149 = arith.constant 1 : i32
        %dma_wait3A_150 = arith.constant 0 : i32
        %dma_wait3A_151 = arith.constant 0 : i32
        %dma_wait3A_152 = tpu.memref_slice %arg8[%dma_wait3A_149, %dma_wait3A_150, %dma_wait3A_151] : memref<2x128x128xf32, #tpu.memory_space<vmem>> -> memref<1x128x128xf32, #tpu.memory_space<vmem>>
        %dma_wait3A_153 = tpu.memref_squeeze %dma_wait3A_152 : memref<1x128x128xf32, #tpu.memory_space<vmem>> -> memref<128x128xf32, #tpu.memory_space<vmem>>
        %dma_wait3A_154 = arith.constant 0 : i32
        %dma_wait3A_155 = tpu.memref_slice %arg6[%add3A_148, %dma_wait3A_154] : memref<40x128xi32, #tpu.memory_space<vmem>> -> memref<1x128xi32, #tpu.memory_space<vmem>>
        %dma_wait3A_156 = tpu.memref_squeeze %dma_wait3A_155 : memref<1x128xi32, #tpu.memory_space<vmem>> -> memref<128xi32, #tpu.memory_space<vmem>>
        %dma_wait3A_157 = arith.constant 0 : i32
        %dma_wait3A_158 = arith.constant 0 : i32
        %dma_wait3A_159 = tpu.memref_slice %arg2[%dma_wait3A_157, %dma_wait3A_158] : memref<10240x128xf32, #tpu.memory_space<hbm>> -> memref<10240x128xf32, #tpu.memory_space<hbm>>
        tpu.wait_indirect_dma semaphore(%arg11 : memref<!tpu.dma_semaphore, #tpu.memory_space<semaphore_mem>>) src(%dma_wait3A_159 : memref<10240x128xf32, #tpu.memory_space<hbm>>) dst(%dma_wait3A_153 : memref<128x128xf32, #tpu.memory_space<vmem>>)
        %add3A_160 = arith.constant 1 : i32
        %add3A_161 = arith.addi %mul3A_116, %add3A_160 : i32
        %run_scoped3A_162 = arith.constant 1 : i32
        "tpu.region"() ({
          %run_scoped3A_164 = tpu.sem_alloc : memref<!tpu.dma_semaphore, #tpu.memory_space<semaphore_mem>>
          %dma_start3A_165 = arith.constant 0 : i32
          %dma_start3A_166 = arith.constant 0 : i32
          %dma_start3A_167 = tpu.memref_slice %arg8[%run_scoped3A_162, %dma_start3A_165, %dma_start3A_166] : memref<2x128x128xf32, #tpu.memory_space<vmem>> -> memref<1x128x128xf32, #tpu.memory_space<vmem>>
          %dma_start3A_168 = tpu.memref_squeeze %dma_start3A_167 : memref<1x128x128xf32, #tpu.memory_space<vmem>> -> memref<128x128xf32, #tpu.memory_space<vmem>>
          %dma_start3A_169 = arith.constant 0 : i32
          %dma_start3A_170 = tpu.memref_slice %arg7[%add3A_161, %dma_start3A_169] : memref<40x128xi32, #tpu.memory_space<vmem>> -> memref<1x128xi32, #tpu.memory_space<vmem>>
          %dma_start3A_171 = tpu.memref_squeeze %dma_start3A_170 : memref<1x128xi32, #tpu.memory_space<vmem>> -> memref<128xi32, #tpu.memory_space<vmem>>
          %dma_start3A_172 = arith.constant 0 : i32
          %dma_start3A_173 = arith.constant 0 : i32
          %dma_start3A_174 = tpu.memref_slice %arg9[%dma_start3A_172, %dma_start3A_173] : memref<10240x128xf32, #tpu.memory_space<vmem_shared>> -> memref<10240x128xf32, #tpu.memory_space<vmem_shared>>
          tpu.enqueue_indirect_dma source(%dma_start3A_168 : memref<128x128xf32, #tpu.memory_space<vmem>>) target(%dma_start3A_174 : memref<10240x128xf32, #tpu.memory_space<vmem_shared>>) offsets(%dma_start3A_171 : memref<128xi32, #tpu.memory_space<vmem>>) semaphore(%run_scoped3A_164 : memref<!tpu.dma_semaphore, #tpu.memory_space<semaphore_mem>>) {add = true}
          %dma_wait3A_175 = arith.constant 0 : i32
          %dma_wait3A_176 = arith.constant 0 : i32
          %dma_wait3A_177 = tpu.memref_slice %arg8[%run_scoped3A_162, %dma_wait3A_175, %dma_wait3A_176] : memref<2x128x128xf32, #tpu.memory_space<vmem>> -> memref<1x128x128xf32, #tpu.memory_space<vmem>>
          %dma_wait3A_178 = tpu.memref_squeeze %dma_wait3A_177 : memref<1x128x128xf32, #tpu.memory_space<vmem>> -> memref<128x128xf32, #tpu.memory_space<vmem>>
          %dma_wait3A_179 = arith.constant 0 : i32
          %dma_wait3A_180 = tpu.memref_slice %arg7[%add3A_161, %dma_wait3A_179] : memref<40x128xi32, #tpu.memory_space<vmem>> -> memref<1x128xi32, #tpu.memory_space<vmem>>
          %dma_wait3A_181 = tpu.memref_squeeze %dma_wait3A_180 : memref<1x128xi32, #tpu.memory_space<vmem>> -> memref<128xi32, #tpu.memory_space<vmem>>
          %dma_wait3A_182 = arith.constant 0 : i32
          %dma_wait3A_183 = arith.constant 0 : i32
          %dma_wait3A_184 = tpu.memref_slice %arg9[%dma_wait3A_182, %dma_wait3A_183] : memref<10240x128xf32, #tpu.memory_space<vmem_shared>> -> memref<10240x128xf32, #tpu.memory_space<vmem_shared>>
          tpu.wait_indirect_dma semaphore(%run_scoped3A_164 : memref<!tpu.dma_semaphore, #tpu.memory_space<semaphore_mem>>) src(%dma_wait3A_178 : memref<128x128xf32, #tpu.memory_space<vmem>>) dst(%dma_wait3A_184 : memref<10240x128xf32, #tpu.memory_space<vmem_shared>>)
          tpu.yield
        }) : () -> ()
        %scan3A_163 = arith.constant 0 : i32
        scf.yield %scan3A_163 : i32
      }
      %scan3A_112 = arith.constant 20 : i32
    } else {
    }
    %eq3A_41 = arith.constant 1 : i32
    %eq3A_42 = arith.cmpi eq, %arg0, %eq3A_41 : i32
    %convert_element_type3A_43 = arith.extui %eq3A_42 : i1 to i32
    %cond3A_44 = arith.constant 0 : i32
    %cond3A_45 = arith.cmpi ne, %convert_element_type3A_43, %cond3A_44 : i32
    scf.if %cond3A_45 {
      %add3A_51 = arith.constant 0 : i32
      %add3A_52 = arith.addi %add3A_38, %add3A_51 : i32
      "tpu.region"() ({
        %run_scoped3A_71 = tpu.sem_alloc : memref<!tpu.dma_semaphore, #tpu.memory_space<semaphore_mem>>
        %dma_start3A_72 = arith.constant 0 : i32
        %dma_start3A_73 = tpu.memref_slice %arg3[%add3A_52, %dma_start3A_72] : memref<2560x128xi32, #tpu.memory_space<hbm>> -> memref<40x128xi32, #tpu.memory_space<hbm>>
        %dma_start3A_74 = arith.constant 0 : i32
        %dma_start3A_75 = tpu.memref_slice %arg3[%add3A_52, %dma_start3A_74] : memref<2560x128xi32, #tpu.memory_space<hbm>> -> memref<40x128xi32, #tpu.memory_space<hbm>>
        tpu.enqueue_dma source(%dma_start3A_75 : memref<40x128xi32, #tpu.memory_space<hbm>>) target(%arg6 : memref<40x128xi32, #tpu.memory_space<vmem>>) target_semaphore(%run_scoped3A_71 : memref<!tpu.dma_semaphore, #tpu.memory_space<semaphore_mem>>)
        %dma_wait3A = arith.constant 0 : i32
        %dma_wait3A_76 = tpu.memref_slice %arg3[%add3A_52, %dma_wait3A] : memref<2560x128xi32, #tpu.memory_space<hbm>> -> memref<40x128xi32, #tpu.memory_space<hbm>>
        %dma_wait3A_77 = arith.constant 0 : i32
        %dma_wait3A_78 = tpu.memref_slice %arg3[%add3A_52, %dma_wait3A_77] : memref<2560x128xi32, #tpu.memory_space<hbm>> -> memref<40x128xi32, #tpu.memory_space<hbm>>
        tpu.wait_dma2 semaphore(%run_scoped3A_71 : memref<!tpu.dma_semaphore, #tpu.memory_space<semaphore_mem>>) src(%dma_wait3A_78 : memref<40x128xi32, #tpu.memory_space<hbm>>) dst(%arg6 : memref<40x128xi32, #tpu.memory_space<vmem>>)
        tpu.yield
      }) : () -> ()
      "tpu.region"() ({
        %run_scoped3A_71 = tpu.sem_alloc : memref<!tpu.dma_semaphore, #tpu.memory_space<semaphore_mem>>
        %dma_start3A_72 = arith.constant 0 : i32
        %dma_start3A_73 = tpu.memref_slice %arg4[%add3A_52, %dma_start3A_72] : memref<2560x128xi32, #tpu.memory_space<hbm>> -> memref<40x128xi32, #tpu.memory_space<hbm>>
        %dma_start3A_74 = arith.constant 0 : i32
        %dma_start3A_75 = tpu.memref_slice %arg4[%add3A_52, %dma_start3A_74] : memref<2560x128xi32, #tpu.memory_space<hbm>> -> memref<40x128xi32, #tpu.memory_space<hbm>>
        tpu.enqueue_dma source(%dma_start3A_75 : memref<40x128xi32, #tpu.memory_space<hbm>>) target(%arg7 : memref<40x128xi32, #tpu.memory_space<vmem>>) target_semaphore(%run_scoped3A_71 : memref<!tpu.dma_semaphore, #tpu.memory_space<semaphore_mem>>)
        %dma_wait3A = arith.constant 0 : i32
        %dma_wait3A_76 = tpu.memref_slice %arg4[%add3A_52, %dma_wait3A] : memref<2560x128xi32, #tpu.memory_space<hbm>> -> memref<40x128xi32, #tpu.memory_space<hbm>>
        %dma_wait3A_77 = arith.constant 0 : i32
        %dma_wait3A_78 = tpu.memref_slice %arg4[%add3A_52, %dma_wait3A_77] : memref<2560x128xi32, #tpu.memory_space<hbm>> -> memref<40x128xi32, #tpu.memory_space<hbm>>
        tpu.wait_dma2 semaphore(%run_scoped3A_71 : memref<!tpu.dma_semaphore, #tpu.memory_space<semaphore_mem>>) src(%dma_wait3A_78 : memref<40x128xi32, #tpu.memory_space<hbm>>) dst(%arg7 : memref<40x128xi32, #tpu.memory_space<vmem>>)
        tpu.yield
      }) : () -> ()
      %dma_start3A = arith.constant 0 : i32
      %dma_start3A_53 = arith.constant 0 : i32
      %dma_start3A_54 = arith.constant 0 : i32
      %dma_start3A_55 = arith.constant 0 : i32
      %dma_start3A_56 = tpu.memref_slice %arg8[%dma_start3A_53, %dma_start3A_54, %dma_start3A_55] : memref<2x128x128xf32, #tpu.memory_space<vmem>> -> memref<1x128x128xf32, #tpu.memory_space<vmem>>
      %dma_start3A_57 = tpu.memref_squeeze %dma_start3A_56 : memref<1x128x128xf32, #tpu.memory_space<vmem>> -> memref<128x128xf32, #tpu.memory_space<vmem>>
      %dma_start3A_58 = arith.constant 0 : i32
      %dma_start3A_59 = tpu.memref_slice %arg6[%dma_start3A, %dma_start3A_58] : memref<40x128xi32, #tpu.memory_space<vmem>> -> memref<1x128xi32, #tpu.memory_space<vmem>>
      %dma_start3A_60 = tpu.memref_squeeze %dma_start3A_59 : memref<1x128xi32, #tpu.memory_space<vmem>> -> memref<128xi32, #tpu.memory_space<vmem>>
      %dma_start3A_61 = arith.constant 0 : i32
      %dma_start3A_62 = arith.constant 0 : i32
      %dma_start3A_63 = tpu.memref_slice %arg2[%dma_start3A_61, %dma_start3A_62] : memref<10240x128xf32, #tpu.memory_space<hbm>> -> memref<10240x128xf32, #tpu.memory_space<hbm>>
      tpu.enqueue_indirect_dma source(%dma_start3A_63 : memref<10240x128xf32, #tpu.memory_space<hbm>>) target(%dma_start3A_57 : memref<128x128xf32, #tpu.memory_space<vmem>>) offsets(%dma_start3A_60 : memref<128xi32, #tpu.memory_space<vmem>>) semaphore(%arg10 : memref<!tpu.dma_semaphore, #tpu.memory_space<semaphore_mem>>)
      %scan3A_64 = arith.constant 0 : i32
      %scan3A_65 = arith.constant 0 : i32
      %scan3A_66 = arith.constant 20 : i32
      %scan3A_67 = arith.addi %scan3A_65, %scan3A_66 : i32
      %scan3A_68 = arith.constant 1 : i32
      %scan3A_69 = scf.for %scan3A_71 = %scan3A_65 to %scan3A_67 step %scan3A_68 iter_args(%scan3A_72 = %scan3A_64) -> (i32)  : i32 {
        %mul3A_73 = arith.constant 2 : i32
        %mul3A_74 = arith.muli %mul3A_73, %scan3A_71 : i32
        %add3A_75 = arith.constant 1 : i32
        %add3A_76 = arith.addi %mul3A_74, %add3A_75 : i32
        %dma_start3A_77 = arith.constant 1 : i32
        %dma_start3A_78 = arith.constant 0 : i32
        %dma_start3A_79 = arith.constant 0 : i32
        %dma_start3A_80 = tpu.memref_slice %arg8[%dma_start3A_77, %dma_start3A_78, %dma_start3A_79] : memref<2x128x128xf32, #tpu.memory_space<vmem>> -> memref<1x128x128xf32, #tpu.memory_space<vmem>>
        %dma_start3A_81 = tpu.memref_squeeze %dma_start3A_80 : memref<1x128x128xf32, #tpu.memory_space<vmem>> -> memref<128x128xf32, #tpu.memory_space<vmem>>
        %dma_start3A_82 = arith.constant 0 : i32
        %dma_start3A_83 = tpu.memref_slice %arg6[%add3A_76, %dma_start3A_82] : memref<40x128xi32, #tpu.memory_space<vmem>> -> memref<1x128xi32, #tpu.memory_space<vmem>>
        %dma_start3A_84 = tpu.memref_squeeze %dma_start3A_83 : memref<1x128xi32, #tpu.memory_space<vmem>> -> memref<128xi32, #tpu.memory_space<vmem>>
        %dma_start3A_85 = arith.constant 0 : i32
        %dma_start3A_86 = arith.constant 0 : i32
        %dma_start3A_87 = tpu.memref_slice %arg2[%dma_start3A_85, %dma_start3A_86] : memref<10240x128xf32, #tpu.memory_space<hbm>> -> memref<10240x128xf32, #tpu.memory_space<hbm>>
        tpu.enqueue_indirect_dma source(%dma_start3A_87 : memref<10240x128xf32, #tpu.memory_space<hbm>>) target(%dma_start3A_81 : memref<128x128xf32, #tpu.memory_space<vmem>>) offsets(%dma_start3A_84 : memref<128xi32, #tpu.memory_space<vmem>>) semaphore(%arg11 : memref<!tpu.dma_semaphore, #tpu.memory_space<semaphore_mem>>)
        %dma_wait3A = arith.constant 0 : i32
        %dma_wait3A_88 = arith.constant 0 : i32
        %dma_wait3A_89 = arith.constant 0 : i32
        %dma_wait3A_90 = tpu.memref_slice %arg8[%dma_wait3A, %dma_wait3A_88, %dma_wait3A_89] : memref<2x128x128xf32, #tpu.memory_space<vmem>> -> memref<1x128x128xf32, #tpu.memory_space<vmem>>
        %dma_wait3A_91 = tpu.memref_squeeze %dma_wait3A_90 : memref<1x128x128xf32, #tpu.memory_space<vmem>> -> memref<128x128xf32, #tpu.memory_space<vmem>>
        %dma_wait3A_92 = arith.constant 0 : i32
        %dma_wait3A_93 = tpu.memref_slice %arg6[%mul3A_74, %dma_wait3A_92] : memref<40x128xi32, #tpu.memory_space<vmem>> -> memref<1x128xi32, #tpu.memory_space<vmem>>
        %dma_wait3A_94 = tpu.memref_squeeze %dma_wait3A_93 : memref<1x128xi32, #tpu.memory_space<vmem>> -> memref<128xi32, #tpu.memory_space<vmem>>
        %dma_wait3A_95 = arith.constant 0 : i32
        %dma_wait3A_96 = arith.constant 0 : i32
        %dma_wait3A_97 = tpu.memref_slice %arg2[%dma_wait3A_95, %dma_wait3A_96] : memref<10240x128xf32, #tpu.memory_space<hbm>> -> memref<10240x128xf32, #tpu.memory_space<hbm>>
        tpu.wait_indirect_dma semaphore(%arg10 : memref<!tpu.dma_semaphore, #tpu.memory_space<semaphore_mem>>) src(%dma_wait3A_97 : memref<10240x128xf32, #tpu.memory_space<hbm>>) dst(%dma_wait3A_91 : memref<128x128xf32, #tpu.memory_space<vmem>>)
        %run_scoped3A_98 = arith.constant 0 : i32
        "tpu.region"() ({
          %run_scoped3A_122 = tpu.sem_alloc : memref<!tpu.dma_semaphore, #tpu.memory_space<semaphore_mem>>
          %dma_start3A_123 = arith.constant 0 : i32
          %dma_start3A_124 = arith.constant 0 : i32
          %dma_start3A_125 = tpu.memref_slice %arg8[%run_scoped3A_98, %dma_start3A_123, %dma_start3A_124] : memref<2x128x128xf32, #tpu.memory_space<vmem>> -> memref<1x128x128xf32, #tpu.memory_space<vmem>>
          %dma_start3A_126 = tpu.memref_squeeze %dma_start3A_125 : memref<1x128x128xf32, #tpu.memory_space<vmem>> -> memref<128x128xf32, #tpu.memory_space<vmem>>
          %dma_start3A_127 = arith.constant 0 : i32
          %dma_start3A_128 = tpu.memref_slice %arg7[%mul3A_74, %dma_start3A_127] : memref<40x128xi32, #tpu.memory_space<vmem>> -> memref<1x128xi32, #tpu.memory_space<vmem>>
          %dma_start3A_129 = tpu.memref_squeeze %dma_start3A_128 : memref<1x128xi32, #tpu.memory_space<vmem>> -> memref<128xi32, #tpu.memory_space<vmem>>
          %dma_start3A_130 = arith.constant 0 : i32
          %dma_start3A_131 = arith.constant 0 : i32
          %dma_start3A_132 = tpu.memref_slice %arg9[%dma_start3A_130, %dma_start3A_131] : memref<10240x128xf32, #tpu.memory_space<vmem_shared>> -> memref<10240x128xf32, #tpu.memory_space<vmem_shared>>
          tpu.enqueue_indirect_dma source(%dma_start3A_126 : memref<128x128xf32, #tpu.memory_space<vmem>>) target(%dma_start3A_132 : memref<10240x128xf32, #tpu.memory_space<vmem_shared>>) offsets(%dma_start3A_129 : memref<128xi32, #tpu.memory_space<vmem>>) semaphore(%run_scoped3A_122 : memref<!tpu.dma_semaphore, #tpu.memory_space<semaphore_mem>>) {add = true}
          %dma_wait3A_133 = arith.constant 0 : i32
          %dma_wait3A_134 = arith.constant 0 : i32
          %dma_wait3A_135 = tpu.memref_slice %arg8[%run_scoped3A_98, %dma_wait3A_133, %dma_wait3A_134] : memref<2x128x128xf32, #tpu.memory_space<vmem>> -> memref<1x128x128xf32, #tpu.memory_space<vmem>>
          %dma_wait3A_136 = tpu.memref_squeeze %dma_wait3A_135 : memref<1x128x128xf32, #tpu.memory_space<vmem>> -> memref<128x128xf32, #tpu.memory_space<vmem>>
          %dma_wait3A_137 = arith.constant 0 : i32
          %dma_wait3A_138 = tpu.memref_slice %arg7[%mul3A_74, %dma_wait3A_137] : memref<40x128xi32, #tpu.memory_space<vmem>> -> memref<1x128xi32, #tpu.memory_space<vmem>>
          %dma_wait3A_139 = tpu.memref_squeeze %dma_wait3A_138 : memref<1x128xi32, #tpu.memory_space<vmem>> -> memref<128xi32, #tpu.memory_space<vmem>>
          %dma_wait3A_140 = arith.constant 0 : i32
          %dma_wait3A_141 = arith.constant 0 : i32
          %dma_wait3A_142 = tpu.memref_slice %arg9[%dma_wait3A_140, %dma_wait3A_141] : memref<10240x128xf32, #tpu.memory_space<vmem_shared>> -> memref<10240x128xf32, #tpu.memory_space<vmem_shared>>
          tpu.wait_indirect_dma semaphore(%run_scoped3A_122 : memref<!tpu.dma_semaphore, #tpu.memory_space<semaphore_mem>>) src(%dma_wait3A_136 : memref<128x128xf32, #tpu.memory_space<vmem>>) dst(%dma_wait3A_142 : memref<10240x128xf32, #tpu.memory_space<vmem_shared>>)
          tpu.yield
        }) : () -> ()
        %add3A_99 = arith.constant 2 : i32
        %add3A_100 = arith.addi %mul3A_74, %add3A_99 : i32
        %lt3A = arith.constant 40 : i32
        %lt3A_101 = arith.cmpi slt, %add3A_100, %lt3A : i32
        %convert_element_type3A_102 = arith.extui %lt3A_101 : i1 to i32
        %cond3A_103 = arith.constant 0 : i32
        %cond3A_104 = arith.cmpi ne, %convert_element_type3A_102, %cond3A_103 : i32
        scf.if %cond3A_104 {
          %add3A_122 = arith.constant 2 : i32
          %add3A_123 = arith.addi %mul3A_74, %add3A_122 : i32
          %dma_start3A_124 = arith.constant 0 : i32
          %dma_start3A_125 = arith.constant 0 : i32
          %dma_start3A_126 = arith.constant 0 : i32
          %dma_start3A_127 = tpu.memref_slice %arg8[%dma_start3A_124, %dma_start3A_125, %dma_start3A_126] : memref<2x128x128xf32, #tpu.memory_space<vmem>> -> memref<1x128x128xf32, #tpu.memory_space<vmem>>
          %dma_start3A_128 = tpu.memref_squeeze %dma_start3A_127 : memref<1x128x128xf32, #tpu.memory_space<vmem>> -> memref<128x128xf32, #tpu.memory_space<vmem>>
          %dma_start3A_129 = arith.constant 0 : i32
          %dma_start3A_130 = tpu.memref_slice %arg6[%add3A_123, %dma_start3A_129] : memref<40x128xi32, #tpu.memory_space<vmem>> -> memref<1x128xi32, #tpu.memory_space<vmem>>
          %dma_start3A_131 = tpu.memref_squeeze %dma_start3A_130 : memref<1x128xi32, #tpu.memory_space<vmem>> -> memref<128xi32, #tpu.memory_space<vmem>>
          %dma_start3A_132 = arith.constant 0 : i32
          %dma_start3A_133 = arith.constant 0 : i32
          %dma_start3A_134 = tpu.memref_slice %arg2[%dma_start3A_132, %dma_start3A_133] : memref<10240x128xf32, #tpu.memory_space<hbm>> -> memref<10240x128xf32, #tpu.memory_space<hbm>>
          tpu.enqueue_indirect_dma source(%dma_start3A_134 : memref<10240x128xf32, #tpu.memory_space<hbm>>) target(%dma_start3A_128 : memref<128x128xf32, #tpu.memory_space<vmem>>) offsets(%dma_start3A_131 : memref<128xi32, #tpu.memory_space<vmem>>) semaphore(%arg10 : memref<!tpu.dma_semaphore, #tpu.memory_space<semaphore_mem>>)
        } else {
        }
        %add3A_105 = arith.constant 1 : i32
        %add3A_106 = arith.addi %mul3A_74, %add3A_105 : i32
        %dma_wait3A_107 = arith.constant 1 : i32
        %dma_wait3A_108 = arith.constant 0 : i32
        %dma_wait3A_109 = arith.constant 0 : i32
        %dma_wait3A_110 = tpu.memref_slice %arg8[%dma_wait3A_107, %dma_wait3A_108, %dma_wait3A_109] : memref<2x128x128xf32, #tpu.memory_space<vmem>> -> memref<1x128x128xf32, #tpu.memory_space<vmem>>
        %dma_wait3A_111 = tpu.memref_squeeze %dma_wait3A_110 : memref<1x128x128xf32, #tpu.memory_space<vmem>> -> memref<128x128xf32, #tpu.memory_space<vmem>>
        %dma_wait3A_112 = arith.constant 0 : i32
        %dma_wait3A_113 = tpu.memref_slice %arg6[%add3A_106, %dma_wait3A_112] : memref<40x128xi32, #tpu.memory_space<vmem>> -> memref<1x128xi32, #tpu.memory_space<vmem>>
        %dma_wait3A_114 = tpu.memref_squeeze %dma_wait3A_113 : memref<1x128xi32, #tpu.memory_space<vmem>> -> memref<128xi32, #tpu.memory_space<vmem>>
        %dma_wait3A_115 = arith.constant 0 : i32
        %dma_wait3A_116 = arith.constant 0 : i32
        %dma_wait3A_117 = tpu.memref_slice %arg2[%dma_wait3A_115, %dma_wait3A_116] : memref<10240x128xf32, #tpu.memory_space<hbm>> -> memref<10240x128xf32, #tpu.memory_space<hbm>>
        tpu.wait_indirect_dma semaphore(%arg11 : memref<!tpu.dma_semaphore, #tpu.memory_space<semaphore_mem>>) src(%dma_wait3A_117 : memref<10240x128xf32, #tpu.memory_space<hbm>>) dst(%dma_wait3A_111 : memref<128x128xf32, #tpu.memory_space<vmem>>)
        %add3A_118 = arith.constant 1 : i32
        %add3A_119 = arith.addi %mul3A_74, %add3A_118 : i32
        %run_scoped3A_120 = arith.constant 1 : i32
        "tpu.region"() ({
          %run_scoped3A_122 = tpu.sem_alloc : memref<!tpu.dma_semaphore, #tpu.memory_space<semaphore_mem>>
          %dma_start3A_123 = arith.constant 0 : i32
          %dma_start3A_124 = arith.constant 0 : i32
          %dma_start3A_125 = tpu.memref_slice %arg8[%run_scoped3A_120, %dma_start3A_123, %dma_start3A_124] : memref<2x128x128xf32, #tpu.memory_space<vmem>> -> memref<1x128x128xf32, #tpu.memory_space<vmem>>
          %dma_start3A_126 = tpu.memref_squeeze %dma_start3A_125 : memref<1x128x128xf32, #tpu.memory_space<vmem>> -> memref<128x128xf32, #tpu.memory_space<vmem>>
          %dma_start3A_127 = arith.constant 0 : i32
          %dma_start3A_128 = tpu.memref_slice %arg7[%add3A_119, %dma_start3A_127] : memref<40x128xi32, #tpu.memory_space<vmem>> -> memref<1x128xi32, #tpu.memory_space<vmem>>
          %dma_start3A_129 = tpu.memref_squeeze %dma_start3A_128 : memref<1x128xi32, #tpu.memory_space<vmem>> -> memref<128xi32, #tpu.memory_space<vmem>>
          %dma_start3A_130 = arith.constant 0 : i32
          %dma_start3A_131 = arith.constant 0 : i32
          %dma_start3A_132 = tpu.memref_slice %arg9[%dma_start3A_130, %dma_start3A_131] : memref<10240x128xf32, #tpu.memory_space<vmem_shared>> -> memref<10240x128xf32, #tpu.memory_space<vmem_shared>>
          tpu.enqueue_indirect_dma source(%dma_start3A_126 : memref<128x128xf32, #tpu.memory_space<vmem>>) target(%dma_start3A_132 : memref<10240x128xf32, #tpu.memory_space<vmem_shared>>) offsets(%dma_start3A_129 : memref<128xi32, #tpu.memory_space<vmem>>) semaphore(%run_scoped3A_122 : memref<!tpu.dma_semaphore, #tpu.memory_space<semaphore_mem>>) {add = true}
          %dma_wait3A_133 = arith.constant 0 : i32
          %dma_wait3A_134 = arith.constant 0 : i32
          %dma_wait3A_135 = tpu.memref_slice %arg8[%run_scoped3A_120, %dma_wait3A_133, %dma_wait3A_134] : memref<2x128x128xf32, #tpu.memory_space<vmem>> -> memref<1x128x128xf32, #tpu.memory_space<vmem>>
          %dma_wait3A_136 = tpu.memref_squeeze %dma_wait3A_135 : memref<1x128x128xf32, #tpu.memory_space<vmem>> -> memref<128x128xf32, #tpu.memory_space<vmem>>
          %dma_wait3A_137 = arith.constant 0 : i32
          %dma_wait3A_138 = tpu.memref_slice %arg7[%add3A_119, %dma_wait3A_137] : memref<40x128xi32, #tpu.memory_space<vmem>> -> memref<1x128xi32, #tpu.memory_space<vmem>>
          %dma_wait3A_139 = tpu.memref_squeeze %dma_wait3A_138 : memref<1x128xi32, #tpu.memory_space<vmem>> -> memref<128xi32, #tpu.memory_space<vmem>>
          %dma_wait3A_140 = arith.constant 0 : i32
          %dma_wait3A_141 = arith.constant 0 : i32
          %dma_wait3A_142 = tpu.memref_slice %arg9[%dma_wait3A_140, %dma_wait3A_141] : memref<10240x128xf32, #tpu.memory_space<vmem_shared>> -> memref<10240x128xf32, #tpu.memory_space<vmem_shared>>
          tpu.wait_indirect_dma semaphore(%run_scoped3A_122 : memref<!tpu.dma_semaphore, #tpu.memory_space<semaphore_mem>>) src(%dma_wait3A_136 : memref<128x128xf32, #tpu.memory_space<vmem>>) dst(%dma_wait3A_142 : memref<10240x128xf32, #tpu.memory_space<vmem_shared>>)
          tpu.yield
        }) : () -> ()
        %scan3A_121 = arith.constant 0 : i32
        scf.yield %scan3A_121 : i32
      }
      %scan3A_70 = arith.constant 20 : i32
    } else {
    }
    %barrier3A_46 = arith.constant 0 : index
    tpu.barrier barrier_id(%barrier3A_46)
    %mul3A_47 = arith.constant 640 : i32
    %mul3A_48 = arith.muli %arg1, %mul3A_47 : i32
    %mul3A_49 = arith.constant 640 : i32
    %mul3A_50 = arith.muli %arg1, %mul3A_49 : i32
    "tpu.region"() ({
      %run_scoped3A_51 = tpu.sem_alloc : memref<!tpu.dma_semaphore, #tpu.memory_space<semaphore_mem>>
      %dma_start3A = arith.constant 0 : i32
      %dma_start3A_52 = tpu.memref_slice %arg5[%arg0, %mul3A_50, %dma_start3A] : memref<2x10240x128xf32, #tpu.memory_space<hbm>> -> memref<1x640x128xf32, #tpu.memory_space<hbm>>
      %dma_start3A_53 = tpu.memref_squeeze %dma_start3A_52 : memref<1x640x128xf32, #tpu.memory_space<hbm>> -> memref<640x128xf32, #tpu.memory_space<hbm>>
      %dma_start3A_54 = arith.constant 0 : i32
      %dma_start3A_55 = tpu.memref_slice %arg9[%mul3A_48, %dma_start3A_54] : memref<10240x128xf32, #tpu.memory_space<vmem_shared>> -> memref<640x128xf32, #tpu.memory_space<vmem_shared>>
      tpu.enqueue_dma source(%dma_start3A_55 : memref<640x128xf32, #tpu.memory_space<vmem_shared>>) target(%dma_start3A_53 : memref<640x128xf32, #tpu.memory_space<hbm>>) target_semaphore(%run_scoped3A_51 : memref<!tpu.dma_semaphore, #tpu.memory_space<semaphore_mem>>)
      %dma_wait3A = arith.constant 0 : i32
      %dma_wait3A_56 = tpu.memref_slice %arg5[%arg0, %mul3A_50, %dma_wait3A] : memref<2x10240x128xf32, #tpu.memory_space<hbm>> -> memref<1x640x128xf32, #tpu.memory_space<hbm>>
      %dma_wait3A_57 = tpu.memref_squeeze %dma_wait3A_56 : memref<1x640x128xf32, #tpu.memory_space<hbm>> -> memref<640x128xf32, #tpu.memory_space<hbm>>
      %dma_wait3A_58 = arith.constant 0 : i32
      %dma_wait3A_59 = tpu.memref_slice %arg9[%mul3A_48, %dma_wait3A_58] : memref<10240x128xf32, #tpu.memory_space<vmem_shared>> -> memref<640x128xf32, #tpu.memory_space<vmem_shared>>
      tpu.wait_dma2 semaphore(%run_scoped3A_51 : memref<!tpu.dma_semaphore, #tpu.memory_space<semaphore_mem>>) src(%dma_wait3A_59 : memref<640x128xf32, #tpu.memory_space<vmem_shared>>) dst(%dma_wait3A_57 : memref<640x128xf32, #tpu.memory_space<hbm>>)
      tpu.yield
    }) : () -> ()
    return
  }
}

module attributes {stable_mosaic.version = 14 : i64} {
  func.func @_mm_body(%arg0: memref<10240x128xf32, #tpu.memory_space<vmem>>, %arg1: memref<128x128xf32, #tpu.memory_space<vmem>>, %arg2: memref<10240x128xf32, #tpu.memory_space<vmem>>) attributes {dimension_semantics = [], scalar_prefetch = 0 : i64, scratch_operands = 0 : i64, tpu.core_type = #tpu.core_type<tc>} {
    %get3A = arith.constant 0 : index
    %get3A_0 = arith.constant 0 : index
    %get3A_1 = vector.load %arg0[%get3A, %get3A_0] : memref<10240x128xf32, #tpu.memory_space<vmem>>, vector<10240x128xf32>
    %get3A_2 = arith.constant 0 : index
    %get3A_3 = arith.constant 0 : index
    %get3A_4 = vector.load %arg1[%get3A_2, %get3A_3] : memref<128x128xf32, #tpu.memory_space<vmem>>, vector<128x128xf32>
    %dot_general3A = arith.constant dense<0.000000e+00> : vector<10240x128xf32>
    %dot_general3A_5 = tpu.matmul %get3A_1, %get3A_4, %dot_general3A {dimension_numbers = #tpu.dot_dimension_numbers<[1], [0], [0], [1], [0, 0, 1, 1], [], []>, transpose_lhs_hint = false} : vector<10240x128xf32>, vector<128x128xf32>, vector<10240x128xf32> -> vector<10240x128xf32>
    %swap3A = arith.constant 0 : index
    %swap3A_6 = arith.constant 0 : index
    %swap3A_7 = vector.load %arg2[%swap3A, %swap3A_6] : memref<10240x128xf32, #tpu.memory_space<vmem>>, vector<10240x128xf32>
    tpu.vector_store %arg2[%swap3A, %swap3A_6], %dot_general3A_5 {strides = array<i32>} : memref<10240x128xf32, #tpu.memory_space<vmem>>, vector<10240x128xf32>,
    return
  }
}

module attributes {stable_mosaic.version = 14 : i64} {
  func.func @_degsum_body(%arg0: memref<2x10240x128xf32, #tpu.memory_space<vmem>>, %arg1: memref<10240x128xf32, #tpu.memory_space<vmem>>) attributes {dimension_semantics = [], scalar_prefetch = 0 : i64, scratch_operands = 0 : i64, tpu.core_type = #tpu.core_type<tc>} {
    %get3A = arith.constant 0 : index
    %get3A_0 = arith.constant 0 : index
    %get3A_1 = arith.constant 0 : index
    %get3A_2 = vector.load %arg0[%get3A, %get3A_0, %get3A_1] : memref<2x10240x128xf32, #tpu.memory_space<vmem>>, vector<1x10240x128xf32>
    %get3A_3 = vector.shape_cast %get3A_2 : vector<1x10240x128xf32> to vector<10240x128xf32>
    %get3A_4 = arith.constant 1 : index
    %get3A_5 = arith.constant 0 : index
    %get3A_6 = arith.constant 0 : index
    %get3A_7 = vector.load %arg0[%get3A_4, %get3A_5, %get3A_6] : memref<2x10240x128xf32, #tpu.memory_space<vmem>>, vector<1x10240x128xf32>
    %get3A_8 = vector.shape_cast %get3A_7 : vector<1x10240x128xf32> to vector<10240x128xf32>
    %add3A = arith.addf %get3A_3, %get3A_8 : vector<10240x128xf32>
    %add3A_9 = arith.constant 1.000000e+00 : f32
    %add3A_10 = vector.broadcast %add3A_9 : f32 to vector<10240x128xf32>
    %add3A_11 = arith.addf %add3A, %add3A_10 : vector<10240x128xf32>
    %rsqrt3A = math.rsqrt %add3A_11 : vector<10240x128xf32>
    %swap3A = arith.constant 0 : index
    %swap3A_12 = arith.constant 0 : index
    %swap3A_13 = vector.load %arg1[%swap3A, %swap3A_12] : memref<10240x128xf32, #tpu.memory_space<vmem>>, vector<10240x128xf32>
    tpu.vector_store %arg1[%swap3A, %swap3A_12], %rsqrt3A {strides = array<i32>} : memref<10240x128xf32, #tpu.memory_space<vmem>>, vector<10240x128xf32>,
    return
  }
}

module attributes {stable_mosaic.version = 14 : i64} {
  func.func @_prescale_body(%arg0: memref<10240x128xf32, #tpu.memory_space<vmem>>, %arg1: memref<10240x128xf32, #tpu.memory_space<vmem>>, %arg2: memref<10240x128xf32, #tpu.memory_space<vmem>>) attributes {dimension_semantics = [], scalar_prefetch = 0 : i64, scratch_operands = 0 : i64, tpu.core_type = #tpu.core_type<tc>} {
    %get3A = arith.constant 0 : index
    %get3A_0 = arith.constant 0 : index
    %get3A_1 = vector.load %arg1[%get3A, %get3A_0] : memref<10240x128xf32, #tpu.memory_space<vmem>>, vector<10240x128xf32>
    %get3A_2 = arith.constant 0 : index
    %get3A_3 = arith.constant 0 : index
    %get3A_4 = vector.load %arg0[%get3A_2, %get3A_3] : memref<10240x128xf32, #tpu.memory_space<vmem>>, vector<10240x128xf32>
    %mul3A = arith.mulf %get3A_1, %get3A_4 : vector<10240x128xf32>
    %swap3A = arith.constant 0 : index
    %swap3A_5 = arith.constant 0 : index
    %swap3A_6 = vector.load %arg2[%swap3A, %swap3A_5] : memref<10240x128xf32, #tpu.memory_space<vmem>>, vector<10240x128xf32>
    tpu.vector_store %arg2[%swap3A, %swap3A_5], %mul3A {strides = array<i32>} : memref<10240x128xf32, #tpu.memory_space<vmem>>, vector<10240x128xf32>,
    return
  }
}

module attributes {stable_mosaic.version = 14 : i64} {
  func.func @_layer_body(%arg0: memref<2x10240x128xf32, #tpu.memory_space<vmem>>, %arg1: memref<10240x128xf32, #tpu.memory_space<vmem>>, %arg2: memref<10240x128xf32, #tpu.memory_space<vmem>>, %arg3: memref<128xf32, #tpu.memory_space<vmem>>, %arg4: memref<128xf32, #tpu.memory_space<vmem>>, %arg5: memref<128x128xf32, #tpu.memory_space<vmem>>, %arg6: memref<10240x128xf32, #tpu.memory_space<vmem>>) attributes {dimension_semantics = [], scalar_prefetch = 0 : i64, scratch_operands = 0 : i64, tpu.core_type = #tpu.core_type<tc>} {
    %get3A = arith.constant 0 : index
    %get3A_0 = arith.constant 0 : index
    %get3A_1 = vector.load %arg2[%get3A, %get3A_0] : memref<10240x128xf32, #tpu.memory_space<vmem>>, vector<10240x128xf32>
    %get3A_2 = arith.constant 0 : index
    %get3A_3 = arith.constant 0 : index
    %get3A_4 = arith.constant 0 : index
    %get3A_5 = vector.load %arg0[%get3A_2, %get3A_3, %get3A_4] : memref<2x10240x128xf32, #tpu.memory_space<vmem>>, vector<1x10240x128xf32>
    %get3A_6 = vector.shape_cast %get3A_5 : vector<1x10240x128xf32> to vector<10240x128xf32>
    %get3A_7 = arith.constant 1 : index
    %get3A_8 = arith.constant 0 : index
    %get3A_9 = arith.constant 0 : index
    %get3A_10 = vector.load %arg0[%get3A_7, %get3A_8, %get3A_9] : memref<2x10240x128xf32, #tpu.memory_space<vmem>>, vector<1x10240x128xf32>
    %get3A_11 = vector.shape_cast %get3A_10 : vector<1x10240x128xf32> to vector<10240x128xf32>
    %add3A = arith.addf %get3A_6, %get3A_11 : vector<10240x128xf32>
    %get3A_12 = arith.constant 0 : index
    %get3A_13 = arith.constant 0 : index
    %get3A_14 = vector.load %arg1[%get3A_12, %get3A_13] : memref<10240x128xf32, #tpu.memory_space<vmem>>, vector<10240x128xf32>
    %add3A_15 = arith.addf %add3A, %get3A_14 : vector<10240x128xf32>
    %mul3A = arith.mulf %get3A_1, %add3A_15 : vector<10240x128xf32>
    %iota3A = tpu.iota {dimensions = array<i32: 0>} : vector<10240x128xi32>
    %lt3A = arith.constant 10000 : i32
    %lt3A_16 = vector.broadcast %lt3A : i32 to vector<10240x128xi32>
    %lt3A_17 = arith.cmpi slt, %iota3A, %lt3A_16 : vector<10240x128xi32>
    %convert_element_type3A = arith.extui %lt3A_17 : vector<10240x128xi1> to vector<10240x128xi32>
    %convert_element_type3A_18 = arith.sitofp %convert_element_type3A : vector<10240x128xi32> to vector<10240x128xf32>
    %mul3A_19 = arith.mulf %mul3A, %convert_element_type3A_18 : vector<10240x128xf32>
    %reduce_sum3A = arith.constant dense<0.000000e+00> : vector<128xf32>
    %reduce_sum3A_20 = vector.multi_reduction <add>, %mul3A_19, %reduce_sum3A [0] : vector<10240x128xf32> to vector<128xf32>
    %broadcast_in_dim3A = vector.shape_cast %reduce_sum3A_20 : vector<128xf32> to vector<1x128xf32>
    %mul3A_21 = arith.constant 9.99999974E-5 : f32
    %mul3A_22 = vector.broadcast %mul3A_21 : f32 to vector<1x128xf32>
    %mul3A_23 = arith.mulf %broadcast_in_dim3A, %mul3A_22 : vector<1x128xf32>
    %sub3A = vector.broadcast %mul3A_23 : vector<1x128xf32> to vector<10240x128xf32>
    %sub3A_24 = arith.subf %mul3A, %sub3A : vector<10240x128xf32>
    %mul3A_25 = arith.mulf %sub3A_24, %convert_element_type3A_18 : vector<10240x128xf32>
    %mul3A_26 = arith.mulf %mul3A_25, %mul3A_25 : vector<10240x128xf32>
    %reduce_sum3A_27 = arith.constant dense<0.000000e+00> : vector<128xf32>
    %reduce_sum3A_28 = vector.multi_reduction <add>, %mul3A_26, %reduce_sum3A_27 [0] : vector<10240x128xf32> to vector<128xf32>
    %broadcast_in_dim3A_29 = vector.shape_cast %reduce_sum3A_28 : vector<128xf32> to vector<1x128xf32>
    %mul3A_30 = arith.constant 9.99999974E-5 : f32
    %mul3A_31 = vector.broadcast %mul3A_30 : f32 to vector<1x128xf32>
    %mul3A_32 = arith.mulf %broadcast_in_dim3A_29, %mul3A_31 : vector<1x128xf32>
    %sub3A_33 = vector.broadcast %mul3A_23 : vector<1x128xf32> to vector<10240x128xf32>
    %sub3A_34 = arith.subf %mul3A, %sub3A_33 : vector<10240x128xf32>
    %add3A_35 = arith.constant 9.99999974E-6 : f32
    %add3A_36 = vector.broadcast %add3A_35 : f32 to vector<1x128xf32>
    %add3A_37 = arith.addf %mul3A_32, %add3A_36 : vector<1x128xf32>
    %rsqrt3A = math.rsqrt %add3A_37 : vector<1x128xf32>
    %mul3A_38 = vector.broadcast %rsqrt3A : vector<1x128xf32> to vector<10240x128xf32>
    %mul3A_39 = arith.mulf %sub3A_34, %mul3A_38 : vector<10240x128xf32>
    %get3A_40 = arith.constant 0 : index
    %get3A_41 = vector.load %arg3[%get3A_40] : memref<128xf32, #tpu.memory_space<vmem>>, vector<128xf32>
    %broadcast_in_dim3A_42 = vector.shape_cast %get3A_41 : vector<128xf32> to vector<1x128xf32>
    %mul3A_43 = vector.broadcast %broadcast_in_dim3A_42 : vector<1x128xf32> to vector<10240x128xf32>
    %mul3A_44 = arith.mulf %mul3A_39, %mul3A_43 : vector<10240x128xf32>
    %get3A_45 = arith.constant 0 : index
    %get3A_46 = vector.load %arg4[%get3A_45] : memref<128xf32, #tpu.memory_space<vmem>>, vector<128xf32>
    %broadcast_in_dim3A_47 = vector.shape_cast %get3A_46 : vector<128xf32> to vector<1x128xf32>
    %add3A_48 = vector.broadcast %broadcast_in_dim3A_47 : vector<1x128xf32> to vector<10240x128xf32>
    %add3A_49 = arith.addf %mul3A_44, %add3A_48 : vector<10240x128xf32>
    %max3A = arith.constant 0.000000e+00 : f32
    %max3A_50 = vector.broadcast %max3A : f32 to vector<10240x128xf32>
    %max3A_51 = arith.maximumf %add3A_49, %max3A_50 : vector<10240x128xf32>
    %mul3A_52 = arith.mulf %max3A_51, %convert_element_type3A_18 : vector<10240x128xf32>
    %get3A_53 = arith.constant 0 : index
    %get3A_54 = arith.constant 0 : index
    %get3A_55 = vector.load %arg5[%get3A_53, %get3A_54] : memref<128x128xf32, #tpu.memory_space<vmem>>, vector<128x128xf32>
    %dot_general3A = arith.constant dense<0.000000e+00> : vector<10240x128xf32>
    %dot_general3A_56 = tpu.matmul %mul3A_52, %get3A_55, %dot_general3A {dimension_numbers = #tpu.dot_dimension_numbers<[1], [0], [0], [1], [0, 0, 1, 1], [], []>, transpose_lhs_hint = false} : vector<10240x128xf32>, vector<128x128xf32>, vector<10240x128xf32> -> vector<10240x128xf32>
    %mul3A_57 = arith.mulf %get3A_1, %dot_general3A_56 : vector<10240x128xf32>
    %swap3A = arith.constant 0 : index
    %swap3A_58 = arith.constant 0 : index
    %swap3A_59 = vector.load %arg6[%swap3A, %swap3A_58] : memref<10240x128xf32, #tpu.memory_space<vmem>>, vector<10240x128xf32>
    tpu.vector_store %arg6[%swap3A, %swap3A_58], %mul3A_57 {strides = array<i32>} : memref<10240x128xf32, #tpu.memory_space<vmem>>, vector<10240x128xf32>,
    return
  }
}

module attributes {stable_mosaic.version = 14 : i64} {
  func.func @_final_body(%arg0: memref<2x10240x128xf32, #tpu.memory_space<vmem>>, %arg1: memref<10240x128xf32, #tpu.memory_space<vmem>>, %arg2: memref<10240x128xf32, #tpu.memory_space<vmem>>, %arg3: memref<128xf32, #tpu.memory_space<vmem>>, %arg4: memref<128xf32, #tpu.memory_space<vmem>>, %arg5: memref<1x10240xi32, #tpu.memory_space<vmem>>, %arg6: memref<1x28xf32, #tpu.memory_space<vmem>>, %arg7: memref<28x64xf32, #tpu.memory_space<vmem>>, %arg8: memref<64xf32, #tpu.memory_space<vmem>>, %arg9: memref<64x64xf32, #tpu.memory_space<vmem>>, %arg10: memref<64xf32, #tpu.memory_space<vmem>>, %arg11: memref<192x96xf32, #tpu.memory_space<vmem>>, %arg12: memref<96xf32, #tpu.memory_space<vmem>>, %arg13: memref<96x1xf32, #tpu.memory_space<vmem>>, %arg14: memref<1xf32, #tpu.memory_space<vmem>>, %arg15: memref<64x128xf32, #tpu.memory_space<vmem>>) attributes {dimension_semantics = [], scalar_prefetch = 0 : i64, scratch_operands = 0 : i64, tpu.core_type = #tpu.core_type<tc>} {
    %get3A = arith.constant 0 : index
    %get3A_0 = arith.constant 0 : index
    %get3A_1 = vector.load %arg2[%get3A, %get3A_0] : memref<10240x128xf32, #tpu.memory_space<vmem>>, vector<10240x128xf32>
    %get3A_2 = arith.constant 0 : index
    %get3A_3 = arith.constant 0 : index
    %get3A_4 = arith.constant 0 : index
    %get3A_5 = vector.load %arg0[%get3A_2, %get3A_3, %get3A_4] : memref<2x10240x128xf32, #tpu.memory_space<vmem>>, vector<1x10240x128xf32>
    %get3A_6 = vector.shape_cast %get3A_5 : vector<1x10240x128xf32> to vector<10240x128xf32>
    %get3A_7 = arith.constant 1 : index
    %get3A_8 = arith.constant 0 : index
    %get3A_9 = arith.constant 0 : index
    %get3A_10 = vector.load %arg0[%get3A_7, %get3A_8, %get3A_9] : memref<2x10240x128xf32, #tpu.memory_space<vmem>>, vector<1x10240x128xf32>
    %get3A_11 = vector.shape_cast %get3A_10 : vector<1x10240x128xf32> to vector<10240x128xf32>
    %add3A = arith.addf %get3A_6, %get3A_11 : vector<10240x128xf32>
    %get3A_12 = arith.constant 0 : index
    %get3A_13 = arith.constant 0 : index
    %get3A_14 = vector.load %arg1[%get3A_12, %get3A_13] : memref<10240x128xf32, #tpu.memory_space<vmem>>, vector<10240x128xf32>
    %add3A_15 = arith.addf %add3A, %get3A_14 : vector<10240x128xf32>
    %mul3A = arith.mulf %get3A_1, %add3A_15 : vector<10240x128xf32>
    %iota3A = tpu.iota {dimensions = array<i32: 0>} : vector<10240x128xi32>
    %lt3A = arith.constant 10000 : i32
    %lt3A_16 = vector.broadcast %lt3A : i32 to vector<10240x128xi32>
    %lt3A_17 = arith.cmpi slt, %iota3A, %lt3A_16 : vector<10240x128xi32>
    %convert_element_type3A = arith.extui %lt3A_17 : vector<10240x128xi1> to vector<10240x128xi32>
    %convert_element_type3A_18 = arith.sitofp %convert_element_type3A : vector<10240x128xi32> to vector<10240x128xf32>
    %mul3A_19 = arith.mulf %mul3A, %convert_element_type3A_18 : vector<10240x128xf32>
    %reduce_sum3A = arith.constant dense<0.000000e+00> : vector<128xf32>
    %reduce_sum3A_20 = vector.multi_reduction <add>, %mul3A_19, %reduce_sum3A [0] : vector<10240x128xf32> to vector<128xf32>
    %broadcast_in_dim3A = vector.shape_cast %reduce_sum3A_20 : vector<128xf32> to vector<1x128xf32>
    %mul3A_21 = arith.constant 9.99999974E-5 : f32
    %mul3A_22 = vector.broadcast %mul3A_21 : f32 to vector<1x128xf32>
    %mul3A_23 = arith.mulf %broadcast_in_dim3A, %mul3A_22 : vector<1x128xf32>
    %sub3A = vector.broadcast %mul3A_23 : vector<1x128xf32> to vector<10240x128xf32>
    %sub3A_24 = arith.subf %mul3A, %sub3A : vector<10240x128xf32>
    %mul3A_25 = arith.mulf %sub3A_24, %convert_element_type3A_18 : vector<10240x128xf32>
    %mul3A_26 = arith.mulf %mul3A_25, %mul3A_25 : vector<10240x128xf32>
    %reduce_sum3A_27 = arith.constant dense<0.000000e+00> : vector<128xf32>
    %reduce_sum3A_28 = vector.multi_reduction <add>, %mul3A_26, %reduce_sum3A_27 [0] : vector<10240x128xf32> to vector<128xf32>
    %broadcast_in_dim3A_29 = vector.shape_cast %reduce_sum3A_28 : vector<128xf32> to vector<1x128xf32>
    %mul3A_30 = arith.constant 9.99999974E-5 : f32
    %mul3A_31 = vector.broadcast %mul3A_30 : f32 to vector<1x128xf32>
    %mul3A_32 = arith.mulf %broadcast_in_dim3A_29, %mul3A_31 : vector<1x128xf32>
    %sub3A_33 = vector.broadcast %mul3A_23 : vector<1x128xf32> to vector<10240x128xf32>
    %sub3A_34 = arith.subf %mul3A, %sub3A_33 : vector<10240x128xf32>
    %add3A_35 = arith.constant 9.99999974E-6 : f32
    %add3A_36 = vector.broadcast %add3A_35 : f32 to vector<1x128xf32>
    %add3A_37 = arith.addf %mul3A_32, %add3A_36 : vector<1x128xf32>
    %rsqrt3A = math.rsqrt %add3A_37 : vector<1x128xf32>
    %mul3A_38 = vector.broadcast %rsqrt3A : vector<1x128xf32> to vector<10240x128xf32>
    %mul3A_39 = arith.mulf %sub3A_34, %mul3A_38 : vector<10240x128xf32>
    %get3A_40 = arith.constant 0 : index
    %get3A_41 = vector.load %arg3[%get3A_40] : memref<128xf32, #tpu.memory_space<vmem>>, vector<128xf32>
    %broadcast_in_dim3A_42 = vector.shape_cast %get3A_41 : vector<128xf32> to vector<1x128xf32>
    %mul3A_43 = vector.broadcast %broadcast_in_dim3A_42 : vector<1x128xf32> to vector<10240x128xf32>
    %mul3A_44 = arith.mulf %mul3A_39, %mul3A_43 : vector<10240x128xf32>
    %get3A_45 = arith.constant 0 : index
    %get3A_46 = vector.load %arg4[%get3A_45] : memref<128xf32, #tpu.memory_space<vmem>>, vector<128xf32>
    %broadcast_in_dim3A_47 = vector.shape_cast %get3A_46 : vector<128xf32> to vector<1x128xf32>
    %add3A_48 = vector.broadcast %broadcast_in_dim3A_47 : vector<1x128xf32> to vector<10240x128xf32>
    %add3A_49 = arith.addf %mul3A_44, %add3A_48 : vector<10240x128xf32>
    %max3A = arith.constant 0.000000e+00 : f32
    %max3A_50 = vector.broadcast %max3A : f32 to vector<10240x128xf32>
    %max3A_51 = arith.maximumf %add3A_49, %max3A_50 : vector<10240x128xf32>
    %mul3A_52 = arith.mulf %max3A_51, %convert_element_type3A_18 : vector<10240x128xf32>
    %iota3A_53 = tpu.iota {dimensions = array<i32: 0>} : vector<64x10240xi32>
    %get3A_54 = arith.constant 0 : index
    %get3A_55 = arith.constant 0 : index
    %get3A_56 = vector.load %arg5[%get3A_54, %get3A_55] : memref<1x10240xi32, #tpu.memory_space<vmem>>, vector<1x10240xi32>
    %broadcast_in_dim3A_57 = vector.shape_cast %get3A_56 : vector<1x10240xi32> to vector<1x10240xi32>
    %broadcast_in_dim3A_58 = vector.broadcast %broadcast_in_dim3A_57 : vector<1x10240xi32> to vector<64x10240xi32>
    %eq3A = arith.cmpi eq, %iota3A_53, %broadcast_in_dim3A_58 : vector<64x10240xi32>
    %convert_element_type3A_59 = arith.extui %eq3A : vector<64x10240xi1> to vector<64x10240xi32>
    %convert_element_type3A_60 = arith.sitofp %convert_element_type3A_59 : vector<64x10240xi32> to vector<64x10240xf32>
    %dot_general3A = arith.constant dense<0.000000e+00> : vector<64x128xf32>
    %dot_general3A_61 = tpu.matmul %convert_element_type3A_60, %mul3A_52, %dot_general3A {dimension_numbers = #tpu.dot_dimension_numbers<[1], [0], [0], [1], [0, 0, 1, 1], [], []>, transpose_lhs_hint = false} : vector<64x10240xf32>, vector<10240x128xf32>, vector<64x128xf32> -> vector<64x128xf32>
    %dot_general3A_62 = arith.constant dense<0.000000e+00> : vector<64x128xf32>
    %dot_general3A_63 = tpu.matmul %convert_element_type3A_60, %convert_element_type3A_18, %dot_general3A_62 {dimension_numbers = #tpu.dot_dimension_numbers<[1], [0], [0], [1], [0, 0, 1, 1], [], []>, transpose_lhs_hint = false} : vector<64x10240xf32>, vector<10240x128xf32>, vector<64x128xf32> -> vector<64x128xf32>
    %max3A_64 = arith.constant 1.000000e+00 : f32
    %max3A_65 = vector.broadcast %max3A_64 : f32 to vector<64x128xf32>
    %max3A_66 = arith.maximumf %dot_general3A_63, %max3A_65 : vector<64x128xf32>
    %div3A = arith.divf %dot_general3A_61, %max3A_66 : vector<64x128xf32>
    %get3A_67 = arith.constant 0 : index
    %get3A_68 = arith.constant 0 : index
    %get3A_69 = vector.load %arg6[%get3A_67, %get3A_68] : memref<1x28xf32, #tpu.memory_space<vmem>>, vector<1x28xf32>
    %get3A_70 = arith.constant 0 : index
    %get3A_71 = arith.constant 0 : index
    %get3A_72 = vector.load %arg7[%get3A_70, %get3A_71] : memref<28x64xf32, #tpu.memory_space<vmem>>, vector<28x64xf32>
    %dot_general3A_73 = arith.constant dense<0.000000e+00> : vector<1x64xf32>
    %dot_general3A_74 = tpu.matmul %get3A_69, %get3A_72, %dot_general3A_73 {dimension_numbers = #tpu.dot_dimension_numbers<[1], [0], [0], [1], [0, 0, 1, 1], [], []>, transpose_lhs_hint = false} : vector<1x28xf32>, vector<28x64xf32>, vector<1x64xf32> -> vector<1x64xf32>
    %get3A_75 = arith.constant 0 : index
    %get3A_76 = vector.load %arg8[%get3A_75] : memref<64xf32, #tpu.memory_space<vmem>>, vector<64xf32>
    %broadcast_in_dim3A_77 = vector.shape_cast %get3A_76 : vector<64xf32> to vector<1x64xf32>
    %add3A_78 = arith.addf %dot_general3A_74, %broadcast_in_dim3A_77 : vector<1x64xf32>
    %max3A_79 = arith.constant 0.000000e+00 : f32
    %max3A_80 = vector.broadcast %max3A_79 : f32 to vector<1x64xf32>
    %max3A_81 = arith.maximumf %add3A_78, %max3A_80 : vector<1x64xf32>
    %get3A_82 = arith.constant 0 : index
    %get3A_83 = arith.constant 0 : index
    %get3A_84 = vector.load %arg9[%get3A_82, %get3A_83] : memref<64x64xf32, #tpu.memory_space<vmem>>, vector<64x64xf32>
    %dot_general3A_85 = arith.constant dense<0.000000e+00> : vector<1x64xf32>
    %dot_general3A_86 = tpu.matmul %max3A_81, %get3A_84, %dot_general3A_85 {dimension_numbers = #tpu.dot_dimension_numbers<[1], [0], [0], [1], [0, 0, 1, 1], [], []>, transpose_lhs_hint = false} : vector<1x64xf32>, vector<64x64xf32>, vector<1x64xf32> -> vector<1x64xf32>
    %get3A_87 = arith.constant 0 : index
    %get3A_88 = vector.load %arg10[%get3A_87] : memref<64xf32, #tpu.memory_space<vmem>>, vector<64xf32>
    %broadcast_in_dim3A_89 = vector.shape_cast %get3A_88 : vector<64xf32> to vector<1x64xf32>
    %add3A_90 = arith.addf %dot_general3A_86, %broadcast_in_dim3A_89 : vector<1x64xf32>
    %broadcast_in_dim3A_91 = vector.shape_cast %add3A_90 : vector<1x64xf32> to vector<1x64xf32>
    %broadcast_in_dim3A_92 = vector.broadcast %broadcast_in_dim3A_91 : vector<1x64xf32> to vector<64x64xf32>
    %concatenate3A = tpu.concatenate %div3A, %broadcast_in_dim3A_92 in 1 : vector<64x128xf32>, vector<64x64xf32> -> vector<64x192xf32>
    %get3A_93 = arith.constant 0 : index
    %get3A_94 = arith.constant 0 : index
    %get3A_95 = vector.load %arg11[%get3A_93, %get3A_94] : memref<192x96xf32, #tpu.memory_space<vmem>>, vector<192x96xf32>
    %dot_general3A_96 = arith.constant dense<0.000000e+00> : vector<64x96xf32>
    %dot_general3A_97 = tpu.matmul %concatenate3A, %get3A_95, %dot_general3A_96 {dimension_numbers = #tpu.dot_dimension_numbers<[1], [0], [0], [1], [0, 0, 1, 1], [], []>, transpose_lhs_hint = false} : vector<64x192xf32>, vector<192x96xf32>, vector<64x96xf32> -> vector<64x96xf32>
    %get3A_98 = arith.constant 0 : index
    %get3A_99 = vector.load %arg12[%get3A_98] : memref<96xf32, #tpu.memory_space<vmem>>, vector<96xf32>
    %broadcast_in_dim3A_100 = vector.shape_cast %get3A_99 : vector<96xf32> to vector<1x96xf32>
    %add3A_101 = vector.broadcast %broadcast_in_dim3A_100 : vector<1x96xf32> to vector<64x96xf32>
    %add3A_102 = arith.addf %dot_general3A_97, %add3A_101 : vector<64x96xf32>
    %max3A_103 = arith.constant 0.000000e+00 : f32
    %max3A_104 = vector.broadcast %max3A_103 : f32 to vector<64x96xf32>
    %max3A_105 = arith.maximumf %add3A_102, %max3A_104 : vector<64x96xf32>
    %get3A_106 = arith.constant 0 : index
    %get3A_107 = arith.constant 0 : index
    %get3A_108 = vector.load %arg13[%get3A_106, %get3A_107] : memref<96x1xf32, #tpu.memory_space<vmem>>, vector<96x1xf32>
    %dot_general3A_109 = arith.constant dense<0.000000e+00> : vector<64x1xf32>
    %dot_general3A_110 = tpu.matmul %max3A_105, %get3A_108, %dot_general3A_109 {dimension_numbers = #tpu.dot_dimension_numbers<[1], [0], [0], [1], [0, 0, 1, 1], [], []>, transpose_lhs_hint = false} : vector<64x96xf32>, vector<96x1xf32>, vector<64x1xf32> -> vector<64x1xf32>
    %get3A_111 = arith.constant 0 : index
    %get3A_112 = vector.load %arg14[%get3A_111] : memref<1xf32, #tpu.memory_space<vmem>>, vector<1xf32>
    %broadcast_in_dim3A_113 = vector.shape_cast %get3A_112 : vector<1xf32> to vector<1x1xf32>
    %add3A_114 = vector.broadcast %broadcast_in_dim3A_113 : vector<1x1xf32> to vector<64x1xf32>
    %add3A_115 = arith.addf %dot_general3A_110, %add3A_114 : vector<64x1xf32>
    %broadcast_in_dim3A_116 = vector.shape_cast %add3A_115 : vector<64x1xf32> to vector<64x1xf32>
    %broadcast_in_dim3A_117 = vector.broadcast %broadcast_in_dim3A_116 : vector<64x1xf32> to vector<64x128xf32>
    %swap3A = arith.constant 0 : index
    %swap3A_118 = arith.constant 0 : index
    %swap3A_119 = vector.load %arg15[%swap3A, %swap3A_118] : memref<64x128xf32, #tpu.memory_space<vmem>>, vector<64x128xf32>
    tpu.vector_store %arg15[%swap3A, %swap3A_118], %broadcast_in_dim3A_117 {strides = array<i32>} : memref<64x128xf32, #tpu.memory_space<vmem>>, vector<64x128xf32>,
    return
  }
}

</mosaic_0001>

<sc_bundles>
// kernel: kernel.12.cloned.1.call-start
scs
__scs_entry_jumppad:
0x0: {  	(pc) =	sbr.rel $0x88, $3  }
0x1: {  	(tag) =	ssettag $0x0;
	lr =	simm.s32 $0x1  }
0x2: {  	[smem:$0x3F8C] =	sst lr;
	_ =	strace $0xD0000000  }
0x3: {  	_ = 	snop  }
0x4: {  	_ = 	snop  }
0x5: {  	_ = 	snop  }
0x6: {  	_ = 	snop  }
0x7: {  	_ = 	snop  }
__scs_overlays_trampoline_lowered:
0x8: {  	[smem:$0x3F9B] =	sst s0  }
0x9: {  	[smem:$0x3F9C] =	sst s1  }
0xa: {  	[smem:$0x3F9D] =	sst s2  }
0xb: {  	[smem:$0x3F9E] =	sst s3  }
0xc: {  	[smem:$0x3F9F] =	sst s4  }
0xd: {  	[smem:$0x3FA0] =	sst s5  }
0xe: {  	[smem:$0x3FA1] =	sst s6  }
0xf: {  	[smem:$0x3FA2] =	sst s7  }
0x10: {  	[smem:$0x3FA3] =	sst s8  }
0x11: {  	[smem:$0x3FA4] =	sst s9;
	s0 =	simm.s32 @!p0 $0x0  }
0x12: {  	s1 =	sld [smem:$0x3F8A];
	s0 =	simm.s32 @p0 $0x1  }
0x13: {  	[smem:$0x3FA5] =	sst s0;
	s0 =	simm.s32 @!p1 $0x0  }
0x14: {  	s2 =	sld [smem:$0x3F89];
	s0 =	simm.s32 @p1 $0x1  }
0x15: {  	[smem:$0x3FA6] =	sst s0;
	s0 =	simm.s32 @!p2 $0x0  }
0x16: {  	s3 =	sld [smem:$0x3FDB];
	s0 =	simm.s32 @p2 $0x1  }
0x17: {  	s4 =	simm.s32 $0x1BF5;
	[smem:$0x3FA8] =	sst s0  }
0x18: {  	s0 =	sld [smem:$0x3F8B];
	_ =	swait.ge [sflag:s4], $0x0  }
0x19: {  	s7 =	sld [smem:$0x3F8C]  }
0x1a: {  	s8 =	sadd.s32 $0xFFFFE003, lr  }
0x1b: {  	s9 =	sadd.s32 $0xFFFFFEF7, lr;
	s5 =	simm.s32 $0xFFFFFFFF;
	p2 =	slt.u32 s8, $0xFFFFF086  }
0x1c: {  	p1 =	slt.u32 s9, $0xF7A;
	s5 =	simm.s32 @!p2 $0x0  }
0x1d: {  	s5 =	simm.s32 @p1 $0x1;
	p0 =	seq.s32 s7, s2  }
0x1e: {  	s7 =	smul.u32 @!p0 $0xF7A, s2;
	p2 =	seq.s32 @!p0 s5, $0x0  }
0x1f: {  	s9 =	smul.u32 $0xF7A, s1;
	s8 =	simm.s32 @!p0 $0x1BF5;
	p2 =	por !p2, p0  }
0x20: {  	[sflag:s8] =	ssyncset.s32 @!p0 $0xFFFFF086;
	s6 =	sadd.s32 @!p0 s3, s7;
	s7 =	simm.s32 @!p0 $0x108  }
0x21: {  	s3 =	sadd.s32 s3, s9;
	s6 =	sadd.s32 @!p0 $0x88, s6;
	s7 =	simm.s32 @p2 $0x1082  }
0x22: {  	[simem:s7], [sflag:s8] =	dma.local @!p0 [hbm:s6], $0xF7A  }
0x23: {  	s9 =	sor.u32 $0xD0000000, s2;
	s6 =	simm.s32 $0x108;
	_ =	swait.ge @!p0 [sflag:s8], $0x0  }
0x24: {  	s3 =	sadd.s32 $0x88, s3;
	s6 =	simm.s32 @!p1 $0x1082;
	[sflag:s4] =	ssyncset.s32 $0xFFFFF086  }
0x25: {  	[simem:s6], [sflag:s4] =	dma.local [hbm:s3], $0xF7A  }
0x26: {  	[smem:$0x3F8C] =	sst s1;
	(tag) =	ssettag s2;
	_ =	strace s9  }
0x27: {  	s1 =	sld [smem:$0x3F9C]  }
0x28: {  	s2 =	sld [smem:$0x3F9D]  }
0x29: {  	s4 =	sld [smem:$0x3F9F]  }
0x2a: {  	p0 =	seq.s32 s5, $0x0;
	s5 =	sld [smem:$0x3FA0]  }
0x2b: {  	s6 =	sld [smem:$0x3FA1]  }
0x2c: {  	s7 =	sld [smem:$0x3FA2]  }
0x2d: {  	s3 =	simm.s32 $0x108;
	s8 =	sld [smem:$0x3FA3]  }
0x2e: {  	s3 =	simm.s32 @!p0 $0x1082;
	s9 =	sld [smem:$0x3FA4]  }
0x2f: {  	lr =	sadd.s32 s0, s3;
	s0 =	sld [smem:$0x3F9B]  }
0x30: {  	s3 =	sld [smem:$0x3F9E]  }
0x31: {  	[smem:$0x3FA7] =	sst s10  }
0x32: {  	s10 =	sld [smem:$0x3FA5];
	_ =	sdelay $0x3  }
0x33: {  	p0 =	seq.s32 s10, $0x1;
	s10 =	sld [smem:$0x3FA7];
	_ =	sdelay $0x3  }
0x34: {  	[smem:$0x3FA7] =	sst s10  }
0x35: {  	s10 =	sld [smem:$0x3FA6];
	_ =	sdelay $0x3  }
0x36: {  	p1 =	seq.s32 s10, $0x1;
	s10 =	sld [smem:$0x3FA7];
	_ =	sdelay $0x3  }
0x37: {  	[smem:$0x3FA7] =	sst s10  }
0x38: {  	s10 =	sld [smem:$0x3FA8]  }
0x39: {  	_ = 	snop;
	(pc) =	sbr.ind lr, $3  }
0x3a: {  	_ = 	snop  }
0x3b: {  	_ = 	snop  }
0x3c: {  	p2 =	seq.s32 s10, $0x1;
	s10 =	sld [smem:$0x3FA7]  }
0x3d: {  	_ =	shalt  }
0x3e: {  	_ =	shalt  }
0x3f: {  	_ =	shalt  }
0x40: {  	_ =	shalt  }
0x41: {  	_ =	shalt  }
0x42: {  	_ =	shalt  }
0x43: {  	_ =	shalt  }
0x44: {  	_ =	shalt  }
0x45: {  	_ =	shalt  }
0x46: {  	_ =	shalt  }
0x47: {  	_ =	shalt  }
0x48: {  	_ =	shalt  }
0x49: {  	_ =	shalt  }
0x4a: {  	_ =	shalt  }
0x4b: {  	_ =	shalt  }
0x4c: {  	_ =	shalt  }
0x4d: {  	_ =	shalt  }
0x4e: {  	_ =	shalt  }
0x4f: {  	_ =	shalt  }
0x50: {  	_ =	shalt  }
0x51: {  	_ =	shalt  }
0x52: {  	_ =	shalt  }
0x53: {  	_ =	shalt  }
0x54: {  	_ =	shalt  }
0x55: {  	_ =	shalt  }
0x56: {  	_ =	shalt  }
0x57: {  	_ =	shalt  }
0x58: {  	_ =	shalt  }
0x59: {  	_ =	shalt  }
0x5a: {  	_ =	shalt  }
0x5b: {  	_ =	shalt  }
0x5c: {  	_ =	shalt  }
0x5d: {  	_ =	shalt  }
0x5e: {  	_ =	shalt  }
0x5f: {  	_ =	shalt  }
0x60: {  	_ =	shalt  }
0x61: {  	_ =	shalt  }
0x62: {  	_ =	shalt  }
0x63: {  	_ =	shalt  }
0x64: {  	_ =	shalt  }
0x65: {  	_ =	shalt  }
0x66: {  	_ =	shalt  }
0x67: {  	_ =	shalt  }
0x68: {  	_ =	shalt  }
0x69: {  	_ =	shalt  }
0x6a: {  	_ =	shalt  }
0x6b: {  	_ =	shalt  }
0x6c: {  	_ =	shalt  }
0x6d: {  	_ =	shalt  }
0x6e: {  	_ =	shalt  }
0x6f: {  	_ =	shalt  }
0x70: {  	_ =	shalt  }
0x71: {  	_ =	shalt  }
0x72: {  	_ =	shalt  }
0x73: {  	_ =	shalt  }
0x74: {  	_ =	shalt  }
0x75: {  	_ =	shalt  }
0x76: {  	_ =	shalt  }
0x77: {  	_ =	shalt  }
0x78: {  	_ =	shalt  }
0x79: {  	_ =	shalt  }
0x7a: {  	_ =	shalt  }
0x7b: {  	_ =	shalt  }
0x7c: {  	_ =	shalt  }
0x7d: {  	_ =	shalt  }
0x7e: {  	_ =	shalt  }
0x7f: {  	_ =	shalt  }
0x80: {  	_ =	shalt  }
0x81: {  	_ =	shalt  }
0x82: {  	_ =	shalt  }
0x83: {  	_ =	shalt  }
0x84: {  	_ =	shalt  }
0x85: {  	_ =	shalt  }
0x86: {  	_ =	shalt  }
0x87: {  	_ =	shalt  }
.Lfunc_end0:
.L_simem_size_0:
called_computation_lowered:
.L_overlay_start_0:
0x88: {  	s2 =	sld [smem:$0x3FD9]  }
0x89: {  	s3 =	sld [smem:$0x3FFE];
	_ =	sdelay $0x1  }
0x8a: {  	s1 =	srdreg.scid  }
0x8b: {  	s0 =	sand.u32 $0x1, s1  }
0x8c: {  	s16 =	sshll.u32 s0, $0xA;
	s2 =	sadd.s32 s3, s2  }
0x8d: {  	s2 =	sadd.s32 s2, s16  }
0x8e: {  	[smem:$0x3FB3] =	sst s2  }
0x8f: {  	_ = 	snop  }
0x90: {  	(tm) =	ssettm $0x1  }
0x91: {  	s17 =	sld [smem:$0x3FFB];
	_ =	sdelay $0x3  }
0x92: {  	_ =	strace s17  }
0x93: {  	s2 =	sld [smem:$0x3FFC];
	_ =	sdelay $0x3  }
0x94: {  	_ =	strace s2  }
0x95: {  	s2 =	sld [smem:$0x3FFD];
	_ =	sdelay $0x3  }
0x96: {  	_ =	strace s2  }
0x97: {  	_ =	strace $0x8FFFFFFF  }
0x98: {  	s18 =	sld [smem:$0x3FDB];
	_ =	sdelay $0x1  }
0x99: {  	s19 =	simm.s32 $_scs_section_size  }
0x9a: {  	s4 =	simm.s32 $_size__tile_overlayer_lowered;
	s5 =	simm.s32 $_tile_overlayer_lowered  }
0x9b: {  	s22 =	simm.s32 $0x1BFF;
	s21 =	sshll.u32 s5, $0x1;
	s2 =	sadd.s32 s19, s18  }
0x9c: {  	s6 =	simm.s32 $0x0;
	s20 =	sshll.u32 s4, $0x1;
	s4 =	sadd.s32 s21, s2  }
0x9d: {  	[timem:s6], [sflag:s22] =	dma.local [hbm:s4], s20  }
0x9e: {  	_ =	swait.ge [sflag:s22], s20  }
0x9f: {  	s3 =	ssub.s32 $0x0, s20;
	[sflag:s22] =	ssyncset.done $0x0  }
0xa0: {  	[sflag:s22] =	ssyncadd.s32 s3;
	_ =	sdelay $0x1  }
0xa1: {  	s23 =	simm.s32 $0x1B8B  }
0xa2: {  	_ =	swait.ge [sflag:s23], $0x1  }
0xa3: {  	[sflag:s23] =	ssyncset.done $0x0  }
0xa4: {  	s25 =	simm.s32 $0x1B8E;
	s24 =	sld [smem:$0x3FFE];
	[sflag:s23] =	ssyncadd.s32 $0xFFFFFFFF  }
0xa5: {  	s26 =	simm.s32 $execute0_lowered;
	[smem:$0x3FD2] =	sst s25  }
0xa6: {  	s4 =	sshll.u32 s26, $0x1;
	_ =	strace $0x80000046;
	[dreg:$0x1] =	wrdreg $0xFFFFFFFF  }
0xa7: {  	s28 =	simm.s32 $_size_execute0_lowered;
	s2 =	sadd.s32 s2, s4;
	[dreg:$0x0] =	wrdreg $0x0  }
0xa8: {  	s4 =	sshll.u32 s28, $0x1;
	[dreg:$0x2] =	wrdreg s2  }
0xa9: {  	[dreg:$0x3] =	wrdreg s4  }
0xaa: {  	[dreg:$0x4] =	wrdreg $0xC0  }
0xab: {  	_ =	task [dreg:s6], $0x5FFFF  }
0xac: {  	[dreg:$0x1] =	wrdreg $0xFFFFFFFF  }
0xad: {  	[dreg:$0x0] =	wrdreg $0x60  }
0xae: {  	[dreg:$0x2] =	wrdreg s24  }
0xaf: {  	[dreg:$0x3] =	wrdreg $0x68000  }
0xb0: {  	[dreg:$0x4] =	wrdreg $0x9  }
0xb1: {  	_ =	task.clear_ibuf [dreg:s6], $0x5FFFF;
	_ =	strace $0x90000046  }
0xb2: {  	s29 =	simm.s32 $0x9;
	_ =	strace $0x80000048  }
0xb3: {  	_ =	swait.ge [sflag:s29], $0x1  }
0xb4: {  	[sflag:s29] =	ssyncadd.s32 $0xFFFFFFFF  }
0xb5: {  	_ =	strace $0x90000048  }
0xb6: {  	_ =	sfence  }
0xb7: {  	s30 =	sld [smem:$0x0];
	_ =	sdelay $0x2  }
0xb8: {  	s31 =	sshll.u32 s1, $0xD;
	s1 =	sshrl.u32 s1, $0x2  }
0xb9: {  	s3 =	sand.u32 $0x4000, s31;
	s1 =	sadd.s32 s1, s30  }
0xba: {  	s0 =	sor.u32 s3, s0;
	s1 =	sshll.u32 s1, $0x11  }
0xbb: {  	s0 =	sor.u32 s1, s0  }
0xbc: {  	s0 =	sadd.s32 $0x8F2B, s0  }
0xbd: {  	[sflag:s0] =	ssyncadd.remote.s32 $0x1  }
0xbe: {  	_ =	sfence.sel $0xFFFF  }
0xbf: {  	[dreg:$0x0] =	wrdreg $0xFFFFFFFF;
	(pc) =	sbr.abs _section_cstart, $3  }
0xc0: {  	[dreg:$0x1] =	wrdreg $0xFFFFFFFF  }
0xc1: {  	_ =	task.clear_ibuf [dreg:s6], $0x2FFFF;
	_ =	strace $0x9FFFFFFF  }
0xc2: {  	(tm) =	ssettm $0x7FFFFFFF  }
0xc3: {  	_ =	shalt  }
tec
execute0_lowered:
.L_overlay_start_1:
0x0: {  	(tag) =	ssettag $0x1  }
0x1: {  	s0 =	srdreg.scid;
	s5 =	rddreg [dreg:$0x0]  }
0x2: {  	s2 =	rddreg [dreg:$0x1];
	s3 =	simm.s32 $0x0;
	s12 =	simm.s32 $0x1  }
0x3: {  	s13 =	simm.s32 $0x2800;
	s14 =	simm.s32 $0x80;
	s4 =	sand.u32 $0x1, s0  }
0x4: {  	s17 =	simm.s32 $0x0;
	s0 =	stileid.u32;
	s7 =	smul.u32 $0x140000, s4  }
0x5: {  	[smem:$0x7FF] =	sst s3;
	s1 =	sshll.u32 s4, $0x4;
	s8 =	smul.u32 $0x14000, s0  }
0x6: {  	s9 =	smul.u32 $0x50000, s0;
	s29 =	ssub.s32 $0x2, s4;
	s15 =	sshll.u32 s0, $0x6  }
0x7: {  	s1 =	sor.u32 s0, s1;
	s31 =	sshrl.u32 s29, $0x1;
	s15 =	sor.u32 $0x1C01, s15  }
0x8: {  	s6 =	smul.u32 $0x500, s1;
	s1 =	rddreg [dreg:$0x2];
	_ =	strace $0x80000047  }
0x9: {  	s7 =	sadd.s32 s8, s7;
	s30 =	sshrl.u32 s9, $0x2;
	s11 =	ssub.s32 s29, s31  }
0xa: {  	s7 =	sshrl.u32 s7, $0x3;
	s4 =	sadd.s32 s30, s2;
	s11 =	smax.u32 s11, $0x1  }
0xb: {  	s6 =	sadd.s32 s6, s5;
	s10 =	sadd.s32 s7, s5;
	s7 =	sadd.s32 $0x8000, s4  }
0xc: {  	s8 =	sadd.s32 $0xC000, s4;
	s9 =	sadd.s32 $0x10000, s4;
	s16 =	sshrl.u32 s4, $0x3  }
0xd: {  	v0 =	vimm.f32 $0.0e+00;
	v1 =	vimm.f32 $1.000000000e+00;
	s5 =	sadd.s32 $0xE600, s6;
	s6 =	sadd.s32 $0x4000, s4;
	s10 =	sadd.s32 $0x18600, s10  }
.LBB2_1:
0xe: {  	[tilespmem:s3], [sflag:$0x1] =	stream.linear.gather [hbm4b:s5+s3], $0x2800, $0x38;
	[tilespmem:$0x1A800] =	vst v63  }
0xf: {  	_ =	swait.ge [sflag:s12], $0x2800  }
0x10: {  	[sflag:s12] =	ssyncset.done $0x0  }
0x11: {  	s18 =	simm.s32 $0x0;
	s19 =	simm.s32 $0x200;
	[sflag:s12] =	ssyncadd.s32 $0xFFFFD800  }
.LBB2_2:
0x12: {  	p0 =	sne.s32 s19, $0xFE00;
	[tilespmem:s18+$0x2870] =	vst v0  }
0x13: {  	[tilespmem:s18+$0x2800] =	vst v0  }
0x14: {  	[tilespmem:s18+$0x2810] =	vst v0  }
.Ltmp0:
0x15: {  	[tilespmem:s18+$0x2820] =	vst v0;
	(pc) =	sbr.rel @p0 .LBB2_2-.Ltmp0, $4  }
0x16: {  	[tilespmem:s18+$0x2830] =	vst v0  }
0x17: {  	[tilespmem:s18+$0x2840] =	vst v0  }
0x18: {  	[tilespmem:s18+$0x2850] =	vst v0  }
0x19: {  	[tilespmem:s18+$0x2860] =	vst v0;
	s18 =	sshra.s32 s19, $0x2;
	s19 =	sadd.s32 $0x200, s19  }
0x1a: {  	[tilespmem:s18+$0x2870] =	vst v0  }
0x1b: {  	[tilespmem:s18+$0x2800] =	vst v0  }
0x1c: {  	[tilespmem:s18+$0x2810] =	vst v0  }
0x1d: {  	[tilespmem:s18+$0x2820] =	vst v0  }
0x1e: {  	[tilespmem:s18+$0x2830] =	vst v0  }
0x1f: {  	[tilespmem:s18+$0x2840] =	vst v0  }
0x20: {  	[tilespmem:s18+$0x2850] =	vst v0  }
0x21: {  	[tilespmem:s18+$0x2860] =	vst v0  }
0x22: {  	[spmem:s4] =	stream.linear.scatter [tilespmem:s13], [sflag:$0x1], $0x4000, $0x38;
	[tilespmem:$0x1A800] =	vst v63  }
0x23: {  	_ =	swait.ge [sflag:s12], $0x4000  }
0x24: {  	[sflag:s12] =	ssyncset.done $0x0  }
0x25: {  	[sflag:s12] =	ssyncadd.s32 $0xFFFFC000  }
0x26: {  	[spmem:s6] =	stream.linear.scatter [tilespmem:s13], [sflag:$0x1], $0x4000, $0x38;
	[tilespmem:$0x1A800] =	vst v63  }
0x27: {  	_ =	swait.ge [sflag:s12], $0x4000  }
0x28: {  	[sflag:s12] =	ssyncset.done $0x0  }
0x29: {  	[sflag:s12] =	ssyncadd.s32 $0xFFFFC000  }
0x2a: {  	[spmem:s7] =	stream.linear.scatter [tilespmem:s13], [sflag:$0x1], $0x4000, $0x38;
	[tilespmem:$0x1A800] =	vst v63  }
0x2b: {  	_ =	swait.ge [sflag:s12], $0x4000  }
0x2c: {  	[sflag:s12] =	ssyncset.done $0x0  }
0x2d: {  	[sflag:s12] =	ssyncadd.s32 $0xFFFFC000  }
0x2e: {  	[spmem:s8] =	stream.linear.scatter [tilespmem:s13], [sflag:$0x1], $0x4000, $0x38;
	[tilespmem:$0x1A800] =	vst v63  }
0x2f: {  	_ =	swait.ge [sflag:s12], $0x4000  }
0x30: {  	[sflag:s12] =	ssyncset.done $0x0  }
0x31: {  	[sflag:s12] =	ssyncadd.s32 $0xFFFFC000  }
0x32: {  	[spmem:s9] =	stream.linear.scatter [tilespmem:s13], [sflag:$0x1], $0x4000, $0x38;
	[tilespmem:$0x1A800] =	vst v63  }
0x33: {  	_ =	swait.ge [sflag:s12], $0x4000  }
0x34: {  	[sflag:s12] =	ssyncset.done $0x0  }
0x35: {  	s18 =	simm.s32 $0x0;
	s19 =	simm.s32 $0x200;
	[sflag:s12] =	ssyncadd.s32 $0xFFFFC000  }
.LBB2_4:
0x36: {  	p0 =	sne.s32 s19, $0xFE00;
	[tilespmem:s18+$0x2870] =	vst v1  }
0x37: {  	[tilespmem:s18+$0x2800] =	vst v1  }
0x38: {  	[tilespmem:s18+$0x2810] =	vst v1  }
.Ltmp1:
0x39: {  	[tilespmem:s18+$0x2820] =	vst v1;
	(pc) =	sbr.rel @p0 .LBB2_4-.Ltmp1, $4  }
0x3a: {  	[tilespmem:s18+$0x2830] =	vst v1  }
0x3b: {  	[tilespmem:s18+$0x2840] =	vst v1  }
0x3c: {  	[tilespmem:s18+$0x2850] =	vst v1  }
0x3d: {  	[tilespmem:s18+$0x2860] =	vst v1;
	s18 =	sshra.s32 s19, $0x2;
	s19 =	sadd.s32 $0x200, s19  }
0x3e: {  	[tilespmem:s18+$0x2870] =	vst v1  }
0x3f: {  	[tilespmem:s18+$0x2800] =	vst v1  }
0x40: {  	[tilespmem:s18+$0x2810] =	vst v1  }
0x41: {  	[tilespmem:s18+$0x2820] =	vst v1  }
0x42: {  	[tilespmem:s18+$0x2830] =	vst v1  }
0x43: {  	[tilespmem:s18+$0x2840] =	vst v1  }
0x44: {  	[tilespmem:s18+$0x2850] =	vst v1  }
0x45: {  	[tilespmem:s18+$0x2860] =	vst v1  }
0x46: {  	s31 =	simm.s32 $0x0;
	[bflag:$0x0] =	sbarrier.arrive $0xFFFF  }
0x47: {  	[spmem:s2] =	stream.indirect.scatter.add.f32 [tilespmem:s13], [sflag:$0x1], $0x80, s31, s14, $0xb8;
	[tilespmem:$0x1A800] =	vst v63  }
0x48: {  	_ =	swait.ge [sflag:s12], $0x4000  }
0x49: {  	s18 =	simm.s32 $0x200;
	[sflag:s12] =	ssyncset.done $0x0  }
.LBB2_6:
0x4a: {  	s19 =	sshra.s32 s18, $0x2;
	[sflag:s12] =	ssyncadd.s32 $0xFFFFC000;
	p0 =	sne.s32 s18, $0x9E00  }
0x4b: {  	[spmem:s2] =	stream.indirect.scatter.add.f32 [tilespmem:s13], [sflag:$0x1], $0x80, s19, s14, $0xb8;
	[tilespmem:$0x1A800] =	vst v63  }
.Ltmp2:
0x4c: {  	_ = 	snop;
	(pc) =	sbr.rel @p0 .LBB2_6-.Ltmp2, $4  }
0x4d: {  	_ = 	snop  }
0x4e: {  	s18 =	sadd.s32 $0x200, s18  }
0x4f: {  	_ =	swait.ge [sflag:s12], $0x4000  }
0x50: {  	[sflag:s12] =	ssyncset.done $0x0  }
0x51: {  	s17 =	sadd.s32 $0x1, s17  }
0x52: {  	[sflag:s12] =	ssyncadd.s32 $0xFFFFC000;
	p0 =	sne.s32 s17, s11  }
.Ltmp3:
0x53: {  	[bflag:$0x0] =	sbarrier.arrive $0xFFFF;
	(pc) =	sbr.rel @p0 .LBB2_1-.Ltmp3, $4  }
0x54: {  	[hbm:s10], [sflag:s15] =	dma.local [spmem:s16], $0x2800  }
0x55: {  	_ =	swait.ge [sflag:s12], $0x2800  }
0x56: {  	[sflag:s12] =	ssyncset.done $0x0  }
0x57: {  	[sflag:s12] =	ssyncadd.s32 $0xFFFFD800  }
0x58: {  	_ =	sfence.sel $0x180000  }
0x59: {  	[bflag:$0x0] =	sbarrier.arrive $0xFFFF  }
0x5a: {  	p0 =	sne.s32 s0, $0x0;
	_ =	strace $0x90000047  }
0x5b: {  	s0 =	sadd.s32 @!p0 $0x100000, s1;
	[bflag:$0x2] =	sbarrier.arrive $0xFFFF  }
0x5c: {  	[sflag:s0] =	ssyncadd.tile.s32 @!p0 $0x1;
	_ =	shalt  }
.Lfunc_end2:
_tile_overlayer_lowered:
.L_overlay_start_2:
0x5d: {  	(tag) =	ssettag $0x2  }
0x5e: {  	s0 =	rddreg [dreg:$0x0];
	s2 =	stileid.u32  }
0x5f: {  	s1 =	rddreg [dreg:$0x1];
	p0 =	sne.s32 s2, $0x0  }
0x60: {  	s3 =	rddreg [dreg:$0x2];
	[bflag:$0x3] =	sbarrier.arrive $0xFFFF;
	s2 =	simm.s32 @!p0 $0x1C01  }
0x61: {  	[timem:s3], [sflag:s2] =	dma.local @!p0 [hbm:s0], s1  }
0x62: {  	s0 =	simm.s32 @!p0 $0x1  }
0x63: {  	_ =	swait.ge @!p0 [sflag:s0], s1  }
0x64: {  	s1 =	ssub.s32 @!p0 $0x0, s1;
	[sflag:s0] =	ssyncset.done @!p0 $0x0  }
0x65: {  	[sflag:s0] =	ssyncadd.s32 @!p0 s1  }
0x66: {  	[bflag:$0x3] =	sbarrier.arrive $0xFFFF  }
0x67: {  	_ =	shalt  }

// kernel: kernel.15.cloned.1.call-start
scs
__scs_entry_jumppad:
0x0: {  	(pc) =	sbr.rel $0x88, $3  }
0x1: {  	(tag) =	ssettag $0x0;
	lr =	simm.s32 $0x1  }
0x2: {  	[smem:$0x3F8C] =	sst lr;
	_ =	strace $0xD0000000  }
0x3: {  	_ = 	snop  }
0x4: {  	_ = 	snop  }
0x5: {  	_ = 	snop  }
0x6: {  	_ = 	snop  }
0x7: {  	_ = 	snop  }
__scs_overlays_trampoline_lowered:
0x8: {  	[smem:$0x3F9B] =	sst s0  }
0x9: {  	[smem:$0x3F9C] =	sst s1  }
0xa: {  	[smem:$0x3F9D] =	sst s2  }
0xb: {  	[smem:$0x3F9E] =	sst s3  }
0xc: {  	[smem:$0x3F9F] =	sst s4  }
0xd: {  	[smem:$0x3FA0] =	sst s5  }
0xe: {  	[smem:$0x3FA1] =	sst s6  }
0xf: {  	[smem:$0x3FA2] =	sst s7  }
0x10: {  	[smem:$0x3FA3] =	sst s8  }
0x11: {  	[smem:$0x3FA4] =	sst s9;
	s0 =	simm.s32 @!p0 $0x0  }
0x12: {  	s1 =	sld [smem:$0x3F8A];
	s0 =	simm.s32 @p0 $0x1  }
0x13: {  	[smem:$0x3FA5] =	sst s0;
	s0 =	simm.s32 @!p1 $0x0  }
0x14: {  	s2 =	sld [smem:$0x3F89];
	s0 =	simm.s32 @p1 $0x1  }
0x15: {  	[smem:$0x3FA6] =	sst s0;
	s0 =	simm.s32 @!p2 $0x0  }
0x16: {  	s3 =	sld [smem:$0x3FDB];
	s0 =	simm.s32 @p2 $0x1  }
0x17: {  	s4 =	simm.s32 $0x1BF5;
	[smem:$0x3FA8] =	sst s0  }
0x18: {  	s0 =	sld [smem:$0x3F8B];
	_ =	swait.ge [sflag:s4], $0x0  }
0x19: {  	s7 =	sld [smem:$0x3F8C]  }
0x1a: {  	s8 =	sadd.s32 $0xFFFFE003, lr  }
0x1b: {  	s9 =	sadd.s32 $0xFFFFFEF7, lr;
	s5 =	simm.s32 $0xFFFFFFFF;
	p2 =	slt.u32 s8, $0xFFFFF086  }
0x1c: {  	p1 =	slt.u32 s9, $0xF7A;
	s5 =	simm.s32 @!p2 $0x0  }
0x1d: {  	s5 =	simm.s32 @p1 $0x1;
	p0 =	seq.s32 s7, s2  }
0x1e: {  	s7 =	smul.u32 @!p0 $0xF7A, s2;
	p2 =	seq.s32 @!p0 s5, $0x0  }
0x1f: {  	s9 =	smul.u32 $0xF7A, s1;
	s8 =	simm.s32 @!p0 $0x1BF5;
	p2 =	por !p2, p0  }
0x20: {  	[sflag:s8] =	ssyncset.s32 @!p0 $0xFFFFF086;
	s6 =	sadd.s32 @!p0 s3, s7;
	s7 =	simm.s32 @!p0 $0x108  }
0x21: {  	s3 =	sadd.s32 s3, s9;
	s6 =	sadd.s32 @!p0 $0x88, s6;
	s7 =	simm.s32 @p2 $0x1082  }
0x22: {  	[simem:s7], [sflag:s8] =	dma.local @!p0 [hbm:s6], $0xF7A  }
0x23: {  	s9 =	sor.u32 $0xD0000000, s2;
	s6 =	simm.s32 $0x108;
	_ =	swait.ge @!p0 [sflag:s8], $0x0  }
0x24: {  	s3 =	sadd.s32 $0x88, s3;
	s6 =	simm.s32 @!p1 $0x1082;
	[sflag:s4] =	ssyncset.s32 $0xFFFFF086  }
0x25: {  	[simem:s6], [sflag:s4] =	dma.local [hbm:s3], $0xF7A  }
0x26: {  	[smem:$0x3F8C] =	sst s1;
	(tag) =	ssettag s2;
	_ =	strace s9  }
0x27: {  	s1 =	sld [smem:$0x3F9C]  }
0x28: {  	s2 =	sld [smem:$0x3F9D]  }
0x29: {  	s4 =	sld [smem:$0x3F9F]  }
0x2a: {  	p0 =	seq.s32 s5, $0x0;
	s5 =	sld [smem:$0x3FA0]  }
0x2b: {  	s6 =	sld [smem:$0x3FA1]  }
0x2c: {  	s7 =	sld [smem:$0x3FA2]  }
0x2d: {  	s3 =	simm.s32 $0x108;
	s8 =	sld [smem:$0x3FA3]  }
0x2e: {  	s3 =	simm.s32 @!p0 $0x1082;
	s9 =	sld [smem:$0x3FA4]  }
0x2f: {  	lr =	sadd.s32 s0, s3;
	s0 =	sld [smem:$0x3F9B]  }
0x30: {  	s3 =	sld [smem:$0x3F9E]  }
0x31: {  	[smem:$0x3FA7] =	sst s10  }
0x32: {  	s10 =	sld [smem:$0x3FA5];
	_ =	sdelay $0x3  }
0x33: {  	p0 =	seq.s32 s10, $0x1;
	s10 =	sld [smem:$0x3FA7];
	_ =	sdelay $0x3  }
0x34: {  	[smem:$0x3FA7] =	sst s10  }
0x35: {  	s10 =	sld [smem:$0x3FA6];
	_ =	sdelay $0x3  }
0x36: {  	p1 =	seq.s32 s10, $0x1;
	s10 =	sld [smem:$0x3FA7];
	_ =	sdelay $0x3  }
0x37: {  	[smem:$0x3FA7] =	sst s10  }
0x38: {  	s10 =	sld [smem:$0x3FA8]  }
0x39: {  	_ = 	snop;
	(pc) =	sbr.ind lr, $3  }
0x3a: {  	_ = 	snop  }
0x3b: {  	_ = 	snop  }
0x3c: {  	p2 =	seq.s32 s10, $0x1;
	s10 =	sld [smem:$0x3FA7]  }
0x3d: {  	_ =	shalt  }
0x3e: {  	_ =	shalt  }
0x3f: {  	_ =	shalt  }
0x40: {  	_ =	shalt  }
0x41: {  	_ =	shalt  }
0x42: {  	_ =	shalt  }
0x43: {  	_ =	shalt  }
0x44: {  	_ =	shalt  }
0x45: {  	_ =	shalt  }
0x46: {  	_ =	shalt  }
0x47: {  	_ =	shalt  }
0x48: {  	_ =	shalt  }
0x49: {  	_ =	shalt  }
0x4a: {  	_ =	shalt  }
0x4b: {  	_ =	shalt  }
0x4c: {  	_ =	shalt  }
0x4d: {  	_ =	shalt  }
0x4e: {  	_ =	shalt  }
0x4f: {  	_ =	shalt  }
0x50: {  	_ =	shalt  }
0x51: {  	_ =	shalt  }
0x52: {  	_ =	shalt  }
0x53: {  	_ =	shalt  }
0x54: {  	_ =	shalt  }
0x55: {  	_ =	shalt  }
0x56: {  	_ =	shalt  }
0x57: {  	_ =	shalt  }
0x58: {  	_ =	shalt  }
0x59: {  	_ =	shalt  }
0x5a: {  	_ =	shalt  }
0x5b: {  	_ =	shalt  }
0x5c: {  	_ =	shalt  }
0x5d: {  	_ =	shalt  }
0x5e: {  	_ =	shalt  }
0x5f: {  	_ =	shalt  }
0x60: {  	_ =	shalt  }
0x61: {  	_ =	shalt  }
0x62: {  	_ =	shalt  }
0x63: {  	_ =	shalt  }
0x64: {  	_ =	shalt  }
0x65: {  	_ =	shalt  }
0x66: {  	_ =	shalt  }
0x67: {  	_ =	shalt  }
0x68: {  	_ =	shalt  }
0x69: {  	_ =	shalt  }
0x6a: {  	_ =	shalt  }
0x6b: {  	_ =	shalt  }
0x6c: {  	_ =	shalt  }
0x6d: {  	_ =	shalt  }
0x6e: {  	_ =	shalt  }
0x6f: {  	_ =	shalt  }
0x70: {  	_ =	shalt  }
0x71: {  	_ =	shalt  }
0x72: {  	_ =	shalt  }
0x73: {  	_ =	shalt  }
0x74: {  	_ =	shalt  }
0x75: {  	_ =	shalt  }
0x76: {  	_ =	shalt  }
0x77: {  	_ =	shalt  }
0x78: {  	_ =	shalt  }
0x79: {  	_ =	shalt  }
0x7a: {  	_ =	shalt  }
0x7b: {  	_ =	shalt  }
0x7c: {  	_ =	shalt  }
0x7d: {  	_ =	shalt  }
0x7e: {  	_ =	shalt  }
0x7f: {  	_ =	shalt  }
0x80: {  	_ =	shalt  }
0x81: {  	_ =	shalt  }
0x82: {  	_ =	shalt  }
0x83: {  	_ =	shalt  }
0x84: {  	_ =	shalt  }
0x85: {  	_ =	shalt  }
0x86: {  	_ =	shalt  }
0x87: {  	_ =	shalt  }
.Lfunc_end0:
.L_simem_size_0:
called_computation.1_lowered:
.L_overlay_start_0:
0x88: {  	s2 =	sld [smem:$0x3FD9]  }
0x89: {  	s3 =	sld [smem:$0x3FFE];
	_ =	sdelay $0x1  }
0x8a: {  	s1 =	srdreg.scid  }
0x8b: {  	s0 =	sand.u32 $0x1, s1  }
0x8c: {  	s16 =	sshll.u32 s0, $0xA;
	s2 =	sadd.s32 s3, s2  }
0x8d: {  	s2 =	sadd.s32 s2, s16  }
0x8e: {  	[smem:$0x3FB3] =	sst s2  }
0x8f: {  	_ = 	snop  }
0x90: {  	(tm) =	ssettm $0x1  }
0x91: {  	s17 =	sld [smem:$0x3FFB];
	_ =	sdelay $0x3  }
0x92: {  	_ =	strace s17  }
0x93: {  	s2 =	sld [smem:$0x3FFC];
	_ =	sdelay $0x3  }
0x94: {  	_ =	strace s2  }
0x95: {  	s2 =	sld [smem:$0x3FFD];
	_ =	sdelay $0x3  }
0x96: {  	_ =	strace s2  }
0x97: {  	_ =	strace $0x8FFFFFFF  }
0x98: {  	s18 =	sld [smem:$0x3FDB];
	_ =	sdelay $0x1  }
0x99: {  	s19 =	simm.s32 $_scs_section_size  }
0x9a: {  	s4 =	simm.s32 $_size__tile_overlayer_lowered;
	s5 =	simm.s32 $_tile_overlayer_lowered  }
0x9b: {  	s22 =	simm.s32 $0x1BFF;
	s21 =	sshll.u32 s5, $0x1;
	s2 =	sadd.s32 s19, s18  }
0x9c: {  	s6 =	simm.s32 $0x0;
	s20 =	sshll.u32 s4, $0x1;
	s4 =	sadd.s32 s21, s2  }
0x9d: {  	[timem:s6], [sflag:s22] =	dma.local [hbm:s4], s20  }
0x9e: {  	_ =	swait.ge [sflag:s22], s20  }
0x9f: {  	s3 =	ssub.s32 $0x0, s20;
	[sflag:s22] =	ssyncset.done $0x0  }
0xa0: {  	[sflag:s22] =	ssyncadd.s32 s3;
	_ =	sdelay $0x1  }
0xa1: {  	s23 =	simm.s32 $0x1B8B  }
0xa2: {  	_ =	swait.ge [sflag:s23], $0x1  }
0xa3: {  	[sflag:s23] =	ssyncset.done $0x0  }
0xa4: {  	s25 =	simm.s32 $0x1B8E;
	s24 =	sld [smem:$0x3FFE];
	[sflag:s23] =	ssyncadd.s32 $0xFFFFFFFF  }
0xa5: {  	s26 =	simm.s32 $execute0_lowered;
	[smem:$0x3FD2] =	sst s25  }
0xa6: {  	s4 =	sshll.u32 s26, $0x1;
	_ =	strace $0x80000049;
	[dreg:$0x1] =	wrdreg $0xFFFFFFFF  }
0xa7: {  	s28 =	simm.s32 $_size_execute0_lowered;
	s2 =	sadd.s32 s2, s4;
	[dreg:$0x0] =	wrdreg $0x0  }
0xa8: {  	s4 =	sshll.u32 s28, $0x1;
	[dreg:$0x2] =	wrdreg s2  }
0xa9: {  	[dreg:$0x3] =	wrdreg s4  }
0xaa: {  	[dreg:$0x4] =	wrdreg $0xC0  }
0xab: {  	_ =	task [dreg:s6], $0x5FFFF  }
0xac: {  	[dreg:$0x1] =	wrdreg $0xFFFFFFFF  }
0xad: {  	[dreg:$0x0] =	wrdreg $0x60  }
0xae: {  	[dreg:$0x2] =	wrdreg s24  }
0xaf: {  	[dreg:$0x3] =	wrdreg $0xA8000  }
0xb0: {  	[dreg:$0x4] =	wrdreg $0x9  }
0xb1: {  	_ =	task.clear_ibuf [dreg:s6], $0x5FFFF;
	_ =	strace $0x90000049  }
0xb2: {  	s29 =	simm.s32 $0x9;
	_ =	strace $0x8000004B  }
0xb3: {  	_ =	swait.ge [sflag:s29], $0x1  }
0xb4: {  	[sflag:s29] =	ssyncadd.s32 $0xFFFFFFFF  }
0xb5: {  	_ =	strace $0x9000004B  }
0xb6: {  	_ =	sfence  }
0xb7: {  	s30 =	sld [smem:$0x0];
	_ =	sdelay $0x2  }
0xb8: {  	s31 =	sshll.u32 s1, $0xD;
	s1 =	sshrl.u32 s1, $0x2  }
0xb9: {  	s3 =	sand.u32 $0x4000, s31;
	s1 =	sadd.s32 s1, s30  }
0xba: {  	s0 =	sor.u32 s3, s0;
	s1 =	sshll.u32 s1, $0x11  }
0xbb: {  	s0 =	sor.u32 s1, s0  }
0xbc: {  	s0 =	sadd.s32 $0x8F2B, s0  }
0xbd: {  	[sflag:s0] =	ssyncadd.remote.s32 $0x1  }
0xbe: {  	_ =	sfence.sel $0xFFFF  }
0xbf: {  	[dreg:$0x0] =	wrdreg $0xFFFFFFFF;
	(pc) =	sbr.abs _section_cstart, $3  }
0xc0: {  	[dreg:$0x1] =	wrdreg $0xFFFFFFFF  }
0xc1: {  	_ =	task.clear_ibuf [dreg:s6], $0x2FFFF;
	_ =	strace $0x9FFFFFFF  }
0xc2: {  	(tm) =	ssettm $0x7FFFFFFF  }
0xc3: {  	_ =	shalt  }
tec
execute0_lowered:
.L_overlay_start_1:
0x0: {  	(tag) =	ssettag $0x1  }
0x1: {  	s0 =	rddreg [dreg:$0x0]  }
0x2: {  	s1 =	rddreg [dreg:$0x1];
	s2 =	srdreg.scid  }
0x3: {  	s3 =	simm.s32 $0x0;
	s21 =	simm.s32 $0x3;
	s22 =	simm.s32 $0x1400  }
0x4: {  	s28 =	simm.s32 $0x1380;
	s29 =	simm.s32 $0x2700;
	s10 =	sand.u32 $0x1, s2  }
0x5: {  	s30 =	simm.s32 $0x2780;
	s2 =	stileid.u32;
	s5 =	smul.u32 $0x140000, s10  }
0x6: {  	[smem:$0x7FF] =	sst s3;
	s4 =	sadd.s32 $0x18600, s0;
	s6 =	smul.u32 $0x14000, s2  }
0x7: {  	s16 =	sadd.s32 $0x4600, s0;
	s17 =	sadd.s32 $0xE600, s0;
	s23 =	smul.u32 $0x50000, s2  }
0x8: {  	_ =	strace $0x8000004A;
	s7 =	sxor.u32 $0x1, s10;
	s15 =	smul.u32 $0x280, s2  }
0x9: {  	s8 =	ssub.s32 $0x2, s10;
	p0 =	seq.s32 s10, $0x1;
	s9 =	smul.u32 s2, s7  }
0xa: {  	s24 =	sshrl.u32 s8, $0x1;
	s5 =	sadd.s32 s6, s5;
	s6 =	sshrl.u32 s23, $0x2  }
0xb: {  	s19 =	ssub.s32 s8, s24;
	s20 =	sadd.s32 $0x7800, s15;
	s23 =	simm.s32 $0x80  }
0xc: {  	s24 =	simm.s32 $0x6800;
	s5 =	sshrl.u32 s5, $0x3;
	s11 =	smul.u32 $0x3C00, s9  }
0xd: {  	s12 =	smul.u32 $0x780, s9;
	s0 =	sadd.s32 s5, s0;
	s5 =	sadd.s32 s6, s1  }
0xe: {  	s19 =	smax.u32 s19, $0x1;
	s6 =	sadd.s32 $0x4000, s5;
	s7 =	sadd.s32 $0x8000, s5  }
0xf: {  	s8 =	sadd.s32 $0xC000, s5;
	s9 =	sadd.s32 $0x10000, s5;
	s25 =	sadd.s32 s16, s12  }
0x10: {  	s13 =	sshrl.u32 s11, $0x3;
	s26 =	sadd.s32 s17, s12;
	[dreg:$0x3] =	wrdreg s25  }
.Ltmp0:
0x11: {  	s14 =	sadd.s32 $0x280, s13;
	[dreg:$0x4] =	wrdreg s26;
	(pc) =	sbr.rel .LBB2_1-.Ltmp0, $4  }
0x12: {  	s18 =	sadd.s32 $0x500, s13;
	s25 =	simm.s32 $0x1;
	s26 =	simm.s32 $0x2  }
0x13: {  	s31 =	sadd.s32 s16, s14;
	s13 =	sadd.s32 s17, s14;
	s14 =	sadd.s32 s16, s18  }
0x14: {  	s15 =	sadd.s32 s17, s18;
	s16 =	sadd.s32 s16, s20;
	s17 =	sadd.s32 s17, s20  }
0x15: {  	v0 =	vimm.f32 $0.0e+00;
	s18 =	sadd.s32 $0x40600, s0;
	s20 =	simm.s32 $0x2800;
	[dreg:$0x5] =	wrdreg s31  }
.LBB2_10:
0x16: {  	s0 =	sadd.s32 $0x80, s31;
	[sflag:s21] =	ssyncadd.s32 $0xFFFFC000  }
0x17: {  	[tilespmem:s24], [sflag:$0x2] =	stream.indirect.gather [hbm4b:s4+s23], $0x80, s0, s23, $0xb8;
	[tilespmem:$0x1E800] =	vst v63  }
0x18: {  	_ =	swait.ge [sflag:s25], $0x4000  }
0x19: {  	[sflag:s25] =	ssyncset.done $0x0  }
0x1a: {  	s11 =	sadd.s32 $0x1400, s31;
	[sflag:s25] =	ssyncadd.s32 $0xFFFFC000  }
0x1b: {  	[spmem:s1] =	stream.indirect.scatter.add.f32 [tilespmem:s20], [sflag:$0x3], $0x80, s11, s23, $0xb8;
	[tilespmem:$0x1E800] =	vst v63  }
0x1c: {  	_ =	swait.ge [sflag:s21], $0x4000  }
0x1d: {  	[sflag:s21] =	ssyncset.done $0x0  }
0x1e: {  	s12 =	sadd.s32 $0x100, s31;
	[sflag:s21] =	ssyncadd.s32 $0xFFFFC000  }
0x1f: {  	[tilespmem:s20], [sflag:$0x1] =	stream.indirect.gather [hbm4b:s4+s23], $0x80, s12, s23, $0xb8;
	[tilespmem:$0x1E800] =	vst v63  }
0x20: {  	_ =	swait.ge [sflag:s26], $0x4000  }
0x21: {  	[sflag:s26] =	ssyncset.done $0x0  }
0x22: {  	s31 =	sadd.s32 $0x1480, s31;
	[sflag:s26] =	ssyncadd.s32 $0xFFFFC000  }
0x23: {  	[spmem:s1] =	stream.indirect.scatter.add.f32 [tilespmem:s24], [sflag:$0x3], $0x80, s31, s23, $0xb8;
	[tilespmem:$0x1E800] =	vst v63  }
0x24: {  	_ =	swait.ge [sflag:s21], $0x4000  }
0x25: {  	[sflag:s21] =	ssyncset.done $0x0  }
0x26: {  	[sflag:s21] =	ssyncadd.s32 $0xFFFFC000  }
.LBB2_14:
0x27: {  	[tilespmem:s24], [sflag:$0x2] =	stream.indirect.gather [hbm4b:s4+s23], $0x80, s28, s23, $0xb8;
	[tilespmem:$0x1E800] =	vst v63  }
0x28: {  	_ =	swait.ge [sflag:s25], $0x4000  }
0x29: {  	[sflag:s25] =	ssyncset.done $0x0  }
0x2a: {  	[sflag:s25] =	ssyncadd.s32 $0xFFFFC000  }
0x2b: {  	[spmem:s1] =	stream.indirect.scatter.add.f32 [tilespmem:s20], [sflag:$0x3], $0x80, s29, s23, $0xb8;
	[tilespmem:$0x1E800] =	vst v63  }
0x2c: {  	_ =	swait.ge [sflag:s21], $0x4000  }
0x2d: {  	[sflag:s21] =	ssyncset.done $0x0  }
0x2e: {  	[sflag:s21] =	ssyncadd.s32 $0xFFFFC000  }
0x2f: {  	_ =	swait.ge [sflag:s26], $0x4000  }
0x30: {  	[sflag:s26] =	ssyncset.done $0x0  }
0x31: {  	[sflag:s26] =	ssyncadd.s32 $0xFFFFC000  }
0x32: {  	[spmem:s1] =	stream.indirect.scatter.add.f32 [tilespmem:s24], [sflag:$0x3], $0x80, s30, s23, $0xb8;
	[tilespmem:$0x1E800] =	vst v63  }
0x33: {  	_ =	swait.ge [sflag:s21], $0x4000  }
0x34: {  	s0 =	sshll.u32 s2, $0x6;
	s3 =	sadd.s32 $0x1, s3;
	[sflag:s21] =	ssyncset.done $0x0  }
0x35: {  	s10 =	sshrl.u32 s5, $0x3;
	p1 =	sne.s32 s3, s19;
	[sflag:s21] =	ssyncadd.s32 $0xFFFFC000  }
.Ltmp1:
0x36: {  	s0 =	sor.u32 $0x1C03, s0;
	[bflag:$0x0] =	sbarrier.arrive $0xFFFF;
	(pc) =	sbr.rel @!p1 .LBB2_15-.Ltmp1, $4  }
0x37: {  	[hbm:s18], [sflag:s0] =	dma.local [spmem:s10], $0x2800  }
0x38: {  	_ =	swait.ge [sflag:s21], $0x2800  }
0x39: {  	[sflag:s21] =	ssyncset.done $0x0  }
0x3a: {  	[sflag:s21] =	ssyncadd.s32 $0xFFFFD800  }
.LBB2_1:
0x3b: {  	s31 =	simm.s32 $0x0;
	s0 =	simm.s32 $0x200  }
.LBB2_2:
0x3c: {  	p1 =	sne.s32 s0, $0xFE00;
	[tilespmem:s31+$0x2870] =	vst v0  }
0x3d: {  	[tilespmem:s31+$0x2800] =	vst v0  }
0x3e: {  	[tilespmem:s31+$0x2810] =	vst v0  }
.Ltmp2:
0x3f: {  	[tilespmem:s31+$0x2820] =	vst v0;
	(pc) =	sbr.rel @p1 .LBB2_2-.Ltmp2, $4  }
0x40: {  	[tilespmem:s31+$0x2830] =	vst v0  }
0x41: {  	[tilespmem:s31+$0x2840] =	vst v0  }
0x42: {  	[tilespmem:s31+$0x2850] =	vst v0  }
0x43: {  	[tilespmem:s31+$0x2860] =	vst v0;
	s31 =	sshra.s32 s0, $0x2;
	s0 =	sadd.s32 $0x200, s0  }
0x44: {  	[tilespmem:s31+$0x2870] =	vst v0  }
0x45: {  	[tilespmem:s31+$0x2800] =	vst v0  }
0x46: {  	[tilespmem:s31+$0x2810] =	vst v0  }
0x47: {  	[tilespmem:s31+$0x2820] =	vst v0  }
0x48: {  	[tilespmem:s31+$0x2830] =	vst v0  }
0x49: {  	[tilespmem:s31+$0x2840] =	vst v0  }
0x4a: {  	[tilespmem:s31+$0x2850] =	vst v0  }
0x4b: {  	[tilespmem:s31+$0x2860] =	vst v0  }
0x4c: {  	[spmem:s5] =	stream.linear.scatter [tilespmem:s20], [sflag:$0x3], $0x4000, $0x38;
	[tilespmem:$0x1E800] =	vst v63  }
0x4d: {  	_ =	swait.ge [sflag:s21], $0x4000  }
0x4e: {  	[sflag:s21] =	ssyncset.done $0x0  }
0x4f: {  	[sflag:s21] =	ssyncadd.s32 $0xFFFFC000  }
0x50: {  	[spmem:s6] =	stream.linear.scatter [tilespmem:s20], [sflag:$0x3], $0x4000, $0x38;
	[tilespmem:$0x1E800] =	vst v63  }
0x51: {  	_ =	swait.ge [sflag:s21], $0x4000  }
0x52: {  	[sflag:s21] =	ssyncset.done $0x0  }
0x53: {  	[sflag:s21] =	ssyncadd.s32 $0xFFFFC000  }
0x54: {  	[spmem:s7] =	stream.linear.scatter [tilespmem:s20], [sflag:$0x3], $0x4000, $0x38;
	[tilespmem:$0x1E800] =	vst v63  }
0x55: {  	_ =	swait.ge [sflag:s21], $0x4000  }
0x56: {  	[sflag:s21] =	ssyncset.done $0x0  }
0x57: {  	[sflag:s21] =	ssyncadd.s32 $0xFFFFC000  }
0x58: {  	[spmem:s8] =	stream.linear.scatter [tilespmem:s20], [sflag:$0x3], $0x4000, $0x38;
	[tilespmem:$0x1E800] =	vst v63  }
0x59: {  	_ =	swait.ge [sflag:s21], $0x4000  }
0x5a: {  	[sflag:s21] =	ssyncset.done $0x0  }
0x5b: {  	[sflag:s21] =	ssyncadd.s32 $0xFFFFC000  }
0x5c: {  	[spmem:s9] =	stream.linear.scatter [tilespmem:s20], [sflag:$0x3], $0x4000, $0x38;
	[tilespmem:$0x1E800] =	vst v63  }
.Ltmp3:
0x5d: {  	_ =	swait.ge [sflag:s21], $0x4000;
	(pc) =	sbr.rel @!p0 .LBB2_4-.Ltmp3, $4  }
0x5e: {  	[sflag:s21] =	ssyncset.done $0x0  }
0x5f: {  	[sflag:s21] =	ssyncadd.s32 $0xFFFFC000  }
0x60: {  	[bflag:$0x0] =	sbarrier.arrive $0xFFFF  }
0x61: {  	s0 =	simm.s32 $0x0  }
0x62: {  	[tilespmem:s0], [sflag:$0x3] =	stream.linear.gather [hbm4b:s16+s0], $0x1400, $0x38;
	[tilespmem:$0x1E800] =	vst v63  }
0x63: {  	_ =	swait.ge [sflag:s21], $0x1400  }
0x64: {  	[sflag:s21] =	ssyncset.done $0x0  }
0x65: {  	[sflag:s21] =	ssyncadd.s32 $0xFFFFEC00  }
0x66: {  	[tilespmem:s22], [sflag:$0x3] =	stream.linear.gather [hbm4b:s17+s0], $0x1400, $0x38;
	[tilespmem:$0x1E800] =	vst v63  }
0x67: {  	_ =	swait.ge [sflag:s21], $0x1400  }
0x68: {  	[sflag:s21] =	ssyncset.done $0x0  }
0x69: {  	[sflag:s21] =	ssyncadd.s32 $0xFFFFEC00  }
0x6a: {  	[tilespmem:s20], [sflag:$0x1] =	stream.indirect.gather [hbm4b:s4+s23], $0x80, s0, s23, $0xb8;
	[tilespmem:$0x1E800] =	vst v63  }
0x6b: {  	s12 =	simm.s32 $0x80  }
0x6c: {  	[tilespmem:s24], [sflag:$0x2] =	stream.indirect.gather [hbm4b:s4+s23], $0x80, s12, s23, $0xb8;
	[tilespmem:$0x1E800] =	vst v63  }
0x6d: {  	_ =	swait.ge [sflag:s25], $0x4000  }
0x6e: {  	[sflag:s25] =	ssyncset.done $0x0  }
0x6f: {  	s10 =	simm.s32 $0x1400;
	[sflag:s25] =	ssyncadd.s32 $0xFFFFC000  }
0x70: {  	[spmem:s1] =	stream.indirect.scatter.add.f32 [tilespmem:s20], [sflag:$0x3], $0x80, s10, s23, $0xb8;
	[tilespmem:$0x1E800] =	vst v63  }
0x71: {  	_ =	swait.ge [sflag:s21], $0x4000  }
0x72: {  	[sflag:s21] =	ssyncset.done $0x0  }
0x73: {  	s11 =	simm.s32 $0x100;
	[sflag:s21] =	ssyncadd.s32 $0xFFFFC000  }
0x74: {  	[tilespmem:s20], [sflag:$0x1] =	stream.indirect.gather [hbm4b:s4+s23], $0x80, s11, s23, $0xb8;
	[tilespmem:$0x1E800] =	vst v63  }
0x75: {  	_ =	swait.ge [sflag:s26], $0x4000  }
0x76: {  	[sflag:s26] =	ssyncset.done $0x0  }
0x77: {  	s12 =	simm.s32 $0x1480;
	[sflag:s26] =	ssyncadd.s32 $0xFFFFC000  }
0x78: {  	[spmem:s1] =	stream.indirect.scatter.add.f32 [tilespmem:s24], [sflag:$0x3], $0x80, s12, s23, $0xb8;
	[tilespmem:$0x1E800] =	vst v63  }
0x79: {  	_ =	swait.ge [sflag:s21], $0x4000  }
0x7a: {  	s31 =	simm.s32 $0x100;
	s0 =	simm.s32 $0x800;
	[sflag:s21] =	ssyncset.done $0x0  }
.LBB2_12:
0x7b: {  	s10 =	sadd.s32 $0x80, s31  }
0x7c: {  	[sflag:s21] =	ssyncadd.s32 $0xFFFFC000;
	s11 =	smov.u32 s0;
	s12 =	sadd.s32 $0x400, s0  }
0x7d: {  	[tilespmem:s24], [sflag:$0x2] =	stream.indirect.gather [hbm4b:s4+s23], $0x80, s10, s23, $0xb8;
	[tilespmem:$0x1E800] =	vst v63  }
0x7e: {  	p1 =	sne.s32 s0, $0x4800;
	_ =	swait.ge [sflag:s25], $0x4000  }
0x7f: {  	[sflag:s25] =	ssyncset.done $0x0  }
0x80: {  	s0 =	sadd.s32 $0x1400, s31;
	[sflag:s25] =	ssyncadd.s32 $0xFFFFC000  }
0x81: {  	[spmem:s1] =	stream.indirect.scatter.add.f32 [tilespmem:s20], [sflag:$0x3], $0x80, s0, s23, $0xb8;
	[tilespmem:$0x1E800] =	vst v63  }
0x82: {  	_ =	swait.ge [sflag:s21], $0x4000  }
0x83: {  	[sflag:s21] =	ssyncset.done $0x0  }
0x84: {  	s0 =	sadd.s32 $0x100, s31;
	[sflag:s21] =	ssyncadd.s32 $0xFFFFC000  }
0x85: {  	[tilespmem:s20], [sflag:$0x1] =	stream.indirect.gather [hbm4b:s4+s23], $0x80, s0, s23, $0xb8;
	[tilespmem:$0x1E800] =	vst v63  }
0x86: {  	_ =	swait.ge [sflag:s26], $0x4000  }
.Ltmp4:
0x87: {  	[sflag:s26] =	ssyncset.done $0x0;
	(pc) =	sbr.rel @p1 .LBB2_12-.Ltmp4, $4  }
0x88: {  	s0 =	sadd.s32 $0x1480, s31;
	[sflag:s26] =	ssyncadd.s32 $0xFFFFC000  }
0x89: {  	[spmem:s1] =	stream.indirect.scatter.add.f32 [tilespmem:s24], [sflag:$0x3], $0x80, s0, s23, $0xb8;
	[tilespmem:$0x1E800] =	vst v63  }
0x8a: {  	_ =	swait.ge [sflag:s21], $0x4000  }
0x8b: {  	s31 =	sshra.s32 s11, $0x2;
	s0 =	smov.u32 s12;
	[sflag:s21] =	ssyncset.done $0x0  }
0x8c: {  	s0 =	sadd.s32 $0x80, s31;
	[sflag:s21] =	ssyncadd.s32 $0xFFFFC000  }
0x8d: {  	[tilespmem:s24], [sflag:$0x2] =	stream.indirect.gather [hbm4b:s4+s23], $0x80, s0, s23, $0xb8;
	[tilespmem:$0x1E800] =	vst v63  }
0x8e: {  	_ =	swait.ge [sflag:s25], $0x4000  }
0x8f: {  	[sflag:s25] =	ssyncset.done $0x0  }
0x90: {  	s11 =	sadd.s32 $0x1400, s31;
	[sflag:s25] =	ssyncadd.s32 $0xFFFFC000  }
0x91: {  	[spmem:s1] =	stream.indirect.scatter.add.f32 [tilespmem:s20], [sflag:$0x3], $0x80, s11, s23, $0xb8;
	[tilespmem:$0x1E800] =	vst v63  }
0x92: {  	_ =	swait.ge [sflag:s21], $0x4000  }
0x93: {  	[sflag:s21] =	ssyncset.done $0x0  }
0x94: {  	s12 =	sadd.s32 $0x100, s31;
	[sflag:s21] =	ssyncadd.s32 $0xFFFFC000  }
0x95: {  	[tilespmem:s20], [sflag:$0x1] =	stream.indirect.gather [hbm4b:s4+s23], $0x80, s12, s23, $0xb8;
	[tilespmem:$0x1E800] =	vst v63  }
0x96: {  	_ =	swait.ge [sflag:s26], $0x4000  }
0x97: {  	[sflag:s26] =	ssyncset.done $0x0  }
.Ltmp5:
0x98: {  	s31 =	sadd.s32 $0x1480, s31;
	[sflag:s26] =	ssyncadd.s32 $0xFFFFC000;
	(pc) =	sbr.rel .LBB2_14-.Ltmp5, $4  }
0x99: {  	[spmem:s1] =	stream.indirect.scatter.add.f32 [tilespmem:s24], [sflag:$0x3], $0x80, s31, s23, $0xb8;
	[tilespmem:$0x1E800] =	vst v63  }
0x9a: {  	_ =	swait.ge [sflag:s21], $0x4000  }
0x9b: {  	[sflag:s21] =	ssyncset.done $0x0  }
0x9c: {  	[sflag:s21] =	ssyncadd.s32 $0xFFFFC000  }
.LBB2_4:
0x9d: {  	s10 =	rddreg [dreg:$0x3]  }
0x9e: {  	[tilespmem:s0], [sflag:$0x3] =	stream.linear.gather [hbm4b:s10+s0], $0x1400, $0x38;
	[tilespmem:$0x1E800] =	vst v63  }
0x9f: {  	_ =	swait.ge [sflag:s21], $0x1400  }
0xa0: {  	[sflag:s21] =	ssyncset.done $0x0  }
0xa1: {  	s11 =	rddreg [dreg:$0x4];
	[sflag:s21] =	ssyncadd.s32 $0xFFFFEC00  }
0xa2: {  	[tilespmem:s22], [sflag:$0x3] =	stream.linear.gather [hbm4b:s11+s0], $0x1400, $0x38;
	[tilespmem:$0x1E800] =	vst v63  }
0xa3: {  	_ =	swait.ge [sflag:s21], $0x1400  }
0xa4: {  	[sflag:s21] =	ssyncset.done $0x0  }
0xa5: {  	[sflag:s21] =	ssyncadd.s32 $0xFFFFEC00  }
0xa6: {  	[tilespmem:s20], [sflag:$0x1] =	stream.indirect.gather [hbm4b:s4+s23], $0x80, s0, s23, $0xb8;
	[tilespmem:$0x1E800] =	vst v63  }
0xa7: {  	s12 =	simm.s32 $0x80  }
0xa8: {  	[tilespmem:s24], [sflag:$0x2] =	stream.indirect.gather [hbm4b:s4+s23], $0x80, s12, s23, $0xb8;
	[tilespmem:$0x1E800] =	vst v63  }
0xa9: {  	_ =	swait.ge [sflag:s25], $0x4000  }
0xaa: {  	[sflag:s25] =	ssyncset.done $0x0  }
0xab: {  	s10 =	simm.s32 $0x1400;
	[sflag:s25] =	ssyncadd.s32 $0xFFFFC000  }
0xac: {  	[spmem:s1] =	stream.indirect.scatter.add.f32 [tilespmem:s20], [sflag:$0x3], $0x80, s10, s23, $0xb8;
	[tilespmem:$0x1E800] =	vst v63  }
0xad: {  	_ =	swait.ge [sflag:s21], $0x4000  }
0xae: {  	[sflag:s21] =	ssyncset.done $0x0  }
0xaf: {  	s11 =	simm.s32 $0x100;
	[sflag:s21] =	ssyncadd.s32 $0xFFFFC000  }
0xb0: {  	[tilespmem:s20], [sflag:$0x1] =	stream.indirect.gather [hbm4b:s4+s23], $0x80, s11, s23, $0xb8;
	[tilespmem:$0x1E800] =	vst v63  }
0xb1: {  	_ =	swait.ge [sflag:s26], $0x4000  }
0xb2: {  	[sflag:s26] =	ssyncset.done $0x0  }
0xb3: {  	s12 =	simm.s32 $0x1480;
	[sflag:s26] =	ssyncadd.s32 $0xFFFFC000  }
0xb4: {  	[spmem:s1] =	stream.indirect.scatter.add.f32 [tilespmem:s24], [sflag:$0x3], $0x80, s12, s23, $0xb8;
	[tilespmem:$0x1E800] =	vst v63  }
0xb5: {  	_ =	swait.ge [sflag:s21], $0x4000  }
0xb6: {  	s31 =	simm.s32 $0x100;
	s0 =	simm.s32 $0x800;
	[sflag:s21] =	ssyncset.done $0x0  }
.LBB2_5:
0xb7: {  	s10 =	sadd.s32 $0x80, s31  }
0xb8: {  	[sflag:s21] =	ssyncadd.s32 $0xFFFFC000;
	s11 =	smov.u32 s0;
	s12 =	sadd.s32 $0x400, s0  }
0xb9: {  	[tilespmem:s24], [sflag:$0x2] =	stream.indirect.gather [hbm4b:s4+s23], $0x80, s10, s23, $0xb8;
	[tilespmem:$0x1E800] =	vst v63  }
0xba: {  	p1 =	sne.s32 s0, $0x4800;
	_ =	swait.ge [sflag:s25], $0x4000  }
0xbb: {  	[sflag:s25] =	ssyncset.done $0x0  }
0xbc: {  	s0 =	sadd.s32 $0x1400, s31;
	[sflag:s25] =	ssyncadd.s32 $0xFFFFC000  }
0xbd: {  	[spmem:s1] =	stream.indirect.scatter.add.f32 [tilespmem:s20], [sflag:$0x3], $0x80, s0, s23, $0xb8;
	[tilespmem:$0x1E800] =	vst v63  }
0xbe: {  	_ =	swait.ge [sflag:s21], $0x4000  }
0xbf: {  	[sflag:s21] =	ssyncset.done $0x0  }
0xc0: {  	s0 =	sadd.s32 $0x100, s31;
	[sflag:s21] =	ssyncadd.s32 $0xFFFFC000  }
0xc1: {  	[tilespmem:s20], [sflag:$0x1] =	stream.indirect.gather [hbm4b:s4+s23], $0x80, s0, s23, $0xb8;
	[tilespmem:$0x1E800] =	vst v63  }
0xc2: {  	_ =	swait.ge [sflag:s26], $0x4000  }
.Ltmp6:
0xc3: {  	[sflag:s26] =	ssyncset.done $0x0;
	(pc) =	sbr.rel @p1 .LBB2_5-.Ltmp6, $4  }
0xc4: {  	s0 =	sadd.s32 $0x1480, s31;
	[sflag:s26] =	ssyncadd.s32 $0xFFFFC000  }
0xc5: {  	[spmem:s1] =	stream.indirect.scatter.add.f32 [tilespmem:s24], [sflag:$0x3], $0x80, s0, s23, $0xb8;
	[tilespmem:$0x1E800] =	vst v63  }
0xc6: {  	_ =	swait.ge [sflag:s21], $0x4000  }
0xc7: {  	s31 =	sshra.s32 s11, $0x2;
	s0 =	smov.u32 s12;
	[sflag:s21] =	ssyncset.done $0x0  }
0xc8: {  	s0 =	sadd.s32 $0x80, s31;
	[sflag:s21] =	ssyncadd.s32 $0xFFFFC000  }
0xc9: {  	[tilespmem:s24], [sflag:$0x2] =	stream.indirect.gather [hbm4b:s4+s23], $0x80, s0, s23, $0xb8;
	[tilespmem:$0x1E800] =	vst v63  }
0xca: {  	_ =	swait.ge [sflag:s25], $0x4000  }
0xcb: {  	[sflag:s25] =	ssyncset.done $0x0  }
0xcc: {  	s11 =	sadd.s32 $0x1400, s31;
	[sflag:s25] =	ssyncadd.s32 $0xFFFFC000  }
0xcd: {  	[spmem:s1] =	stream.indirect.scatter.add.f32 [tilespmem:s20], [sflag:$0x3], $0x80, s11, s23, $0xb8;
	[tilespmem:$0x1E800] =	vst v63  }
0xce: {  	_ =	swait.ge [sflag:s21], $0x4000  }
0xcf: {  	[sflag:s21] =	ssyncset.done $0x0  }
0xd0: {  	s12 =	sadd.s32 $0x100, s31;
	[sflag:s21] =	ssyncadd.s32 $0xFFFFC000  }
0xd1: {  	[tilespmem:s20], [sflag:$0x1] =	stream.indirect.gather [hbm4b:s4+s23], $0x80, s12, s23, $0xb8;
	[tilespmem:$0x1E800] =	vst v63  }
0xd2: {  	_ =	swait.ge [sflag:s26], $0x4000  }
0xd3: {  	[sflag:s26] =	ssyncset.done $0x0  }
0xd4: {  	s10 =	sadd.s32 $0x1480, s31;
	[sflag:s26] =	ssyncadd.s32 $0xFFFFC000  }
0xd5: {  	[spmem:s1] =	stream.indirect.scatter.add.f32 [tilespmem:s24], [sflag:$0x3], $0x80, s10, s23, $0xb8;
	[tilespmem:$0x1E800] =	vst v63  }
0xd6: {  	_ =	swait.ge [sflag:s21], $0x4000  }
0xd7: {  	[sflag:s21] =	ssyncset.done $0x0  }
0xd8: {  	[sflag:s21] =	ssyncadd.s32 $0xFFFFC000  }
0xd9: {  	[tilespmem:s24], [sflag:$0x2] =	stream.indirect.gather [hbm4b:s4+s23], $0x80, s28, s23, $0xb8;
	[tilespmem:$0x1E800] =	vst v63  }
0xda: {  	_ =	swait.ge [sflag:s25], $0x4000  }
0xdb: {  	[sflag:s25] =	ssyncset.done $0x0  }
0xdc: {  	[sflag:s25] =	ssyncadd.s32 $0xFFFFC000  }
0xdd: {  	[spmem:s1] =	stream.indirect.scatter.add.f32 [tilespmem:s20], [sflag:$0x3], $0x80, s29, s23, $0xb8;
	[tilespmem:$0x1E800] =	vst v63  }
0xde: {  	_ =	swait.ge [sflag:s21], $0x4000  }
0xdf: {  	[sflag:s21] =	ssyncset.done $0x0  }
0xe0: {  	[sflag:s21] =	ssyncadd.s32 $0xFFFFC000  }
0xe1: {  	_ =	swait.ge [sflag:s26], $0x4000  }
0xe2: {  	[sflag:s26] =	ssyncset.done $0x0  }
0xe3: {  	[sflag:s26] =	ssyncadd.s32 $0xFFFFC000  }
0xe4: {  	[spmem:s1] =	stream.indirect.scatter.add.f32 [tilespmem:s24], [sflag:$0x3], $0x80, s30, s23, $0xb8;
	[tilespmem:$0x1E800] =	vst v63  }
0xe5: {  	_ =	swait.ge [sflag:s21], $0x4000  }
0xe6: {  	[sflag:s21] =	ssyncset.done $0x0  }
0xe7: {  	s11 =	simm.s32 $0x0;
	s10 =	rddreg [dreg:$0x5];
	[sflag:s21] =	ssyncadd.s32 $0xFFFFC000  }
0xe8: {  	[tilespmem:s11], [sflag:$0x3] =	stream.linear.gather [hbm4b:s10+s11], $0x1400, $0x38;
	[tilespmem:$0x1E800] =	vst v63  }
0xe9: {  	_ =	swait.ge [sflag:s21], $0x1400  }
0xea: {  	[sflag:s21] =	ssyncset.done $0x0  }
0xeb: {  	[sflag:s21] =	ssyncadd.s32 $0xFFFFEC00  }
0xec: {  	[tilespmem:s22], [sflag:$0x3] =	stream.linear.gather [hbm4b:s13+s11], $0x1400, $0x38;
	[tilespmem:$0x1E800] =	vst v63  }
0xed: {  	_ =	swait.ge [sflag:s21], $0x1400  }
0xee: {  	[sflag:s21] =	ssyncset.done $0x0  }
0xef: {  	[sflag:s21] =	ssyncadd.s32 $0xFFFFEC00  }
0xf0: {  	[tilespmem:s20], [sflag:$0x1] =	stream.indirect.gather [hbm4b:s4+s23], $0x80, s11, s23, $0xb8;
	[tilespmem:$0x1E800] =	vst v63  }
0xf1: {  	s12 =	simm.s32 $0x80  }
0xf2: {  	[tilespmem:s24], [sflag:$0x2] =	stream.indirect.gather [hbm4b:s4+s23], $0x80, s12, s23, $0xb8;
	[tilespmem:$0x1E800] =	vst v63  }
0xf3: {  	_ =	swait.ge [sflag:s25], $0x4000  }
0xf4: {  	[sflag:s25] =	ssyncset.done $0x0  }
0xf5: {  	s10 =	simm.s32 $0x1400;
	[sflag:s25] =	ssyncadd.s32 $0xFFFFC000  }
0xf6: {  	[spmem:s1] =	stream.indirect.scatter.add.f32 [tilespmem:s20], [sflag:$0x3], $0x80, s10, s23, $0xb8;
	[tilespmem:$0x1E800] =	vst v63  }
0xf7: {  	_ =	swait.ge [sflag:s21], $0x4000  }
0xf8: {  	[sflag:s21] =	ssyncset.done $0x0  }
0xf9: {  	s11 =	simm.s32 $0x100;
	[sflag:s21] =	ssyncadd.s32 $0xFFFFC000  }
0xfa: {  	[tilespmem:s20], [sflag:$0x1] =	stream.indirect.gather [hbm4b:s4+s23], $0x80, s11, s23, $0xb8;
	[tilespmem:$0x1E800] =	vst v63  }
0xfb: {  	_ =	swait.ge [sflag:s26], $0x4000  }
0xfc: {  	[sflag:s26] =	ssyncset.done $0x0  }
0xfd: {  	s12 =	simm.s32 $0x1480;
	[sflag:s26] =	ssyncadd.s32 $0xFFFFC000  }
0xfe: {  	[spmem:s1] =	stream.indirect.scatter.add.f32 [tilespmem:s24], [sflag:$0x3], $0x80, s12, s23, $0xb8;
	[tilespmem:$0x1E800] =	vst v63  }
0xff: {  	_ =	swait.ge [sflag:s21], $0x4000  }
0x100: {  	s31 =	simm.s32 $0x100;
	s0 =	simm.s32 $0x800;
	[sflag:s21] =	ssyncset.done $0x0  }
.LBB2_7:
0x101: {  	s10 =	sadd.s32 $0x80, s31  }
0x102: {  	[sflag:s21] =	ssyncadd.s32 $0xFFFFC000;
	s11 =	smov.u32 s0;
	s12 =	sadd.s32 $0x400, s0  }
0x103: {  	[tilespmem:s24], [sflag:$0x2] =	stream.indirect.gather [hbm4b:s4+s23], $0x80, s10, s23, $0xb8;
	[tilespmem:$0x1E800] =	vst v63  }
0x104: {  	p1 =	sne.s32 s0, $0x4800;
	_ =	swait.ge [sflag:s25], $0x4000  }
0x105: {  	[sflag:s25] =	ssyncset.done $0x0  }
0x106: {  	s0 =	sadd.s32 $0x1400, s31;
	[sflag:s25] =	ssyncadd.s32 $0xFFFFC000  }
0x107: {  	[spmem:s1] =	stream.indirect.scatter.add.f32 [tilespmem:s20], [sflag:$0x3], $0x80, s0, s23, $0xb8;
	[tilespmem:$0x1E800] =	vst v63  }
0x108: {  	_ =	swait.ge [sflag:s21], $0x4000  }
0x109: {  	[sflag:s21] =	ssyncset.done $0x0  }
0x10a: {  	s0 =	sadd.s32 $0x100, s31;
	[sflag:s21] =	ssyncadd.s32 $0xFFFFC000  }
0x10b: {  	[tilespmem:s20], [sflag:$0x1] =	stream.indirect.gather [hbm4b:s4+s23], $0x80, s0, s23, $0xb8;
	[tilespmem:$0x1E800] =	vst v63  }
0x10c: {  	_ =	swait.ge [sflag:s26], $0x4000  }
.Ltmp7:
0x10d: {  	[sflag:s26] =	ssyncset.done $0x0;
	(pc) =	sbr.rel @p1 .LBB2_7-.Ltmp7, $4  }
0x10e: {  	s0 =	sadd.s32 $0x1480, s31;
	[sflag:s26] =	ssyncadd.s32 $0xFFFFC000  }
0x10f: {  	[spmem:s1] =	stream.indirect.scatter.add.f32 [tilespmem:s24], [sflag:$0x3], $0x80, s0, s23, $0xb8;
	[tilespmem:$0x1E800] =	vst v63  }
0x110: {  	_ =	swait.ge [sflag:s21], $0x4000  }
0x111: {  	s31 =	sshra.s32 s11, $0x2;
	s0 =	smov.u32 s12;
	[sflag:s21] =	ssyncset.done $0x0  }
0x112: {  	s0 =	sadd.s32 $0x80, s31;
	[sflag:s21] =	ssyncadd.s32 $0xFFFFC000  }
0x113: {  	[tilespmem:s24], [sflag:$0x2] =	stream.indirect.gather [hbm4b:s4+s23], $0x80, s0, s23, $0xb8;
	[tilespmem:$0x1E800] =	vst v63  }
0x114: {  	_ =	swait.ge [sflag:s25], $0x4000  }
0x115: {  	[sflag:s25] =	ssyncset.done $0x0  }
0x116: {  	s11 =	sadd.s32 $0x1400, s31;
	[sflag:s25] =	ssyncadd.s32 $0xFFFFC000  }
0x117: {  	[spmem:s1] =	stream.indirect.scatter.add.f32 [tilespmem:s20], [sflag:$0x3], $0x80, s11, s23, $0xb8;
	[tilespmem:$0x1E800] =	vst v63  }
0x118: {  	_ =	swait.ge [sflag:s21], $0x4000  }
0x119: {  	[sflag:s21] =	ssyncset.done $0x0  }
0x11a: {  	s12 =	sadd.s32 $0x100, s31;
	[sflag:s21] =	ssyncadd.s32 $0xFFFFC000  }
0x11b: {  	[tilespmem:s20], [sflag:$0x1] =	stream.indirect.gather [hbm4b:s4+s23], $0x80, s12, s23, $0xb8;
	[tilespmem:$0x1E800] =	vst v63  }
0x11c: {  	_ =	swait.ge [sflag:s26], $0x4000  }
0x11d: {  	[sflag:s26] =	ssyncset.done $0x0  }
0x11e: {  	s10 =	sadd.s32 $0x1480, s31;
	[sflag:s26] =	ssyncadd.s32 $0xFFFFC000  }
0x11f: {  	[spmem:s1] =	stream.indirect.scatter.add.f32 [tilespmem:s24], [sflag:$0x3], $0x80, s10, s23, $0xb8;
	[tilespmem:$0x1E800] =	vst v63  }
0x120: {  	_ =	swait.ge [sflag:s21], $0x4000  }
0x121: {  	[sflag:s21] =	ssyncset.done $0x0  }
0x122: {  	[sflag:s21] =	ssyncadd.s32 $0xFFFFC000  }
0x123: {  	[tilespmem:s24], [sflag:$0x2] =	stream.indirect.gather [hbm4b:s4+s23], $0x80, s28, s23, $0xb8;
	[tilespmem:$0x1E800] =	vst v63  }
0x124: {  	_ =	swait.ge [sflag:s25], $0x4000  }
0x125: {  	[sflag:s25] =	ssyncset.done $0x0  }
0x126: {  	[sflag:s25] =	ssyncadd.s32 $0xFFFFC000  }
0x127: {  	[spmem:s1] =	stream.indirect.scatter.add.f32 [tilespmem:s20], [sflag:$0x3], $0x80, s29, s23, $0xb8;
	[tilespmem:$0x1E800] =	vst v63  }
0x128: {  	_ =	swait.ge [sflag:s21], $0x4000  }
0x129: {  	[sflag:s21] =	ssyncset.done $0x0  }
0x12a: {  	[sflag:s21] =	ssyncadd.s32 $0xFFFFC000  }
0x12b: {  	_ =	swait.ge [sflag:s26], $0x4000  }
0x12c: {  	[sflag:s26] =	ssyncset.done $0x0  }
0x12d: {  	[sflag:s26] =	ssyncadd.s32 $0xFFFFC000  }
0x12e: {  	[spmem:s1] =	stream.indirect.scatter.add.f32 [tilespmem:s24], [sflag:$0x3], $0x80, s30, s23, $0xb8;
	[tilespmem:$0x1E800] =	vst v63  }
0x12f: {  	_ =	swait.ge [sflag:s21], $0x4000  }
0x130: {  	[sflag:s21] =	ssyncset.done $0x0  }
0x131: {  	s11 =	simm.s32 $0x0;
	[sflag:s21] =	ssyncadd.s32 $0xFFFFC000  }
0x132: {  	[tilespmem:s11], [sflag:$0x3] =	stream.linear.gather [hbm4b:s14+s11], $0x1400, $0x38;
	[tilespmem:$0x1E800] =	vst v63  }
0x133: {  	_ =	swait.ge [sflag:s21], $0x1400  }
0x134: {  	[sflag:s21] =	ssyncset.done $0x0  }
0x135: {  	[sflag:s21] =	ssyncadd.s32 $0xFFFFEC00  }
0x136: {  	[tilespmem:s22], [sflag:$0x3] =	stream.linear.gather [hbm4b:s15+s11], $0x1400, $0x38;
	[tilespmem:$0x1E800] =	vst v63  }
0x137: {  	_ =	swait.ge [sflag:s21], $0x1400  }
0x138: {  	[sflag:s21] =	ssyncset.done $0x0  }
0x139: {  	[sflag:s21] =	ssyncadd.s32 $0xFFFFEC00  }
0x13a: {  	[tilespmem:s20], [sflag:$0x1] =	stream.indirect.gather [hbm4b:s4+s23], $0x80, s11, s23, $0xb8;
	[tilespmem:$0x1E800] =	vst v63  }
0x13b: {  	s12 =	simm.s32 $0x80  }
0x13c: {  	[tilespmem:s24], [sflag:$0x2] =	stream.indirect.gather [hbm4b:s4+s23], $0x80, s12, s23, $0xb8;
	[tilespmem:$0x1E800] =	vst v63  }
0x13d: {  	_ =	swait.ge [sflag:s25], $0x4000  }
0x13e: {  	[sflag:s25] =	ssyncset.done $0x0  }
0x13f: {  	s10 =	simm.s32 $0x1400;
	[sflag:s25] =	ssyncadd.s32 $0xFFFFC000  }
0x140: {  	[spmem:s1] =	stream.indirect.scatter.add.f32 [tilespmem:s20], [sflag:$0x3], $0x80, s10, s23, $0xb8;
	[tilespmem:$0x1E800] =	vst v63  }
0x141: {  	_ =	swait.ge [sflag:s21], $0x4000  }
0x142: {  	[sflag:s21] =	ssyncset.done $0x0  }
0x143: {  	s11 =	simm.s32 $0x100;
	[sflag:s21] =	ssyncadd.s32 $0xFFFFC000  }
0x144: {  	[tilespmem:s20], [sflag:$0x1] =	stream.indirect.gather [hbm4b:s4+s23], $0x80, s11, s23, $0xb8;
	[tilespmem:$0x1E800] =	vst v63  }
0x145: {  	_ =	swait.ge [sflag:s26], $0x4000  }
0x146: {  	[sflag:s26] =	ssyncset.done $0x0  }
0x147: {  	s12 =	simm.s32 $0x1480;
	[sflag:s26] =	ssyncadd.s32 $0xFFFFC000  }
0x148: {  	[spmem:s1] =	stream.indirect.scatter.add.f32 [tilespmem:s24], [sflag:$0x3], $0x80, s12, s23, $0xb8;
	[tilespmem:$0x1E800] =	vst v63  }
0x149: {  	_ =	swait.ge [sflag:s21], $0x4000  }
0x14a: {  	s31 =	simm.s32 $0x100;
	s0 =	simm.s32 $0x800;
	[sflag:s21] =	ssyncset.done $0x0  }
.LBB2_9:
0x14b: {  	s10 =	sadd.s32 $0x80, s31  }
0x14c: {  	[sflag:s21] =	ssyncadd.s32 $0xFFFFC000;
	s11 =	smov.u32 s0;
	s12 =	sadd.s32 $0x400, s0  }
0x14d: {  	[tilespmem:s24], [sflag:$0x2] =	stream.indirect.gather [hbm4b:s4+s23], $0x80, s10, s23, $0xb8;
	[tilespmem:$0x1E800] =	vst v63  }
0x14e: {  	p1 =	seq.s32 s0, $0x4800;
	_ =	swait.ge [sflag:s25], $0x4000  }
0x14f: {  	[sflag:s25] =	ssyncset.done $0x0  }
0x150: {  	s0 =	sadd.s32 $0x1400, s31;
	[sflag:s25] =	ssyncadd.s32 $0xFFFFC000  }
0x151: {  	[spmem:s1] =	stream.indirect.scatter.add.f32 [tilespmem:s20], [sflag:$0x3], $0x80, s0, s23, $0xb8;
	[tilespmem:$0x1E800] =	vst v63  }
0x152: {  	_ =	swait.ge [sflag:s21], $0x4000  }
0x153: {  	[sflag:s21] =	ssyncset.done $0x0  }
0x154: {  	s0 =	sadd.s32 $0x100, s31;
	[sflag:s21] =	ssyncadd.s32 $0xFFFFC000  }
0x155: {  	[tilespmem:s20], [sflag:$0x1] =	stream.indirect.gather [hbm4b:s4+s23], $0x80, s0, s23, $0xb8;
	[tilespmem:$0x1E800] =	vst v63  }
0x156: {  	_ =	swait.ge [sflag:s26], $0x4000  }
.Ltmp8:
0x157: {  	[sflag:s26] =	ssyncset.done $0x0;
	(pc) =	sbr.rel @!p1 .LBB2_9-.Ltmp8, $4  }
0x158: {  	s0 =	sadd.s32 $0x1480, s31;
	[sflag:s26] =	ssyncadd.s32 $0xFFFFC000  }
0x159: {  	[spmem:s1] =	stream.indirect.scatter.add.f32 [tilespmem:s24], [sflag:$0x3], $0x80, s0, s23, $0xb8;
	[tilespmem:$0x1E800] =	vst v63  }
0x15a: {  	_ =	swait.ge [sflag:s21], $0x4000  }
0x15b: {  	s31 =	sshra.s32 s11, $0x2;
	s0 =	smov.u32 s12;
	[sflag:s21] =	ssyncset.done $0x0  }
.Ltmp9:
0x15c: {  	_ = 	snop;
	(pc) =	sbr.rel .LBB2_10-.Ltmp9, $1  }
0x15d: {  	_ =	sdelay $0x3  }
.LBB2_15:
0x15e: {  	_ =	sfence.sel $0x180000  }
0x15f: {  	[bflag:$0x0] =	sbarrier.arrive $0xFFFF  }
0x160: {  	_ =	strace $0x9000004A  }
0x161: {  	[bflag:$0x2] =	sbarrier.arrive $0xFFFF  }
0x162: {  	p0 =	sne.s32 s2, $0x0;
	s0 =	rddreg [dreg:$0x2]  }
0x163: {  	s0 =	sadd.s32 @!p0 $0x100000, s0  }
0x164: {  	[sflag:s0] =	ssyncadd.tile.s32 @!p0 $0x1;
	_ =	shalt  }
.Lfunc_end2:
_tile_overlayer_lowered:
.L_overlay_start_2:
0x165: {  	(tag) =	ssettag $0x2  }
0x166: {  	s0 =	rddreg [dreg:$0x0];
	s2 =	stileid.u32  }
0x167: {  	s1 =	rddreg [dreg:$0x1];
	p0 =	sne.s32 s2, $0x0  }
0x168: {  	s3 =	rddreg [dreg:$0x2];
	[bflag:$0x3] =	sbarrier.arrive $0xFFFF;
	s2 =	simm.s32 @!p0 $0x1C03  }
0x169: {  	[timem:s3], [sflag:s2] =	dma.local @!p0 [hbm:s0], s1  }
0x16a: {  	s0 =	simm.s32 @!p0 $0x3  }
0x16b: {  	_ =	swait.ge @!p0 [sflag:s0], s1  }
0x16c: {  	s1 =	ssub.s32 @!p0 $0x0, s1;
	[sflag:s0] =	ssyncset.done @!p0 $0x0  }
0x16d: {  	[sflag:s0] =	ssyncadd.s32 @!p0 s1  }
0x16e: {  	[bflag:$0x3] =	sbarrier.arrive $0xFFFF  }
0x16f: {  	_ =	shalt  }

// kernel: kernel.18.cloned.1.call-start
scs
__scs_entry_jumppad:
0x0: {  	(pc) =	sbr.rel $0x88, $3  }
0x1: {  	(tag) =	ssettag $0x0;
	lr =	simm.s32 $0x1  }
0x2: {  	[smem:$0x3F8C] =	sst lr;
	_ =	strace $0xD0000000  }
0x3: {  	_ = 	snop  }
0x4: {  	_ = 	snop  }
0x5: {  	_ = 	snop  }
0x6: {  	_ = 	snop  }
0x7: {  	_ = 	snop  }
__scs_overlays_trampoline_lowered:
0x8: {  	[smem:$0x3F9B] =	sst s0  }
0x9: {  	[smem:$0x3F9C] =	sst s1  }
0xa: {  	[smem:$0x3F9D] =	sst s2  }
0xb: {  	[smem:$0x3F9E] =	sst s3  }
0xc: {  	[smem:$0x3F9F] =	sst s4  }
0xd: {  	[smem:$0x3FA0] =	sst s5  }
0xe: {  	[smem:$0x3FA1] =	sst s6  }
0xf: {  	[smem:$0x3FA2] =	sst s7  }
0x10: {  	[smem:$0x3FA3] =	sst s8  }
0x11: {  	[smem:$0x3FA4] =	sst s9;
	s0 =	simm.s32 @!p0 $0x0  }
0x12: {  	s1 =	sld [smem:$0x3F8A];
	s0 =	simm.s32 @p0 $0x1  }
0x13: {  	[smem:$0x3FA5] =	sst s0;
	s0 =	simm.s32 @!p1 $0x0  }
0x14: {  	s2 =	sld [smem:$0x3F89];
	s0 =	simm.s32 @p1 $0x1  }
0x15: {  	[smem:$0x3FA6] =	sst s0;
	s0 =	simm.s32 @!p2 $0x0  }
0x16: {  	s3 =	sld [smem:$0x3FDB];
	s0 =	simm.s32 @p2 $0x1  }
0x17: {  	s4 =	simm.s32 $0x1BF5;
	[smem:$0x3FA8] =	sst s0  }
0x18: {  	s0 =	sld [smem:$0x3F8B];
	_ =	swait.ge [sflag:s4], $0x0  }
0x19: {  	s7 =	sld [smem:$0x3F8C]  }
0x1a: {  	s8 =	sadd.s32 $0xFFFFE003, lr  }
0x1b: {  	s9 =	sadd.s32 $0xFFFFFEF7, lr;
	s5 =	simm.s32 $0xFFFFFFFF;
	p2 =	slt.u32 s8, $0xFFFFF086  }
0x1c: {  	p1 =	slt.u32 s9, $0xF7A;
	s5 =	simm.s32 @!p2 $0x0  }
0x1d: {  	s5 =	simm.s32 @p1 $0x1;
	p0 =	seq.s32 s7, s2  }
0x1e: {  	s7 =	smul.u32 @!p0 $0xF7A, s2;
	p2 =	seq.s32 @!p0 s5, $0x0  }
0x1f: {  	s9 =	smul.u32 $0xF7A, s1;
	s8 =	simm.s32 @!p0 $0x1BF5;
	p2 =	por !p2, p0  }
0x20: {  	[sflag:s8] =	ssyncset.s32 @!p0 $0xFFFFF086;
	s6 =	sadd.s32 @!p0 s3, s7;
	s7 =	simm.s32 @!p0 $0x108  }
0x21: {  	s3 =	sadd.s32 s3, s9;
	s6 =	sadd.s32 @!p0 $0x88, s6;
	s7 =	simm.s32 @p2 $0x1082  }
0x22: {  	[simem:s7], [sflag:s8] =	dma.local @!p0 [hbm:s6], $0xF7A  }
0x23: {  	s9 =	sor.u32 $0xD0000000, s2;
	s6 =	simm.s32 $0x108;
	_ =	swait.ge @!p0 [sflag:s8], $0x0  }
0x24: {  	s3 =	sadd.s32 $0x88, s3;
	s6 =	simm.s32 @!p1 $0x1082;
	[sflag:s4] =	ssyncset.s32 $0xFFFFF086  }
0x25: {  	[simem:s6], [sflag:s4] =	dma.local [hbm:s3], $0xF7A  }
0x26: {  	[smem:$0x3F8C] =	sst s1;
	(tag) =	ssettag s2;
	_ =	strace s9  }
0x27: {  	s1 =	sld [smem:$0x3F9C]  }
0x28: {  	s2 =	sld [smem:$0x3F9D]  }
0x29: {  	s4 =	sld [smem:$0x3F9F]  }
0x2a: {  	p0 =	seq.s32 s5, $0x0;
	s5 =	sld [smem:$0x3FA0]  }
0x2b: {  	s6 =	sld [smem:$0x3FA1]  }
0x2c: {  	s7 =	sld [smem:$0x3FA2]  }
0x2d: {  	s3 =	simm.s32 $0x108;
	s8 =	sld [smem:$0x3FA3]  }
0x2e: {  	s3 =	simm.s32 @!p0 $0x1082;
	s9 =	sld [smem:$0x3FA4]  }
0x2f: {  	lr =	sadd.s32 s0, s3;
	s0 =	sld [smem:$0x3F9B]  }
0x30: {  	s3 =	sld [smem:$0x3F9E]  }
0x31: {  	[smem:$0x3FA7] =	sst s10  }
0x32: {  	s10 =	sld [smem:$0x3FA5];
	_ =	sdelay $0x3  }
0x33: {  	p0 =	seq.s32 s10, $0x1;
	s10 =	sld [smem:$0x3FA7];
	_ =	sdelay $0x3  }
0x34: {  	[smem:$0x3FA7] =	sst s10  }
0x35: {  	s10 =	sld [smem:$0x3FA6];
	_ =	sdelay $0x3  }
0x36: {  	p1 =	seq.s32 s10, $0x1;
	s10 =	sld [smem:$0x3FA7];
	_ =	sdelay $0x3  }
0x37: {  	[smem:$0x3FA7] =	sst s10  }
0x38: {  	s10 =	sld [smem:$0x3FA8]  }
0x39: {  	_ = 	snop;
	(pc) =	sbr.ind lr, $3  }
0x3a: {  	_ = 	snop  }
0x3b: {  	_ = 	snop  }
0x3c: {  	p2 =	seq.s32 s10, $0x1;
	s10 =	sld [smem:$0x3FA7]  }
0x3d: {  	_ =	shalt  }
0x3e: {  	_ =	shalt  }
0x3f: {  	_ =	shalt  }
0x40: {  	_ =	shalt  }
0x41: {  	_ =	shalt  }
0x42: {  	_ =	shalt  }
0x43: {  	_ =	shalt  }
0x44: {  	_ =	shalt  }
0x45: {  	_ =	shalt  }
0x46: {  	_ =	shalt  }
0x47: {  	_ =	shalt  }
0x48: {  	_ =	shalt  }
0x49: {  	_ =	shalt  }
0x4a: {  	_ =	shalt  }
0x4b: {  	_ =	shalt  }
0x4c: {  	_ =	shalt  }
0x4d: {  	_ =	shalt  }
0x4e: {  	_ =	shalt  }
0x4f: {  	_ =	shalt  }
0x50: {  	_ =	shalt  }
0x51: {  	_ =	shalt  }
0x52: {  	_ =	shalt  }
0x53: {  	_ =	shalt  }
0x54: {  	_ =	shalt  }
0x55: {  	_ =	shalt  }
0x56: {  	_ =	shalt  }
0x57: {  	_ =	shalt  }
0x58: {  	_ =	shalt  }
0x59: {  	_ =	shalt  }
0x5a: {  	_ =	shalt  }
0x5b: {  	_ =	shalt  }
0x5c: {  	_ =	shalt  }
0x5d: {  	_ =	shalt  }
0x5e: {  	_ =	shalt  }
0x5f: {  	_ =	shalt  }
0x60: {  	_ =	shalt  }
0x61: {  	_ =	shalt  }
0x62: {  	_ =	shalt  }
0x63: {  	_ =	shalt  }
0x64: {  	_ =	shalt  }
0x65: {  	_ =	shalt  }
0x66: {  	_ =	shalt  }
0x67: {  	_ =	shalt  }
0x68: {  	_ =	shalt  }
0x69: {  	_ =	shalt  }
0x6a: {  	_ =	shalt  }
0x6b: {  	_ =	shalt  }
0x6c: {  	_ =	shalt  }
0x6d: {  	_ =	shalt  }
0x6e: {  	_ =	shalt  }
0x6f: {  	_ =	shalt  }
0x70: {  	_ =	shalt  }
0x71: {  	_ =	shalt  }
0x72: {  	_ =	shalt  }
0x73: {  	_ =	shalt  }
0x74: {  	_ =	shalt  }
0x75: {  	_ =	shalt  }
0x76: {  	_ =	shalt  }
0x77: {  	_ =	shalt  }
0x78: {  	_ =	shalt  }
0x79: {  	_ =	shalt  }
0x7a: {  	_ =	shalt  }
0x7b: {  	_ =	shalt  }
0x7c: {  	_ =	shalt  }
0x7d: {  	_ =	shalt  }
0x7e: {  	_ =	shalt  }
0x7f: {  	_ =	shalt  }
0x80: {  	_ =	shalt  }
0x81: {  	_ =	shalt  }
0x82: {  	_ =	shalt  }
0x83: {  	_ =	shalt  }
0x84: {  	_ =	shalt  }
0x85: {  	_ =	shalt  }
0x86: {  	_ =	shalt  }
0x87: {  	_ =	shalt  }
.Lfunc_end0:
.L_simem_size_0:
called_computation.2_lowered:
.L_overlay_start_0:
0x88: {  	s2 =	sld [smem:$0x3FD9]  }
0x89: {  	s3 =	sld [smem:$0x3FFE];
	_ =	sdelay $0x1  }
0x8a: {  	s1 =	srdreg.scid  }
0x8b: {  	s0 =	sand.u32 $0x1, s1  }
0x8c: {  	s16 =	sshll.u32 s0, $0xA;
	s2 =	sadd.s32 s3, s2  }
0x8d: {  	s2 =	sadd.s32 s2, s16  }
0x8e: {  	[smem:$0x3FB3] =	sst s2  }
0x8f: {  	_ = 	snop  }
0x90: {  	(tm) =	ssettm $0x1  }
0x91: {  	s17 =	sld [smem:$0x3FFB];
	_ =	sdelay $0x3  }
0x92: {  	_ =	strace s17  }
0x93: {  	s2 =	sld [smem:$0x3FFC];
	_ =	sdelay $0x3  }
0x94: {  	_ =	strace s2  }
0x95: {  	s2 =	sld [smem:$0x3FFD];
	_ =	sdelay $0x3  }
0x96: {  	_ =	strace s2  }
0x97: {  	_ =	strace $0x8FFFFFFF  }
0x98: {  	s18 =	sld [smem:$0x3FDB];
	_ =	sdelay $0x1  }
0x99: {  	s19 =	simm.s32 $_scs_section_size  }
0x9a: {  	s4 =	simm.s32 $_size__tile_overlayer_lowered;
	s5 =	simm.s32 $_tile_overlayer_lowered  }
0x9b: {  	s22 =	simm.s32 $0x1BFF;
	s21 =	sshll.u32 s5, $0x1;
	s2 =	sadd.s32 s19, s18  }
0x9c: {  	s6 =	simm.s32 $0x0;
	s20 =	sshll.u32 s4, $0x1;
	s4 =	sadd.s32 s21, s2  }
0x9d: {  	[timem:s6], [sflag:s22] =	dma.local [hbm:s4], s20  }
0x9e: {  	_ =	swait.ge [sflag:s22], s20  }
0x9f: {  	s3 =	ssub.s32 $0x0, s20;
	[sflag:s22] =	ssyncset.done $0x0  }
0xa0: {  	[sflag:s22] =	ssyncadd.s32 s3;
	_ =	sdelay $0x1  }
0xa1: {  	s23 =	simm.s32 $0x1B8B  }
0xa2: {  	_ =	swait.ge [sflag:s23], $0x1  }
0xa3: {  	[sflag:s23] =	ssyncset.done $0x0  }
0xa4: {  	s25 =	simm.s32 $0x1B8E;
	s24 =	sld [smem:$0x3FFE];
	[sflag:s23] =	ssyncadd.s32 $0xFFFFFFFF  }
0xa5: {  	s26 =	simm.s32 $execute0_lowered;
	[smem:$0x3FD2] =	sst s25  }
0xa6: {  	s4 =	sshll.u32 s26, $0x1;
	_ =	strace $0x8000004C;
	[dreg:$0x1] =	wrdreg $0xFFFFFFFF  }
0xa7: {  	s28 =	simm.s32 $_size_execute0_lowered;
	s2 =	sadd.s32 s2, s4;
	[dreg:$0x0] =	wrdreg $0x0  }
0xa8: {  	s4 =	sshll.u32 s28, $0x1;
	[dreg:$0x2] =	wrdreg s2  }
0xa9: {  	[dreg:$0x3] =	wrdreg s4  }
0xaa: {  	[dreg:$0x4] =	wrdreg $0xC0  }
0xab: {  	_ =	task [dreg:s6], $0x5FFFF  }
0xac: {  	[dreg:$0x1] =	wrdreg $0xFFFFFFFF  }
0xad: {  	[dreg:$0x0] =	wrdreg $0x60  }
0xae: {  	[dreg:$0x2] =	wrdreg s24  }
0xaf: {  	[dreg:$0x3] =	wrdreg $0xA8000  }
0xb0: {  	[dreg:$0x4] =	wrdreg $0x9  }
0xb1: {  	_ =	task.clear_ibuf [dreg:s6], $0x5FFFF;
	_ =	strace $0x9000004C  }
0xb2: {  	s29 =	simm.s32 $0x9;
	_ =	strace $0x8000004E  }
0xb3: {  	_ =	swait.ge [sflag:s29], $0x1  }
0xb4: {  	[sflag:s29] =	ssyncadd.s32 $0xFFFFFFFF  }
0xb5: {  	_ =	strace $0x9000004E  }
0xb6: {  	_ =	sfence  }
0xb7: {  	s30 =	sld [smem:$0x0];
	_ =	sdelay $0x2  }
0xb8: {  	s31 =	sshll.u32 s1, $0xD;
	s1 =	sshrl.u32 s1, $0x2  }
0xb9: {  	s3 =	sand.u32 $0x4000, s31;
	s1 =	sadd.s32 s1, s30  }
0xba: {  	s0 =	sor.u32 s3, s0;
	s1 =	sshll.u32 s1, $0x11  }
0xbb: {  	s0 =	sor.u32 s1, s0  }
0xbc: {  	s0 =	sadd.s32 $0x8F2B, s0  }
0xbd: {  	[sflag:s0] =	ssyncadd.remote.s32 $0x1  }
0xbe: {  	_ =	sfence.sel $0xFFFF  }
0xbf: {  	[dreg:$0x0] =	wrdreg $0xFFFFFFFF;
	(pc) =	sbr.abs _section_cstart, $3  }
0xc0: {  	[dreg:$0x1] =	wrdreg $0xFFFFFFFF  }
0xc1: {  	_ =	task.clear_ibuf [dreg:s6], $0x2FFFF;
	_ =	strace $0x9FFFFFFF  }
0xc2: {  	(tm) =	ssettm $0x7FFFFFFF  }
0xc3: {  	_ =	shalt  }
tec
execute0_lowered:
.L_overlay_start_1:
0x0: {  	(tag) =	ssettag $0x1  }
0x1: {  	s0 =	rddreg [dreg:$0x0]  }
0x2: {  	s1 =	rddreg [dreg:$0x1];
	s2 =	srdreg.scid  }
0x3: {  	s3 =	simm.s32 $0x0;
	s21 =	simm.s32 $0x3;
	s22 =	simm.s32 $0x1400  }
0x4: {  	s28 =	simm.s32 $0x1380;
	s29 =	simm.s32 $0x2700;
	s10 =	sand.u32 $0x1, s2  }
0x5: {  	s30 =	simm.s32 $0x2780;
	s2 =	stileid.u32;
	s5 =	smul.u32 $0x140000, s10  }
0x6: {  	[smem:$0x7FF] =	sst s3;
	s4 =	sadd.s32 $0x18600, s0;
	s6 =	smul.u32 $0x14000, s2  }
0x7: {  	s16 =	sadd.s32 $0x4600, s0;
	s17 =	sadd.s32 $0xE600, s0;
	s23 =	smul.u32 $0x50000, s2  }
0x8: {  	_ =	strace $0x8000004D;
	s7 =	sxor.u32 $0x1, s10;
	s15 =	smul.u32 $0x280, s2  }
0x9: {  	s8 =	ssub.s32 $0x2, s10;
	p0 =	seq.s32 s10, $0x1;
	s9 =	smul.u32 s2, s7  }
0xa: {  	s24 =	sshrl.u32 s8, $0x1;
	s5 =	sadd.s32 s6, s5;
	s6 =	sshrl.u32 s23, $0x2  }
0xb: {  	s19 =	ssub.s32 s8, s24;
	s20 =	sadd.s32 $0x7800, s15;
	s23 =	simm.s32 $0x80  }
0xc: {  	s24 =	simm.s32 $0x6800;
	s5 =	sshrl.u32 s5, $0x3;
	s11 =	smul.u32 $0x3C00, s9  }
0xd: {  	s12 =	smul.u32 $0x780, s9;
	s0 =	sadd.s32 s5, s0;
	s5 =	sadd.s32 s6, s1  }
0xe: {  	s19 =	smax.u32 s19, $0x1;
	s6 =	sadd.s32 $0x4000, s5;
	s7 =	sadd.s32 $0x8000, s5  }
0xf: {  	s8 =	sadd.s32 $0xC000, s5;
	s9 =	sadd.s32 $0x10000, s5;
	s25 =	sadd.s32 s16, s12  }
0x10: {  	s13 =	sshrl.u32 s11, $0x3;
	s26 =	sadd.s32 s17, s12;
	[dreg:$0x3] =	wrdreg s25  }
.Ltmp0:
0x11: {  	s14 =	sadd.s32 $0x280, s13;
	[dreg:$0x4] =	wrdreg s26;
	(pc) =	sbr.rel .LBB2_1-.Ltmp0, $4  }
0x12: {  	s18 =	sadd.s32 $0x500, s13;
	s25 =	simm.s32 $0x1;
	s26 =	simm.s32 $0x2  }
0x13: {  	s31 =	sadd.s32 s16, s14;
	s13 =	sadd.s32 s17, s14;
	s14 =	sadd.s32 s16, s18  }
0x14: {  	s15 =	sadd.s32 s17, s18;
	s16 =	sadd.s32 s16, s20;
	s17 =	sadd.s32 s17, s20  }
0x15: {  	v0 =	vimm.f32 $0.0e+00;
	s18 =	sadd.s32 $0x40600, s0;
	s20 =	simm.s32 $0x2800;
	[dreg:$0x5] =	wrdreg s31  }
.LBB2_10:
0x16: {  	s0 =	sadd.s32 $0x80, s31;
	[sflag:s21] =	ssyncadd.s32 $0xFFFFC000  }
0x17: {  	[tilespmem:s24], [sflag:$0x2] =	stream.indirect.gather [hbm4b:s4+s23], $0x80, s0, s23, $0xb8;
	[tilespmem:$0x1E800] =	vst v63  }
0x18: {  	_ =	swait.ge [sflag:s25], $0x4000  }
0x19: {  	[sflag:s25] =	ssyncset.done $0x0  }
0x1a: {  	s11 =	sadd.s32 $0x1400, s31;
	[sflag:s25] =	ssyncadd.s32 $0xFFFFC000  }
0x1b: {  	[spmem:s1] =	stream.indirect.scatter.add.f32 [tilespmem:s20], [sflag:$0x3], $0x80, s11, s23, $0xb8;
	[tilespmem:$0x1E800] =	vst v63  }
0x1c: {  	_ =	swait.ge [sflag:s21], $0x4000  }
0x1d: {  	[sflag:s21] =	ssyncset.done $0x0  }
0x1e: {  	s12 =	sadd.s32 $0x100, s31;
	[sflag:s21] =	ssyncadd.s32 $0xFFFFC000  }
0x1f: {  	[tilespmem:s20], [sflag:$0x1] =	stream.indirect.gather [hbm4b:s4+s23], $0x80, s12, s23, $0xb8;
	[tilespmem:$0x1E800] =	vst v63  }
0x20: {  	_ =	swait.ge [sflag:s26], $0x4000  }
0x21: {  	[sflag:s26] =	ssyncset.done $0x0  }
0x22: {  	s31 =	sadd.s32 $0x1480, s31;
	[sflag:s26] =	ssyncadd.s32 $0xFFFFC000  }
0x23: {  	[spmem:s1] =	stream.indirect.scatter.add.f32 [tilespmem:s24], [sflag:$0x3], $0x80, s31, s23, $0xb8;
	[tilespmem:$0x1E800] =	vst v63  }
0x24: {  	_ =	swait.ge [sflag:s21], $0x4000  }
0x25: {  	[sflag:s21] =	ssyncset.done $0x0  }
0x26: {  	[sflag:s21] =	ssyncadd.s32 $0xFFFFC000  }
.LBB2_14:
0x27: {  	[tilespmem:s24], [sflag:$0x2] =	stream.indirect.gather [hbm4b:s4+s23], $0x80, s28, s23, $0xb8;
	[tilespmem:$0x1E800] =	vst v63  }
0x28: {  	_ =	swait.ge [sflag:s25], $0x4000  }
0x29: {  	[sflag:s25] =	ssyncset.done $0x0  }
0x2a: {  	[sflag:s25] =	ssyncadd.s32 $0xFFFFC000  }
0x2b: {  	[spmem:s1] =	stream.indirect.scatter.add.f32 [tilespmem:s20], [sflag:$0x3], $0x80, s29, s23, $0xb8;
	[tilespmem:$0x1E800] =	vst v63  }
0x2c: {  	_ =	swait.ge [sflag:s21], $0x4000  }
0x2d: {  	[sflag:s21] =	ssyncset.done $0x0  }
0x2e: {  	[sflag:s21] =	ssyncadd.s32 $0xFFFFC000  }
0x2f: {  	_ =	swait.ge [sflag:s26], $0x4000  }
0x30: {  	[sflag:s26] =	ssyncset.done $0x0  }
0x31: {  	[sflag:s26] =	ssyncadd.s32 $0xFFFFC000  }
0x32: {  	[spmem:s1] =	stream.indirect.scatter.add.f32 [tilespmem:s24], [sflag:$0x3], $0x80, s30, s23, $0xb8;
	[tilespmem:$0x1E800] =	vst v63  }
0x33: {  	_ =	swait.ge [sflag:s21], $0x4000  }
0x34: {  	s0 =	sshll.u32 s2, $0x6;
	s3 =	sadd.s32 $0x1, s3;
	[sflag:s21] =	ssyncset.done $0x0  }
0x35: {  	s10 =	sshrl.u32 s5, $0x3;
	p1 =	sne.s32 s3, s19;
	[sflag:s21] =	ssyncadd.s32 $0xFFFFC000  }
.Ltmp1:
0x36: {  	s0 =	sor.u32 $0x1C03, s0;
	[bflag:$0x0] =	sbarrier.arrive $0xFFFF;
	(pc) =	sbr.rel @!p1 .LBB2_15-.Ltmp1, $4  }
0x37: {  	[hbm:s18], [sflag:s0] =	dma.local [spmem:s10], $0x2800  }
0x38: {  	_ =	swait.ge [sflag:s21], $0x2800  }
0x39: {  	[sflag:s21] =	ssyncset.done $0x0  }
0x3a: {  	[sflag:s21] =	ssyncadd.s32 $0xFFFFD800  }
.LBB2_1:
0x3b: {  	s31 =	simm.s32 $0x0;
	s0 =	simm.s32 $0x200  }
.LBB2_2:
0x3c: {  	p1 =	sne.s32 s0, $0xFE00;
	[tilespmem:s31+$0x2870] =	vst v0  }
0x3d: {  	[tilespmem:s31+$0x2800] =	vst v0  }
0x3e: {  	[tilespmem:s31+$0x2810] =	vst v0  }
.Ltmp2:
0x3f: {  	[tilespmem:s31+$0x2820] =	vst v0;
	(pc) =	sbr.rel @p1 .LBB2_2-.Ltmp2, $4  }
0x40: {  	[tilespmem:s31+$0x2830] =	vst v0  }
0x41: {  	[tilespmem:s31+$0x2840] =	vst v0  }
0x42: {  	[tilespmem:s31+$0x2850] =	vst v0  }
0x43: {  	[tilespmem:s31+$0x2860] =	vst v0;
	s31 =	sshra.s32 s0, $0x2;
	s0 =	sadd.s32 $0x200, s0  }
0x44: {  	[tilespmem:s31+$0x2870] =	vst v0  }
0x45: {  	[tilespmem:s31+$0x2800] =	vst v0  }
0x46: {  	[tilespmem:s31+$0x2810] =	vst v0  }
0x47: {  	[tilespmem:s31+$0x2820] =	vst v0  }
0x48: {  	[tilespmem:s31+$0x2830] =	vst v0  }
0x49: {  	[tilespmem:s31+$0x2840] =	vst v0  }
0x4a: {  	[tilespmem:s31+$0x2850] =	vst v0  }
0x4b: {  	[tilespmem:s31+$0x2860] =	vst v0  }
0x4c: {  	[spmem:s5] =	stream.linear.scatter [tilespmem:s20], [sflag:$0x3], $0x4000, $0x38;
	[tilespmem:$0x1E800] =	vst v63  }
0x4d: {  	_ =	swait.ge [sflag:s21], $0x4000  }
0x4e: {  	[sflag:s21] =	ssyncset.done $0x0  }
0x4f: {  	[sflag:s21] =	ssyncadd.s32 $0xFFFFC000  }
0x50: {  	[spmem:s6] =	stream.linear.scatter [tilespmem:s20], [sflag:$0x3], $0x4000, $0x38;
	[tilespmem:$0x1E800] =	vst v63  }
0x51: {  	_ =	swait.ge [sflag:s21], $0x4000  }
0x52: {  	[sflag:s21] =	ssyncset.done $0x0  }
0x53: {  	[sflag:s21] =	ssyncadd.s32 $0xFFFFC000  }
0x54: {  	[spmem:s7] =	stream.linear.scatter [tilespmem:s20], [sflag:$0x3], $0x4000, $0x38;
	[tilespmem:$0x1E800] =	vst v63  }
0x55: {  	_ =	swait.ge [sflag:s21], $0x4000  }
0x56: {  	[sflag:s21] =	ssyncset.done $0x0  }
0x57: {  	[sflag:s21] =	ssyncadd.s32 $0xFFFFC000  }
0x58: {  	[spmem:s8] =	stream.linear.scatter [tilespmem:s20], [sflag:$0x3], $0x4000, $0x38;
	[tilespmem:$0x1E800] =	vst v63  }
0x59: {  	_ =	swait.ge [sflag:s21], $0x4000  }
0x5a: {  	[sflag:s21] =	ssyncset.done $0x0  }
0x5b: {  	[sflag:s21] =	ssyncadd.s32 $0xFFFFC000  }
0x5c: {  	[spmem:s9] =	stream.linear.scatter [tilespmem:s20], [sflag:$0x3], $0x4000, $0x38;
	[tilespmem:$0x1E800] =	vst v63  }
.Ltmp3:
0x5d: {  	_ =	swait.ge [sflag:s21], $0x4000;
	(pc) =	sbr.rel @!p0 .LBB2_4-.Ltmp3, $4  }
0x5e: {  	[sflag:s21] =	ssyncset.done $0x0  }
0x5f: {  	[sflag:s21] =	ssyncadd.s32 $0xFFFFC000  }
0x60: {  	[bflag:$0x0] =	sbarrier.arrive $0xFFFF  }
0x61: {  	s0 =	simm.s32 $0x0  }
0x62: {  	[tilespmem:s0], [sflag:$0x3] =	stream.linear.gather [hbm4b:s16+s0], $0x1400, $0x38;
	[tilespmem:$0x1E800] =	vst v63  }
0x63: {  	_ =	swait.ge [sflag:s21], $0x1400  }
0x64: {  	[sflag:s21] =	ssyncset.done $0x0  }
0x65: {  	[sflag:s21] =	ssyncadd.s32 $0xFFFFEC00  }
0x66: {  	[tilespmem:s22], [sflag:$0x3] =	stream.linear.gather [hbm4b:s17+s0], $0x1400, $0x38;
	[tilespmem:$0x1E800] =	vst v63  }
0x67: {  	_ =	swait.ge [sflag:s21], $0x1400  }
0x68: {  	[sflag:s21] =	ssyncset.done $0x0  }
0x69: {  	[sflag:s21] =	ssyncadd.s32 $0xFFFFEC00  }
0x6a: {  	[tilespmem:s20], [sflag:$0x1] =	stream.indirect.gather [hbm4b:s4+s23], $0x80, s0, s23, $0xb8;
	[tilespmem:$0x1E800] =	vst v63  }
0x6b: {  	s12 =	simm.s32 $0x80  }
0x6c: {  	[tilespmem:s24], [sflag:$0x2] =	stream.indirect.gather [hbm4b:s4+s23], $0x80, s12, s23, $0xb8;
	[tilespmem:$0x1E800] =	vst v63  }
0x6d: {  	_ =	swait.ge [sflag:s25], $0x4000  }
0x6e: {  	[sflag:s25] =	ssyncset.done $0x0  }
0x6f: {  	s10 =	simm.s32 $0x1400;
	[sflag:s25] =	ssyncadd.s32 $0xFFFFC000  }
0x70: {  	[spmem:s1] =	stream.indirect.scatter.add.f32 [tilespmem:s20], [sflag:$0x3], $0x80, s10, s23, $0xb8;
	[tilespmem:$0x1E800] =	vst v63  }
0x71: {  	_ =	swait.ge [sflag:s21], $0x4000  }
0x72: {  	[sflag:s21] =	ssyncset.done $0x0  }
0x73: {  	s11 =	simm.s32 $0x100;
	[sflag:s21] =	ssyncadd.s32 $0xFFFFC000  }
0x74: {  	[tilespmem:s20], [sflag:$0x1] =	stream.indirect.gather [hbm4b:s4+s23], $0x80, s11, s23, $0xb8;
	[tilespmem:$0x1E800] =	vst v63  }
0x75: {  	_ =	swait.ge [sflag:s26], $0x4000  }
0x76: {  	[sflag:s26] =	ssyncset.done $0x0  }
0x77: {  	s12 =	simm.s32 $0x1480;
	[sflag:s26] =	ssyncadd.s32 $0xFFFFC000  }
0x78: {  	[spmem:s1] =	stream.indirect.scatter.add.f32 [tilespmem:s24], [sflag:$0x3], $0x80, s12, s23, $0xb8;
	[tilespmem:$0x1E800] =	vst v63  }
0x79: {  	_ =	swait.ge [sflag:s21], $0x4000  }
0x7a: {  	s31 =	simm.s32 $0x100;
	s0 =	simm.s32 $0x800;
	[sflag:s21] =	ssyncset.done $0x0  }
.LBB2_12:
0x7b: {  	s10 =	sadd.s32 $0x80, s31  }
0x7c: {  	[sflag:s21] =	ssyncadd.s32 $0xFFFFC000;
	s11 =	smov.u32 s0;
	s12 =	sadd.s32 $0x400, s0  }
0x7d: {  	[tilespmem:s24], [sflag:$0x2] =	stream.indirect.gather [hbm4b:s4+s23], $0x80, s10, s23, $0xb8;
	[tilespmem:$0x1E800] =	vst v63  }
0x7e: {  	p1 =	sne.s32 s0, $0x4800;
	_ =	swait.ge [sflag:s25], $0x4000  }
0x7f: {  	[sflag:s25] =	ssyncset.done $0x0  }
0x80: {  	s0 =	sadd.s32 $0x1400, s31;
	[sflag:s25] =	ssyncadd.s32 $0xFFFFC000  }
0x81: {  	[spmem:s1] =	stream.indirect.scatter.add.f32 [tilespmem:s20], [sflag:$0x3], $0x80, s0, s23, $0xb8;
	[tilespmem:$0x1E800] =	vst v63  }
0x82: {  	_ =	swait.ge [sflag:s21], $0x4000  }
0x83: {  	[sflag:s21] =	ssyncset.done $0x0  }
0x84: {  	s0 =	sadd.s32 $0x100, s31;
	[sflag:s21] =	ssyncadd.s32 $0xFFFFC000  }
0x85: {  	[tilespmem:s20], [sflag:$0x1] =	stream.indirect.gather [hbm4b:s4+s23], $0x80, s0, s23, $0xb8;
	[tilespmem:$0x1E800] =	vst v63  }
0x86: {  	_ =	swait.ge [sflag:s26], $0x4000  }
.Ltmp4:
0x87: {  	[sflag:s26] =	ssyncset.done $0x0;
	(pc) =	sbr.rel @p1 .LBB2_12-.Ltmp4, $4  }
0x88: {  	s0 =	sadd.s32 $0x1480, s31;
	[sflag:s26] =	ssyncadd.s32 $0xFFFFC000  }
0x89: {  	[spmem:s1] =	stream.indirect.scatter.add.f32 [tilespmem:s24], [sflag:$0x3], $0x80, s0, s23, $0xb8;
	[tilespmem:$0x1E800] =	vst v63  }
0x8a: {  	_ =	swait.ge [sflag:s21], $0x4000  }
0x8b: {  	s31 =	sshra.s32 s11, $0x2;
	s0 =	smov.u32 s12;
	[sflag:s21] =	ssyncset.done $0x0  }
0x8c: {  	s0 =	sadd.s32 $0x80, s31;
	[sflag:s21] =	ssyncadd.s32 $0xFFFFC000  }
0x8d: {  	[tilespmem:s24], [sflag:$0x2] =	stream.indirect.gather [hbm4b:s4+s23], $0x80, s0, s23, $0xb8;
	[tilespmem:$0x1E800] =	vst v63  }
0x8e: {  	_ =	swait.ge [sflag:s25], $0x4000  }
0x8f: {  	[sflag:s25] =	ssyncset.done $0x0  }
0x90: {  	s11 =	sadd.s32 $0x1400, s31;
	[sflag:s25] =	ssyncadd.s32 $0xFFFFC000  }
0x91: {  	[spmem:s1] =	stream.indirect.scatter.add.f32 [tilespmem:s20], [sflag:$0x3], $0x80, s11, s23, $0xb8;
	[tilespmem:$0x1E800] =	vst v63  }
0x92: {  	_ =	swait.ge [sflag:s21], $0x4000  }
0x93: {  	[sflag:s21] =	ssyncset.done $0x0  }
0x94: {  	s12 =	sadd.s32 $0x100, s31;
	[sflag:s21] =	ssyncadd.s32 $0xFFFFC000  }
0x95: {  	[tilespmem:s20], [sflag:$0x1] =	stream.indirect.gather [hbm4b:s4+s23], $0x80, s12, s23, $0xb8;
	[tilespmem:$0x1E800] =	vst v63  }
0x96: {  	_ =	swait.ge [sflag:s26], $0x4000  }
0x97: {  	[sflag:s26] =	ssyncset.done $0x0  }
.Ltmp5:
0x98: {  	s31 =	sadd.s32 $0x1480, s31;
	[sflag:s26] =	ssyncadd.s32 $0xFFFFC000;
	(pc) =	sbr.rel .LBB2_14-.Ltmp5, $4  }
0x99: {  	[spmem:s1] =	stream.indirect.scatter.add.f32 [tilespmem:s24], [sflag:$0x3], $0x80, s31, s23, $0xb8;
	[tilespmem:$0x1E800] =	vst v63  }
0x9a: {  	_ =	swait.ge [sflag:s21], $0x4000  }
0x9b: {  	[sflag:s21] =	ssyncset.done $0x0  }
0x9c: {  	[sflag:s21] =	ssyncadd.s32 $0xFFFFC000  }
.LBB2_4:
0x9d: {  	s10 =	rddreg [dreg:$0x3]  }
0x9e: {  	[tilespmem:s0], [sflag:$0x3] =	stream.linear.gather [hbm4b:s10+s0], $0x1400, $0x38;
	[tilespmem:$0x1E800] =	vst v63  }
0x9f: {  	_ =	swait.ge [sflag:s21], $0x1400  }
0xa0: {  	[sflag:s21] =	ssyncset.done $0x0  }
0xa1: {  	s11 =	rddreg [dreg:$0x4];
	[sflag:s21] =	ssyncadd.s32 $0xFFFFEC00  }
0xa2: {  	[tilespmem:s22], [sflag:$0x3] =	stream.linear.gather [hbm4b:s11+s0], $0x1400, $0x38;
	[tilespmem:$0x1E800] =	vst v63  }
0xa3: {  	_ =	swait.ge [sflag:s21], $0x1400  }
0xa4: {  	[sflag:s21] =	ssyncset.done $0x0  }
0xa5: {  	[sflag:s21] =	ssyncadd.s32 $0xFFFFEC00  }
0xa6: {  	[tilespmem:s20], [sflag:$0x1] =	stream.indirect.gather [hbm4b:s4+s23], $0x80, s0, s23, $0xb8;
	[tilespmem:$0x1E800] =	vst v63  }
0xa7: {  	s12 =	simm.s32 $0x80  }
0xa8: {  	[tilespmem:s24], [sflag:$0x2] =	stream.indirect.gather [hbm4b:s4+s23], $0x80, s12, s23, $0xb8;
	[tilespmem:$0x1E800] =	vst v63  }
0xa9: {  	_ =	swait.ge [sflag:s25], $0x4000  }
0xaa: {  	[sflag:s25] =	ssyncset.done $0x0  }
0xab: {  	s10 =	simm.s32 $0x1400;
	[sflag:s25] =	ssyncadd.s32 $0xFFFFC000  }
0xac: {  	[spmem:s1] =	stream.indirect.scatter.add.f32 [tilespmem:s20], [sflag:$0x3], $0x80, s10, s23, $0xb8;
	[tilespmem:$0x1E800] =	vst v63  }
0xad: {  	_ =	swait.ge [sflag:s21], $0x4000  }
0xae: {  	[sflag:s21] =	ssyncset.done $0x0  }
0xaf: {  	s11 =	simm.s32 $0x100;
	[sflag:s21] =	ssyncadd.s32 $0xFFFFC000  }
0xb0: {  	[tilespmem:s20], [sflag:$0x1] =	stream.indirect.gather [hbm4b:s4+s23], $0x80, s11, s23, $0xb8;
	[tilespmem:$0x1E800] =	vst v63  }
0xb1: {  	_ =	swait.ge [sflag:s26], $0x4000  }
0xb2: {  	[sflag:s26] =	ssyncset.done $0x0  }
0xb3: {  	s12 =	simm.s32 $0x1480;
	[sflag:s26] =	ssyncadd.s32 $0xFFFFC000  }
0xb4: {  	[spmem:s1] =	stream.indirect.scatter.add.f32 [tilespmem:s24], [sflag:$0x3], $0x80, s12, s23, $0xb8;
	[tilespmem:$0x1E800] =	vst v63  }
0xb5: {  	_ =	swait.ge [sflag:s21], $0x4000  }
0xb6: {  	s31 =	simm.s32 $0x100;
	s0 =	simm.s32 $0x800;
	[sflag:s21] =	ssyncset.done $0x0  }
.LBB2_5:
0xb7: {  	s10 =	sadd.s32 $0x80, s31  }
0xb8: {  	[sflag:s21] =	ssyncadd.s32 $0xFFFFC000;
	s11 =	smov.u32 s0;
	s12 =	sadd.s32 $0x400, s0  }
0xb9: {  	[tilespmem:s24], [sflag:$0x2] =	stream.indirect.gather [hbm4b:s4+s23], $0x80, s10, s23, $0xb8;
	[tilespmem:$0x1E800] =	vst v63  }
0xba: {  	p1 =	sne.s32 s0, $0x4800;
	_ =	swait.ge [sflag:s25], $0x4000  }
0xbb: {  	[sflag:s25] =	ssyncset.done $0x0  }
0xbc: {  	s0 =	sadd.s32 $0x1400, s31;
	[sflag:s25] =	ssyncadd.s32 $0xFFFFC000  }
0xbd: {  	[spmem:s1] =	stream.indirect.scatter.add.f32 [tilespmem:s20], [sflag:$0x3], $0x80, s0, s23, $0xb8;
	[tilespmem:$0x1E800] =	vst v63  }
0xbe: {  	_ =	swait.ge [sflag:s21], $0x4000  }
0xbf: {  	[sflag:s21] =	ssyncset.done $0x0  }
0xc0: {  	s0 =	sadd.s32 $0x100, s31;
	[sflag:s21] =	ssyncadd.s32 $0xFFFFC000  }
0xc1: {  	[tilespmem:s20], [sflag:$0x1] =	stream.indirect.gather [hbm4b:s4+s23], $0x80, s0, s23, $0xb8;
	[tilespmem:$0x1E800] =	vst v63  }
0xc2: {  	_ =	swait.ge [sflag:s26], $0x4000  }
.Ltmp6:
0xc3: {  	[sflag:s26] =	ssyncset.done $0x0;
	(pc) =	sbr.rel @p1 .LBB2_5-.Ltmp6, $4  }
0xc4: {  	s0 =	sadd.s32 $0x1480, s31;
	[sflag:s26] =	ssyncadd.s32 $0xFFFFC000  }
0xc5: {  	[spmem:s1] =	stream.indirect.scatter.add.f32 [tilespmem:s24], [sflag:$0x3], $0x80, s0, s23, $0xb8;
	[tilespmem:$0x1E800] =	vst v63  }
0xc6: {  	_ =	swait.ge [sflag:s21], $0x4000  }
0xc7: {  	s31 =	sshra.s32 s11, $0x2;
	s0 =	smov.u32 s12;
	[sflag:s21] =	ssyncset.done $0x0  }
0xc8: {  	s0 =	sadd.s32 $0x80, s31;
	[sflag:s21] =	ssyncadd.s32 $0xFFFFC000  }
0xc9: {  	[tilespmem:s24], [sflag:$0x2] =	stream.indirect.gather [hbm4b:s4+s23], $0x80, s0, s23, $0xb8;
	[tilespmem:$0x1E800] =	vst v63  }
0xca: {  	_ =	swait.ge [sflag:s25], $0x4000  }
0xcb: {  	[sflag:s25] =	ssyncset.done $0x0  }
0xcc: {  	s11 =	sadd.s32 $0x1400, s31;
	[sflag:s25] =	ssyncadd.s32 $0xFFFFC000  }
0xcd: {  	[spmem:s1] =	stream.indirect.scatter.add.f32 [tilespmem:s20], [sflag:$0x3], $0x80, s11, s23, $0xb8;
	[tilespmem:$0x1E800] =	vst v63  }
0xce: {  	_ =	swait.ge [sflag:s21], $0x4000  }
0xcf: {  	[sflag:s21] =	ssyncset.done $0x0  }
0xd0: {  	s12 =	sadd.s32 $0x100, s31;
	[sflag:s21] =	ssyncadd.s32 $0xFFFFC000  }
0xd1: {  	[tilespmem:s20], [sflag:$0x1] =	stream.indirect.gather [hbm4b:s4+s23], $0x80, s12, s23, $0xb8;
	[tilespmem:$0x1E800] =	vst v63  }
0xd2: {  	_ =	swait.ge [sflag:s26], $0x4000  }
0xd3: {  	[sflag:s26] =	ssyncset.done $0x0  }
0xd4: {  	s10 =	sadd.s32 $0x1480, s31;
	[sflag:s26] =	ssyncadd.s32 $0xFFFFC000  }
0xd5: {  	[spmem:s1] =	stream.indirect.scatter.add.f32 [tilespmem:s24], [sflag:$0x3], $0x80, s10, s23, $0xb8;
	[tilespmem:$0x1E800] =	vst v63  }
0xd6: {  	_ =	swait.ge [sflag:s21], $0x4000  }
0xd7: {  	[sflag:s21] =	ssyncset.done $0x0  }
0xd8: {  	[sflag:s21] =	ssyncadd.s32 $0xFFFFC000  }
0xd9: {  	[tilespmem:s24], [sflag:$0x2] =	stream.indirect.gather [hbm4b:s4+s23], $0x80, s28, s23, $0xb8;
	[tilespmem:$0x1E800] =	vst v63  }
0xda: {  	_ =	swait.ge [sflag:s25], $0x4000  }
0xdb: {  	[sflag:s25] =	ssyncset.done $0x0  }
0xdc: {  	[sflag:s25] =	ssyncadd.s32 $0xFFFFC000  }
0xdd: {  	[spmem:s1] =	stream.indirect.scatter.add.f32 [tilespmem:s20], [sflag:$0x3], $0x80, s29, s23, $0xb8;
	[tilespmem:$0x1E800] =	vst v63  }
0xde: {  	_ =	swait.ge [sflag:s21], $0x4000  }
0xdf: {  	[sflag:s21] =	ssyncset.done $0x0  }
0xe0: {  	[sflag:s21] =	ssyncadd.s32 $0xFFFFC000  }
0xe1: {  	_ =	swait.ge [sflag:s26], $0x4000  }
0xe2: {  	[sflag:s26] =	ssyncset.done $0x0  }
0xe3: {  	[sflag:s26] =	ssyncadd.s32 $0xFFFFC000  }
0xe4: {  	[spmem:s1] =	stream.indirect.scatter.add.f32 [tilespmem:s24], [sflag:$0x3], $0x80, s30, s23, $0xb8;
	[tilespmem:$0x1E800] =	vst v63  }
0xe5: {  	_ =	swait.ge [sflag:s21], $0x4000  }
0xe6: {  	[sflag:s21] =	ssyncset.done $0x0  }
0xe7: {  	s11 =	simm.s32 $0x0;
	s10 =	rddreg [dreg:$0x5];
	[sflag:s21] =	ssyncadd.s32 $0xFFFFC000  }
0xe8: {  	[tilespmem:s11], [sflag:$0x3] =	stream.linear.gather [hbm4b:s10+s11], $0x1400, $0x38;
	[tilespmem:$0x1E800] =	vst v63  }
0xe9: {  	_ =	swait.ge [sflag:s21], $0x1400  }
0xea: {  	[sflag:s21] =	ssyncset.done $0x0  }
0xeb: {  	[sflag:s21] =	ssyncadd.s32 $0xFFFFEC00  }
0xec: {  	[tilespmem:s22], [sflag:$0x3] =	stream.linear.gather [hbm4b:s13+s11], $0x1400, $0x38;
	[tilespmem:$0x1E800] =	vst v63  }
0xed: {  	_ =	swait.ge [sflag:s21], $0x1400  }
0xee: {  	[sflag:s21] =	ssyncset.done $0x0  }
0xef: {  	[sflag:s21] =	ssyncadd.s32 $0xFFFFEC00  }
0xf0: {  	[tilespmem:s20], [sflag:$0x1] =	stream.indirect.gather [hbm4b:s4+s23], $0x80, s11, s23, $0xb8;
	[tilespmem:$0x1E800] =	vst v63  }
0xf1: {  	s12 =	simm.s32 $0x80  }
0xf2: {  	[tilespmem:s24], [sflag:$0x2] =	stream.indirect.gather [hbm4b:s4+s23], $0x80, s12, s23, $0xb8;
	[tilespmem:$0x1E800] =	vst v63  }
0xf3: {  	_ =	swait.ge [sflag:s25], $0x4000  }
0xf4: {  	[sflag:s25] =	ssyncset.done $0x0  }
0xf5: {  	s10 =	simm.s32 $0x1400;
	[sflag:s25] =	ssyncadd.s32 $0xFFFFC000  }
0xf6: {  	[spmem:s1] =	stream.indirect.scatter.add.f32 [tilespmem:s20], [sflag:$0x3], $0x80, s10, s23, $0xb8;
	[tilespmem:$0x1E800] =	vst v63  }
0xf7: {  	_ =	swait.ge [sflag:s21], $0x4000  }
0xf8: {  	[sflag:s21] =	ssyncset.done $0x0  }
0xf9: {  	s11 =	simm.s32 $0x100;
	[sflag:s21] =	ssyncadd.s32 $0xFFFFC000  }
0xfa: {  	[tilespmem:s20], [sflag:$0x1] =	stream.indirect.gather [hbm4b:s4+s23], $0x80, s11, s23, $0xb8;
	[tilespmem:$0x1E800] =	vst v63  }
0xfb: {  	_ =	swait.ge [sflag:s26], $0x4000  }
0xfc: {  	[sflag:s26] =	ssyncset.done $0x0  }
0xfd: {  	s12 =	simm.s32 $0x1480;
	[sflag:s26] =	ssyncadd.s32 $0xFFFFC000  }
0xfe: {  	[spmem:s1] =	stream.indirect.scatter.add.f32 [tilespmem:s24], [sflag:$0x3], $0x80, s12, s23, $0xb8;
	[tilespmem:$0x1E800] =	vst v63  }
0xff: {  	_ =	swait.ge [sflag:s21], $0x4000  }
0x100: {  	s31 =	simm.s32 $0x100;
	s0 =	simm.s32 $0x800;
	[sflag:s21] =	ssyncset.done $0x0  }
.LBB2_7:
0x101: {  	s10 =	sadd.s32 $0x80, s31  }
0x102: {  	[sflag:s21] =	ssyncadd.s32 $0xFFFFC000;
	s11 =	smov.u32 s0;
	s12 =	sadd.s32 $0x400, s0  }
0x103: {  	[tilespmem:s24], [sflag:$0x2] =	stream.indirect.gather [hbm4b:s4+s23], $0x80, s10, s23, $0xb8;
	[tilespmem:$0x1E800] =	vst v63  }
0x104: {  	p1 =	sne.s32 s0, $0x4800;
	_ =	swait.ge [sflag:s25], $0x4000  }
0x105: {  	[sflag:s25] =	ssyncset.done $0x0  }
0x106: {  	s0 =	sadd.s32 $0x1400, s31;
	[sflag:s25] =	ssyncadd.s32 $0xFFFFC000  }
0x107: {  	[spmem:s1] =	stream.indirect.scatter.add.f32 [tilespmem:s20], [sflag:$0x3], $0x80, s0, s23, $0xb8;
	[tilespmem:$0x1E800] =	vst v63  }
0x108: {  	_ =	swait.ge [sflag:s21], $0x4000  }
0x109: {  	[sflag:s21] =	ssyncset.done $0x0  }
0x10a: {  	s0 =	sadd.s32 $0x100, s31;
	[sflag:s21] =	ssyncadd.s32 $0xFFFFC000  }
0x10b: {  	[tilespmem:s20], [sflag:$0x1] =	stream.indirect.gather [hbm4b:s4+s23], $0x80, s0, s23, $0xb8;
	[tilespmem:$0x1E800] =	vst v63  }
0x10c: {  	_ =	swait.ge [sflag:s26], $0x4000  }
.Ltmp7:
0x10d: {  	[sflag:s26] =	ssyncset.done $0x0;
	(pc) =	sbr.rel @p1 .LBB2_7-.Ltmp7, $4  }
0x10e: {  	s0 =	sadd.s32 $0x1480, s31;
	[sflag:s26] =	ssyncadd.s32 $0xFFFFC000  }
0x10f: {  	[spmem:s1] =	stream.indirect.scatter.add.f32 [tilespmem:s24], [sflag:$0x3], $0x80, s0, s23, $0xb8;
	[tilespmem:$0x1E800] =	vst v63  }
0x110: {  	_ =	swait.ge [sflag:s21], $0x4000  }
0x111: {  	s31 =	sshra.s32 s11, $0x2;
	s0 =	smov.u32 s12;
	[sflag:s21] =	ssyncset.done $0x0  }
0x112: {  	s0 =	sadd.s32 $0x80, s31;
	[sflag:s21] =	ssyncadd.s32 $0xFFFFC000  }
0x113: {  	[tilespmem:s24], [sflag:$0x2] =	stream.indirect.gather [hbm4b:s4+s23], $0x80, s0, s23, $0xb8;
	[tilespmem:$0x1E800] =	vst v63  }
0x114: {  	_ =	swait.ge [sflag:s25], $0x4000  }
0x115: {  	[sflag:s25] =	ssyncset.done $0x0  }
0x116: {  	s11 =	sadd.s32 $0x1400, s31;
	[sflag:s25] =	ssyncadd.s32 $0xFFFFC000  }
0x117: {  	[spmem:s1] =	stream.indirect.scatter.add.f32 [tilespmem:s20], [sflag:$0x3], $0x80, s11, s23, $0xb8;
	[tilespmem:$0x1E800] =	vst v63  }
0x118: {  	_ =	swait.ge [sflag:s21], $0x4000  }
0x119: {  	[sflag:s21] =	ssyncset.done $0x0  }
0x11a: {  	s12 =	sadd.s32 $0x100, s31;
	[sflag:s21] =	ssyncadd.s32 $0xFFFFC000  }
0x11b: {  	[tilespmem:s20], [sflag:$0x1] =	stream.indirect.gather [hbm4b:s4+s23], $0x80, s12, s23, $0xb8;
	[tilespmem:$0x1E800] =	vst v63  }
0x11c: {  	_ =	swait.ge [sflag:s26], $0x4000  }
0x11d: {  	[sflag:s26] =	ssyncset.done $0x0  }
0x11e: {  	s10 =	sadd.s32 $0x1480, s31;
	[sflag:s26] =	ssyncadd.s32 $0xFFFFC000  }
0x11f: {  	[spmem:s1] =	stream.indirect.scatter.add.f32 [tilespmem:s24], [sflag:$0x3], $0x80, s10, s23, $0xb8;
	[tilespmem:$0x1E800] =	vst v63  }
0x120: {  	_ =	swait.ge [sflag:s21], $0x4000  }
0x121: {  	[sflag:s21] =	ssyncset.done $0x0  }
0x122: {  	[sflag:s21] =	ssyncadd.s32 $0xFFFFC000  }
0x123: {  	[tilespmem:s24], [sflag:$0x2] =	stream.indirect.gather [hbm4b:s4+s23], $0x80, s28, s23, $0xb8;
	[tilespmem:$0x1E800] =	vst v63  }
0x124: {  	_ =	swait.ge [sflag:s25], $0x4000  }
0x125: {  	[sflag:s25] =	ssyncset.done $0x0  }
0x126: {  	[sflag:s25] =	ssyncadd.s32 $0xFFFFC000  }
0x127: {  	[spmem:s1] =	stream.indirect.scatter.add.f32 [tilespmem:s20], [sflag:$0x3], $0x80, s29, s23, $0xb8;
	[tilespmem:$0x1E800] =	vst v63  }
0x128: {  	_ =	swait.ge [sflag:s21], $0x4000  }
0x129: {  	[sflag:s21] =	ssyncset.done $0x0  }
0x12a: {  	[sflag:s21] =	ssyncadd.s32 $0xFFFFC000  }
0x12b: {  	_ =	swait.ge [sflag:s26], $0x4000  }
0x12c: {  	[sflag:s26] =	ssyncset.done $0x0  }
0x12d: {  	[sflag:s26] =	ssyncadd.s32 $0xFFFFC000  }
0x12e: {  	[spmem:s1] =	stream.indirect.scatter.add.f32 [tilespmem:s24], [sflag:$0x3], $0x80, s30, s23, $0xb8;
	[tilespmem:$0x1E800] =	vst v63  }
0x12f: {  	_ =	swait.ge [sflag:s21], $0x4000  }
0x130: {  	[sflag:s21] =	ssyncset.done $0x0  }
0x131: {  	s11 =	simm.s32 $0x0;
	[sflag:s21] =	ssyncadd.s32 $0xFFFFC000  }
0x132: {  	[tilespmem:s11], [sflag:$0x3] =	stream.linear.gather [hbm4b:s14+s11], $0x1400, $0x38;
	[tilespmem:$0x1E800] =	vst v63  }
0x133: {  	_ =	swait.ge [sflag:s21], $0x1400  }
0x134: {  	[sflag:s21] =	ssyncset.done $0x0  }
0x135: {  	[sflag:s21] =	ssyncadd.s32 $0xFFFFEC00  }
0x136: {  	[tilespmem:s22], [sflag:$0x3] =	stream.linear.gather [hbm4b:s15+s11], $0x1400, $0x38;
	[tilespmem:$0x1E800] =	vst v63  }
0x137: {  	_ =	swait.ge [sflag:s21], $0x1400  }
0x138: {  	[sflag:s21] =	ssyncset.done $0x0  }
0x139: {  	[sflag:s21] =	ssyncadd.s32 $0xFFFFEC00  }
0x13a: {  	[tilespmem:s20], [sflag:$0x1] =	stream.indirect.gather [hbm4b:s4+s23], $0x80, s11, s23, $0xb8;
	[tilespmem:$0x1E800] =	vst v63  }
0x13b: {  	s12 =	simm.s32 $0x80  }
0x13c: {  	[tilespmem:s24], [sflag:$0x2] =	stream.indirect.gather [hbm4b:s4+s23], $0x80, s12, s23, $0xb8;
	[tilespmem:$0x1E800] =	vst v63  }
0x13d: {  	_ =	swait.ge [sflag:s25], $0x4000  }
0x13e: {  	[sflag:s25] =	ssyncset.done $0x0  }
0x13f: {  	s10 =	simm.s32 $0x1400;
	[sflag:s25] =	ssyncadd.s32 $0xFFFFC000  }
0x140: {  	[spmem:s1] =	stream.indirect.scatter.add.f32 [tilespmem:s20], [sflag:$0x3], $0x80, s10, s23, $0xb8;
	[tilespmem:$0x1E800] =	vst v63  }
0x141: {  	_ =	swait.ge [sflag:s21], $0x4000  }
0x142: {  	[sflag:s21] =	ssyncset.done $0x0  }
0x143: {  	s11 =	simm.s32 $0x100;
	[sflag:s21] =	ssyncadd.s32 $0xFFFFC000  }
0x144: {  	[tilespmem:s20], [sflag:$0x1] =	stream.indirect.gather [hbm4b:s4+s23], $0x80, s11, s23, $0xb8;
	[tilespmem:$0x1E800] =	vst v63  }
0x145: {  	_ =	swait.ge [sflag:s26], $0x4000  }
0x146: {  	[sflag:s26] =	ssyncset.done $0x0  }
0x147: {  	s12 =	simm.s32 $0x1480;
	[sflag:s26] =	ssyncadd.s32 $0xFFFFC000  }
0x148: {  	[spmem:s1] =	stream.indirect.scatter.add.f32 [tilespmem:s24], [sflag:$0x3], $0x80, s12, s23, $0xb8;
	[tilespmem:$0x1E800] =	vst v63  }
0x149: {  	_ =	swait.ge [sflag:s21], $0x4000  }
0x14a: {  	s31 =	simm.s32 $0x100;
	s0 =	simm.s32 $0x800;
	[sflag:s21] =	ssyncset.done $0x0  }
.LBB2_9:
0x14b: {  	s10 =	sadd.s32 $0x80, s31  }
0x14c: {  	[sflag:s21] =	ssyncadd.s32 $0xFFFFC000;
	s11 =	smov.u32 s0;
	s12 =	sadd.s32 $0x400, s0  }
0x14d: {  	[tilespmem:s24], [sflag:$0x2] =	stream.indirect.gather [hbm4b:s4+s23], $0x80, s10, s23, $0xb8;
	[tilespmem:$0x1E800] =	vst v63  }
0x14e: {  	p1 =	seq.s32 s0, $0x4800;
	_ =	swait.ge [sflag:s25], $0x4000  }
0x14f: {  	[sflag:s25] =	ssyncset.done $0x0  }
0x150: {  	s0 =	sadd.s32 $0x1400, s31;
	[sflag:s25] =	ssyncadd.s32 $0xFFFFC000  }
0x151: {  	[spmem:s1] =	stream.indirect.scatter.add.f32 [tilespmem:s20], [sflag:$0x3], $0x80, s0, s23, $0xb8;
	[tilespmem:$0x1E800] =	vst v63  }
0x152: {  	_ =	swait.ge [sflag:s21], $0x4000  }
0x153: {  	[sflag:s21] =	ssyncset.done $0x0  }
0x154: {  	s0 =	sadd.s32 $0x100, s31;
	[sflag:s21] =	ssyncadd.s32 $0xFFFFC000  }
0x155: {  	[tilespmem:s20], [sflag:$0x1] =	stream.indirect.gather [hbm4b:s4+s23], $0x80, s0, s23, $0xb8;
	[tilespmem:$0x1E800] =	vst v63  }
0x156: {  	_ =	swait.ge [sflag:s26], $0x4000  }
.Ltmp8:
0x157: {  	[sflag:s26] =	ssyncset.done $0x0;
	(pc) =	sbr.rel @!p1 .LBB2_9-.Ltmp8, $4  }
0x158: {  	s0 =	sadd.s32 $0x1480, s31;
	[sflag:s26] =	ssyncadd.s32 $0xFFFFC000  }
0x159: {  	[spmem:s1] =	stream.indirect.scatter.add.f32 [tilespmem:s24], [sflag:$0x3], $0x80, s0, s23, $0xb8;
	[tilespmem:$0x1E800] =	vst v63  }
0x15a: {  	_ =	swait.ge [sflag:s21], $0x4000  }
0x15b: {  	s31 =	sshra.s32 s11, $0x2;
	s0 =	smov.u32 s12;
	[sflag:s21] =	ssyncset.done $0x0  }
.Ltmp9:
0x15c: {  	_ = 	snop;
	(pc) =	sbr.rel .LBB2_10-.Ltmp9, $1  }
0x15d: {  	_ =	sdelay $0x3  }
.LBB2_15:
0x15e: {  	_ =	sfence.sel $0x180000  }
0x15f: {  	[bflag:$0x0] =	sbarrier.arrive $0xFFFF  }
0x160: {  	_ =	strace $0x9000004D  }
0x161: {  	[bflag:$0x2] =	sbarrier.arrive $0xFFFF  }
0x162: {  	p0 =	sne.s32 s2, $0x0;
	s0 =	rddreg [dreg:$0x2]  }
0x163: {  	s0 =	sadd.s32 @!p0 $0x100000, s0  }
0x164: {  	[sflag:s0] =	ssyncadd.tile.s32 @!p0 $0x1;
	_ =	shalt  }
.Lfunc_end2:
_tile_overlayer_lowered:
.L_overlay_start_2:
0x165: {  	(tag) =	ssettag $0x2  }
0x166: {  	s0 =	rddreg [dreg:$0x0];
	s2 =	stileid.u32  }
0x167: {  	s1 =	rddreg [dreg:$0x1];
	p0 =	sne.s32 s2, $0x0  }
0x168: {  	s3 =	rddreg [dreg:$0x2];
	[bflag:$0x3] =	sbarrier.arrive $0xFFFF;
	s2 =	simm.s32 @!p0 $0x1C03  }
0x169: {  	[timem:s3], [sflag:s2] =	dma.local @!p0 [hbm:s0], s1  }
0x16a: {  	s0 =	simm.s32 @!p0 $0x3  }
0x16b: {  	_ =	swait.ge @!p0 [sflag:s0], s1  }
0x16c: {  	s1 =	ssub.s32 @!p0 $0x0, s1;
	[sflag:s0] =	ssyncset.done @!p0 $0x0  }
0x16d: {  	[sflag:s0] =	ssyncadd.s32 @!p0 s1  }
0x16e: {  	[bflag:$0x3] =	sbarrier.arrive $0xFFFF  }
0x16f: {  	_ =	shalt  }

// kernel: kernel.21.cloned.1.call-start
scs
__scs_entry_jumppad:
0x0: {  	(pc) =	sbr.rel $0x88, $3  }
0x1: {  	(tag) =	ssettag $0x0;
	lr =	simm.s32 $0x1  }
0x2: {  	[smem:$0x3F8C] =	sst lr;
	_ =	strace $0xD0000000  }
0x3: {  	_ = 	snop  }
0x4: {  	_ = 	snop  }
0x5: {  	_ = 	snop  }
0x6: {  	_ = 	snop  }
0x7: {  	_ = 	snop  }
__scs_overlays_trampoline_lowered:
0x8: {  	[smem:$0x3F9B] =	sst s0  }
0x9: {  	[smem:$0x3F9C] =	sst s1  }
0xa: {  	[smem:$0x3F9D] =	sst s2  }
0xb: {  	[smem:$0x3F9E] =	sst s3  }
0xc: {  	[smem:$0x3F9F] =	sst s4  }
0xd: {  	[smem:$0x3FA0] =	sst s5  }
0xe: {  	[smem:$0x3FA1] =	sst s6  }
0xf: {  	[smem:$0x3FA2] =	sst s7  }
0x10: {  	[smem:$0x3FA3] =	sst s8  }
0x11: {  	[smem:$0x3FA4] =	sst s9;
	s0 =	simm.s32 @!p0 $0x0  }
0x12: {  	s1 =	sld [smem:$0x3F8A];
	s0 =	simm.s32 @p0 $0x1  }
0x13: {  	[smem:$0x3FA5] =	sst s0;
	s0 =	simm.s32 @!p1 $0x0  }
0x14: {  	s2 =	sld [smem:$0x3F89];
	s0 =	simm.s32 @p1 $0x1  }
0x15: {  	[smem:$0x3FA6] =	sst s0;
	s0 =	simm.s32 @!p2 $0x0  }
0x16: {  	s3 =	sld [smem:$0x3FDB];
	s0 =	simm.s32 @p2 $0x1  }
0x17: {  	s4 =	simm.s32 $0x1BF5;
	[smem:$0x3FA8] =	sst s0  }
0x18: {  	s0 =	sld [smem:$0x3F8B];
	_ =	swait.ge [sflag:s4], $0x0  }
0x19: {  	s7 =	sld [smem:$0x3F8C]  }
0x1a: {  	s8 =	sadd.s32 $0xFFFFE003, lr  }
0x1b: {  	s9 =	sadd.s32 $0xFFFFFEF7, lr;
	s5 =	simm.s32 $0xFFFFFFFF;
	p2 =	slt.u32 s8, $0xFFFFF086  }
0x1c: {  	p1 =	slt.u32 s9, $0xF7A;
	s5 =	simm.s32 @!p2 $0x0  }
0x1d: {  	s5 =	simm.s32 @p1 $0x1;
	p0 =	seq.s32 s7, s2  }
0x1e: {  	s7 =	smul.u32 @!p0 $0xF7A, s2;
	p2 =	seq.s32 @!p0 s5, $0x0  }
0x1f: {  	s9 =	smul.u32 $0xF7A, s1;
	s8 =	simm.s32 @!p0 $0x1BF5;
	p2 =	por !p2, p0  }
0x20: {  	[sflag:s8] =	ssyncset.s32 @!p0 $0xFFFFF086;
	s6 =	sadd.s32 @!p0 s3, s7;
	s7 =	simm.s32 @!p0 $0x108  }
0x21: {  	s3 =	sadd.s32 s3, s9;
	s6 =	sadd.s32 @!p0 $0x88, s6;
	s7 =	simm.s32 @p2 $0x1082  }
0x22: {  	[simem:s7], [sflag:s8] =	dma.local @!p0 [hbm:s6], $0xF7A  }
0x23: {  	s9 =	sor.u32 $0xD0000000, s2;
	s6 =	simm.s32 $0x108;
	_ =	swait.ge @!p0 [sflag:s8], $0x0  }
0x24: {  	s3 =	sadd.s32 $0x88, s3;
	s6 =	simm.s32 @!p1 $0x1082;
	[sflag:s4] =	ssyncset.s32 $0xFFFFF086  }
0x25: {  	[simem:s6], [sflag:s4] =	dma.local [hbm:s3], $0xF7A  }
0x26: {  	[smem:$0x3F8C] =	sst s1;
	(tag) =	ssettag s2;
	_ =	strace s9  }
0x27: {  	s1 =	sld [smem:$0x3F9C]  }
0x28: {  	s2 =	sld [smem:$0x3F9D]  }
0x29: {  	s4 =	sld [smem:$0x3F9F]  }
0x2a: {  	p0 =	seq.s32 s5, $0x0;
	s5 =	sld [smem:$0x3FA0]  }
0x2b: {  	s6 =	sld [smem:$0x3FA1]  }
0x2c: {  	s7 =	sld [smem:$0x3FA2]  }
0x2d: {  	s3 =	simm.s32 $0x108;
	s8 =	sld [smem:$0x3FA3]  }
0x2e: {  	s3 =	simm.s32 @!p0 $0x1082;
	s9 =	sld [smem:$0x3FA4]  }
0x2f: {  	lr =	sadd.s32 s0, s3;
	s0 =	sld [smem:$0x3F9B]  }
0x30: {  	s3 =	sld [smem:$0x3F9E]  }
0x31: {  	[smem:$0x3FA7] =	sst s10  }
0x32: {  	s10 =	sld [smem:$0x3FA5];
	_ =	sdelay $0x3  }
0x33: {  	p0 =	seq.s32 s10, $0x1;
	s10 =	sld [smem:$0x3FA7];
	_ =	sdelay $0x3  }
0x34: {  	[smem:$0x3FA7] =	sst s10  }
0x35: {  	s10 =	sld [smem:$0x3FA6];
	_ =	sdelay $0x3  }
0x36: {  	p1 =	seq.s32 s10, $0x1;
	s10 =	sld [smem:$0x3FA7];
	_ =	sdelay $0x3  }
0x37: {  	[smem:$0x3FA7] =	sst s10  }
0x38: {  	s10 =	sld [smem:$0x3FA8]  }
0x39: {  	_ = 	snop;
	(pc) =	sbr.ind lr, $3  }
0x3a: {  	_ = 	snop  }
0x3b: {  	_ = 	snop  }
0x3c: {  	p2 =	seq.s32 s10, $0x1;
	s10 =	sld [smem:$0x3FA7]  }
0x3d: {  	_ =	shalt  }
0x3e: {  	_ =	shalt  }
0x3f: {  	_ =	shalt  }
0x40: {  	_ =	shalt  }
0x41: {  	_ =	shalt  }
0x42: {  	_ =	shalt  }
0x43: {  	_ =	shalt  }
0x44: {  	_ =	shalt  }
0x45: {  	_ =	shalt  }
0x46: {  	_ =	shalt  }
0x47: {  	_ =	shalt  }
0x48: {  	_ =	shalt  }
0x49: {  	_ =	shalt  }
0x4a: {  	_ =	shalt  }
0x4b: {  	_ =	shalt  }
0x4c: {  	_ =	shalt  }
0x4d: {  	_ =	shalt  }
0x4e: {  	_ =	shalt  }
0x4f: {  	_ =	shalt  }
0x50: {  	_ =	shalt  }
0x51: {  	_ =	shalt  }
0x52: {  	_ =	shalt  }
0x53: {  	_ =	shalt  }
0x54: {  	_ =	shalt  }
0x55: {  	_ =	shalt  }
0x56: {  	_ =	shalt  }
0x57: {  	_ =	shalt  }
0x58: {  	_ =	shalt  }
0x59: {  	_ =	shalt  }
0x5a: {  	_ =	shalt  }
0x5b: {  	_ =	shalt  }
0x5c: {  	_ =	shalt  }
0x5d: {  	_ =	shalt  }
0x5e: {  	_ =	shalt  }
0x5f: {  	_ =	shalt  }
0x60: {  	_ =	shalt  }
0x61: {  	_ =	shalt  }
0x62: {  	_ =	shalt  }
0x63: {  	_ =	shalt  }
0x64: {  	_ =	shalt  }
0x65: {  	_ =	shalt  }
0x66: {  	_ =	shalt  }
0x67: {  	_ =	shalt  }
0x68: {  	_ =	shalt  }
0x69: {  	_ =	shalt  }
0x6a: {  	_ =	shalt  }
0x6b: {  	_ =	shalt  }
0x6c: {  	_ =	shalt  }
0x6d: {  	_ =	shalt  }
0x6e: {  	_ =	shalt  }
0x6f: {  	_ =	shalt  }
0x70: {  	_ =	shalt  }
0x71: {  	_ =	shalt  }
0x72: {  	_ =	shalt  }
0x73: {  	_ =	shalt  }
0x74: {  	_ =	shalt  }
0x75: {  	_ =	shalt  }
0x76: {  	_ =	shalt  }
0x77: {  	_ =	shalt  }
0x78: {  	_ =	shalt  }
0x79: {  	_ =	shalt  }
0x7a: {  	_ =	shalt  }
0x7b: {  	_ =	shalt  }
0x7c: {  	_ =	shalt  }
0x7d: {  	_ =	shalt  }
0x7e: {  	_ =	shalt  }
0x7f: {  	_ =	shalt  }
0x80: {  	_ =	shalt  }
0x81: {  	_ =	shalt  }
0x82: {  	_ =	shalt  }
0x83: {  	_ =	shalt  }
0x84: {  	_ =	shalt  }
0x85: {  	_ =	shalt  }
0x86: {  	_ =	shalt  }
0x87: {  	_ =	shalt  }
.Lfunc_end0:
.L_simem_size_0:
called_computation.3_lowered:
.L_overlay_start_0:
0x88: {  	s2 =	sld [smem:$0x3FD9]  }
0x89: {  	s3 =	sld [smem:$0x3FFE];
	_ =	sdelay $0x1  }
0x8a: {  	s1 =	srdreg.scid  }
0x8b: {  	s0 =	sand.u32 $0x1, s1  }
0x8c: {  	s16 =	sshll.u32 s0, $0xA;
	s2 =	sadd.s32 s3, s2  }
0x8d: {  	s2 =	sadd.s32 s2, s16  }
0x8e: {  	[smem:$0x3FB3] =	sst s2  }
0x8f: {  	_ = 	snop  }
0x90: {  	(tm) =	ssettm $0x1  }
0x91: {  	s17 =	sld [smem:$0x3FFB];
	_ =	sdelay $0x3  }
0x92: {  	_ =	strace s17  }
0x93: {  	s2 =	sld [smem:$0x3FFC];
	_ =	sdelay $0x3  }
0x94: {  	_ =	strace s2  }
0x95: {  	s2 =	sld [smem:$0x3FFD];
	_ =	sdelay $0x3  }
0x96: {  	_ =	strace s2  }
0x97: {  	_ =	strace $0x8FFFFFFF  }
0x98: {  	s18 =	sld [smem:$0x3FDB];
	_ =	sdelay $0x1  }
0x99: {  	s19 =	simm.s32 $_scs_section_size  }
0x9a: {  	s4 =	simm.s32 $_size__tile_overlayer_lowered;
	s5 =	simm.s32 $_tile_overlayer_lowered  }
0x9b: {  	s22 =	simm.s32 $0x1BFF;
	s21 =	sshll.u32 s5, $0x1;
	s2 =	sadd.s32 s19, s18  }
0x9c: {  	s6 =	simm.s32 $0x0;
	s20 =	sshll.u32 s4, $0x1;
	s4 =	sadd.s32 s21, s2  }
0x9d: {  	[timem:s6], [sflag:s22] =	dma.local [hbm:s4], s20  }
0x9e: {  	_ =	swait.ge [sflag:s22], s20  }
0x9f: {  	s3 =	ssub.s32 $0x0, s20;
	[sflag:s22] =	ssyncset.done $0x0  }
0xa0: {  	[sflag:s22] =	ssyncadd.s32 s3;
	_ =	sdelay $0x1  }
0xa1: {  	s23 =	simm.s32 $0x1B8B  }
0xa2: {  	_ =	swait.ge [sflag:s23], $0x1  }
0xa3: {  	[sflag:s23] =	ssyncset.done $0x0  }
0xa4: {  	s25 =	simm.s32 $0x1B8E;
	s24 =	sld [smem:$0x3FFE];
	[sflag:s23] =	ssyncadd.s32 $0xFFFFFFFF  }
0xa5: {  	s26 =	simm.s32 $execute0_lowered;
	[smem:$0x3FD2] =	sst s25  }
0xa6: {  	s4 =	sshll.u32 s26, $0x1;
	_ =	strace $0x8000004F;
	[dreg:$0x1] =	wrdreg $0xFFFFFFFF  }
0xa7: {  	s28 =	simm.s32 $_size_execute0_lowered;
	s2 =	sadd.s32 s2, s4;
	[dreg:$0x0] =	wrdreg $0x0  }
0xa8: {  	s4 =	sshll.u32 s28, $0x1;
	[dreg:$0x2] =	wrdreg s2  }
0xa9: {  	[dreg:$0x3] =	wrdreg s4  }
0xaa: {  	[dreg:$0x4] =	wrdreg $0xC0  }
0xab: {  	_ =	task [dreg:s6], $0x5FFFF  }
0xac: {  	[dreg:$0x1] =	wrdreg $0xFFFFFFFF  }
0xad: {  	[dreg:$0x0] =	wrdreg $0x60  }
0xae: {  	[dreg:$0x2] =	wrdreg s24  }
0xaf: {  	[dreg:$0x3] =	wrdreg $0xA8000  }
0xb0: {  	[dreg:$0x4] =	wrdreg $0x9  }
0xb1: {  	_ =	task.clear_ibuf [dreg:s6], $0x5FFFF;
	_ =	strace $0x9000004F  }
0xb2: {  	s29 =	simm.s32 $0x9;
	_ =	strace $0x80000051  }
0xb3: {  	_ =	swait.ge [sflag:s29], $0x1  }
0xb4: {  	[sflag:s29] =	ssyncadd.s32 $0xFFFFFFFF  }
0xb5: {  	_ =	strace $0x90000051  }
0xb6: {  	_ =	sfence  }
0xb7: {  	s30 =	sld [smem:$0x0];
	_ =	sdelay $0x2  }
0xb8: {  	s31 =	sshll.u32 s1, $0xD;
	s1 =	sshrl.u32 s1, $0x2  }
0xb9: {  	s3 =	sand.u32 $0x4000, s31;
	s1 =	sadd.s32 s1, s30  }
0xba: {  	s0 =	sor.u32 s3, s0;
	s1 =	sshll.u32 s1, $0x11  }
0xbb: {  	s0 =	sor.u32 s1, s0  }
0xbc: {  	s0 =	sadd.s32 $0x8F2B, s0  }
0xbd: {  	[sflag:s0] =	ssyncadd.remote.s32 $0x1  }
0xbe: {  	_ =	sfence.sel $0xFFFF  }
0xbf: {  	[dreg:$0x0] =	wrdreg $0xFFFFFFFF;
	(pc) =	sbr.abs _section_cstart, $3  }
0xc0: {  	[dreg:$0x1] =	wrdreg $0xFFFFFFFF  }
0xc1: {  	_ =	task.clear_ibuf [dreg:s6], $0x2FFFF;
	_ =	strace $0x9FFFFFFF  }
0xc2: {  	(tm) =	ssettm $0x7FFFFFFF  }
0xc3: {  	_ =	shalt  }
tec
execute0_lowered:
.L_overlay_start_1:
0x0: {  	(tag) =	ssettag $0x1  }
0x1: {  	s0 =	rddreg [dreg:$0x0]  }
0x2: {  	s1 =	rddreg [dreg:$0x1];
	s2 =	srdreg.scid  }
0x3: {  	s3 =	simm.s32 $0x0;
	s21 =	simm.s32 $0x3;
	s22 =	simm.s32 $0x1400  }
0x4: {  	s28 =	simm.s32 $0x1380;
	s29 =	simm.s32 $0x2700;
	s10 =	sand.u32 $0x1, s2  }
0x5: {  	s30 =	simm.s32 $0x2780;
	s2 =	stileid.u32;
	s5 =	smul.u32 $0x140000, s10  }
0x6: {  	[smem:$0x7FF] =	sst s3;
	s4 =	sadd.s32 $0x18600, s0;
	s6 =	smul.u32 $0x14000, s2  }
0x7: {  	s16 =	sadd.s32 $0x4600, s0;
	s17 =	sadd.s32 $0xE600, s0;
	s23 =	smul.u32 $0x50000, s2  }
0x8: {  	_ =	strace $0x80000050;
	s7 =	sxor.u32 $0x1, s10;
	s15 =	smul.u32 $0x280, s2  }
0x9: {  	s8 =	ssub.s32 $0x2, s10;
	p0 =	seq.s32 s10, $0x1;
	s9 =	smul.u32 s2, s7  }
0xa: {  	s24 =	sshrl.u32 s8, $0x1;
	s5 =	sadd.s32 s6, s5;
	s6 =	sshrl.u32 s23, $0x2  }
0xb: {  	s19 =	ssub.s32 s8, s24;
	s20 =	sadd.s32 $0x7800, s15;
	s23 =	simm.s32 $0x80  }
0xc: {  	s24 =	simm.s32 $0x6800;
	s5 =	sshrl.u32 s5, $0x3;
	s11 =	smul.u32 $0x3C00, s9  }
0xd: {  	s12 =	smul.u32 $0x780, s9;
	s0 =	sadd.s32 s5, s0;
	s5 =	sadd.s32 s6, s1  }
0xe: {  	s19 =	smax.u32 s19, $0x1;
	s6 =	sadd.s32 $0x4000, s5;
	s7 =	sadd.s32 $0x8000, s5  }
0xf: {  	s8 =	sadd.s32 $0xC000, s5;
	s9 =	sadd.s32 $0x10000, s5;
	s25 =	sadd.s32 s16, s12  }
0x10: {  	s13 =	sshrl.u32 s11, $0x3;
	s26 =	sadd.s32 s17, s12;
	[dreg:$0x3] =	wrdreg s25  }
.Ltmp0:
0x11: {  	s14 =	sadd.s32 $0x280, s13;
	[dreg:$0x4] =	wrdreg s26;
	(pc) =	sbr.rel .LBB2_1-.Ltmp0, $4  }
0x12: {  	s18 =	sadd.s32 $0x500, s13;
	s25 =	simm.s32 $0x1;
	s26 =	simm.s32 $0x2  }
0x13: {  	s31 =	sadd.s32 s16, s14;
	s13 =	sadd.s32 s17, s14;
	s14 =	sadd.s32 s16, s18  }
0x14: {  	s15 =	sadd.s32 s17, s18;
	s16 =	sadd.s32 s16, s20;
	s17 =	sadd.s32 s17, s20  }
0x15: {  	v0 =	vimm.f32 $0.0e+00;
	s18 =	sadd.s32 $0x40600, s0;
	s20 =	simm.s32 $0x2800;
	[dreg:$0x5] =	wrdreg s31  }
.LBB2_10:
0x16: {  	s0 =	sadd.s32 $0x80, s31;
	[sflag:s21] =	ssyncadd.s32 $0xFFFFC000  }
0x17: {  	[tilespmem:s24], [sflag:$0x2] =	stream.indirect.gather [hbm4b:s4+s23], $0x80, s0, s23, $0xb8;
	[tilespmem:$0x1E800] =	vst v63  }
0x18: {  	_ =	swait.ge [sflag:s25], $0x4000  }
0x19: {  	[sflag:s25] =	ssyncset.done $0x0  }
0x1a: {  	s11 =	sadd.s32 $0x1400, s31;
	[sflag:s25] =	ssyncadd.s32 $0xFFFFC000  }
0x1b: {  	[spmem:s1] =	stream.indirect.scatter.add.f32 [tilespmem:s20], [sflag:$0x3], $0x80, s11, s23, $0xb8;
	[tilespmem:$0x1E800] =	vst v63  }
0x1c: {  	_ =	swait.ge [sflag:s21], $0x4000  }
0x1d: {  	[sflag:s21] =	ssyncset.done $0x0  }
0x1e: {  	s12 =	sadd.s32 $0x100, s31;
	[sflag:s21] =	ssyncadd.s32 $0xFFFFC000  }
0x1f: {  	[tilespmem:s20], [sflag:$0x1] =	stream.indirect.gather [hbm4b:s4+s23], $0x80, s12, s23, $0xb8;
	[tilespmem:$0x1E800] =	vst v63  }
0x20: {  	_ =	swait.ge [sflag:s26], $0x4000  }
0x21: {  	[sflag:s26] =	ssyncset.done $0x0  }
0x22: {  	s31 =	sadd.s32 $0x1480, s31;
	[sflag:s26] =	ssyncadd.s32 $0xFFFFC000  }
0x23: {  	[spmem:s1] =	stream.indirect.scatter.add.f32 [tilespmem:s24], [sflag:$0x3], $0x80, s31, s23, $0xb8;
	[tilespmem:$0x1E800] =	vst v63  }
0x24: {  	_ =	swait.ge [sflag:s21], $0x4000  }
0x25: {  	[sflag:s21] =	ssyncset.done $0x0  }
0x26: {  	[sflag:s21] =	ssyncadd.s32 $0xFFFFC000  }
.LBB2_14:
0x27: {  	[tilespmem:s24], [sflag:$0x2] =	stream.indirect.gather [hbm4b:s4+s23], $0x80, s28, s23, $0xb8;
	[tilespmem:$0x1E800] =	vst v63  }
0x28: {  	_ =	swait.ge [sflag:s25], $0x4000  }
0x29: {  	[sflag:s25] =	ssyncset.done $0x0  }
0x2a: {  	[sflag:s25] =	ssyncadd.s32 $0xFFFFC000  }
0x2b: {  	[spmem:s1] =	stream.indirect.scatter.add.f32 [tilespmem:s20], [sflag:$0x3], $0x80, s29, s23, $0xb8;
	[tilespmem:$0x1E800] =	vst v63  }
0x2c: {  	_ =	swait.ge [sflag:s21], $0x4000  }
0x2d: {  	[sflag:s21] =	ssyncset.done $0x0  }
0x2e: {  	[sflag:s21] =	ssyncadd.s32 $0xFFFFC000  }
0x2f: {  	_ =	swait.ge [sflag:s26], $0x4000  }
0x30: {  	[sflag:s26] =	ssyncset.done $0x0  }
0x31: {  	[sflag:s26] =	ssyncadd.s32 $0xFFFFC000  }
0x32: {  	[spmem:s1] =	stream.indirect.scatter.add.f32 [tilespmem:s24], [sflag:$0x3], $0x80, s30, s23, $0xb8;
	[tilespmem:$0x1E800] =	vst v63  }
0x33: {  	_ =	swait.ge [sflag:s21], $0x4000  }
0x34: {  	s0 =	sshll.u32 s2, $0x6;
	s3 =	sadd.s32 $0x1, s3;
	[sflag:s21] =	ssyncset.done $0x0  }
0x35: {  	s10 =	sshrl.u32 s5, $0x3;
	p1 =	sne.s32 s3, s19;
	[sflag:s21] =	ssyncadd.s32 $0xFFFFC000  }
.Ltmp1:
0x36: {  	s0 =	sor.u32 $0x1C03, s0;
	[bflag:$0x0] =	sbarrier.arrive $0xFFFF;
	(pc) =	sbr.rel @!p1 .LBB2_15-.Ltmp1, $4  }
0x37: {  	[hbm:s18], [sflag:s0] =	dma.local [spmem:s10], $0x2800  }
0x38: {  	_ =	swait.ge [sflag:s21], $0x2800  }
0x39: {  	[sflag:s21] =	ssyncset.done $0x0  }
0x3a: {  	[sflag:s21] =	ssyncadd.s32 $0xFFFFD800  }
.LBB2_1:
0x3b: {  	s31 =	simm.s32 $0x0;
	s0 =	simm.s32 $0x200  }
.LBB2_2:
0x3c: {  	p1 =	sne.s32 s0, $0xFE00;
	[tilespmem:s31+$0x2870] =	vst v0  }
0x3d: {  	[tilespmem:s31+$0x2800] =	vst v0  }
0x3e: {  	[tilespmem:s31+$0x2810] =	vst v0  }
.Ltmp2:
0x3f: {  	[tilespmem:s31+$0x2820] =	vst v0;
	(pc) =	sbr.rel @p1 .LBB2_2-.Ltmp2, $4  }
0x40: {  	[tilespmem:s31+$0x2830] =	vst v0  }
0x41: {  	[tilespmem:s31+$0x2840] =	vst v0  }
0x42: {  	[tilespmem:s31+$0x2850] =	vst v0  }
0x43: {  	[tilespmem:s31+$0x2860] =	vst v0;
	s31 =	sshra.s32 s0, $0x2;
	s0 =	sadd.s32 $0x200, s0  }
0x44: {  	[tilespmem:s31+$0x2870] =	vst v0  }
0x45: {  	[tilespmem:s31+$0x2800] =	vst v0  }
0x46: {  	[tilespmem:s31+$0x2810] =	vst v0  }
0x47: {  	[tilespmem:s31+$0x2820] =	vst v0  }
0x48: {  	[tilespmem:s31+$0x2830] =	vst v0  }
0x49: {  	[tilespmem:s31+$0x2840] =	vst v0  }
0x4a: {  	[tilespmem:s31+$0x2850] =	vst v0  }
0x4b: {  	[tilespmem:s31+$0x2860] =	vst v0  }
0x4c: {  	[spmem:s5] =	stream.linear.scatter [tilespmem:s20], [sflag:$0x3], $0x4000, $0x38;
	[tilespmem:$0x1E800] =	vst v63  }
0x4d: {  	_ =	swait.ge [sflag:s21], $0x4000  }
0x4e: {  	[sflag:s21] =	ssyncset.done $0x0  }
0x4f: {  	[sflag:s21] =	ssyncadd.s32 $0xFFFFC000  }
0x50: {  	[spmem:s6] =	stream.linear.scatter [tilespmem:s20], [sflag:$0x3], $0x4000, $0x38;
	[tilespmem:$0x1E800] =	vst v63  }
0x51: {  	_ =	swait.ge [sflag:s21], $0x4000  }
0x52: {  	[sflag:s21] =	ssyncset.done $0x0  }
0x53: {  	[sflag:s21] =	ssyncadd.s32 $0xFFFFC000  }
0x54: {  	[spmem:s7] =	stream.linear.scatter [tilespmem:s20], [sflag:$0x3], $0x4000, $0x38;
	[tilespmem:$0x1E800] =	vst v63  }
0x55: {  	_ =	swait.ge [sflag:s21], $0x4000  }
0x56: {  	[sflag:s21] =	ssyncset.done $0x0  }
0x57: {  	[sflag:s21] =	ssyncadd.s32 $0xFFFFC000  }
0x58: {  	[spmem:s8] =	stream.linear.scatter [tilespmem:s20], [sflag:$0x3], $0x4000, $0x38;
	[tilespmem:$0x1E800] =	vst v63  }
0x59: {  	_ =	swait.ge [sflag:s21], $0x4000  }
0x5a: {  	[sflag:s21] =	ssyncset.done $0x0  }
0x5b: {  	[sflag:s21] =	ssyncadd.s32 $0xFFFFC000  }
0x5c: {  	[spmem:s9] =	stream.linear.scatter [tilespmem:s20], [sflag:$0x3], $0x4000, $0x38;
	[tilespmem:$0x1E800] =	vst v63  }
.Ltmp3:
0x5d: {  	_ =	swait.ge [sflag:s21], $0x4000;
	(pc) =	sbr.rel @!p0 .LBB2_4-.Ltmp3, $4  }
0x5e: {  	[sflag:s21] =	ssyncset.done $0x0  }
0x5f: {  	[sflag:s21] =	ssyncadd.s32 $0xFFFFC000  }
0x60: {  	[bflag:$0x0] =	sbarrier.arrive $0xFFFF  }
0x61: {  	s0 =	simm.s32 $0x0  }
0x62: {  	[tilespmem:s0], [sflag:$0x3] =	stream.linear.gather [hbm4b:s16+s0], $0x1400, $0x38;
	[tilespmem:$0x1E800] =	vst v63  }
0x63: {  	_ =	swait.ge [sflag:s21], $0x1400  }
0x64: {  	[sflag:s21] =	ssyncset.done $0x0  }
0x65: {  	[sflag:s21] =	ssyncadd.s32 $0xFFFFEC00  }
0x66: {  	[tilespmem:s22], [sflag:$0x3] =	stream.linear.gather [hbm4b:s17+s0], $0x1400, $0x38;
	[tilespmem:$0x1E800] =	vst v63  }
0x67: {  	_ =	swait.ge [sflag:s21], $0x1400  }
0x68: {  	[sflag:s21] =	ssyncset.done $0x0  }
0x69: {  	[sflag:s21] =	ssyncadd.s32 $0xFFFFEC00  }
0x6a: {  	[tilespmem:s20], [sflag:$0x1] =	stream.indirect.gather [hbm4b:s4+s23], $0x80, s0, s23, $0xb8;
	[tilespmem:$0x1E800] =	vst v63  }
0x6b: {  	s12 =	simm.s32 $0x80  }
0x6c: {  	[tilespmem:s24], [sflag:$0x2] =	stream.indirect.gather [hbm4b:s4+s23], $0x80, s12, s23, $0xb8;
	[tilespmem:$0x1E800] =	vst v63  }
0x6d: {  	_ =	swait.ge [sflag:s25], $0x4000  }
0x6e: {  	[sflag:s25] =	ssyncset.done $0x0  }
0x6f: {  	s10 =	simm.s32 $0x1400;
	[sflag:s25] =	ssyncadd.s32 $0xFFFFC000  }
0x70: {  	[spmem:s1] =	stream.indirect.scatter.add.f32 [tilespmem:s20], [sflag:$0x3], $0x80, s10, s23, $0xb8;
	[tilespmem:$0x1E800] =	vst v63  }
0x71: {  	_ =	swait.ge [sflag:s21], $0x4000  }
0x72: {  	[sflag:s21] =	ssyncset.done $0x0  }
0x73: {  	s11 =	simm.s32 $0x100;
	[sflag:s21] =	ssyncadd.s32 $0xFFFFC000  }
0x74: {  	[tilespmem:s20], [sflag:$0x1] =	stream.indirect.gather [hbm4b:s4+s23], $0x80, s11, s23, $0xb8;
	[tilespmem:$0x1E800] =	vst v63  }
0x75: {  	_ =	swait.ge [sflag:s26], $0x4000  }
0x76: {  	[sflag:s26] =	ssyncset.done $0x0  }
0x77: {  	s12 =	simm.s32 $0x1480;
	[sflag:s26] =	ssyncadd.s32 $0xFFFFC000  }
0x78: {  	[spmem:s1] =	stream.indirect.scatter.add.f32 [tilespmem:s24], [sflag:$0x3], $0x80, s12, s23, $0xb8;
	[tilespmem:$0x1E800] =	vst v63  }
0x79: {  	_ =	swait.ge [sflag:s21], $0x4000  }
0x7a: {  	s31 =	simm.s32 $0x100;
	s0 =	simm.s32 $0x800;
	[sflag:s21] =	ssyncset.done $0x0  }
.LBB2_12:
0x7b: {  	s10 =	sadd.s32 $0x80, s31  }
0x7c: {  	[sflag:s21] =	ssyncadd.s32 $0xFFFFC000;
	s11 =	smov.u32 s0;
	s12 =	sadd.s32 $0x400, s0  }
0x7d: {  	[tilespmem:s24], [sflag:$0x2] =	stream.indirect.gather [hbm4b:s4+s23], $0x80, s10, s23, $0xb8;
	[tilespmem:$0x1E800] =	vst v63  }
0x7e: {  	p1 =	sne.s32 s0, $0x4800;
	_ =	swait.ge [sflag:s25], $0x4000  }
0x7f: {  	[sflag:s25] =	ssyncset.done $0x0  }
0x80: {  	s0 =	sadd.s32 $0x1400, s31;
	[sflag:s25] =	ssyncadd.s32 $0xFFFFC000  }
0x81: {  	[spmem:s1] =	stream.indirect.scatter.add.f32 [tilespmem:s20], [sflag:$0x3], $0x80, s0, s23, $0xb8;
	[tilespmem:$0x1E800] =	vst v63  }
0x82: {  	_ =	swait.ge [sflag:s21], $0x4000  }
0x83: {  	[sflag:s21] =	ssyncset.done $0x0  }
0x84: {  	s0 =	sadd.s32 $0x100, s31;
	[sflag:s21] =	ssyncadd.s32 $0xFFFFC000  }
0x85: {  	[tilespmem:s20], [sflag:$0x1] =	stream.indirect.gather [hbm4b:s4+s23], $0x80, s0, s23, $0xb8;
	[tilespmem:$0x1E800] =	vst v63  }
0x86: {  	_ =	swait.ge [sflag:s26], $0x4000  }
.Ltmp4:
0x87: {  	[sflag:s26] =	ssyncset.done $0x0;
	(pc) =	sbr.rel @p1 .LBB2_12-.Ltmp4, $4  }
0x88: {  	s0 =	sadd.s32 $0x1480, s31;
	[sflag:s26] =	ssyncadd.s32 $0xFFFFC000  }
0x89: {  	[spmem:s1] =	stream.indirect.scatter.add.f32 [tilespmem:s24], [sflag:$0x3], $0x80, s0, s23, $0xb8;
	[tilespmem:$0x1E800] =	vst v63  }
0x8a: {  	_ =	swait.ge [sflag:s21], $0x4000  }
0x8b: {  	s31 =	sshra.s32 s11, $0x2;
	s0 =	smov.u32 s12;
	[sflag:s21] =	ssyncset.done $0x0  }
0x8c: {  	s0 =	sadd.s32 $0x80, s31;
	[sflag:s21] =	ssyncadd.s32 $0xFFFFC000  }
0x8d: {  	[tilespmem:s24], [sflag:$0x2] =	stream.indirect.gather [hbm4b:s4+s23], $0x80, s0, s23, $0xb8;
	[tilespmem:$0x1E800] =	vst v63  }
0x8e: {  	_ =	swait.ge [sflag:s25], $0x4000  }
0x8f: {  	[sflag:s25] =	ssyncset.done $0x0  }
0x90: {  	s11 =	sadd.s32 $0x1400, s31;
	[sflag:s25] =	ssyncadd.s32 $0xFFFFC000  }
0x91: {  	[spmem:s1] =	stream.indirect.scatter.add.f32 [tilespmem:s20], [sflag:$0x3], $0x80, s11, s23, $0xb8;
	[tilespmem:$0x1E800] =	vst v63  }
0x92: {  	_ =	swait.ge [sflag:s21], $0x4000  }
0x93: {  	[sflag:s21] =	ssyncset.done $0x0  }
0x94: {  	s12 =	sadd.s32 $0x100, s31;
	[sflag:s21] =	ssyncadd.s32 $0xFFFFC000  }
0x95: {  	[tilespmem:s20], [sflag:$0x1] =	stream.indirect.gather [hbm4b:s4+s23], $0x80, s12, s23, $0xb8;
	[tilespmem:$0x1E800] =	vst v63  }
0x96: {  	_ =	swait.ge [sflag:s26], $0x4000  }
0x97: {  	[sflag:s26] =	ssyncset.done $0x0  }
.Ltmp5:
0x98: {  	s31 =	sadd.s32 $0x1480, s31;
	[sflag:s26] =	ssyncadd.s32 $0xFFFFC000;
	(pc) =	sbr.rel .LBB2_14-.Ltmp5, $4  }
0x99: {  	[spmem:s1] =	stream.indirect.scatter.add.f32 [tilespmem:s24], [sflag:$0x3], $0x80, s31, s23, $0xb8;
	[tilespmem:$0x1E800] =	vst v63  }
0x9a: {  	_ =	swait.ge [sflag:s21], $0x4000  }
0x9b: {  	[sflag:s21] =	ssyncset.done $0x0  }
0x9c: {  	[sflag:s21] =	ssyncadd.s32 $0xFFFFC000  }
.LBB2_4:
0x9d: {  	s10 =	rddreg [dreg:$0x3]  }
0x9e: {  	[tilespmem:s0], [sflag:$0x3] =	stream.linear.gather [hbm4b:s10+s0], $0x1400, $0x38;
	[tilespmem:$0x1E800] =	vst v63  }
0x9f: {  	_ =	swait.ge [sflag:s21], $0x1400  }
0xa0: {  	[sflag:s21] =	ssyncset.done $0x0  }
0xa1: {  	s11 =	rddreg [dreg:$0x4];
	[sflag:s21] =	ssyncadd.s32 $0xFFFFEC00  }
0xa2: {  	[tilespmem:s22], [sflag:$0x3] =	stream.linear.gather [hbm4b:s11+s0], $0x1400, $0x38;
	[tilespmem:$0x1E800] =	vst v63  }
0xa3: {  	_ =	swait.ge [sflag:s21], $0x1400  }
0xa4: {  	[sflag:s21] =	ssyncset.done $0x0  }
0xa5: {  	[sflag:s21] =	ssyncadd.s32 $0xFFFFEC00  }
0xa6: {  	[tilespmem:s20], [sflag:$0x1] =	stream.indirect.gather [hbm4b:s4+s23], $0x80, s0, s23, $0xb8;
	[tilespmem:$0x1E800] =	vst v63  }
0xa7: {  	s12 =	simm.s32 $0x80  }
0xa8: {  	[tilespmem:s24], [sflag:$0x2] =	stream.indirect.gather [hbm4b:s4+s23], $0x80, s12, s23, $0xb8;
	[tilespmem:$0x1E800] =	vst v63  }
0xa9: {  	_ =	swait.ge [sflag:s25], $0x4000  }
0xaa: {  	[sflag:s25] =	ssyncset.done $0x0  }
0xab: {  	s10 =	simm.s32 $0x1400;
	[sflag:s25] =	ssyncadd.s32 $0xFFFFC000  }
0xac: {  	[spmem:s1] =	stream.indirect.scatter.add.f32 [tilespmem:s20], [sflag:$0x3], $0x80, s10, s23, $0xb8;
	[tilespmem:$0x1E800] =	vst v63  }
0xad: {  	_ =	swait.ge [sflag:s21], $0x4000  }
0xae: {  	[sflag:s21] =	ssyncset.done $0x0  }
0xaf: {  	s11 =	simm.s32 $0x100;
	[sflag:s21] =	ssyncadd.s32 $0xFFFFC000  }
0xb0: {  	[tilespmem:s20], [sflag:$0x1] =	stream.indirect.gather [hbm4b:s4+s23], $0x80, s11, s23, $0xb8;
	[tilespmem:$0x1E800] =	vst v63  }
0xb1: {  	_ =	swait.ge [sflag:s26], $0x4000  }
0xb2: {  	[sflag:s26] =	ssyncset.done $0x0  }
0xb3: {  	s12 =	simm.s32 $0x1480;
	[sflag:s26] =	ssyncadd.s32 $0xFFFFC000  }
0xb4: {  	[spmem:s1] =	stream.indirect.scatter.add.f32 [tilespmem:s24], [sflag:$0x3], $0x80, s12, s23, $0xb8;
	[tilespmem:$0x1E800] =	vst v63  }
0xb5: {  	_ =	swait.ge [sflag:s21], $0x4000  }
0xb6: {  	s31 =	simm.s32 $0x100;
	s0 =	simm.s32 $0x800;
	[sflag:s21] =	ssyncset.done $0x0  }
.LBB2_5:
0xb7: {  	s10 =	sadd.s32 $0x80, s31  }
0xb8: {  	[sflag:s21] =	ssyncadd.s32 $0xFFFFC000;
	s11 =	smov.u32 s0;
	s12 =	sadd.s32 $0x400, s0  }
0xb9: {  	[tilespmem:s24], [sflag:$0x2] =	stream.indirect.gather [hbm4b:s4+s23], $0x80, s10, s23, $0xb8;
	[tilespmem:$0x1E800] =	vst v63  }
0xba: {  	p1 =	sne.s32 s0, $0x4800;
	_ =	swait.ge [sflag:s25], $0x4000  }
0xbb: {  	[sflag:s25] =	ssyncset.done $0x0  }
0xbc: {  	s0 =	sadd.s32 $0x1400, s31;
	[sflag:s25] =	ssyncadd.s32 $0xFFFFC000  }
0xbd: {  	[spmem:s1] =	stream.indirect.scatter.add.f32 [tilespmem:s20], [sflag:$0x3], $0x80, s0, s23, $0xb8;
	[tilespmem:$0x1E800] =	vst v63  }
0xbe: {  	_ =	swait.ge [sflag:s21], $0x4000  }
0xbf: {  	[sflag:s21] =	ssyncset.done $0x0  }
0xc0: {  	s0 =	sadd.s32 $0x100, s31;
	[sflag:s21] =	ssyncadd.s32 $0xFFFFC000  }
0xc1: {  	[tilespmem:s20], [sflag:$0x1] =	stream.indirect.gather [hbm4b:s4+s23], $0x80, s0, s23, $0xb8;
	[tilespmem:$0x1E800] =	vst v63  }
0xc2: {  	_ =	swait.ge [sflag:s26], $0x4000  }
.Ltmp6:
0xc3: {  	[sflag:s26] =	ssyncset.done $0x0;
	(pc) =	sbr.rel @p1 .LBB2_5-.Ltmp6, $4  }
0xc4: {  	s0 =	sadd.s32 $0x1480, s31;
	[sflag:s26] =	ssyncadd.s32 $0xFFFFC000  }
0xc5: {  	[spmem:s1] =	stream.indirect.scatter.add.f32 [tilespmem:s24], [sflag:$0x3], $0x80, s0, s23, $0xb8;
	[tilespmem:$0x1E800] =	vst v63  }
0xc6: {  	_ =	swait.ge [sflag:s21], $0x4000  }
0xc7: {  	s31 =	sshra.s32 s11, $0x2;
	s0 =	smov.u32 s12;
	[sflag:s21] =	ssyncset.done $0x0  }
0xc8: {  	s0 =	sadd.s32 $0x80, s31;
	[sflag:s21] =	ssyncadd.s32 $0xFFFFC000  }
0xc9: {  	[tilespmem:s24], [sflag:$0x2] =	stream.indirect.gather [hbm4b:s4+s23], $0x80, s0, s23, $0xb8;
	[tilespmem:$0x1E800] =	vst v63  }
0xca: {  	_ =	swait.ge [sflag:s25], $0x4000  }
0xcb: {  	[sflag:s25] =	ssyncset.done $0x0  }
0xcc: {  	s11 =	sadd.s32 $0x1400, s31;
	[sflag:s25] =	ssyncadd.s32 $0xFFFFC000  }
0xcd: {  	[spmem:s1] =	stream.indirect.scatter.add.f32 [tilespmem:s20], [sflag:$0x3], $0x80, s11, s23, $0xb8;
	[tilespmem:$0x1E800] =	vst v63  }
0xce: {  	_ =	swait.ge [sflag:s21], $0x4000  }
0xcf: {  	[sflag:s21] =	ssyncset.done $0x0  }
0xd0: {  	s12 =	sadd.s32 $0x100, s31;
	[sflag:s21] =	ssyncadd.s32 $0xFFFFC000  }
0xd1: {  	[tilespmem:s20], [sflag:$0x1] =	stream.indirect.gather [hbm4b:s4+s23], $0x80, s12, s23, $0xb8;
	[tilespmem:$0x1E800] =	vst v63  }
0xd2: {  	_ =	swait.ge [sflag:s26], $0x4000  }
0xd3: {  	[sflag:s26] =	ssyncset.done $0x0  }
0xd4: {  	s10 =	sadd.s32 $0x1480, s31;
	[sflag:s26] =	ssyncadd.s32 $0xFFFFC000  }
0xd5: {  	[spmem:s1] =	stream.indirect.scatter.add.f32 [tilespmem:s24], [sflag:$0x3], $0x80, s10, s23, $0xb8;
	[tilespmem:$0x1E800] =	vst v63  }
0xd6: {  	_ =	swait.ge [sflag:s21], $0x4000  }
0xd7: {  	[sflag:s21] =	ssyncset.done $0x0  }
0xd8: {  	[sflag:s21] =	ssyncadd.s32 $0xFFFFC000  }
0xd9: {  	[tilespmem:s24], [sflag:$0x2] =	stream.indirect.gather [hbm4b:s4+s23], $0x80, s28, s23, $0xb8;
	[tilespmem:$0x1E800] =	vst v63  }
0xda: {  	_ =	swait.ge [sflag:s25], $0x4000  }
0xdb: {  	[sflag:s25] =	ssyncset.done $0x0  }
0xdc: {  	[sflag:s25] =	ssyncadd.s32 $0xFFFFC000  }
0xdd: {  	[spmem:s1] =	stream.indirect.scatter.add.f32 [tilespmem:s20], [sflag:$0x3], $0x80, s29, s23, $0xb8;
	[tilespmem:$0x1E800] =	vst v63  }
0xde: {  	_ =	swait.ge [sflag:s21], $0x4000  }
0xdf: {  	[sflag:s21] =	ssyncset.done $0x0  }
0xe0: {  	[sflag:s21] =	ssyncadd.s32 $0xFFFFC000  }
0xe1: {  	_ =	swait.ge [sflag:s26], $0x4000  }
0xe2: {  	[sflag:s26] =	ssyncset.done $0x0  }
0xe3: {  	[sflag:s26] =	ssyncadd.s32 $0xFFFFC000  }
0xe4: {  	[spmem:s1] =	stream.indirect.scatter.add.f32 [tilespmem:s24], [sflag:$0x3], $0x80, s30, s23, $0xb8;
	[tilespmem:$0x1E800] =	vst v63  }
0xe5: {  	_ =	swait.ge [sflag:s21], $0x4000  }
0xe6: {  	[sflag:s21] =	ssyncset.done $0x0  }
0xe7: {  	s11 =	simm.s32 $0x0;
	s10 =	rddreg [dreg:$0x5];
	[sflag:s21] =	ssyncadd.s32 $0xFFFFC000  }
0xe8: {  	[tilespmem:s11], [sflag:$0x3] =	stream.linear.gather [hbm4b:s10+s11], $0x1400, $0x38;
	[tilespmem:$0x1E800] =	vst v63  }
0xe9: {  	_ =	swait.ge [sflag:s21], $0x1400  }
0xea: {  	[sflag:s21] =	ssyncset.done $0x0  }
0xeb: {  	[sflag:s21] =	ssyncadd.s32 $0xFFFFEC00  }
0xec: {  	[tilespmem:s22], [sflag:$0x3] =	stream.linear.gather [hbm4b:s13+s11], $0x1400, $0x38;
	[tilespmem:$0x1E800] =	vst v63  }
0xed: {  	_ =	swait.ge [sflag:s21], $0x1400  }
0xee: {  	[sflag:s21] =	ssyncset.done $0x0  }
0xef: {  	[sflag:s21] =	ssyncadd.s32 $0xFFFFEC00  }
0xf0: {  	[tilespmem:s20], [sflag:$0x1] =	stream.indirect.gather [hbm4b:s4+s23], $0x80, s11, s23, $0xb8;
	[tilespmem:$0x1E800] =	vst v63  }
0xf1: {  	s12 =	simm.s32 $0x80  }
0xf2: {  	[tilespmem:s24], [sflag:$0x2] =	stream.indirect.gather [hbm4b:s4+s23], $0x80, s12, s23, $0xb8;
	[tilespmem:$0x1E800] =	vst v63  }
0xf3: {  	_ =	swait.ge [sflag:s25], $0x4000  }
0xf4: {  	[sflag:s25] =	ssyncset.done $0x0  }
0xf5: {  	s10 =	simm.s32 $0x1400;
	[sflag:s25] =	ssyncadd.s32 $0xFFFFC000  }
0xf6: {  	[spmem:s1] =	stream.indirect.scatter.add.f32 [tilespmem:s20], [sflag:$0x3], $0x80, s10, s23, $0xb8;
	[tilespmem:$0x1E800] =	vst v63  }
0xf7: {  	_ =	swait.ge [sflag:s21], $0x4000  }
0xf8: {  	[sflag:s21] =	ssyncset.done $0x0  }
0xf9: {  	s11 =	simm.s32 $0x100;
	[sflag:s21] =	ssyncadd.s32 $0xFFFFC000  }
0xfa: {  	[tilespmem:s20], [sflag:$0x1] =	stream.indirect.gather [hbm4b:s4+s23], $0x80, s11, s23, $0xb8;
	[tilespmem:$0x1E800] =	vst v63  }
0xfb: {  	_ =	swait.ge [sflag:s26], $0x4000  }
0xfc: {  	[sflag:s26] =	ssyncset.done $0x0  }
0xfd: {  	s12 =	simm.s32 $0x1480;
	[sflag:s26] =	ssyncadd.s32 $0xFFFFC000  }
0xfe: {  	[spmem:s1] =	stream.indirect.scatter.add.f32 [tilespmem:s24], [sflag:$0x3], $0x80, s12, s23, $0xb8;
	[tilespmem:$0x1E800] =	vst v63  }
0xff: {  	_ =	swait.ge [sflag:s21], $0x4000  }
0x100: {  	s31 =	simm.s32 $0x100;
	s0 =	simm.s32 $0x800;
	[sflag:s21] =	ssyncset.done $0x0  }
.LBB2_7:
0x101: {  	s10 =	sadd.s32 $0x80, s31  }
0x102: {  	[sflag:s21] =	ssyncadd.s32 $0xFFFFC000;
	s11 =	smov.u32 s0;
	s12 =	sadd.s32 $0x400, s0  }
0x103: {  	[tilespmem:s24], [sflag:$0x2] =	stream.indirect.gather [hbm4b:s4+s23], $0x80, s10, s23, $0xb8;
	[tilespmem:$0x1E800] =	vst v63  }
0x104: {  	p1 =	sne.s32 s0, $0x4800;
	_ =	swait.ge [sflag:s25], $0x4000  }
0x105: {  	[sflag:s25] =	ssyncset.done $0x0  }
0x106: {  	s0 =	sadd.s32 $0x1400, s31;
	[sflag:s25] =	ssyncadd.s32 $0xFFFFC000  }
0x107: {  	[spmem:s1] =	stream.indirect.scatter.add.f32 [tilespmem:s20], [sflag:$0x3], $0x80, s0, s23, $0xb8;
	[tilespmem:$0x1E800] =	vst v63  }
0x108: {  	_ =	swait.ge [sflag:s21], $0x4000  }
0x109: {  	[sflag:s21] =	ssyncset.done $0x0  }
0x10a: {  	s0 =	sadd.s32 $0x100, s31;
	[sflag:s21] =	ssyncadd.s32 $0xFFFFC000  }
0x10b: {  	[tilespmem:s20], [sflag:$0x1] =	stream.indirect.gather [hbm4b:s4+s23], $0x80, s0, s23, $0xb8;
	[tilespmem:$0x1E800] =	vst v63  }
0x10c: {  	_ =	swait.ge [sflag:s26], $0x4000  }
.Ltmp7:
0x10d: {  	[sflag:s26] =	ssyncset.done $0x0;
	(pc) =	sbr.rel @p1 .LBB2_7-.Ltmp7, $4  }
0x10e: {  	s0 =	sadd.s32 $0x1480, s31;
	[sflag:s26] =	ssyncadd.s32 $0xFFFFC000  }
0x10f: {  	[spmem:s1] =	stream.indirect.scatter.add.f32 [tilespmem:s24], [sflag:$0x3], $0x80, s0, s23, $0xb8;
	[tilespmem:$0x1E800] =	vst v63  }
0x110: {  	_ =	swait.ge [sflag:s21], $0x4000  }
0x111: {  	s31 =	sshra.s32 s11, $0x2;
	s0 =	smov.u32 s12;
	[sflag:s21] =	ssyncset.done $0x0  }
0x112: {  	s0 =	sadd.s32 $0x80, s31;
	[sflag:s21] =	ssyncadd.s32 $0xFFFFC000  }
0x113: {  	[tilespmem:s24], [sflag:$0x2] =	stream.indirect.gather [hbm4b:s4+s23], $0x80, s0, s23, $0xb8;
	[tilespmem:$0x1E800] =	vst v63  }
0x114: {  	_ =	swait.ge [sflag:s25], $0x4000  }
0x115: {  	[sflag:s25] =	ssyncset.done $0x0  }
0x116: {  	s11 =	sadd.s32 $0x1400, s31;
	[sflag:s25] =	ssyncadd.s32 $0xFFFFC000  }
0x117: {  	[spmem:s1] =	stream.indirect.scatter.add.f32 [tilespmem:s20], [sflag:$0x3], $0x80, s11, s23, $0xb8;
	[tilespmem:$0x1E800] =	vst v63  }
0x118: {  	_ =	swait.ge [sflag:s21], $0x4000  }
0x119: {  	[sflag:s21] =	ssyncset.done $0x0  }
0x11a: {  	s12 =	sadd.s32 $0x100, s31;
	[sflag:s21] =	ssyncadd.s32 $0xFFFFC000  }
0x11b: {  	[tilespmem:s20], [sflag:$0x1] =	stream.indirect.gather [hbm4b:s4+s23], $0x80, s12, s23, $0xb8;
	[tilespmem:$0x1E800] =	vst v63  }
0x11c: {  	_ =	swait.ge [sflag:s26], $0x4000  }
0x11d: {  	[sflag:s26] =	ssyncset.done $0x0  }
0x11e: {  	s10 =	sadd.s32 $0x1480, s31;
	[sflag:s26] =	ssyncadd.s32 $0xFFFFC000  }
0x11f: {  	[spmem:s1] =	stream.indirect.scatter.add.f32 [tilespmem:s24], [sflag:$0x3], $0x80, s10, s23, $0xb8;
	[tilespmem:$0x1E800] =	vst v63  }
0x120: {  	_ =	swait.ge [sflag:s21], $0x4000  }
0x121: {  	[sflag:s21] =	ssyncset.done $0x0  }
0x122: {  	[sflag:s21] =	ssyncadd.s32 $0xFFFFC000  }
0x123: {  	[tilespmem:s24], [sflag:$0x2] =	stream.indirect.gather [hbm4b:s4+s23], $0x80, s28, s23, $0xb8;
	[tilespmem:$0x1E800] =	vst v63  }
0x124: {  	_ =	swait.ge [sflag:s25], $0x4000  }
0x125: {  	[sflag:s25] =	ssyncset.done $0x0  }
0x126: {  	[sflag:s25] =	ssyncadd.s32 $0xFFFFC000  }
0x127: {  	[spmem:s1] =	stream.indirect.scatter.add.f32 [tilespmem:s20], [sflag:$0x3], $0x80, s29, s23, $0xb8;
	[tilespmem:$0x1E800] =	vst v63  }
0x128: {  	_ =	swait.ge [sflag:s21], $0x4000  }
0x129: {  	[sflag:s21] =	ssyncset.done $0x0  }
0x12a: {  	[sflag:s21] =	ssyncadd.s32 $0xFFFFC000  }
0x12b: {  	_ =	swait.ge [sflag:s26], $0x4000  }
0x12c: {  	[sflag:s26] =	ssyncset.done $0x0  }
0x12d: {  	[sflag:s26] =	ssyncadd.s32 $0xFFFFC000  }
0x12e: {  	[spmem:s1] =	stream.indirect.scatter.add.f32 [tilespmem:s24], [sflag:$0x3], $0x80, s30, s23, $0xb8;
	[tilespmem:$0x1E800] =	vst v63  }
0x12f: {  	_ =	swait.ge [sflag:s21], $0x4000  }
0x130: {  	[sflag:s21] =	ssyncset.done $0x0  }
0x131: {  	s11 =	simm.s32 $0x0;
	[sflag:s21] =	ssyncadd.s32 $0xFFFFC000  }
0x132: {  	[tilespmem:s11], [sflag:$0x3] =	stream.linear.gather [hbm4b:s14+s11], $0x1400, $0x38;
	[tilespmem:$0x1E800] =	vst v63  }
0x133: {  	_ =	swait.ge [sflag:s21], $0x1400  }
0x134: {  	[sflag:s21] =	ssyncset.done $0x0  }
0x135: {  	[sflag:s21] =	ssyncadd.s32 $0xFFFFEC00  }
0x136: {  	[tilespmem:s22], [sflag:$0x3] =	stream.linear.gather [hbm4b:s15+s11], $0x1400, $0x38;
	[tilespmem:$0x1E800] =	vst v63  }
0x137: {  	_ =	swait.ge [sflag:s21], $0x1400  }
0x138: {  	[sflag:s21] =	ssyncset.done $0x0  }
0x139: {  	[sflag:s21] =	ssyncadd.s32 $0xFFFFEC00  }
0x13a: {  	[tilespmem:s20], [sflag:$0x1] =	stream.indirect.gather [hbm4b:s4+s23], $0x80, s11, s23, $0xb8;
	[tilespmem:$0x1E800] =	vst v63  }
0x13b: {  	s12 =	simm.s32 $0x80  }
0x13c: {  	[tilespmem:s24], [sflag:$0x2] =	stream.indirect.gather [hbm4b:s4+s23], $0x80, s12, s23, $0xb8;
	[tilespmem:$0x1E800] =	vst v63  }
0x13d: {  	_ =	swait.ge [sflag:s25], $0x4000  }
0x13e: {  	[sflag:s25] =	ssyncset.done $0x0  }
0x13f: {  	s10 =	simm.s32 $0x1400;
	[sflag:s25] =	ssyncadd.s32 $0xFFFFC000  }
0x140: {  	[spmem:s1] =	stream.indirect.scatter.add.f32 [tilespmem:s20], [sflag:$0x3], $0x80, s10, s23, $0xb8;
	[tilespmem:$0x1E800] =	vst v63  }
0x141: {  	_ =	swait.ge [sflag:s21], $0x4000  }
0x142: {  	[sflag:s21] =	ssyncset.done $0x0  }
0x143: {  	s11 =	simm.s32 $0x100;
	[sflag:s21] =	ssyncadd.s32 $0xFFFFC000  }
0x144: {  	[tilespmem:s20], [sflag:$0x1] =	stream.indirect.gather [hbm4b:s4+s23], $0x80, s11, s23, $0xb8;
	[tilespmem:$0x1E800] =	vst v63  }
0x145: {  	_ =	swait.ge [sflag:s26], $0x4000  }
0x146: {  	[sflag:s26] =	ssyncset.done $0x0  }
0x147: {  	s12 =	simm.s32 $0x1480;
	[sflag:s26] =	ssyncadd.s32 $0xFFFFC000  }
0x148: {  	[spmem:s1] =	stream.indirect.scatter.add.f32 [tilespmem:s24], [sflag:$0x3], $0x80, s12, s23, $0xb8;
	[tilespmem:$0x1E800] =	vst v63  }
0x149: {  	_ =	swait.ge [sflag:s21], $0x4000  }
0x14a: {  	s31 =	simm.s32 $0x100;
	s0 =	simm.s32 $0x800;
	[sflag:s21] =	ssyncset.done $0x0  }
.LBB2_9:
0x14b: {  	s10 =	sadd.s32 $0x80, s31  }
0x14c: {  	[sflag:s21] =	ssyncadd.s32 $0xFFFFC000;
	s11 =	smov.u32 s0;
	s12 =	sadd.s32 $0x400, s0  }
0x14d: {  	[tilespmem:s24], [sflag:$0x2] =	stream.indirect.gather [hbm4b:s4+s23], $0x80, s10, s23, $0xb8;
	[tilespmem:$0x1E800] =	vst v63  }
0x14e: {  	p1 =	seq.s32 s0, $0x4800;
	_ =	swait.ge [sflag:s25], $0x4000  }
0x14f: {  	[sflag:s25] =	ssyncset.done $0x0  }
0x150: {  	s0 =	sadd.s32 $0x1400, s31;
	[sflag:s25] =	ssyncadd.s32 $0xFFFFC000  }
0x151: {  	[spmem:s1] =	stream.indirect.scatter.add.f32 [tilespmem:s20], [sflag:$0x3], $0x80, s0, s23, $0xb8;
	[tilespmem:$0x1E800] =	vst v63  }
0x152: {  	_ =	swait.ge [sflag:s21], $0x4000  }
0x153: {  	[sflag:s21] =	ssyncset.done $0x0  }
0x154: {  	s0 =	sadd.s32 $0x100, s31;
	[sflag:s21] =	ssyncadd.s32 $0xFFFFC000  }
0x155: {  	[tilespmem:s20], [sflag:$0x1] =	stream.indirect.gather [hbm4b:s4+s23], $0x80, s0, s23, $0xb8;
	[tilespmem:$0x1E800] =	vst v63  }
0x156: {  	_ =	swait.ge [sflag:s26], $0x4000  }
.Ltmp8:
0x157: {  	[sflag:s26] =	ssyncset.done $0x0;
	(pc) =	sbr.rel @!p1 .LBB2_9-.Ltmp8, $4  }
0x158: {  	s0 =	sadd.s32 $0x1480, s31;
	[sflag:s26] =	ssyncadd.s32 $0xFFFFC000  }
0x159: {  	[spmem:s1] =	stream.indirect.scatter.add.f32 [tilespmem:s24], [sflag:$0x3], $0x80, s0, s23, $0xb8;
	[tilespmem:$0x1E800] =	vst v63  }
0x15a: {  	_ =	swait.ge [sflag:s21], $0x4000  }
0x15b: {  	s31 =	sshra.s32 s11, $0x2;
	s0 =	smov.u32 s12;
	[sflag:s21] =	ssyncset.done $0x0  }
.Ltmp9:
0x15c: {  	_ = 	snop;
	(pc) =	sbr.rel .LBB2_10-.Ltmp9, $1  }
0x15d: {  	_ =	sdelay $0x3  }
.LBB2_15:
0x15e: {  	_ =	sfence.sel $0x180000  }
0x15f: {  	[bflag:$0x0] =	sbarrier.arrive $0xFFFF  }
0x160: {  	_ =	strace $0x90000050  }
0x161: {  	[bflag:$0x2] =	sbarrier.arrive $0xFFFF  }
0x162: {  	p0 =	sne.s32 s2, $0x0;
	s0 =	rddreg [dreg:$0x2]  }
0x163: {  	s0 =	sadd.s32 @!p0 $0x100000, s0  }
0x164: {  	[sflag:s0] =	ssyncadd.tile.s32 @!p0 $0x1;
	_ =	shalt  }
.Lfunc_end2:
_tile_overlayer_lowered:
.L_overlay_start_2:
0x165: {  	(tag) =	ssettag $0x2  }
0x166: {  	s0 =	rddreg [dreg:$0x0];
	s2 =	stileid.u32  }
0x167: {  	s1 =	rddreg [dreg:$0x1];
	p0 =	sne.s32 s2, $0x0  }
0x168: {  	s3 =	rddreg [dreg:$0x2];
	[bflag:$0x3] =	sbarrier.arrive $0xFFFF;
	s2 =	simm.s32 @!p0 $0x1C03  }
0x169: {  	[timem:s3], [sflag:s2] =	dma.local @!p0 [hbm:s0], s1  }
0x16a: {  	s0 =	simm.s32 @!p0 $0x3  }
0x16b: {  	_ =	swait.ge @!p0 [sflag:s0], s1  }
0x16c: {  	s1 =	ssub.s32 @!p0 $0x0, s1;
	[sflag:s0] =	ssyncset.done @!p0 $0x0  }
0x16d: {  	[sflag:s0] =	ssyncadd.s32 @!p0 s1  }
0x16e: {  	[bflag:$0x3] =	sbarrier.arrive $0xFFFF  }
0x16f: {  	_ =	shalt  }

</sc_bundles>
